<compile_context>
chip_gen: v7x
topology: tpu7x:2x2x1
jax: 0.10.2.dev20260603
libtpu: 0.0.44.dev20260713+nightly
codegen_flags: <defaults>
</compile_context>

<pallas_src>
import functools
import math

import jax
import jax.numpy as jnp
from jax import lax
from jax.experimental import pallas as pl
from jax.experimental.pallas import tpu as pltpu
from jax.experimental.pallas import tpu_sc as plsc

NB = 16
C = 64
HW = 1024
NE = 1024
N_TOK = NB * HW
BPS = 4
NSTEP = NB // BPS
NW = 32
P = N_TOK // NW
HPB = HW // P


def _assign(x, emb, em2, e2):
    mm2 = lax.dot_general(em2, x, (((1,), (0,)), ((), ())),
                          preferred_element_type=jnp.float32)
    xn = jnp.sum(x * x, axis=0, keepdims=True)
    d2 = (xn + e2) + mm2
    mind = jnp.min(d2, axis=0, keepdims=True)
    eqm = d2 == mind
    iota = lax.broadcasted_iota(jnp.int32, (NE, HW), 0)
    idxv = jnp.min(jnp.where(eqm, iota, NE), axis=0, keepdims=True)
    onehot = (iota == idxv).astype(jnp.float32)
    h = jnp.sum(onehot, axis=1, keepdims=True)
    return idxv, h


def _tc_body(x_ref, e_ref, em2_ref, idx_ref, perp_ref, e2_ref, hist_ref):
    b = pl.program_id(0)
    emb = e_ref[...]

    @pl.when(b == 0)
    def _init():
        hist_ref[...] = jnp.zeros_like(hist_ref)
        e2_ref[...] = jnp.sum(emb * emb, axis=1, keepdims=True)

    em2 = em2_ref[...]
    e2 = e2_ref[...]
    for j in range(BPS):
        idxv, h = _assign(x_ref[j], emb, em2, e2)
        idx_ref[j] = idxv
        hist_ref[...] += h

    @pl.when(b == NSTEP - 1)
    def _fini():
        probs = hist_ref[...] * (1.0 / N_TOK)
        ent = -jnp.sum(probs * jnp.log(probs + 1e-10))
        perp_ref[0, 0] = jnp.exp(ent)


def _tc_call(x3, embed, embed_m2):
    return pl.pallas_call(
        _tc_body,
        grid=(NSTEP,),
        in_specs=[
            pl.BlockSpec((BPS, C, HW), lambda b: (b, 0, 0)),
            pl.BlockSpec((NE, C), lambda b: (0, 0)),
            pl.BlockSpec((NE, C), lambda b: (0, 0)),
        ],
        out_specs=[
            pl.BlockSpec((BPS, 1, HW), lambda b: (b, 0, 0)),
            pl.BlockSpec(memory_space=pltpu.SMEM),
        ],
        out_shape=[
            jax.ShapeDtypeStruct((NB, 1, HW), jnp.int32),
            jax.ShapeDtypeStruct((1, 1), jnp.float32),
        ],
        scratch_shapes=[
            pltpu.VMEM((NE, 1), jnp.float32),
            pltpu.VMEM((NE, 1), jnp.float32),
        ],
    )(x3, embed, embed_m2)


CPAD = 128
PH = P // 2


@functools.partial(
    pl.kernel,
    out_type=[
        jax.ShapeDtypeStruct((NB, C, HW), jnp.float32),
        jax.ShapeDtypeStruct((NW, 16), jnp.float32),
    ],
    mesh=plsc.VectorSubcoreMesh(core_axis_name="c", subcore_axis_name="s"),
    compiler_params=pltpu.CompilerParams(needs_layout_passes=False),
    scratch_types=[
        pltpu.VMEM((P,), jnp.int32),
        pltpu.VMEM((PH, CPAD), jnp.float32),
        pltpu.VMEM((C * P,), jnp.float32),
        pltpu.VMEM((C * P,), jnp.float32),
        pltpu.VMEM((16,), jnp.float32),
        pltpu.SemaphoreType.DMA,
    ],
)
def _sc_gather(x_hbm, ep_hbm, idx_hbm, zq_hbm, part_hbm,
               idx_v, rows_v, x_v, zq_v, part_v, sem):
    cid = lax.axis_index("c")
    sid = lax.axis_index("s")
    wid = sid * 2 + cid
    b = wid // HPB
    p0 = (wid % HPB) * P

    pltpu.sync_copy(idx_hbm.at[b, 0, pl.ds(p0, P)], idx_v)
    xcps = [pltpu.async_copy(x_hbm.at[b, c, pl.ds(p0, P)],
                             x_v.at[pl.ds(c * P, P)], sem)
            for c in range(C)]
    for cp in xcps:
        cp.wait()

    iota_p = lax.broadcasted_iota(jnp.int32, (16,), 0) * P
    zero = jnp.zeros((16,), jnp.float32)

    accs = (zero,) * (C // 16)
    for half in range(2):
        pltpu.async_copy(ep_hbm.at[idx_v.at[pl.ds(half * PH, PH)]],
                         rows_v, sem).wait()

        def body(r, accs, _half=half):
            accs = list(accs)
            for k in range(C // 16):
                lin = iota_p + (k * 16 * P + _half * PH + r)
                v = rows_v[r, pl.ds(k * 16, 16)]
                gx = plsc.load_gather(x_v, [lin])
                d = v - gx
                accs[k] = accs[k] + d * d
                plsc.store_scatter(zq_v, [lin], gx + d)
            return tuple(accs)

        accs = lax.fori_loop(0, PH, body, accs)

    acc = accs[0]
    for k in range(1, C // 16):
        acc = acc + accs[k]
    part_v[...] = acc
    zcps = [pltpu.async_copy(zq_v.at[pl.ds(c * P, P)],
                             zq_hbm.at[b, c, pl.ds(p0, P)], sem)
            for c in range(C)]
    for cp in zcps:
        cp.wait()
    pltpu.sync_copy(part_v, part_hbm.at[wid])


def kernel(inputs, embed):
    x3 = inputs.reshape(NB, C, HW)
    idx3, perp = _tc_call(x3, embed, embed * (-2.0))
    embed_pad = jnp.pad(embed, ((0, 0), (0, CPAD - C)))
    zq, parts = _sc_gather(x3, embed_pad, idx3)
    loss = 1.25 * jnp.sum(parts) / (NB * C * HW)
    z_q_out = zq.reshape(NB, C, 32, 32)
    kldiv_r = math.log(NE) * HW * jnp.ones((NB, 1), dtype=jnp.float32)
    return (z_q_out, loss, kldiv_r, perp[0, 0])

# --- scband reference (transcript-rebuilt; emitter-appended) ---
"""Pipeline reference for scband-kmeans-vector-quantizer-52123723105002 (READ-ONLY COPY).

The authoritative reference and input builder live on the scoring server;
editing this copy changes nothing except your own understanding.
"""

import math
import jax, jax.numpy as jnp
import numpy as np

NUM_EMBED = 1024
EMBED_DIM = 64
COMMITMENT_COST = 0.25


def setup_inputs(seed: int = 0) -> dict:
    key = jax.random.key(seed)
    k1, k2 = jax.random.split(key)
    inputs = jax.random.normal(k1, (16, 64, 32, 32), dtype=jnp.float32)
    embed = jax.random.normal(k2, (NUM_EMBED, EMBED_DIM), dtype=jnp.float32)
    return {"inputs": inputs, "embed": embed}


def reference(inputs, embed):
    # inputs: [B, C=embed_dim, H, W] -> channel-last, flatten spatial
    x = jnp.swapaxes(inputs, 1, -1)
    input_shape = x.shape
    flat = x.reshape(-1, EMBED_DIM)
    # squared L2 distance to every codebook entry
    d2 = (jnp.sum(flat ** 2, axis=1, keepdims=True)
          + jnp.sum(embed ** 2, axis=1)
          - 2.0 * (flat @ embed.T))
    q_idx = jnp.argmin(d2, axis=1)
    # one-hot assignment matrix (scatter-overwrite equivalent)
    r = jax.nn.one_hot(q_idx, NUM_EMBED, dtype=jnp.float32)
    z_q = (r @ embed).reshape(input_shape)
    vq_loss = jnp.mean((z_q - jax.lax.stop_gradient(x)) ** 2)
    commitment_loss = jnp.mean((jax.lax.stop_gradient(z_q) - x) ** 2)
    loss = vq_loss + COMMITMENT_COST * commitment_loss
    # straight-through estimator
    z_q_st = x + jax.lax.stop_gradient(z_q - x)
    probs = jnp.mean(r, axis=0)
    perplexity = jnp.exp(-jnp.sum(probs * jnp.log(probs + 1e-10)))
    num_spatial_positions = r.shape[0] / x.shape[0]
    kldiv_r = math.log(NUM_EMBED) * num_spatial_positions * jnp.ones((x.shape[0], 1), dtype=jnp.float32)
    z_q_out = jnp.swapaxes(z_q_st, 1, -1)
    return (z_q_out, loss, kldiv_r, perplexity)

if __name__ == "__main__":
    import jax
    _d = setup_inputs()
    print(jax.jit(kernel)(*tuple(_d.values())))

</pallas_src>

<mosaic_0001>
#map = affine_map<(d0, d1) -> (0, 0, 0)>
#map1 = affine_map<(d0, d1) -> (0, 0)>
module attributes {stable_mosaic.version = 14 : i64} {
  func.func @_sc_gather(%arg0: i32, %arg1: i32, %arg2: memref<16x64x1024xf32, #tpu.memory_space<hbm>>, %arg3: memref<1024x128xf32, #tpu.memory_space<hbm>>, %arg4: memref<16x1x1024xi32, #tpu.memory_space<hbm>>, %arg5: memref<16x64x1024xf32, #tpu.memory_space<hbm>>, %arg6: memref<32x16xf32, #tpu.memory_space<hbm>>, %arg7: memref<512xi32, #tpu.memory_space<vmem>>, %arg8: memref<256x128xf32, #tpu.memory_space<vmem>>, %arg9: memref<32768xf32, #tpu.memory_space<vmem>>, %arg10: memref<32768xf32, #tpu.memory_space<vmem>>, %arg11: memref<16xf32, #tpu.memory_space<vmem>>, %arg12: memref<!tpu.dma_semaphore, #tpu.memory_space<semaphore_mem>>) attributes {dimension_semantics = [#tpu.dimension_semantics<core_parallel>, #tpu.dimension_semantics<subcore_parallel>], iteration_bounds = array<i64: 2, 16>, scalar_prefetch = 0 : i64, scratch_operands = 6 : i64, tpu.core_type = #tpu.core_type<sc_vector_subcore>, window_params = [{transform_indices = #map}, {transform_indices = #map1}, {transform_indices = #map}, {transform_indices = #map}, {transform_indices = #map1}]} {
    %mul3A = arith.constant 2 : i32
    %mul3A_0 = arith.muli %arg1, %mul3A : i32
    %add3A = arith.addi %mul3A_0, %arg0 : i32
    %jit3A = arith.constant 2 : i32
    %div3A = arith.divsi %add3A, %jit3A : i32
    %sign3A = arith.constant 0 : i32
    %sign3A_1 = arith.cmpi sgt, %add3A, %sign3A : i32
    %sign3A_2 = arith.extui %sign3A_1 : i1 to i32
    %sign3A_3 = arith.constant 0 : i32
    %sign3A_4 = arith.cmpi slt, %add3A, %sign3A_3 : i32
    %sign3A_5 = arith.extui %sign3A_4 : i1 to i32
    %sign3A_6 = arith.subi %sign3A_2, %sign3A_5 : i32
    %sign3A_7 = arith.constant 0 : i32
    %sign3A_8 = arith.cmpi sgt, %jit3A, %sign3A_7 : i32
    %sign3A_9 = arith.extui %sign3A_8 : i1 to i32
    %sign3A_10 = arith.constant 0 : i32
    %sign3A_11 = arith.cmpi slt, %jit3A, %sign3A_10 : i32
    %sign3A_12 = arith.extui %sign3A_11 : i1 to i32
    %sign3A_13 = arith.subi %sign3A_9, %sign3A_12 : i32
    %ne3A = arith.cmpi ne, %sign3A_6, %sign3A_13 : i32
    %rem3A = arith.remsi %add3A, %jit3A : i32
    %ne3A_14 = arith.constant 0 : i32
    %ne3A_15 = arith.cmpi ne, %rem3A, %ne3A_14 : i32
    %and3A = arith.andi %ne3A, %ne3A_15 : i1
    %sub3A = arith.constant 1 : i32
    %sub3A_16 = arith.subi %div3A, %sub3A : i32
    %select_n3A = arith.select %and3A, %sub3A_16, %div3A : i32
    %jit3A_17 = arith.constant 2 : i32
    %eq3A = arith.constant 0 : i32
    %eq3A_18 = arith.cmpi eq, %jit3A_17, %eq3A : i32
    %jit3A_19 = arith.constant 1 : i32
    %select_n3A_20 = arith.select %eq3A_18, %jit3A_19, %jit3A_17 : i32
    %rem3A_21 = arith.remsi %add3A, %select_n3A_20 : i32
    %ne3A_22 = arith.constant 0 : i32
    %ne3A_23 = arith.cmpi ne, %rem3A_21, %ne3A_22 : i32
    %lt3A = arith.constant 0 : i32
    %lt3A_24 = arith.cmpi slt, %rem3A_21, %lt3A : i32
    %lt3A_25 = arith.constant 0 : i32
    %lt3A_26 = arith.cmpi slt, %select_n3A_20, %lt3A_25 : i32
    %ne3A_27 = arith.xori %lt3A_24, %lt3A_26 : i1
    %and3A_28 = arith.andi %ne3A_27, %ne3A_23 : i1
    %add3A_29 = arith.addi %rem3A_21, %select_n3A_20 : i32
    %select_n3A_30 = arith.select %and3A_28, %add3A_29, %rem3A_21 : i32
    %mul3A_31 = arith.constant 512 : i32
    %mul3A_32 = arith.muli %select_n3A_30, %mul3A_31 : i32
    %run_scoped3A = arith.constant 0 : i32
    "tpu.region"() ({
      %run_scoped3A_2374 = tpu.sem_alloc : memref<!tpu.dma_semaphore, #tpu.memory_space<semaphore_mem>>
      %dma_start3A_2375 = tpu.memref_slice %arg4[%select_n3A, %run_scoped3A, %mul3A_32] : memref<16x1x1024xi32, #tpu.memory_space<hbm>> -> memref<1x1x512xi32, #tpu.memory_space<hbm>>
      %dma_start3A_2376 = tpu.memref_squeeze %dma_start3A_2375 : memref<1x1x512xi32, #tpu.memory_space<hbm>> -> memref<512xi32, #tpu.memory_space<hbm>>
      %dma_start3A_2377 = tpu.memref_slice %arg4[%select_n3A, %run_scoped3A, %mul3A_32] : memref<16x1x1024xi32, #tpu.memory_space<hbm>> -> memref<1x1x512xi32, #tpu.memory_space<hbm>>
      %dma_start3A_2378 = tpu.memref_squeeze %dma_start3A_2377 : memref<1x1x512xi32, #tpu.memory_space<hbm>> -> memref<512xi32, #tpu.memory_space<hbm>>
      tpu.enqueue_dma source(%dma_start3A_2378 : memref<512xi32, #tpu.memory_space<hbm>>) target(%arg7 : memref<512xi32, #tpu.memory_space<vmem>>) target_semaphore(%run_scoped3A_2374 : memref<!tpu.dma_semaphore, #tpu.memory_space<semaphore_mem>>)
      %dma_wait3A_2379 = tpu.memref_slice %arg4[%select_n3A, %run_scoped3A, %mul3A_32] : memref<16x1x1024xi32, #tpu.memory_space<hbm>> -> memref<1x1x512xi32, #tpu.memory_space<hbm>>
      %dma_wait3A_2380 = tpu.memref_squeeze %dma_wait3A_2379 : memref<1x1x512xi32, #tpu.memory_space<hbm>> -> memref<512xi32, #tpu.memory_space<hbm>>
      %dma_wait3A_2381 = tpu.memref_slice %arg4[%select_n3A, %run_scoped3A, %mul3A_32] : memref<16x1x1024xi32, #tpu.memory_space<hbm>> -> memref<1x1x512xi32, #tpu.memory_space<hbm>>
      %dma_wait3A_2382 = tpu.memref_squeeze %dma_wait3A_2381 : memref<1x1x512xi32, #tpu.memory_space<hbm>> -> memref<512xi32, #tpu.memory_space<hbm>>
      tpu.wait_dma2 semaphore(%run_scoped3A_2374 : memref<!tpu.dma_semaphore, #tpu.memory_space<semaphore_mem>>) src(%dma_wait3A_2382 : memref<512xi32, #tpu.memory_space<hbm>>) dst(%arg7 : memref<512xi32, #tpu.memory_space<vmem>>)
      tpu.yield
    }) : () -> ()
    %dma_start3A = arith.constant 0 : i32
    %dma_start3A_33 = arith.constant 0 : i32
    %dma_start3A_34 = tpu.memref_slice %arg9[%dma_start3A_33] : memref<32768xf32, #tpu.memory_space<vmem>> -> memref<512xf32, #tpu.memory_space<vmem>>
    %dma_start3A_35 = tpu.memref_slice %arg2[%select_n3A, %dma_start3A, %mul3A_32] : memref<16x64x1024xf32, #tpu.memory_space<hbm>> -> memref<1x1x512xf32, #tpu.memory_space<hbm>>
    %dma_start3A_36 = tpu.memref_squeeze %dma_start3A_35 : memref<1x1x512xf32, #tpu.memory_space<hbm>> -> memref<512xf32, #tpu.memory_space<hbm>>
    %dma_start3A_37 = arith.constant 0 : i32
    %dma_start3A_38 = tpu.memref_slice %arg9[%dma_start3A_37] : memref<32768xf32, #tpu.memory_space<vmem>> -> memref<512xf32, #tpu.memory_space<vmem>>
    %dma_start3A_39 = tpu.memref_slice %arg2[%select_n3A, %dma_start3A, %mul3A_32] : memref<16x64x1024xf32, #tpu.memory_space<hbm>> -> memref<1x1x512xf32, #tpu.memory_space<hbm>>
    %dma_start3A_40 = tpu.memref_squeeze %dma_start3A_39 : memref<1x1x512xf32, #tpu.memory_space<hbm>> -> memref<512xf32, #tpu.memory_space<hbm>>
    tpu.enqueue_dma source(%dma_start3A_40 : memref<512xf32, #tpu.memory_space<hbm>>) target(%dma_start3A_38 : memref<512xf32, #tpu.memory_space<vmem>>) target_semaphore(%arg12 : memref<!tpu.dma_semaphore, #tpu.memory_space<semaphore_mem>>)
    %dma_start3A_41 = arith.constant 1 : i32
    %dma_start3A_42 = arith.constant 512 : i32
    %dma_start3A_43 = tpu.memref_slice %arg9[%dma_start3A_42] : memref<32768xf32, #tpu.memory_space<vmem>> -> memref<512xf32, #tpu.memory_space<vmem>>
    %dma_start3A_44 = tpu.memref_slice %arg2[%select_n3A, %dma_start3A_41, %mul3A_32] : memref<16x64x1024xf32, #tpu.memory_space<hbm>> -> memref<1x1x512xf32, #tpu.memory_space<hbm>>
    %dma_start3A_45 = tpu.memref_squeeze %dma_start3A_44 : memref<1x1x512xf32, #tpu.memory_space<hbm>> -> memref<512xf32, #tpu.memory_space<hbm>>
    %dma_start3A_46 = arith.constant 512 : i32
    %dma_start3A_47 = tpu.memref_slice %arg9[%dma_start3A_46] : memref<32768xf32, #tpu.memory_space<vmem>> -> memref<512xf32, #tpu.memory_space<vmem>>
    %dma_start3A_48 = tpu.memref_slice %arg2[%select_n3A, %dma_start3A_41, %mul3A_32] : memref<16x64x1024xf32, #tpu.memory_space<hbm>> -> memref<1x1x512xf32, #tpu.memory_space<hbm>>
    %dma_start3A_49 = tpu.memref_squeeze %dma_start3A_48 : memref<1x1x512xf32, #tpu.memory_space<hbm>> -> memref<512xf32, #tpu.memory_space<hbm>>
    tpu.enqueue_dma source(%dma_start3A_49 : memref<512xf32, #tpu.memory_space<hbm>>) target(%dma_start3A_47 : memref<512xf32, #tpu.memory_space<vmem>>) target_semaphore(%arg12 : memref<!tpu.dma_semaphore, #tpu.memory_space<semaphore_mem>>)
    %dma_start3A_50 = arith.constant 2 : i32
    %dma_start3A_51 = arith.constant 1024 : i32
    %dma_start3A_52 = tpu.memref_slice %arg9[%dma_start3A_51] : memref<32768xf32, #tpu.memory_space<vmem>> -> memref<512xf32, #tpu.memory_space<vmem>>
    %dma_start3A_53 = tpu.memref_slice %arg2[%select_n3A, %dma_start3A_50, %mul3A_32] : memref<16x64x1024xf32, #tpu.memory_space<hbm>> -> memref<1x1x512xf32, #tpu.memory_space<hbm>>
    %dma_start3A_54 = tpu.memref_squeeze %dma_start3A_53 : memref<1x1x512xf32, #tpu.memory_space<hbm>> -> memref<512xf32, #tpu.memory_space<hbm>>
    %dma_start3A_55 = arith.constant 1024 : i32
    %dma_start3A_56 = tpu.memref_slice %arg9[%dma_start3A_55] : memref<32768xf32, #tpu.memory_space<vmem>> -> memref<512xf32, #tpu.memory_space<vmem>>
    %dma_start3A_57 = tpu.memref_slice %arg2[%select_n3A, %dma_start3A_50, %mul3A_32] : memref<16x64x1024xf32, #tpu.memory_space<hbm>> -> memref<1x1x512xf32, #tpu.memory_space<hbm>>
    %dma_start3A_58 = tpu.memref_squeeze %dma_start3A_57 : memref<1x1x512xf32, #tpu.memory_space<hbm>> -> memref<512xf32, #tpu.memory_space<hbm>>
    tpu.enqueue_dma source(%dma_start3A_58 : memref<512xf32, #tpu.memory_space<hbm>>) target(%dma_start3A_56 : memref<512xf32, #tpu.memory_space<vmem>>) target_semaphore(%arg12 : memref<!tpu.dma_semaphore, #tpu.memory_space<semaphore_mem>>)
    %dma_start3A_59 = arith.constant 3 : i32
    %dma_start3A_60 = arith.constant 1536 : i32
    %dma_start3A_61 = tpu.memref_slice %arg9[%dma_start3A_60] : memref<32768xf32, #tpu.memory_space<vmem>> -> memref<512xf32, #tpu.memory_space<vmem>>
    %dma_start3A_62 = tpu.memref_slice %arg2[%select_n3A, %dma_start3A_59, %mul3A_32] : memref<16x64x1024xf32, #tpu.memory_space<hbm>> -> memref<1x1x512xf32, #tpu.memory_space<hbm>>
    %dma_start3A_63 = tpu.memref_squeeze %dma_start3A_62 : memref<1x1x512xf32, #tpu.memory_space<hbm>> -> memref<512xf32, #tpu.memory_space<hbm>>
    %dma_start3A_64 = arith.constant 1536 : i32
    %dma_start3A_65 = tpu.memref_slice %arg9[%dma_start3A_64] : memref<32768xf32, #tpu.memory_space<vmem>> -> memref<512xf32, #tpu.memory_space<vmem>>
    %dma_start3A_66 = tpu.memref_slice %arg2[%select_n3A, %dma_start3A_59, %mul3A_32] : memref<16x64x1024xf32, #tpu.memory_space<hbm>> -> memref<1x1x512xf32, #tpu.memory_space<hbm>>
    %dma_start3A_67 = tpu.memref_squeeze %dma_start3A_66 : memref<1x1x512xf32, #tpu.memory_space<hbm>> -> memref<512xf32, #tpu.memory_space<hbm>>
    tpu.enqueue_dma source(%dma_start3A_67 : memref<512xf32, #tpu.memory_space<hbm>>) target(%dma_start3A_65 : memref<512xf32, #tpu.memory_space<vmem>>) target_semaphore(%arg12 : memref<!tpu.dma_semaphore, #tpu.memory_space<semaphore_mem>>)
    %dma_start3A_68 = arith.constant 4 : i32
    %dma_start3A_69 = arith.constant 2048 : i32
    %dma_start3A_70 = tpu.memref_slice %arg9[%dma_start3A_69] : memref<32768xf32, #tpu.memory_space<vmem>> -> memref<512xf32, #tpu.memory_space<vmem>>
    %dma_start3A_71 = tpu.memref_slice %arg2[%select_n3A, %dma_start3A_68, %mul3A_32] : memref<16x64x1024xf32, #tpu.memory_space<hbm>> -> memref<1x1x512xf32, #tpu.memory_space<hbm>>
    %dma_start3A_72 = tpu.memref_squeeze %dma_start3A_71 : memref<1x1x512xf32, #tpu.memory_space<hbm>> -> memref<512xf32, #tpu.memory_space<hbm>>
    %dma_start3A_73 = arith.constant 2048 : i32
    %dma_start3A_74 = tpu.memref_slice %arg9[%dma_start3A_73] : memref<32768xf32, #tpu.memory_space<vmem>> -> memref<512xf32, #tpu.memory_space<vmem>>
    %dma_start3A_75 = tpu.memref_slice %arg2[%select_n3A, %dma_start3A_68, %mul3A_32] : memref<16x64x1024xf32, #tpu.memory_space<hbm>> -> memref<1x1x512xf32, #tpu.memory_space<hbm>>
    %dma_start3A_76 = tpu.memref_squeeze %dma_start3A_75 : memref<1x1x512xf32, #tpu.memory_space<hbm>> -> memref<512xf32, #tpu.memory_space<hbm>>
    tpu.enqueue_dma source(%dma_start3A_76 : memref<512xf32, #tpu.memory_space<hbm>>) target(%dma_start3A_74 : memref<512xf32, #tpu.memory_space<vmem>>) target_semaphore(%arg12 : memref<!tpu.dma_semaphore, #tpu.memory_space<semaphore_mem>>)
    %dma_start3A_77 = arith.constant 5 : i32
    %dma_start3A_78 = arith.constant 2560 : i32
    %dma_start3A_79 = tpu.memref_slice %arg9[%dma_start3A_78] : memref<32768xf32, #tpu.memory_space<vmem>> -> memref<512xf32, #tpu.memory_space<vmem>>
    %dma_start3A_80 = tpu.memref_slice %arg2[%select_n3A, %dma_start3A_77, %mul3A_32] : memref<16x64x1024xf32, #tpu.memory_space<hbm>> -> memref<1x1x512xf32, #tpu.memory_space<hbm>>
    %dma_start3A_81 = tpu.memref_squeeze %dma_start3A_80 : memref<1x1x512xf32, #tpu.memory_space<hbm>> -> memref<512xf32, #tpu.memory_space<hbm>>
    %dma_start3A_82 = arith.constant 2560 : i32
    %dma_start3A_83 = tpu.memref_slice %arg9[%dma_start3A_82] : memref<32768xf32, #tpu.memory_space<vmem>> -> memref<512xf32, #tpu.memory_space<vmem>>
    %dma_start3A_84 = tpu.memref_slice %arg2[%select_n3A, %dma_start3A_77, %mul3A_32] : memref<16x64x1024xf32, #tpu.memory_space<hbm>> -> memref<1x1x512xf32, #tpu.memory_space<hbm>>
    %dma_start3A_85 = tpu.memref_squeeze %dma_start3A_84 : memref<1x1x512xf32, #tpu.memory_space<hbm>> -> memref<512xf32, #tpu.memory_space<hbm>>
    tpu.enqueue_dma source(%dma_start3A_85 : memref<512xf32, #tpu.memory_space<hbm>>) target(%dma_start3A_83 : memref<512xf32, #tpu.memory_space<vmem>>) target_semaphore(%arg12 : memref<!tpu.dma_semaphore, #tpu.memory_space<semaphore_mem>>)
    %dma_start3A_86 = arith.constant 6 : i32
    %dma_start3A_87 = arith.constant 3072 : i32
    %dma_start3A_88 = tpu.memref_slice %arg9[%dma_start3A_87] : memref<32768xf32, #tpu.memory_space<vmem>> -> memref<512xf32, #tpu.memory_space<vmem>>
    %dma_start3A_89 = tpu.memref_slice %arg2[%select_n3A, %dma_start3A_86, %mul3A_32] : memref<16x64x1024xf32, #tpu.memory_space<hbm>> -> memref<1x1x512xf32, #tpu.memory_space<hbm>>
    %dma_start3A_90 = tpu.memref_squeeze %dma_start3A_89 : memref<1x1x512xf32, #tpu.memory_space<hbm>> -> memref<512xf32, #tpu.memory_space<hbm>>
    %dma_start3A_91 = arith.constant 3072 : i32
    %dma_start3A_92 = tpu.memref_slice %arg9[%dma_start3A_91] : memref<32768xf32, #tpu.memory_space<vmem>> -> memref<512xf32, #tpu.memory_space<vmem>>
    %dma_start3A_93 = tpu.memref_slice %arg2[%select_n3A, %dma_start3A_86, %mul3A_32] : memref<16x64x1024xf32, #tpu.memory_space<hbm>> -> memref<1x1x512xf32, #tpu.memory_space<hbm>>
    %dma_start3A_94 = tpu.memref_squeeze %dma_start3A_93 : memref<1x1x512xf32, #tpu.memory_space<hbm>> -> memref<512xf32, #tpu.memory_space<hbm>>
    tpu.enqueue_dma source(%dma_start3A_94 : memref<512xf32, #tpu.memory_space<hbm>>) target(%dma_start3A_92 : memref<512xf32, #tpu.memory_space<vmem>>) target_semaphore(%arg12 : memref<!tpu.dma_semaphore, #tpu.memory_space<semaphore_mem>>)
    %dma_start3A_95 = arith.constant 7 : i32
    %dma_start3A_96 = arith.constant 3584 : i32
    %dma_start3A_97 = tpu.memref_slice %arg9[%dma_start3A_96] : memref<32768xf32, #tpu.memory_space<vmem>> -> memref<512xf32, #tpu.memory_space<vmem>>
    %dma_start3A_98 = tpu.memref_slice %arg2[%select_n3A, %dma_start3A_95, %mul3A_32] : memref<16x64x1024xf32, #tpu.memory_space<hbm>> -> memref<1x1x512xf32, #tpu.memory_space<hbm>>
    %dma_start3A_99 = tpu.memref_squeeze %dma_start3A_98 : memref<1x1x512xf32, #tpu.memory_space<hbm>> -> memref<512xf32, #tpu.memory_space<hbm>>
    %dma_start3A_100 = arith.constant 3584 : i32
    %dma_start3A_101 = tpu.memref_slice %arg9[%dma_start3A_100] : memref<32768xf32, #tpu.memory_space<vmem>> -> memref<512xf32, #tpu.memory_space<vmem>>
    %dma_start3A_102 = tpu.memref_slice %arg2[%select_n3A, %dma_start3A_95, %mul3A_32] : memref<16x64x1024xf32, #tpu.memory_space<hbm>> -> memref<1x1x512xf32, #tpu.memory_space<hbm>>
    %dma_start3A_103 = tpu.memref_squeeze %dma_start3A_102 : memref<1x1x512xf32, #tpu.memory_space<hbm>> -> memref<512xf32, #tpu.memory_space<hbm>>
    tpu.enqueue_dma source(%dma_start3A_103 : memref<512xf32, #tpu.memory_space<hbm>>) target(%dma_start3A_101 : memref<512xf32, #tpu.memory_space<vmem>>) target_semaphore(%arg12 : memref<!tpu.dma_semaphore, #tpu.memory_space<semaphore_mem>>)
    %dma_start3A_104 = arith.constant 8 : i32
    %dma_start3A_105 = arith.constant 4096 : i32
    %dma_start3A_106 = tpu.memref_slice %arg9[%dma_start3A_105] : memref<32768xf32, #tpu.memory_space<vmem>> -> memref<512xf32, #tpu.memory_space<vmem>>
    %dma_start3A_107 = tpu.memref_slice %arg2[%select_n3A, %dma_start3A_104, %mul3A_32] : memref<16x64x1024xf32, #tpu.memory_space<hbm>> -> memref<1x1x512xf32, #tpu.memory_space<hbm>>
    %dma_start3A_108 = tpu.memref_squeeze %dma_start3A_107 : memref<1x1x512xf32, #tpu.memory_space<hbm>> -> memref<512xf32, #tpu.memory_space<hbm>>
    %dma_start3A_109 = arith.constant 4096 : i32
    %dma_start3A_110 = tpu.memref_slice %arg9[%dma_start3A_109] : memref<32768xf32, #tpu.memory_space<vmem>> -> memref<512xf32, #tpu.memory_space<vmem>>
    %dma_start3A_111 = tpu.memref_slice %arg2[%select_n3A, %dma_start3A_104, %mul3A_32] : memref<16x64x1024xf32, #tpu.memory_space<hbm>> -> memref<1x1x512xf32, #tpu.memory_space<hbm>>
    %dma_start3A_112 = tpu.memref_squeeze %dma_start3A_111 : memref<1x1x512xf32, #tpu.memory_space<hbm>> -> memref<512xf32, #tpu.memory_space<hbm>>
    tpu.enqueue_dma source(%dma_start3A_112 : memref<512xf32, #tpu.memory_space<hbm>>) target(%dma_start3A_110 : memref<512xf32, #tpu.memory_space<vmem>>) target_semaphore(%arg12 : memref<!tpu.dma_semaphore, #tpu.memory_space<semaphore_mem>>)
    %dma_start3A_113 = arith.constant 9 : i32
    %dma_start3A_114 = arith.constant 4608 : i32
    %dma_start3A_115 = tpu.memref_slice %arg9[%dma_start3A_114] : memref<32768xf32, #tpu.memory_space<vmem>> -> memref<512xf32, #tpu.memory_space<vmem>>
    %dma_start3A_116 = tpu.memref_slice %arg2[%select_n3A, %dma_start3A_113, %mul3A_32] : memref<16x64x1024xf32, #tpu.memory_space<hbm>> -> memref<1x1x512xf32, #tpu.memory_space<hbm>>
    %dma_start3A_117 = tpu.memref_squeeze %dma_start3A_116 : memref<1x1x512xf32, #tpu.memory_space<hbm>> -> memref<512xf32, #tpu.memory_space<hbm>>
    %dma_start3A_118 = arith.constant 4608 : i32
    %dma_start3A_119 = tpu.memref_slice %arg9[%dma_start3A_118] : memref<32768xf32, #tpu.memory_space<vmem>> -> memref<512xf32, #tpu.memory_space<vmem>>
    %dma_start3A_120 = tpu.memref_slice %arg2[%select_n3A, %dma_start3A_113, %mul3A_32] : memref<16x64x1024xf32, #tpu.memory_space<hbm>> -> memref<1x1x512xf32, #tpu.memory_space<hbm>>
    %dma_start3A_121 = tpu.memref_squeeze %dma_start3A_120 : memref<1x1x512xf32, #tpu.memory_space<hbm>> -> memref<512xf32, #tpu.memory_space<hbm>>
    tpu.enqueue_dma source(%dma_start3A_121 : memref<512xf32, #tpu.memory_space<hbm>>) target(%dma_start3A_119 : memref<512xf32, #tpu.memory_space<vmem>>) target_semaphore(%arg12 : memref<!tpu.dma_semaphore, #tpu.memory_space<semaphore_mem>>)
    %dma_start3A_122 = arith.constant 10 : i32
    %dma_start3A_123 = arith.constant 5120 : i32
    %dma_start3A_124 = tpu.memref_slice %arg9[%dma_start3A_123] : memref<32768xf32, #tpu.memory_space<vmem>> -> memref<512xf32, #tpu.memory_space<vmem>>
    %dma_start3A_125 = tpu.memref_slice %arg2[%select_n3A, %dma_start3A_122, %mul3A_32] : memref<16x64x1024xf32, #tpu.memory_space<hbm>> -> memref<1x1x512xf32, #tpu.memory_space<hbm>>
    %dma_start3A_126 = tpu.memref_squeeze %dma_start3A_125 : memref<1x1x512xf32, #tpu.memory_space<hbm>> -> memref<512xf32, #tpu.memory_space<hbm>>
    %dma_start3A_127 = arith.constant 5120 : i32
    %dma_start3A_128 = tpu.memref_slice %arg9[%dma_start3A_127] : memref<32768xf32, #tpu.memory_space<vmem>> -> memref<512xf32, #tpu.memory_space<vmem>>
    %dma_start3A_129 = tpu.memref_slice %arg2[%select_n3A, %dma_start3A_122, %mul3A_32] : memref<16x64x1024xf32, #tpu.memory_space<hbm>> -> memref<1x1x512xf32, #tpu.memory_space<hbm>>
    %dma_start3A_130 = tpu.memref_squeeze %dma_start3A_129 : memref<1x1x512xf32, #tpu.memory_space<hbm>> -> memref<512xf32, #tpu.memory_space<hbm>>
    tpu.enqueue_dma source(%dma_start3A_130 : memref<512xf32, #tpu.memory_space<hbm>>) target(%dma_start3A_128 : memref<512xf32, #tpu.memory_space<vmem>>) target_semaphore(%arg12 : memref<!tpu.dma_semaphore, #tpu.memory_space<semaphore_mem>>)
    %dma_start3A_131 = arith.constant 11 : i32
    %dma_start3A_132 = arith.constant 5632 : i32
    %dma_start3A_133 = tpu.memref_slice %arg9[%dma_start3A_132] : memref<32768xf32, #tpu.memory_space<vmem>> -> memref<512xf32, #tpu.memory_space<vmem>>
    %dma_start3A_134 = tpu.memref_slice %arg2[%select_n3A, %dma_start3A_131, %mul3A_32] : memref<16x64x1024xf32, #tpu.memory_space<hbm>> -> memref<1x1x512xf32, #tpu.memory_space<hbm>>
    %dma_start3A_135 = tpu.memref_squeeze %dma_start3A_134 : memref<1x1x512xf32, #tpu.memory_space<hbm>> -> memref<512xf32, #tpu.memory_space<hbm>>
    %dma_start3A_136 = arith.constant 5632 : i32
    %dma_start3A_137 = tpu.memref_slice %arg9[%dma_start3A_136] : memref<32768xf32, #tpu.memory_space<vmem>> -> memref<512xf32, #tpu.memory_space<vmem>>
    %dma_start3A_138 = tpu.memref_slice %arg2[%select_n3A, %dma_start3A_131, %mul3A_32] : memref<16x64x1024xf32, #tpu.memory_space<hbm>> -> memref<1x1x512xf32, #tpu.memory_space<hbm>>
    %dma_start3A_139 = tpu.memref_squeeze %dma_start3A_138 : memref<1x1x512xf32, #tpu.memory_space<hbm>> -> memref<512xf32, #tpu.memory_space<hbm>>
    tpu.enqueue_dma source(%dma_start3A_139 : memref<512xf32, #tpu.memory_space<hbm>>) target(%dma_start3A_137 : memref<512xf32, #tpu.memory_space<vmem>>) target_semaphore(%arg12 : memref<!tpu.dma_semaphore, #tpu.memory_space<semaphore_mem>>)
    %dma_start3A_140 = arith.constant 12 : i32
    %dma_start3A_141 = arith.constant 6144 : i32
    %dma_start3A_142 = tpu.memref_slice %arg9[%dma_start3A_141] : memref<32768xf32, #tpu.memory_space<vmem>> -> memref<512xf32, #tpu.memory_space<vmem>>
    %dma_start3A_143 = tpu.memref_slice %arg2[%select_n3A, %dma_start3A_140, %mul3A_32] : memref<16x64x1024xf32, #tpu.memory_space<hbm>> -> memref<1x1x512xf32, #tpu.memory_space<hbm>>
    %dma_start3A_144 = tpu.memref_squeeze %dma_start3A_143 : memref<1x1x512xf32, #tpu.memory_space<hbm>> -> memref<512xf32, #tpu.memory_space<hbm>>
    %dma_start3A_145 = arith.constant 6144 : i32
    %dma_start3A_146 = tpu.memref_slice %arg9[%dma_start3A_145] : memref<32768xf32, #tpu.memory_space<vmem>> -> memref<512xf32, #tpu.memory_space<vmem>>
    %dma_start3A_147 = tpu.memref_slice %arg2[%select_n3A, %dma_start3A_140, %mul3A_32] : memref<16x64x1024xf32, #tpu.memory_space<hbm>> -> memref<1x1x512xf32, #tpu.memory_space<hbm>>
    %dma_start3A_148 = tpu.memref_squeeze %dma_start3A_147 : memref<1x1x512xf32, #tpu.memory_space<hbm>> -> memref<512xf32, #tpu.memory_space<hbm>>
    tpu.enqueue_dma source(%dma_start3A_148 : memref<512xf32, #tpu.memory_space<hbm>>) target(%dma_start3A_146 : memref<512xf32, #tpu.memory_space<vmem>>) target_semaphore(%arg12 : memref<!tpu.dma_semaphore, #tpu.memory_space<semaphore_mem>>)
    %dma_start3A_149 = arith.constant 13 : i32
    %dma_start3A_150 = arith.constant 6656 : i32
    %dma_start3A_151 = tpu.memref_slice %arg9[%dma_start3A_150] : memref<32768xf32, #tpu.memory_space<vmem>> -> memref<512xf32, #tpu.memory_space<vmem>>
    %dma_start3A_152 = tpu.memref_slice %arg2[%select_n3A, %dma_start3A_149, %mul3A_32] : memref<16x64x1024xf32, #tpu.memory_space<hbm>> -> memref<1x1x512xf32, #tpu.memory_space<hbm>>
    %dma_start3A_153 = tpu.memref_squeeze %dma_start3A_152 : memref<1x1x512xf32, #tpu.memory_space<hbm>> -> memref<512xf32, #tpu.memory_space<hbm>>
    %dma_start3A_154 = arith.constant 6656 : i32
    %dma_start3A_155 = tpu.memref_slice %arg9[%dma_start3A_154] : memref<32768xf32, #tpu.memory_space<vmem>> -> memref<512xf32, #tpu.memory_space<vmem>>
    %dma_start3A_156 = tpu.memref_slice %arg2[%select_n3A, %dma_start3A_149, %mul3A_32] : memref<16x64x1024xf32, #tpu.memory_space<hbm>> -> memref<1x1x512xf32, #tpu.memory_space<hbm>>
    %dma_start3A_157 = tpu.memref_squeeze %dma_start3A_156 : memref<1x1x512xf32, #tpu.memory_space<hbm>> -> memref<512xf32, #tpu.memory_space<hbm>>
    tpu.enqueue_dma source(%dma_start3A_157 : memref<512xf32, #tpu.memory_space<hbm>>) target(%dma_start3A_155 : memref<512xf32, #tpu.memory_space<vmem>>) target_semaphore(%arg12 : memref<!tpu.dma_semaphore, #tpu.memory_space<semaphore_mem>>)
    %dma_start3A_158 = arith.constant 14 : i32
    %dma_start3A_159 = arith.constant 7168 : i32
    %dma_start3A_160 = tpu.memref_slice %arg9[%dma_start3A_159] : memref<32768xf32, #tpu.memory_space<vmem>> -> memref<512xf32, #tpu.memory_space<vmem>>
    %dma_start3A_161 = tpu.memref_slice %arg2[%select_n3A, %dma_start3A_158, %mul3A_32] : memref<16x64x1024xf32, #tpu.memory_space<hbm>> -> memref<1x1x512xf32, #tpu.memory_space<hbm>>
    %dma_start3A_162 = tpu.memref_squeeze %dma_start3A_161 : memref<1x1x512xf32, #tpu.memory_space<hbm>> -> memref<512xf32, #tpu.memory_space<hbm>>
    %dma_start3A_163 = arith.constant 7168 : i32
    %dma_start3A_164 = tpu.memref_slice %arg9[%dma_start3A_163] : memref<32768xf32, #tpu.memory_space<vmem>> -> memref<512xf32, #tpu.memory_space<vmem>>
    %dma_start3A_165 = tpu.memref_slice %arg2[%select_n3A, %dma_start3A_158, %mul3A_32] : memref<16x64x1024xf32, #tpu.memory_space<hbm>> -> memref<1x1x512xf32, #tpu.memory_space<hbm>>
    %dma_start3A_166 = tpu.memref_squeeze %dma_start3A_165 : memref<1x1x512xf32, #tpu.memory_space<hbm>> -> memref<512xf32, #tpu.memory_space<hbm>>
    tpu.enqueue_dma source(%dma_start3A_166 : memref<512xf32, #tpu.memory_space<hbm>>) target(%dma_start3A_164 : memref<512xf32, #tpu.memory_space<vmem>>) target_semaphore(%arg12 : memref<!tpu.dma_semaphore, #tpu.memory_space<semaphore_mem>>)
    %dma_start3A_167 = arith.constant 15 : i32
    %dma_start3A_168 = arith.constant 7680 : i32
    %dma_start3A_169 = tpu.memref_slice %arg9[%dma_start3A_168] : memref<32768xf32, #tpu.memory_space<vmem>> -> memref<512xf32, #tpu.memory_space<vmem>>
    %dma_start3A_170 = tpu.memref_slice %arg2[%select_n3A, %dma_start3A_167, %mul3A_32] : memref<16x64x1024xf32, #tpu.memory_space<hbm>> -> memref<1x1x512xf32, #tpu.memory_space<hbm>>
    %dma_start3A_171 = tpu.memref_squeeze %dma_start3A_170 : memref<1x1x512xf32, #tpu.memory_space<hbm>> -> memref<512xf32, #tpu.memory_space<hbm>>
    %dma_start3A_172 = arith.constant 7680 : i32
    %dma_start3A_173 = tpu.memref_slice %arg9[%dma_start3A_172] : memref<32768xf32, #tpu.memory_space<vmem>> -> memref<512xf32, #tpu.memory_space<vmem>>
    %dma_start3A_174 = tpu.memref_slice %arg2[%select_n3A, %dma_start3A_167, %mul3A_32] : memref<16x64x1024xf32, #tpu.memory_space<hbm>> -> memref<1x1x512xf32, #tpu.memory_space<hbm>>
    %dma_start3A_175 = tpu.memref_squeeze %dma_start3A_174 : memref<1x1x512xf32, #tpu.memory_space<hbm>> -> memref<512xf32, #tpu.memory_space<hbm>>
    tpu.enqueue_dma source(%dma_start3A_175 : memref<512xf32, #tpu.memory_space<hbm>>) target(%dma_start3A_173 : memref<512xf32, #tpu.memory_space<vmem>>) target_semaphore(%arg12 : memref<!tpu.dma_semaphore, #tpu.memory_space<semaphore_mem>>)
    %dma_start3A_176 = arith.constant 16 : i32
    %dma_start3A_177 = arith.constant 8192 : i32
    %dma_start3A_178 = tpu.memref_slice %arg9[%dma_start3A_177] : memref<32768xf32, #tpu.memory_space<vmem>> -> memref<512xf32, #tpu.memory_space<vmem>>
    %dma_start3A_179 = tpu.memref_slice %arg2[%select_n3A, %dma_start3A_176, %mul3A_32] : memref<16x64x1024xf32, #tpu.memory_space<hbm>> -> memref<1x1x512xf32, #tpu.memory_space<hbm>>
    %dma_start3A_180 = tpu.memref_squeeze %dma_start3A_179 : memref<1x1x512xf32, #tpu.memory_space<hbm>> -> memref<512xf32, #tpu.memory_space<hbm>>
    %dma_start3A_181 = arith.constant 8192 : i32
    %dma_start3A_182 = tpu.memref_slice %arg9[%dma_start3A_181] : memref<32768xf32, #tpu.memory_space<vmem>> -> memref<512xf32, #tpu.memory_space<vmem>>
    %dma_start3A_183 = tpu.memref_slice %arg2[%select_n3A, %dma_start3A_176, %mul3A_32] : memref<16x64x1024xf32, #tpu.memory_space<hbm>> -> memref<1x1x512xf32, #tpu.memory_space<hbm>>
    %dma_start3A_184 = tpu.memref_squeeze %dma_start3A_183 : memref<1x1x512xf32, #tpu.memory_space<hbm>> -> memref<512xf32, #tpu.memory_space<hbm>>
    tpu.enqueue_dma source(%dma_start3A_184 : memref<512xf32, #tpu.memory_space<hbm>>) target(%dma_start3A_182 : memref<512xf32, #tpu.memory_space<vmem>>) target_semaphore(%arg12 : memref<!tpu.dma_semaphore, #tpu.memory_space<semaphore_mem>>)
    %dma_start3A_185 = arith.constant 17 : i32
    %dma_start3A_186 = arith.constant 8704 : i32
    %dma_start3A_187 = tpu.memref_slice %arg9[%dma_start3A_186] : memref<32768xf32, #tpu.memory_space<vmem>> -> memref<512xf32, #tpu.memory_space<vmem>>
    %dma_start3A_188 = tpu.memref_slice %arg2[%select_n3A, %dma_start3A_185, %mul3A_32] : memref<16x64x1024xf32, #tpu.memory_space<hbm>> -> memref<1x1x512xf32, #tpu.memory_space<hbm>>
    %dma_start3A_189 = tpu.memref_squeeze %dma_start3A_188 : memref<1x1x512xf32, #tpu.memory_space<hbm>> -> memref<512xf32, #tpu.memory_space<hbm>>
    %dma_start3A_190 = arith.constant 8704 : i32
    %dma_start3A_191 = tpu.memref_slice %arg9[%dma_start3A_190] : memref<32768xf32, #tpu.memory_space<vmem>> -> memref<512xf32, #tpu.memory_space<vmem>>
    %dma_start3A_192 = tpu.memref_slice %arg2[%select_n3A, %dma_start3A_185, %mul3A_32] : memref<16x64x1024xf32, #tpu.memory_space<hbm>> -> memref<1x1x512xf32, #tpu.memory_space<hbm>>
    %dma_start3A_193 = tpu.memref_squeeze %dma_start3A_192 : memref<1x1x512xf32, #tpu.memory_space<hbm>> -> memref<512xf32, #tpu.memory_space<hbm>>
    tpu.enqueue_dma source(%dma_start3A_193 : memref<512xf32, #tpu.memory_space<hbm>>) target(%dma_start3A_191 : memref<512xf32, #tpu.memory_space<vmem>>) target_semaphore(%arg12 : memref<!tpu.dma_semaphore, #tpu.memory_space<semaphore_mem>>)
    %dma_start3A_194 = arith.constant 18 : i32
    %dma_start3A_195 = arith.constant 9216 : i32
    %dma_start3A_196 = tpu.memref_slice %arg9[%dma_start3A_195] : memref<32768xf32, #tpu.memory_space<vmem>> -> memref<512xf32, #tpu.memory_space<vmem>>
    %dma_start3A_197 = tpu.memref_slice %arg2[%select_n3A, %dma_start3A_194, %mul3A_32] : memref<16x64x1024xf32, #tpu.memory_space<hbm>> -> memref<1x1x512xf32, #tpu.memory_space<hbm>>
    %dma_start3A_198 = tpu.memref_squeeze %dma_start3A_197 : memref<1x1x512xf32, #tpu.memory_space<hbm>> -> memref<512xf32, #tpu.memory_space<hbm>>
    %dma_start3A_199 = arith.constant 9216 : i32
    %dma_start3A_200 = tpu.memref_slice %arg9[%dma_start3A_199] : memref<32768xf32, #tpu.memory_space<vmem>> -> memref<512xf32, #tpu.memory_space<vmem>>
    %dma_start3A_201 = tpu.memref_slice %arg2[%select_n3A, %dma_start3A_194, %mul3A_32] : memref<16x64x1024xf32, #tpu.memory_space<hbm>> -> memref<1x1x512xf32, #tpu.memory_space<hbm>>
    %dma_start3A_202 = tpu.memref_squeeze %dma_start3A_201 : memref<1x1x512xf32, #tpu.memory_space<hbm>> -> memref<512xf32, #tpu.memory_space<hbm>>
    tpu.enqueue_dma source(%dma_start3A_202 : memref<512xf32, #tpu.memory_space<hbm>>) target(%dma_start3A_200 : memref<512xf32, #tpu.memory_space<vmem>>) target_semaphore(%arg12 : memref<!tpu.dma_semaphore, #tpu.memory_space<semaphore_mem>>)
    %dma_start3A_203 = arith.constant 19 : i32
    %dma_start3A_204 = arith.constant 9728 : i32
    %dma_start3A_205 = tpu.memref_slice %arg9[%dma_start3A_204] : memref<32768xf32, #tpu.memory_space<vmem>> -> memref<512xf32, #tpu.memory_space<vmem>>
    %dma_start3A_206 = tpu.memref_slice %arg2[%select_n3A, %dma_start3A_203, %mul3A_32] : memref<16x64x1024xf32, #tpu.memory_space<hbm>> -> memref<1x1x512xf32, #tpu.memory_space<hbm>>
    %dma_start3A_207 = tpu.memref_squeeze %dma_start3A_206 : memref<1x1x512xf32, #tpu.memory_space<hbm>> -> memref<512xf32, #tpu.memory_space<hbm>>
    %dma_start3A_208 = arith.constant 9728 : i32
    %dma_start3A_209 = tpu.memref_slice %arg9[%dma_start3A_208] : memref<32768xf32, #tpu.memory_space<vmem>> -> memref<512xf32, #tpu.memory_space<vmem>>
    %dma_start3A_210 = tpu.memref_slice %arg2[%select_n3A, %dma_start3A_203, %mul3A_32] : memref<16x64x1024xf32, #tpu.memory_space<hbm>> -> memref<1x1x512xf32, #tpu.memory_space<hbm>>
    %dma_start3A_211 = tpu.memref_squeeze %dma_start3A_210 : memref<1x1x512xf32, #tpu.memory_space<hbm>> -> memref<512xf32, #tpu.memory_space<hbm>>
    tpu.enqueue_dma source(%dma_start3A_211 : memref<512xf32, #tpu.memory_space<hbm>>) target(%dma_start3A_209 : memref<512xf32, #tpu.memory_space<vmem>>) target_semaphore(%arg12 : memref<!tpu.dma_semaphore, #tpu.memory_space<semaphore_mem>>)
    %dma_start3A_212 = arith.constant 20 : i32
    %dma_start3A_213 = arith.constant 10240 : i32
    %dma_start3A_214 = tpu.memref_slice %arg9[%dma_start3A_213] : memref<32768xf32, #tpu.memory_space<vmem>> -> memref<512xf32, #tpu.memory_space<vmem>>
    %dma_start3A_215 = tpu.memref_slice %arg2[%select_n3A, %dma_start3A_212, %mul3A_32] : memref<16x64x1024xf32, #tpu.memory_space<hbm>> -> memref<1x1x512xf32, #tpu.memory_space<hbm>>
    %dma_start3A_216 = tpu.memref_squeeze %dma_start3A_215 : memref<1x1x512xf32, #tpu.memory_space<hbm>> -> memref<512xf32, #tpu.memory_space<hbm>>
    %dma_start3A_217 = arith.constant 10240 : i32
    %dma_start3A_218 = tpu.memref_slice %arg9[%dma_start3A_217] : memref<32768xf32, #tpu.memory_space<vmem>> -> memref<512xf32, #tpu.memory_space<vmem>>
    %dma_start3A_219 = tpu.memref_slice %arg2[%select_n3A, %dma_start3A_212, %mul3A_32] : memref<16x64x1024xf32, #tpu.memory_space<hbm>> -> memref<1x1x512xf32, #tpu.memory_space<hbm>>
    %dma_start3A_220 = tpu.memref_squeeze %dma_start3A_219 : memref<1x1x512xf32, #tpu.memory_space<hbm>> -> memref<512xf32, #tpu.memory_space<hbm>>
    tpu.enqueue_dma source(%dma_start3A_220 : memref<512xf32, #tpu.memory_space<hbm>>) target(%dma_start3A_218 : memref<512xf32, #tpu.memory_space<vmem>>) target_semaphore(%arg12 : memref<!tpu.dma_semaphore, #tpu.memory_space<semaphore_mem>>)
    %dma_start3A_221 = arith.constant 21 : i32
    %dma_start3A_222 = arith.constant 10752 : i32
    %dma_start3A_223 = tpu.memref_slice %arg9[%dma_start3A_222] : memref<32768xf32, #tpu.memory_space<vmem>> -> memref<512xf32, #tpu.memory_space<vmem>>
    %dma_start3A_224 = tpu.memref_slice %arg2[%select_n3A, %dma_start3A_221, %mul3A_32] : memref<16x64x1024xf32, #tpu.memory_space<hbm>> -> memref<1x1x512xf32, #tpu.memory_space<hbm>>
    %dma_start3A_225 = tpu.memref_squeeze %dma_start3A_224 : memref<1x1x512xf32, #tpu.memory_space<hbm>> -> memref<512xf32, #tpu.memory_space<hbm>>
    %dma_start3A_226 = arith.constant 10752 : i32
    %dma_start3A_227 = tpu.memref_slice %arg9[%dma_start3A_226] : memref<32768xf32, #tpu.memory_space<vmem>> -> memref<512xf32, #tpu.memory_space<vmem>>
    %dma_start3A_228 = tpu.memref_slice %arg2[%select_n3A, %dma_start3A_221, %mul3A_32] : memref<16x64x1024xf32, #tpu.memory_space<hbm>> -> memref<1x1x512xf32, #tpu.memory_space<hbm>>
    %dma_start3A_229 = tpu.memref_squeeze %dma_start3A_228 : memref<1x1x512xf32, #tpu.memory_space<hbm>> -> memref<512xf32, #tpu.memory_space<hbm>>
    tpu.enqueue_dma source(%dma_start3A_229 : memref<512xf32, #tpu.memory_space<hbm>>) target(%dma_start3A_227 : memref<512xf32, #tpu.memory_space<vmem>>) target_semaphore(%arg12 : memref<!tpu.dma_semaphore, #tpu.memory_space<semaphore_mem>>)
    %dma_start3A_230 = arith.constant 22 : i32
    %dma_start3A_231 = arith.constant 11264 : i32
    %dma_start3A_232 = tpu.memref_slice %arg9[%dma_start3A_231] : memref<32768xf32, #tpu.memory_space<vmem>> -> memref<512xf32, #tpu.memory_space<vmem>>
    %dma_start3A_233 = tpu.memref_slice %arg2[%select_n3A, %dma_start3A_230, %mul3A_32] : memref<16x64x1024xf32, #tpu.memory_space<hbm>> -> memref<1x1x512xf32, #tpu.memory_space<hbm>>
    %dma_start3A_234 = tpu.memref_squeeze %dma_start3A_233 : memref<1x1x512xf32, #tpu.memory_space<hbm>> -> memref<512xf32, #tpu.memory_space<hbm>>
    %dma_start3A_235 = arith.constant 11264 : i32
    %dma_start3A_236 = tpu.memref_slice %arg9[%dma_start3A_235] : memref<32768xf32, #tpu.memory_space<vmem>> -> memref<512xf32, #tpu.memory_space<vmem>>
    %dma_start3A_237 = tpu.memref_slice %arg2[%select_n3A, %dma_start3A_230, %mul3A_32] : memref<16x64x1024xf32, #tpu.memory_space<hbm>> -> memref<1x1x512xf32, #tpu.memory_space<hbm>>
    %dma_start3A_238 = tpu.memref_squeeze %dma_start3A_237 : memref<1x1x512xf32, #tpu.memory_space<hbm>> -> memref<512xf32, #tpu.memory_space<hbm>>
    tpu.enqueue_dma source(%dma_start3A_238 : memref<512xf32, #tpu.memory_space<hbm>>) target(%dma_start3A_236 : memref<512xf32, #tpu.memory_space<vmem>>) target_semaphore(%arg12 : memref<!tpu.dma_semaphore, #tpu.memory_space<semaphore_mem>>)
    %dma_start3A_239 = arith.constant 23 : i32
    %dma_start3A_240 = arith.constant 11776 : i32
    %dma_start3A_241 = tpu.memref_slice %arg9[%dma_start3A_240] : memref<32768xf32, #tpu.memory_space<vmem>> -> memref<512xf32, #tpu.memory_space<vmem>>
    %dma_start3A_242 = tpu.memref_slice %arg2[%select_n3A, %dma_start3A_239, %mul3A_32] : memref<16x64x1024xf32, #tpu.memory_space<hbm>> -> memref<1x1x512xf32, #tpu.memory_space<hbm>>
    %dma_start3A_243 = tpu.memref_squeeze %dma_start3A_242 : memref<1x1x512xf32, #tpu.memory_space<hbm>> -> memref<512xf32, #tpu.memory_space<hbm>>
    %dma_start3A_244 = arith.constant 11776 : i32
    %dma_start3A_245 = tpu.memref_slice %arg9[%dma_start3A_244] : memref<32768xf32, #tpu.memory_space<vmem>> -> memref<512xf32, #tpu.memory_space<vmem>>
    %dma_start3A_246 = tpu.memref_slice %arg2[%select_n3A, %dma_start3A_239, %mul3A_32] : memref<16x64x1024xf32, #tpu.memory_space<hbm>> -> memref<1x1x512xf32, #tpu.memory_space<hbm>>
    %dma_start3A_247 = tpu.memref_squeeze %dma_start3A_246 : memref<1x1x512xf32, #tpu.memory_space<hbm>> -> memref<512xf32, #tpu.memory_space<hbm>>
    tpu.enqueue_dma source(%dma_start3A_247 : memref<512xf32, #tpu.memory_space<hbm>>) target(%dma_start3A_245 : memref<512xf32, #tpu.memory_space<vmem>>) target_semaphore(%arg12 : memref<!tpu.dma_semaphore, #tpu.memory_space<semaphore_mem>>)
    %dma_start3A_248 = arith.constant 24 : i32
    %dma_start3A_249 = arith.constant 12288 : i32
    %dma_start3A_250 = tpu.memref_slice %arg9[%dma_start3A_249] : memref<32768xf32, #tpu.memory_space<vmem>> -> memref<512xf32, #tpu.memory_space<vmem>>
    %dma_start3A_251 = tpu.memref_slice %arg2[%select_n3A, %dma_start3A_248, %mul3A_32] : memref<16x64x1024xf32, #tpu.memory_space<hbm>> -> memref<1x1x512xf32, #tpu.memory_space<hbm>>
    %dma_start3A_252 = tpu.memref_squeeze %dma_start3A_251 : memref<1x1x512xf32, #tpu.memory_space<hbm>> -> memref<512xf32, #tpu.memory_space<hbm>>
    %dma_start3A_253 = arith.constant 12288 : i32
    %dma_start3A_254 = tpu.memref_slice %arg9[%dma_start3A_253] : memref<32768xf32, #tpu.memory_space<vmem>> -> memref<512xf32, #tpu.memory_space<vmem>>
    %dma_start3A_255 = tpu.memref_slice %arg2[%select_n3A, %dma_start3A_248, %mul3A_32] : memref<16x64x1024xf32, #tpu.memory_space<hbm>> -> memref<1x1x512xf32, #tpu.memory_space<hbm>>
    %dma_start3A_256 = tpu.memref_squeeze %dma_start3A_255 : memref<1x1x512xf32, #tpu.memory_space<hbm>> -> memref<512xf32, #tpu.memory_space<hbm>>
    tpu.enqueue_dma source(%dma_start3A_256 : memref<512xf32, #tpu.memory_space<hbm>>) target(%dma_start3A_254 : memref<512xf32, #tpu.memory_space<vmem>>) target_semaphore(%arg12 : memref<!tpu.dma_semaphore, #tpu.memory_space<semaphore_mem>>)
    %dma_start3A_257 = arith.constant 25 : i32
    %dma_start3A_258 = arith.constant 12800 : i32
    %dma_start3A_259 = tpu.memref_slice %arg9[%dma_start3A_258] : memref<32768xf32, #tpu.memory_space<vmem>> -> memref<512xf32, #tpu.memory_space<vmem>>
    %dma_start3A_260 = tpu.memref_slice %arg2[%select_n3A, %dma_start3A_257, %mul3A_32] : memref<16x64x1024xf32, #tpu.memory_space<hbm>> -> memref<1x1x512xf32, #tpu.memory_space<hbm>>
    %dma_start3A_261 = tpu.memref_squeeze %dma_start3A_260 : memref<1x1x512xf32, #tpu.memory_space<hbm>> -> memref<512xf32, #tpu.memory_space<hbm>>
    %dma_start3A_262 = arith.constant 12800 : i32
    %dma_start3A_263 = tpu.memref_slice %arg9[%dma_start3A_262] : memref<32768xf32, #tpu.memory_space<vmem>> -> memref<512xf32, #tpu.memory_space<vmem>>
    %dma_start3A_264 = tpu.memref_slice %arg2[%select_n3A, %dma_start3A_257, %mul3A_32] : memref<16x64x1024xf32, #tpu.memory_space<hbm>> -> memref<1x1x512xf32, #tpu.memory_space<hbm>>
    %dma_start3A_265 = tpu.memref_squeeze %dma_start3A_264 : memref<1x1x512xf32, #tpu.memory_space<hbm>> -> memref<512xf32, #tpu.memory_space<hbm>>
    tpu.enqueue_dma source(%dma_start3A_265 : memref<512xf32, #tpu.memory_space<hbm>>) target(%dma_start3A_263 : memref<512xf32, #tpu.memory_space<vmem>>) target_semaphore(%arg12 : memref<!tpu.dma_semaphore, #tpu.memory_space<semaphore_mem>>)
    %dma_start3A_266 = arith.constant 26 : i32
    %dma_start3A_267 = arith.constant 13312 : i32
    %dma_start3A_268 = tpu.memref_slice %arg9[%dma_start3A_267] : memref<32768xf32, #tpu.memory_space<vmem>> -> memref<512xf32, #tpu.memory_space<vmem>>
    %dma_start3A_269 = tpu.memref_slice %arg2[%select_n3A, %dma_start3A_266, %mul3A_32] : memref<16x64x1024xf32, #tpu.memory_space<hbm>> -> memref<1x1x512xf32, #tpu.memory_space<hbm>>
    %dma_start3A_270 = tpu.memref_squeeze %dma_start3A_269 : memref<1x1x512xf32, #tpu.memory_space<hbm>> -> memref<512xf32, #tpu.memory_space<hbm>>
    %dma_start3A_271 = arith.constant 13312 : i32
    %dma_start3A_272 = tpu.memref_slice %arg9[%dma_start3A_271] : memref<32768xf32, #tpu.memory_space<vmem>> -> memref<512xf32, #tpu.memory_space<vmem>>
    %dma_start3A_273 = tpu.memref_slice %arg2[%select_n3A, %dma_start3A_266, %mul3A_32] : memref<16x64x1024xf32, #tpu.memory_space<hbm>> -> memref<1x1x512xf32, #tpu.memory_space<hbm>>
    %dma_start3A_274 = tpu.memref_squeeze %dma_start3A_273 : memref<1x1x512xf32, #tpu.memory_space<hbm>> -> memref<512xf32, #tpu.memory_space<hbm>>
    tpu.enqueue_dma source(%dma_start3A_274 : memref<512xf32, #tpu.memory_space<hbm>>) target(%dma_start3A_272 : memref<512xf32, #tpu.memory_space<vmem>>) target_semaphore(%arg12 : memref<!tpu.dma_semaphore, #tpu.memory_space<semaphore_mem>>)
    %dma_start3A_275 = arith.constant 27 : i32
    %dma_start3A_276 = arith.constant 13824 : i32
    %dma_start3A_277 = tpu.memref_slice %arg9[%dma_start3A_276] : memref<32768xf32, #tpu.memory_space<vmem>> -> memref<512xf32, #tpu.memory_space<vmem>>
    %dma_start3A_278 = tpu.memref_slice %arg2[%select_n3A, %dma_start3A_275, %mul3A_32] : memref<16x64x1024xf32, #tpu.memory_space<hbm>> -> memref<1x1x512xf32, #tpu.memory_space<hbm>>
    %dma_start3A_279 = tpu.memref_squeeze %dma_start3A_278 : memref<1x1x512xf32, #tpu.memory_space<hbm>> -> memref<512xf32, #tpu.memory_space<hbm>>
    %dma_start3A_280 = arith.constant 13824 : i32
    %dma_start3A_281 = tpu.memref_slice %arg9[%dma_start3A_280] : memref<32768xf32, #tpu.memory_space<vmem>> -> memref<512xf32, #tpu.memory_space<vmem>>
    %dma_start3A_282 = tpu.memref_slice %arg2[%select_n3A, %dma_start3A_275, %mul3A_32] : memref<16x64x1024xf32, #tpu.memory_space<hbm>> -> memref<1x1x512xf32, #tpu.memory_space<hbm>>
    %dma_start3A_283 = tpu.memref_squeeze %dma_start3A_282 : memref<1x1x512xf32, #tpu.memory_space<hbm>> -> memref<512xf32, #tpu.memory_space<hbm>>
    tpu.enqueue_dma source(%dma_start3A_283 : memref<512xf32, #tpu.memory_space<hbm>>) target(%dma_start3A_281 : memref<512xf32, #tpu.memory_space<vmem>>) target_semaphore(%arg12 : memref<!tpu.dma_semaphore, #tpu.memory_space<semaphore_mem>>)
    %dma_start3A_284 = arith.constant 28 : i32
    %dma_start3A_285 = arith.constant 14336 : i32
    %dma_start3A_286 = tpu.memref_slice %arg9[%dma_start3A_285] : memref<32768xf32, #tpu.memory_space<vmem>> -> memref<512xf32, #tpu.memory_space<vmem>>
    %dma_start3A_287 = tpu.memref_slice %arg2[%select_n3A, %dma_start3A_284, %mul3A_32] : memref<16x64x1024xf32, #tpu.memory_space<hbm>> -> memref<1x1x512xf32, #tpu.memory_space<hbm>>
    %dma_start3A_288 = tpu.memref_squeeze %dma_start3A_287 : memref<1x1x512xf32, #tpu.memory_space<hbm>> -> memref<512xf32, #tpu.memory_space<hbm>>
    %dma_start3A_289 = arith.constant 14336 : i32
    %dma_start3A_290 = tpu.memref_slice %arg9[%dma_start3A_289] : memref<32768xf32, #tpu.memory_space<vmem>> -> memref<512xf32, #tpu.memory_space<vmem>>
    %dma_start3A_291 = tpu.memref_slice %arg2[%select_n3A, %dma_start3A_284, %mul3A_32] : memref<16x64x1024xf32, #tpu.memory_space<hbm>> -> memref<1x1x512xf32, #tpu.memory_space<hbm>>
    %dma_start3A_292 = tpu.memref_squeeze %dma_start3A_291 : memref<1x1x512xf32, #tpu.memory_space<hbm>> -> memref<512xf32, #tpu.memory_space<hbm>>
    tpu.enqueue_dma source(%dma_start3A_292 : memref<512xf32, #tpu.memory_space<hbm>>) target(%dma_start3A_290 : memref<512xf32, #tpu.memory_space<vmem>>) target_semaphore(%arg12 : memref<!tpu.dma_semaphore, #tpu.memory_space<semaphore_mem>>)
    %dma_start3A_293 = arith.constant 29 : i32
    %dma_start3A_294 = arith.constant 14848 : i32
    %dma_start3A_295 = tpu.memref_slice %arg9[%dma_start3A_294] : memref<32768xf32, #tpu.memory_space<vmem>> -> memref<512xf32, #tpu.memory_space<vmem>>
    %dma_start3A_296 = tpu.memref_slice %arg2[%select_n3A, %dma_start3A_293, %mul3A_32] : memref<16x64x1024xf32, #tpu.memory_space<hbm>> -> memref<1x1x512xf32, #tpu.memory_space<hbm>>
    %dma_start3A_297 = tpu.memref_squeeze %dma_start3A_296 : memref<1x1x512xf32, #tpu.memory_space<hbm>> -> memref<512xf32, #tpu.memory_space<hbm>>
    %dma_start3A_298 = arith.constant 14848 : i32
    %dma_start3A_299 = tpu.memref_slice %arg9[%dma_start3A_298] : memref<32768xf32, #tpu.memory_space<vmem>> -> memref<512xf32, #tpu.memory_space<vmem>>
    %dma_start3A_300 = tpu.memref_slice %arg2[%select_n3A, %dma_start3A_293, %mul3A_32] : memref<16x64x1024xf32, #tpu.memory_space<hbm>> -> memref<1x1x512xf32, #tpu.memory_space<hbm>>
    %dma_start3A_301 = tpu.memref_squeeze %dma_start3A_300 : memref<1x1x512xf32, #tpu.memory_space<hbm>> -> memref<512xf32, #tpu.memory_space<hbm>>
    tpu.enqueue_dma source(%dma_start3A_301 : memref<512xf32, #tpu.memory_space<hbm>>) target(%dma_start3A_299 : memref<512xf32, #tpu.memory_space<vmem>>) target_semaphore(%arg12 : memref<!tpu.dma_semaphore, #tpu.memory_space<semaphore_mem>>)
    %dma_start3A_302 = arith.constant 30 : i32
    %dma_start3A_303 = arith.constant 15360 : i32
    %dma_start3A_304 = tpu.memref_slice %arg9[%dma_start3A_303] : memref<32768xf32, #tpu.memory_space<vmem>> -> memref<512xf32, #tpu.memory_space<vmem>>
    %dma_start3A_305 = tpu.memref_slice %arg2[%select_n3A, %dma_start3A_302, %mul3A_32] : memref<16x64x1024xf32, #tpu.memory_space<hbm>> -> memref<1x1x512xf32, #tpu.memory_space<hbm>>
    %dma_start3A_306 = tpu.memref_squeeze %dma_start3A_305 : memref<1x1x512xf32, #tpu.memory_space<hbm>> -> memref<512xf32, #tpu.memory_space<hbm>>
    %dma_start3A_307 = arith.constant 15360 : i32
    %dma_start3A_308 = tpu.memref_slice %arg9[%dma_start3A_307] : memref<32768xf32, #tpu.memory_space<vmem>> -> memref<512xf32, #tpu.memory_space<vmem>>
    %dma_start3A_309 = tpu.memref_slice %arg2[%select_n3A, %dma_start3A_302, %mul3A_32] : memref<16x64x1024xf32, #tpu.memory_space<hbm>> -> memref<1x1x512xf32, #tpu.memory_space<hbm>>
    %dma_start3A_310 = tpu.memref_squeeze %dma_start3A_309 : memref<1x1x512xf32, #tpu.memory_space<hbm>> -> memref<512xf32, #tpu.memory_space<hbm>>
    tpu.enqueue_dma source(%dma_start3A_310 : memref<512xf32, #tpu.memory_space<hbm>>) target(%dma_start3A_308 : memref<512xf32, #tpu.memory_space<vmem>>) target_semaphore(%arg12 : memref<!tpu.dma_semaphore, #tpu.memory_space<semaphore_mem>>)
    %dma_start3A_311 = arith.constant 31 : i32
    %dma_start3A_312 = arith.constant 15872 : i32
    %dma_start3A_313 = tpu.memref_slice %arg9[%dma_start3A_312] : memref<32768xf32, #tpu.memory_space<vmem>> -> memref<512xf32, #tpu.memory_space<vmem>>
    %dma_start3A_314 = tpu.memref_slice %arg2[%select_n3A, %dma_start3A_311, %mul3A_32] : memref<16x64x1024xf32, #tpu.memory_space<hbm>> -> memref<1x1x512xf32, #tpu.memory_space<hbm>>
    %dma_start3A_315 = tpu.memref_squeeze %dma_start3A_314 : memref<1x1x512xf32, #tpu.memory_space<hbm>> -> memref<512xf32, #tpu.memory_space<hbm>>
    %dma_start3A_316 = arith.constant 15872 : i32
    %dma_start3A_317 = tpu.memref_slice %arg9[%dma_start3A_316] : memref<32768xf32, #tpu.memory_space<vmem>> -> memref<512xf32, #tpu.memory_space<vmem>>
    %dma_start3A_318 = tpu.memref_slice %arg2[%select_n3A, %dma_start3A_311, %mul3A_32] : memref<16x64x1024xf32, #tpu.memory_space<hbm>> -> memref<1x1x512xf32, #tpu.memory_space<hbm>>
    %dma_start3A_319 = tpu.memref_squeeze %dma_start3A_318 : memref<1x1x512xf32, #tpu.memory_space<hbm>> -> memref<512xf32, #tpu.memory_space<hbm>>
    tpu.enqueue_dma source(%dma_start3A_319 : memref<512xf32, #tpu.memory_space<hbm>>) target(%dma_start3A_317 : memref<512xf32, #tpu.memory_space<vmem>>) target_semaphore(%arg12 : memref<!tpu.dma_semaphore, #tpu.memory_space<semaphore_mem>>)
    %dma_start3A_320 = arith.constant 32 : i32
    %dma_start3A_321 = arith.constant 16384 : i32
    %dma_start3A_322 = tpu.memref_slice %arg9[%dma_start3A_321] : memref<32768xf32, #tpu.memory_space<vmem>> -> memref<512xf32, #tpu.memory_space<vmem>>
    %dma_start3A_323 = tpu.memref_slice %arg2[%select_n3A, %dma_start3A_320, %mul3A_32] : memref<16x64x1024xf32, #tpu.memory_space<hbm>> -> memref<1x1x512xf32, #tpu.memory_space<hbm>>
    %dma_start3A_324 = tpu.memref_squeeze %dma_start3A_323 : memref<1x1x512xf32, #tpu.memory_space<hbm>> -> memref<512xf32, #tpu.memory_space<hbm>>
    %dma_start3A_325 = arith.constant 16384 : i32
    %dma_start3A_326 = tpu.memref_slice %arg9[%dma_start3A_325] : memref<32768xf32, #tpu.memory_space<vmem>> -> memref<512xf32, #tpu.memory_space<vmem>>
    %dma_start3A_327 = tpu.memref_slice %arg2[%select_n3A, %dma_start3A_320, %mul3A_32] : memref<16x64x1024xf32, #tpu.memory_space<hbm>> -> memref<1x1x512xf32, #tpu.memory_space<hbm>>
    %dma_start3A_328 = tpu.memref_squeeze %dma_start3A_327 : memref<1x1x512xf32, #tpu.memory_space<hbm>> -> memref<512xf32, #tpu.memory_space<hbm>>
    tpu.enqueue_dma source(%dma_start3A_328 : memref<512xf32, #tpu.memory_space<hbm>>) target(%dma_start3A_326 : memref<512xf32, #tpu.memory_space<vmem>>) target_semaphore(%arg12 : memref<!tpu.dma_semaphore, #tpu.memory_space<semaphore_mem>>)
    %dma_start3A_329 = arith.constant 33 : i32
    %dma_start3A_330 = arith.constant 16896 : i32
    %dma_start3A_331 = tpu.memref_slice %arg9[%dma_start3A_330] : memref<32768xf32, #tpu.memory_space<vmem>> -> memref<512xf32, #tpu.memory_space<vmem>>
    %dma_start3A_332 = tpu.memref_slice %arg2[%select_n3A, %dma_start3A_329, %mul3A_32] : memref<16x64x1024xf32, #tpu.memory_space<hbm>> -> memref<1x1x512xf32, #tpu.memory_space<hbm>>
    %dma_start3A_333 = tpu.memref_squeeze %dma_start3A_332 : memref<1x1x512xf32, #tpu.memory_space<hbm>> -> memref<512xf32, #tpu.memory_space<hbm>>
    %dma_start3A_334 = arith.constant 16896 : i32
    %dma_start3A_335 = tpu.memref_slice %arg9[%dma_start3A_334] : memref<32768xf32, #tpu.memory_space<vmem>> -> memref<512xf32, #tpu.memory_space<vmem>>
    %dma_start3A_336 = tpu.memref_slice %arg2[%select_n3A, %dma_start3A_329, %mul3A_32] : memref<16x64x1024xf32, #tpu.memory_space<hbm>> -> memref<1x1x512xf32, #tpu.memory_space<hbm>>
    %dma_start3A_337 = tpu.memref_squeeze %dma_start3A_336 : memref<1x1x512xf32, #tpu.memory_space<hbm>> -> memref<512xf32, #tpu.memory_space<hbm>>
    tpu.enqueue_dma source(%dma_start3A_337 : memref<512xf32, #tpu.memory_space<hbm>>) target(%dma_start3A_335 : memref<512xf32, #tpu.memory_space<vmem>>) target_semaphore(%arg12 : memref<!tpu.dma_semaphore, #tpu.memory_space<semaphore_mem>>)
    %dma_start3A_338 = arith.constant 34 : i32
    %dma_start3A_339 = arith.constant 17408 : i32
    %dma_start3A_340 = tpu.memref_slice %arg9[%dma_start3A_339] : memref<32768xf32, #tpu.memory_space<vmem>> -> memref<512xf32, #tpu.memory_space<vmem>>
    %dma_start3A_341 = tpu.memref_slice %arg2[%select_n3A, %dma_start3A_338, %mul3A_32] : memref<16x64x1024xf32, #tpu.memory_space<hbm>> -> memref<1x1x512xf32, #tpu.memory_space<hbm>>
    %dma_start3A_342 = tpu.memref_squeeze %dma_start3A_341 : memref<1x1x512xf32, #tpu.memory_space<hbm>> -> memref<512xf32, #tpu.memory_space<hbm>>
    %dma_start3A_343 = arith.constant 17408 : i32
    %dma_start3A_344 = tpu.memref_slice %arg9[%dma_start3A_343] : memref<32768xf32, #tpu.memory_space<vmem>> -> memref<512xf32, #tpu.memory_space<vmem>>
    %dma_start3A_345 = tpu.memref_slice %arg2[%select_n3A, %dma_start3A_338, %mul3A_32] : memref<16x64x1024xf32, #tpu.memory_space<hbm>> -> memref<1x1x512xf32, #tpu.memory_space<hbm>>
    %dma_start3A_346 = tpu.memref_squeeze %dma_start3A_345 : memref<1x1x512xf32, #tpu.memory_space<hbm>> -> memref<512xf32, #tpu.memory_space<hbm>>
    tpu.enqueue_dma source(%dma_start3A_346 : memref<512xf32, #tpu.memory_space<hbm>>) target(%dma_start3A_344 : memref<512xf32, #tpu.memory_space<vmem>>) target_semaphore(%arg12 : memref<!tpu.dma_semaphore, #tpu.memory_space<semaphore_mem>>)
    %dma_start3A_347 = arith.constant 35 : i32
    %dma_start3A_348 = arith.constant 17920 : i32
    %dma_start3A_349 = tpu.memref_slice %arg9[%dma_start3A_348] : memref<32768xf32, #tpu.memory_space<vmem>> -> memref<512xf32, #tpu.memory_space<vmem>>
    %dma_start3A_350 = tpu.memref_slice %arg2[%select_n3A, %dma_start3A_347, %mul3A_32] : memref<16x64x1024xf32, #tpu.memory_space<hbm>> -> memref<1x1x512xf32, #tpu.memory_space<hbm>>
    %dma_start3A_351 = tpu.memref_squeeze %dma_start3A_350 : memref<1x1x512xf32, #tpu.memory_space<hbm>> -> memref<512xf32, #tpu.memory_space<hbm>>
    %dma_start3A_352 = arith.constant 17920 : i32
    %dma_start3A_353 = tpu.memref_slice %arg9[%dma_start3A_352] : memref<32768xf32, #tpu.memory_space<vmem>> -> memref<512xf32, #tpu.memory_space<vmem>>
    %dma_start3A_354 = tpu.memref_slice %arg2[%select_n3A, %dma_start3A_347, %mul3A_32] : memref<16x64x1024xf32, #tpu.memory_space<hbm>> -> memref<1x1x512xf32, #tpu.memory_space<hbm>>
    %dma_start3A_355 = tpu.memref_squeeze %dma_start3A_354 : memref<1x1x512xf32, #tpu.memory_space<hbm>> -> memref<512xf32, #tpu.memory_space<hbm>>
    tpu.enqueue_dma source(%dma_start3A_355 : memref<512xf32, #tpu.memory_space<hbm>>) target(%dma_start3A_353 : memref<512xf32, #tpu.memory_space<vmem>>) target_semaphore(%arg12 : memref<!tpu.dma_semaphore, #tpu.memory_space<semaphore_mem>>)
    %dma_start3A_356 = arith.constant 36 : i32
    %dma_start3A_357 = arith.constant 18432 : i32
    %dma_start3A_358 = tpu.memref_slice %arg9[%dma_start3A_357] : memref<32768xf32, #tpu.memory_space<vmem>> -> memref<512xf32, #tpu.memory_space<vmem>>
    %dma_start3A_359 = tpu.memref_slice %arg2[%select_n3A, %dma_start3A_356, %mul3A_32] : memref<16x64x1024xf32, #tpu.memory_space<hbm>> -> memref<1x1x512xf32, #tpu.memory_space<hbm>>
    %dma_start3A_360 = tpu.memref_squeeze %dma_start3A_359 : memref<1x1x512xf32, #tpu.memory_space<hbm>> -> memref<512xf32, #tpu.memory_space<hbm>>
    %dma_start3A_361 = arith.constant 18432 : i32
    %dma_start3A_362 = tpu.memref_slice %arg9[%dma_start3A_361] : memref<32768xf32, #tpu.memory_space<vmem>> -> memref<512xf32, #tpu.memory_space<vmem>>
    %dma_start3A_363 = tpu.memref_slice %arg2[%select_n3A, %dma_start3A_356, %mul3A_32] : memref<16x64x1024xf32, #tpu.memory_space<hbm>> -> memref<1x1x512xf32, #tpu.memory_space<hbm>>
    %dma_start3A_364 = tpu.memref_squeeze %dma_start3A_363 : memref<1x1x512xf32, #tpu.memory_space<hbm>> -> memref<512xf32, #tpu.memory_space<hbm>>
    tpu.enqueue_dma source(%dma_start3A_364 : memref<512xf32, #tpu.memory_space<hbm>>) target(%dma_start3A_362 : memref<512xf32, #tpu.memory_space<vmem>>) target_semaphore(%arg12 : memref<!tpu.dma_semaphore, #tpu.memory_space<semaphore_mem>>)
    %dma_start3A_365 = arith.constant 37 : i32
    %dma_start3A_366 = arith.constant 18944 : i32
    %dma_start3A_367 = tpu.memref_slice %arg9[%dma_start3A_366] : memref<32768xf32, #tpu.memory_space<vmem>> -> memref<512xf32, #tpu.memory_space<vmem>>
    %dma_start3A_368 = tpu.memref_slice %arg2[%select_n3A, %dma_start3A_365, %mul3A_32] : memref<16x64x1024xf32, #tpu.memory_space<hbm>> -> memref<1x1x512xf32, #tpu.memory_space<hbm>>
    %dma_start3A_369 = tpu.memref_squeeze %dma_start3A_368 : memref<1x1x512xf32, #tpu.memory_space<hbm>> -> memref<512xf32, #tpu.memory_space<hbm>>
    %dma_start3A_370 = arith.constant 18944 : i32
    %dma_start3A_371 = tpu.memref_slice %arg9[%dma_start3A_370] : memref<32768xf32, #tpu.memory_space<vmem>> -> memref<512xf32, #tpu.memory_space<vmem>>
    %dma_start3A_372 = tpu.memref_slice %arg2[%select_n3A, %dma_start3A_365, %mul3A_32] : memref<16x64x1024xf32, #tpu.memory_space<hbm>> -> memref<1x1x512xf32, #tpu.memory_space<hbm>>
    %dma_start3A_373 = tpu.memref_squeeze %dma_start3A_372 : memref<1x1x512xf32, #tpu.memory_space<hbm>> -> memref<512xf32, #tpu.memory_space<hbm>>
    tpu.enqueue_dma source(%dma_start3A_373 : memref<512xf32, #tpu.memory_space<hbm>>) target(%dma_start3A_371 : memref<512xf32, #tpu.memory_space<vmem>>) target_semaphore(%arg12 : memref<!tpu.dma_semaphore, #tpu.memory_space<semaphore_mem>>)
    %dma_start3A_374 = arith.constant 38 : i32
    %dma_start3A_375 = arith.constant 19456 : i32
    %dma_start3A_376 = tpu.memref_slice %arg9[%dma_start3A_375] : memref<32768xf32, #tpu.memory_space<vmem>> -> memref<512xf32, #tpu.memory_space<vmem>>
    %dma_start3A_377 = tpu.memref_slice %arg2[%select_n3A, %dma_start3A_374, %mul3A_32] : memref<16x64x1024xf32, #tpu.memory_space<hbm>> -> memref<1x1x512xf32, #tpu.memory_space<hbm>>
    %dma_start3A_378 = tpu.memref_squeeze %dma_start3A_377 : memref<1x1x512xf32, #tpu.memory_space<hbm>> -> memref<512xf32, #tpu.memory_space<hbm>>
    %dma_start3A_379 = arith.constant 19456 : i32
    %dma_start3A_380 = tpu.memref_slice %arg9[%dma_start3A_379] : memref<32768xf32, #tpu.memory_space<vmem>> -> memref<512xf32, #tpu.memory_space<vmem>>
    %dma_start3A_381 = tpu.memref_slice %arg2[%select_n3A, %dma_start3A_374, %mul3A_32] : memref<16x64x1024xf32, #tpu.memory_space<hbm>> -> memref<1x1x512xf32, #tpu.memory_space<hbm>>
    %dma_start3A_382 = tpu.memref_squeeze %dma_start3A_381 : memref<1x1x512xf32, #tpu.memory_space<hbm>> -> memref<512xf32, #tpu.memory_space<hbm>>
    tpu.enqueue_dma source(%dma_start3A_382 : memref<512xf32, #tpu.memory_space<hbm>>) target(%dma_start3A_380 : memref<512xf32, #tpu.memory_space<vmem>>) target_semaphore(%arg12 : memref<!tpu.dma_semaphore, #tpu.memory_space<semaphore_mem>>)
    %dma_start3A_383 = arith.constant 39 : i32
    %dma_start3A_384 = arith.constant 19968 : i32
    %dma_start3A_385 = tpu.memref_slice %arg9[%dma_start3A_384] : memref<32768xf32, #tpu.memory_space<vmem>> -> memref<512xf32, #tpu.memory_space<vmem>>
    %dma_start3A_386 = tpu.memref_slice %arg2[%select_n3A, %dma_start3A_383, %mul3A_32] : memref<16x64x1024xf32, #tpu.memory_space<hbm>> -> memref<1x1x512xf32, #tpu.memory_space<hbm>>
    %dma_start3A_387 = tpu.memref_squeeze %dma_start3A_386 : memref<1x1x512xf32, #tpu.memory_space<hbm>> -> memref<512xf32, #tpu.memory_space<hbm>>
    %dma_start3A_388 = arith.constant 19968 : i32
    %dma_start3A_389 = tpu.memref_slice %arg9[%dma_start3A_388] : memref<32768xf32, #tpu.memory_space<vmem>> -> memref<512xf32, #tpu.memory_space<vmem>>
    %dma_start3A_390 = tpu.memref_slice %arg2[%select_n3A, %dma_start3A_383, %mul3A_32] : memref<16x64x1024xf32, #tpu.memory_space<hbm>> -> memref<1x1x512xf32, #tpu.memory_space<hbm>>
    %dma_start3A_391 = tpu.memref_squeeze %dma_start3A_390 : memref<1x1x512xf32, #tpu.memory_space<hbm>> -> memref<512xf32, #tpu.memory_space<hbm>>
    tpu.enqueue_dma source(%dma_start3A_391 : memref<512xf32, #tpu.memory_space<hbm>>) target(%dma_start3A_389 : memref<512xf32, #tpu.memory_space<vmem>>) target_semaphore(%arg12 : memref<!tpu.dma_semaphore, #tpu.memory_space<semaphore_mem>>)
    %dma_start3A_392 = arith.constant 40 : i32
    %dma_start3A_393 = arith.constant 20480 : i32
    %dma_start3A_394 = tpu.memref_slice %arg9[%dma_start3A_393] : memref<32768xf32, #tpu.memory_space<vmem>> -> memref<512xf32, #tpu.memory_space<vmem>>
    %dma_start3A_395 = tpu.memref_slice %arg2[%select_n3A, %dma_start3A_392, %mul3A_32] : memref<16x64x1024xf32, #tpu.memory_space<hbm>> -> memref<1x1x512xf32, #tpu.memory_space<hbm>>
    %dma_start3A_396 = tpu.memref_squeeze %dma_start3A_395 : memref<1x1x512xf32, #tpu.memory_space<hbm>> -> memref<512xf32, #tpu.memory_space<hbm>>
    %dma_start3A_397 = arith.constant 20480 : i32
    %dma_start3A_398 = tpu.memref_slice %arg9[%dma_start3A_397] : memref<32768xf32, #tpu.memory_space<vmem>> -> memref<512xf32, #tpu.memory_space<vmem>>
    %dma_start3A_399 = tpu.memref_slice %arg2[%select_n3A, %dma_start3A_392, %mul3A_32] : memref<16x64x1024xf32, #tpu.memory_space<hbm>> -> memref<1x1x512xf32, #tpu.memory_space<hbm>>
    %dma_start3A_400 = tpu.memref_squeeze %dma_start3A_399 : memref<1x1x512xf32, #tpu.memory_space<hbm>> -> memref<512xf32, #tpu.memory_space<hbm>>
    tpu.enqueue_dma source(%dma_start3A_400 : memref<512xf32, #tpu.memory_space<hbm>>) target(%dma_start3A_398 : memref<512xf32, #tpu.memory_space<vmem>>) target_semaphore(%arg12 : memref<!tpu.dma_semaphore, #tpu.memory_space<semaphore_mem>>)
    %dma_start3A_401 = arith.constant 41 : i32
    %dma_start3A_402 = arith.constant 20992 : i32
    %dma_start3A_403 = tpu.memref_slice %arg9[%dma_start3A_402] : memref<32768xf32, #tpu.memory_space<vmem>> -> memref<512xf32, #tpu.memory_space<vmem>>
    %dma_start3A_404 = tpu.memref_slice %arg2[%select_n3A, %dma_start3A_401, %mul3A_32] : memref<16x64x1024xf32, #tpu.memory_space<hbm>> -> memref<1x1x512xf32, #tpu.memory_space<hbm>>
    %dma_start3A_405 = tpu.memref_squeeze %dma_start3A_404 : memref<1x1x512xf32, #tpu.memory_space<hbm>> -> memref<512xf32, #tpu.memory_space<hbm>>
    %dma_start3A_406 = arith.constant 20992 : i32
    %dma_start3A_407 = tpu.memref_slice %arg9[%dma_start3A_406] : memref<32768xf32, #tpu.memory_space<vmem>> -> memref<512xf32, #tpu.memory_space<vmem>>
    %dma_start3A_408 = tpu.memref_slice %arg2[%select_n3A, %dma_start3A_401, %mul3A_32] : memref<16x64x1024xf32, #tpu.memory_space<hbm>> -> memref<1x1x512xf32, #tpu.memory_space<hbm>>
    %dma_start3A_409 = tpu.memref_squeeze %dma_start3A_408 : memref<1x1x512xf32, #tpu.memory_space<hbm>> -> memref<512xf32, #tpu.memory_space<hbm>>
    tpu.enqueue_dma source(%dma_start3A_409 : memref<512xf32, #tpu.memory_space<hbm>>) target(%dma_start3A_407 : memref<512xf32, #tpu.memory_space<vmem>>) target_semaphore(%arg12 : memref<!tpu.dma_semaphore, #tpu.memory_space<semaphore_mem>>)
    %dma_start3A_410 = arith.constant 42 : i32
    %dma_start3A_411 = arith.constant 21504 : i32
    %dma_start3A_412 = tpu.memref_slice %arg9[%dma_start3A_411] : memref<32768xf32, #tpu.memory_space<vmem>> -> memref<512xf32, #tpu.memory_space<vmem>>
    %dma_start3A_413 = tpu.memref_slice %arg2[%select_n3A, %dma_start3A_410, %mul3A_32] : memref<16x64x1024xf32, #tpu.memory_space<hbm>> -> memref<1x1x512xf32, #tpu.memory_space<hbm>>
    %dma_start3A_414 = tpu.memref_squeeze %dma_start3A_413 : memref<1x1x512xf32, #tpu.memory_space<hbm>> -> memref<512xf32, #tpu.memory_space<hbm>>
    %dma_start3A_415 = arith.constant 21504 : i32
    %dma_start3A_416 = tpu.memref_slice %arg9[%dma_start3A_415] : memref<32768xf32, #tpu.memory_space<vmem>> -> memref<512xf32, #tpu.memory_space<vmem>>
    %dma_start3A_417 = tpu.memref_slice %arg2[%select_n3A, %dma_start3A_410, %mul3A_32] : memref<16x64x1024xf32, #tpu.memory_space<hbm>> -> memref<1x1x512xf32, #tpu.memory_space<hbm>>
    %dma_start3A_418 = tpu.memref_squeeze %dma_start3A_417 : memref<1x1x512xf32, #tpu.memory_space<hbm>> -> memref<512xf32, #tpu.memory_space<hbm>>
    tpu.enqueue_dma source(%dma_start3A_418 : memref<512xf32, #tpu.memory_space<hbm>>) target(%dma_start3A_416 : memref<512xf32, #tpu.memory_space<vmem>>) target_semaphore(%arg12 : memref<!tpu.dma_semaphore, #tpu.memory_space<semaphore_mem>>)
    %dma_start3A_419 = arith.constant 43 : i32
    %dma_start3A_420 = arith.constant 22016 : i32
    %dma_start3A_421 = tpu.memref_slice %arg9[%dma_start3A_420] : memref<32768xf32, #tpu.memory_space<vmem>> -> memref<512xf32, #tpu.memory_space<vmem>>
    %dma_start3A_422 = tpu.memref_slice %arg2[%select_n3A, %dma_start3A_419, %mul3A_32] : memref<16x64x1024xf32, #tpu.memory_space<hbm>> -> memref<1x1x512xf32, #tpu.memory_space<hbm>>
    %dma_start3A_423 = tpu.memref_squeeze %dma_start3A_422 : memref<1x1x512xf32, #tpu.memory_space<hbm>> -> memref<512xf32, #tpu.memory_space<hbm>>
    %dma_start3A_424 = arith.constant 22016 : i32
    %dma_start3A_425 = tpu.memref_slice %arg9[%dma_start3A_424] : memref<32768xf32, #tpu.memory_space<vmem>> -> memref<512xf32, #tpu.memory_space<vmem>>
    %dma_start3A_426 = tpu.memref_slice %arg2[%select_n3A, %dma_start3A_419, %mul3A_32] : memref<16x64x1024xf32, #tpu.memory_space<hbm>> -> memref<1x1x512xf32, #tpu.memory_space<hbm>>
    %dma_start3A_427 = tpu.memref_squeeze %dma_start3A_426 : memref<1x1x512xf32, #tpu.memory_space<hbm>> -> memref<512xf32, #tpu.memory_space<hbm>>
    tpu.enqueue_dma source(%dma_start3A_427 : memref<512xf32, #tpu.memory_space<hbm>>) target(%dma_start3A_425 : memref<512xf32, #tpu.memory_space<vmem>>) target_semaphore(%arg12 : memref<!tpu.dma_semaphore, #tpu.memory_space<semaphore_mem>>)
    %dma_start3A_428 = arith.constant 44 : i32
    %dma_start3A_429 = arith.constant 22528 : i32
    %dma_start3A_430 = tpu.memref_slice %arg9[%dma_start3A_429] : memref<32768xf32, #tpu.memory_space<vmem>> -> memref<512xf32, #tpu.memory_space<vmem>>
    %dma_start3A_431 = tpu.memref_slice %arg2[%select_n3A, %dma_start3A_428, %mul3A_32] : memref<16x64x1024xf32, #tpu.memory_space<hbm>> -> memref<1x1x512xf32, #tpu.memory_space<hbm>>
    %dma_start3A_432 = tpu.memref_squeeze %dma_start3A_431 : memref<1x1x512xf32, #tpu.memory_space<hbm>> -> memref<512xf32, #tpu.memory_space<hbm>>
    %dma_start3A_433 = arith.constant 22528 : i32
    %dma_start3A_434 = tpu.memref_slice %arg9[%dma_start3A_433] : memref<32768xf32, #tpu.memory_space<vmem>> -> memref<512xf32, #tpu.memory_space<vmem>>
    %dma_start3A_435 = tpu.memref_slice %arg2[%select_n3A, %dma_start3A_428, %mul3A_32] : memref<16x64x1024xf32, #tpu.memory_space<hbm>> -> memref<1x1x512xf32, #tpu.memory_space<hbm>>
    %dma_start3A_436 = tpu.memref_squeeze %dma_start3A_435 : memref<1x1x512xf32, #tpu.memory_space<hbm>> -> memref<512xf32, #tpu.memory_space<hbm>>
    tpu.enqueue_dma source(%dma_start3A_436 : memref<512xf32, #tpu.memory_space<hbm>>) target(%dma_start3A_434 : memref<512xf32, #tpu.memory_space<vmem>>) target_semaphore(%arg12 : memref<!tpu.dma_semaphore, #tpu.memory_space<semaphore_mem>>)
    %dma_start3A_437 = arith.constant 45 : i32
    %dma_start3A_438 = arith.constant 23040 : i32
    %dma_start3A_439 = tpu.memref_slice %arg9[%dma_start3A_438] : memref<32768xf32, #tpu.memory_space<vmem>> -> memref<512xf32, #tpu.memory_space<vmem>>
    %dma_start3A_440 = tpu.memref_slice %arg2[%select_n3A, %dma_start3A_437, %mul3A_32] : memref<16x64x1024xf32, #tpu.memory_space<hbm>> -> memref<1x1x512xf32, #tpu.memory_space<hbm>>
    %dma_start3A_441 = tpu.memref_squeeze %dma_start3A_440 : memref<1x1x512xf32, #tpu.memory_space<hbm>> -> memref<512xf32, #tpu.memory_space<hbm>>
    %dma_start3A_442 = arith.constant 23040 : i32
    %dma_start3A_443 = tpu.memref_slice %arg9[%dma_start3A_442] : memref<32768xf32, #tpu.memory_space<vmem>> -> memref<512xf32, #tpu.memory_space<vmem>>
    %dma_start3A_444 = tpu.memref_slice %arg2[%select_n3A, %dma_start3A_437, %mul3A_32] : memref<16x64x1024xf32, #tpu.memory_space<hbm>> -> memref<1x1x512xf32, #tpu.memory_space<hbm>>
    %dma_start3A_445 = tpu.memref_squeeze %dma_start3A_444 : memref<1x1x512xf32, #tpu.memory_space<hbm>> -> memref<512xf32, #tpu.memory_space<hbm>>
    tpu.enqueue_dma source(%dma_start3A_445 : memref<512xf32, #tpu.memory_space<hbm>>) target(%dma_start3A_443 : memref<512xf32, #tpu.memory_space<vmem>>) target_semaphore(%arg12 : memref<!tpu.dma_semaphore, #tpu.memory_space<semaphore_mem>>)
    %dma_start3A_446 = arith.constant 46 : i32
    %dma_start3A_447 = arith.constant 23552 : i32
    %dma_start3A_448 = tpu.memref_slice %arg9[%dma_start3A_447] : memref<32768xf32, #tpu.memory_space<vmem>> -> memref<512xf32, #tpu.memory_space<vmem>>
    %dma_start3A_449 = tpu.memref_slice %arg2[%select_n3A, %dma_start3A_446, %mul3A_32] : memref<16x64x1024xf32, #tpu.memory_space<hbm>> -> memref<1x1x512xf32, #tpu.memory_space<hbm>>
    %dma_start3A_450 = tpu.memref_squeeze %dma_start3A_449 : memref<1x1x512xf32, #tpu.memory_space<hbm>> -> memref<512xf32, #tpu.memory_space<hbm>>
    %dma_start3A_451 = arith.constant 23552 : i32
    %dma_start3A_452 = tpu.memref_slice %arg9[%dma_start3A_451] : memref<32768xf32, #tpu.memory_space<vmem>> -> memref<512xf32, #tpu.memory_space<vmem>>
    %dma_start3A_453 = tpu.memref_slice %arg2[%select_n3A, %dma_start3A_446, %mul3A_32] : memref<16x64x1024xf32, #tpu.memory_space<hbm>> -> memref<1x1x512xf32, #tpu.memory_space<hbm>>
    %dma_start3A_454 = tpu.memref_squeeze %dma_start3A_453 : memref<1x1x512xf32, #tpu.memory_space<hbm>> -> memref<512xf32, #tpu.memory_space<hbm>>
    tpu.enqueue_dma source(%dma_start3A_454 : memref<512xf32, #tpu.memory_space<hbm>>) target(%dma_start3A_452 : memref<512xf32, #tpu.memory_space<vmem>>) target_semaphore(%arg12 : memref<!tpu.dma_semaphore, #tpu.memory_space<semaphore_mem>>)
    %dma_start3A_455 = arith.constant 47 : i32
    %dma_start3A_456 = arith.constant 24064 : i32
    %dma_start3A_457 = tpu.memref_slice %arg9[%dma_start3A_456] : memref<32768xf32, #tpu.memory_space<vmem>> -> memref<512xf32, #tpu.memory_space<vmem>>
    %dma_start3A_458 = tpu.memref_slice %arg2[%select_n3A, %dma_start3A_455, %mul3A_32] : memref<16x64x1024xf32, #tpu.memory_space<hbm>> -> memref<1x1x512xf32, #tpu.memory_space<hbm>>
    %dma_start3A_459 = tpu.memref_squeeze %dma_start3A_458 : memref<1x1x512xf32, #tpu.memory_space<hbm>> -> memref<512xf32, #tpu.memory_space<hbm>>
    %dma_start3A_460 = arith.constant 24064 : i32
    %dma_start3A_461 = tpu.memref_slice %arg9[%dma_start3A_460] : memref<32768xf32, #tpu.memory_space<vmem>> -> memref<512xf32, #tpu.memory_space<vmem>>
    %dma_start3A_462 = tpu.memref_slice %arg2[%select_n3A, %dma_start3A_455, %mul3A_32] : memref<16x64x1024xf32, #tpu.memory_space<hbm>> -> memref<1x1x512xf32, #tpu.memory_space<hbm>>
    %dma_start3A_463 = tpu.memref_squeeze %dma_start3A_462 : memref<1x1x512xf32, #tpu.memory_space<hbm>> -> memref<512xf32, #tpu.memory_space<hbm>>
    tpu.enqueue_dma source(%dma_start3A_463 : memref<512xf32, #tpu.memory_space<hbm>>) target(%dma_start3A_461 : memref<512xf32, #tpu.memory_space<vmem>>) target_semaphore(%arg12 : memref<!tpu.dma_semaphore, #tpu.memory_space<semaphore_mem>>)
    %dma_start3A_464 = arith.constant 48 : i32
    %dma_start3A_465 = arith.constant 24576 : i32
    %dma_start3A_466 = tpu.memref_slice %arg9[%dma_start3A_465] : memref<32768xf32, #tpu.memory_space<vmem>> -> memref<512xf32, #tpu.memory_space<vmem>>
    %dma_start3A_467 = tpu.memref_slice %arg2[%select_n3A, %dma_start3A_464, %mul3A_32] : memref<16x64x1024xf32, #tpu.memory_space<hbm>> -> memref<1x1x512xf32, #tpu.memory_space<hbm>>
    %dma_start3A_468 = tpu.memref_squeeze %dma_start3A_467 : memref<1x1x512xf32, #tpu.memory_space<hbm>> -> memref<512xf32, #tpu.memory_space<hbm>>
    %dma_start3A_469 = arith.constant 24576 : i32
    %dma_start3A_470 = tpu.memref_slice %arg9[%dma_start3A_469] : memref<32768xf32, #tpu.memory_space<vmem>> -> memref<512xf32, #tpu.memory_space<vmem>>
    %dma_start3A_471 = tpu.memref_slice %arg2[%select_n3A, %dma_start3A_464, %mul3A_32] : memref<16x64x1024xf32, #tpu.memory_space<hbm>> -> memref<1x1x512xf32, #tpu.memory_space<hbm>>
    %dma_start3A_472 = tpu.memref_squeeze %dma_start3A_471 : memref<1x1x512xf32, #tpu.memory_space<hbm>> -> memref<512xf32, #tpu.memory_space<hbm>>
    tpu.enqueue_dma source(%dma_start3A_472 : memref<512xf32, #tpu.memory_space<hbm>>) target(%dma_start3A_470 : memref<512xf32, #tpu.memory_space<vmem>>) target_semaphore(%arg12 : memref<!tpu.dma_semaphore, #tpu.memory_space<semaphore_mem>>)
    %dma_start3A_473 = arith.constant 49 : i32
    %dma_start3A_474 = arith.constant 25088 : i32
    %dma_start3A_475 = tpu.memref_slice %arg9[%dma_start3A_474] : memref<32768xf32, #tpu.memory_space<vmem>> -> memref<512xf32, #tpu.memory_space<vmem>>
    %dma_start3A_476 = tpu.memref_slice %arg2[%select_n3A, %dma_start3A_473, %mul3A_32] : memref<16x64x1024xf32, #tpu.memory_space<hbm>> -> memref<1x1x512xf32, #tpu.memory_space<hbm>>
    %dma_start3A_477 = tpu.memref_squeeze %dma_start3A_476 : memref<1x1x512xf32, #tpu.memory_space<hbm>> -> memref<512xf32, #tpu.memory_space<hbm>>
    %dma_start3A_478 = arith.constant 25088 : i32
    %dma_start3A_479 = tpu.memref_slice %arg9[%dma_start3A_478] : memref<32768xf32, #tpu.memory_space<vmem>> -> memref<512xf32, #tpu.memory_space<vmem>>
    %dma_start3A_480 = tpu.memref_slice %arg2[%select_n3A, %dma_start3A_473, %mul3A_32] : memref<16x64x1024xf32, #tpu.memory_space<hbm>> -> memref<1x1x512xf32, #tpu.memory_space<hbm>>
    %dma_start3A_481 = tpu.memref_squeeze %dma_start3A_480 : memref<1x1x512xf32, #tpu.memory_space<hbm>> -> memref<512xf32, #tpu.memory_space<hbm>>
    tpu.enqueue_dma source(%dma_start3A_481 : memref<512xf32, #tpu.memory_space<hbm>>) target(%dma_start3A_479 : memref<512xf32, #tpu.memory_space<vmem>>) target_semaphore(%arg12 : memref<!tpu.dma_semaphore, #tpu.memory_space<semaphore_mem>>)
    %dma_start3A_482 = arith.constant 50 : i32
    %dma_start3A_483 = arith.constant 25600 : i32
    %dma_start3A_484 = tpu.memref_slice %arg9[%dma_start3A_483] : memref<32768xf32, #tpu.memory_space<vmem>> -> memref<512xf32, #tpu.memory_space<vmem>>
    %dma_start3A_485 = tpu.memref_slice %arg2[%select_n3A, %dma_start3A_482, %mul3A_32] : memref<16x64x1024xf32, #tpu.memory_space<hbm>> -> memref<1x1x512xf32, #tpu.memory_space<hbm>>
    %dma_start3A_486 = tpu.memref_squeeze %dma_start3A_485 : memref<1x1x512xf32, #tpu.memory_space<hbm>> -> memref<512xf32, #tpu.memory_space<hbm>>
    %dma_start3A_487 = arith.constant 25600 : i32
    %dma_start3A_488 = tpu.memref_slice %arg9[%dma_start3A_487] : memref<32768xf32, #tpu.memory_space<vmem>> -> memref<512xf32, #tpu.memory_space<vmem>>
    %dma_start3A_489 = tpu.memref_slice %arg2[%select_n3A, %dma_start3A_482, %mul3A_32] : memref<16x64x1024xf32, #tpu.memory_space<hbm>> -> memref<1x1x512xf32, #tpu.memory_space<hbm>>
    %dma_start3A_490 = tpu.memref_squeeze %dma_start3A_489 : memref<1x1x512xf32, #tpu.memory_space<hbm>> -> memref<512xf32, #tpu.memory_space<hbm>>
    tpu.enqueue_dma source(%dma_start3A_490 : memref<512xf32, #tpu.memory_space<hbm>>) target(%dma_start3A_488 : memref<512xf32, #tpu.memory_space<vmem>>) target_semaphore(%arg12 : memref<!tpu.dma_semaphore, #tpu.memory_space<semaphore_mem>>)
    %dma_start3A_491 = arith.constant 51 : i32
    %dma_start3A_492 = arith.constant 26112 : i32
    %dma_start3A_493 = tpu.memref_slice %arg9[%dma_start3A_492] : memref<32768xf32, #tpu.memory_space<vmem>> -> memref<512xf32, #tpu.memory_space<vmem>>
    %dma_start3A_494 = tpu.memref_slice %arg2[%select_n3A, %dma_start3A_491, %mul3A_32] : memref<16x64x1024xf32, #tpu.memory_space<hbm>> -> memref<1x1x512xf32, #tpu.memory_space<hbm>>
    %dma_start3A_495 = tpu.memref_squeeze %dma_start3A_494 : memref<1x1x512xf32, #tpu.memory_space<hbm>> -> memref<512xf32, #tpu.memory_space<hbm>>
    %dma_start3A_496 = arith.constant 26112 : i32
    %dma_start3A_497 = tpu.memref_slice %arg9[%dma_start3A_496] : memref<32768xf32, #tpu.memory_space<vmem>> -> memref<512xf32, #tpu.memory_space<vmem>>
    %dma_start3A_498 = tpu.memref_slice %arg2[%select_n3A, %dma_start3A_491, %mul3A_32] : memref<16x64x1024xf32, #tpu.memory_space<hbm>> -> memref<1x1x512xf32, #tpu.memory_space<hbm>>
    %dma_start3A_499 = tpu.memref_squeeze %dma_start3A_498 : memref<1x1x512xf32, #tpu.memory_space<hbm>> -> memref<512xf32, #tpu.memory_space<hbm>>
    tpu.enqueue_dma source(%dma_start3A_499 : memref<512xf32, #tpu.memory_space<hbm>>) target(%dma_start3A_497 : memref<512xf32, #tpu.memory_space<vmem>>) target_semaphore(%arg12 : memref<!tpu.dma_semaphore, #tpu.memory_space<semaphore_mem>>)
    %dma_start3A_500 = arith.constant 52 : i32
    %dma_start3A_501 = arith.constant 26624 : i32
    %dma_start3A_502 = tpu.memref_slice %arg9[%dma_start3A_501] : memref<32768xf32, #tpu.memory_space<vmem>> -> memref<512xf32, #tpu.memory_space<vmem>>
    %dma_start3A_503 = tpu.memref_slice %arg2[%select_n3A, %dma_start3A_500, %mul3A_32] : memref<16x64x1024xf32, #tpu.memory_space<hbm>> -> memref<1x1x512xf32, #tpu.memory_space<hbm>>
    %dma_start3A_504 = tpu.memref_squeeze %dma_start3A_503 : memref<1x1x512xf32, #tpu.memory_space<hbm>> -> memref<512xf32, #tpu.memory_space<hbm>>
    %dma_start3A_505 = arith.constant 26624 : i32
    %dma_start3A_506 = tpu.memref_slice %arg9[%dma_start3A_505] : memref<32768xf32, #tpu.memory_space<vmem>> -> memref<512xf32, #tpu.memory_space<vmem>>
    %dma_start3A_507 = tpu.memref_slice %arg2[%select_n3A, %dma_start3A_500, %mul3A_32] : memref<16x64x1024xf32, #tpu.memory_space<hbm>> -> memref<1x1x512xf32, #tpu.memory_space<hbm>>
    %dma_start3A_508 = tpu.memref_squeeze %dma_start3A_507 : memref<1x1x512xf32, #tpu.memory_space<hbm>> -> memref<512xf32, #tpu.memory_space<hbm>>
    tpu.enqueue_dma source(%dma_start3A_508 : memref<512xf32, #tpu.memory_space<hbm>>) target(%dma_start3A_506 : memref<512xf32, #tpu.memory_space<vmem>>) target_semaphore(%arg12 : memref<!tpu.dma_semaphore, #tpu.memory_space<semaphore_mem>>)
    %dma_start3A_509 = arith.constant 53 : i32
    %dma_start3A_510 = arith.constant 27136 : i32
    %dma_start3A_511 = tpu.memref_slice %arg9[%dma_start3A_510] : memref<32768xf32, #tpu.memory_space<vmem>> -> memref<512xf32, #tpu.memory_space<vmem>>
    %dma_start3A_512 = tpu.memref_slice %arg2[%select_n3A, %dma_start3A_509, %mul3A_32] : memref<16x64x1024xf32, #tpu.memory_space<hbm>> -> memref<1x1x512xf32, #tpu.memory_space<hbm>>
    %dma_start3A_513 = tpu.memref_squeeze %dma_start3A_512 : memref<1x1x512xf32, #tpu.memory_space<hbm>> -> memref<512xf32, #tpu.memory_space<hbm>>
    %dma_start3A_514 = arith.constant 27136 : i32
    %dma_start3A_515 = tpu.memref_slice %arg9[%dma_start3A_514] : memref<32768xf32, #tpu.memory_space<vmem>> -> memref<512xf32, #tpu.memory_space<vmem>>
    %dma_start3A_516 = tpu.memref_slice %arg2[%select_n3A, %dma_start3A_509, %mul3A_32] : memref<16x64x1024xf32, #tpu.memory_space<hbm>> -> memref<1x1x512xf32, #tpu.memory_space<hbm>>
    %dma_start3A_517 = tpu.memref_squeeze %dma_start3A_516 : memref<1x1x512xf32, #tpu.memory_space<hbm>> -> memref<512xf32, #tpu.memory_space<hbm>>
    tpu.enqueue_dma source(%dma_start3A_517 : memref<512xf32, #tpu.memory_space<hbm>>) target(%dma_start3A_515 : memref<512xf32, #tpu.memory_space<vmem>>) target_semaphore(%arg12 : memref<!tpu.dma_semaphore, #tpu.memory_space<semaphore_mem>>)
    %dma_start3A_518 = arith.constant 54 : i32
    %dma_start3A_519 = arith.constant 27648 : i32
    %dma_start3A_520 = tpu.memref_slice %arg9[%dma_start3A_519] : memref<32768xf32, #tpu.memory_space<vmem>> -> memref<512xf32, #tpu.memory_space<vmem>>
    %dma_start3A_521 = tpu.memref_slice %arg2[%select_n3A, %dma_start3A_518, %mul3A_32] : memref<16x64x1024xf32, #tpu.memory_space<hbm>> -> memref<1x1x512xf32, #tpu.memory_space<hbm>>
    %dma_start3A_522 = tpu.memref_squeeze %dma_start3A_521 : memref<1x1x512xf32, #tpu.memory_space<hbm>> -> memref<512xf32, #tpu.memory_space<hbm>>
    %dma_start3A_523 = arith.constant 27648 : i32
    %dma_start3A_524 = tpu.memref_slice %arg9[%dma_start3A_523] : memref<32768xf32, #tpu.memory_space<vmem>> -> memref<512xf32, #tpu.memory_space<vmem>>
    %dma_start3A_525 = tpu.memref_slice %arg2[%select_n3A, %dma_start3A_518, %mul3A_32] : memref<16x64x1024xf32, #tpu.memory_space<hbm>> -> memref<1x1x512xf32, #tpu.memory_space<hbm>>
    %dma_start3A_526 = tpu.memref_squeeze %dma_start3A_525 : memref<1x1x512xf32, #tpu.memory_space<hbm>> -> memref<512xf32, #tpu.memory_space<hbm>>
    tpu.enqueue_dma source(%dma_start3A_526 : memref<512xf32, #tpu.memory_space<hbm>>) target(%dma_start3A_524 : memref<512xf32, #tpu.memory_space<vmem>>) target_semaphore(%arg12 : memref<!tpu.dma_semaphore, #tpu.memory_space<semaphore_mem>>)
    %dma_start3A_527 = arith.constant 55 : i32
    %dma_start3A_528 = arith.constant 28160 : i32
    %dma_start3A_529 = tpu.memref_slice %arg9[%dma_start3A_528] : memref<32768xf32, #tpu.memory_space<vmem>> -> memref<512xf32, #tpu.memory_space<vmem>>
    %dma_start3A_530 = tpu.memref_slice %arg2[%select_n3A, %dma_start3A_527, %mul3A_32] : memref<16x64x1024xf32, #tpu.memory_space<hbm>> -> memref<1x1x512xf32, #tpu.memory_space<hbm>>
    %dma_start3A_531 = tpu.memref_squeeze %dma_start3A_530 : memref<1x1x512xf32, #tpu.memory_space<hbm>> -> memref<512xf32, #tpu.memory_space<hbm>>
    %dma_start3A_532 = arith.constant 28160 : i32
    %dma_start3A_533 = tpu.memref_slice %arg9[%dma_start3A_532] : memref<32768xf32, #tpu.memory_space<vmem>> -> memref<512xf32, #tpu.memory_space<vmem>>
    %dma_start3A_534 = tpu.memref_slice %arg2[%select_n3A, %dma_start3A_527, %mul3A_32] : memref<16x64x1024xf32, #tpu.memory_space<hbm>> -> memref<1x1x512xf32, #tpu.memory_space<hbm>>
    %dma_start3A_535 = tpu.memref_squeeze %dma_start3A_534 : memref<1x1x512xf32, #tpu.memory_space<hbm>> -> memref<512xf32, #tpu.memory_space<hbm>>
    tpu.enqueue_dma source(%dma_start3A_535 : memref<512xf32, #tpu.memory_space<hbm>>) target(%dma_start3A_533 : memref<512xf32, #tpu.memory_space<vmem>>) target_semaphore(%arg12 : memref<!tpu.dma_semaphore, #tpu.memory_space<semaphore_mem>>)
    %dma_start3A_536 = arith.constant 56 : i32
    %dma_start3A_537 = arith.constant 28672 : i32
    %dma_start3A_538 = tpu.memref_slice %arg9[%dma_start3A_537] : memref<32768xf32, #tpu.memory_space<vmem>> -> memref<512xf32, #tpu.memory_space<vmem>>
    %dma_start3A_539 = tpu.memref_slice %arg2[%select_n3A, %dma_start3A_536, %mul3A_32] : memref<16x64x1024xf32, #tpu.memory_space<hbm>> -> memref<1x1x512xf32, #tpu.memory_space<hbm>>
    %dma_start3A_540 = tpu.memref_squeeze %dma_start3A_539 : memref<1x1x512xf32, #tpu.memory_space<hbm>> -> memref<512xf32, #tpu.memory_space<hbm>>
    %dma_start3A_541 = arith.constant 28672 : i32
    %dma_start3A_542 = tpu.memref_slice %arg9[%dma_start3A_541] : memref<32768xf32, #tpu.memory_space<vmem>> -> memref<512xf32, #tpu.memory_space<vmem>>
    %dma_start3A_543 = tpu.memref_slice %arg2[%select_n3A, %dma_start3A_536, %mul3A_32] : memref<16x64x1024xf32, #tpu.memory_space<hbm>> -> memref<1x1x512xf32, #tpu.memory_space<hbm>>
    %dma_start3A_544 = tpu.memref_squeeze %dma_start3A_543 : memref<1x1x512xf32, #tpu.memory_space<hbm>> -> memref<512xf32, #tpu.memory_space<hbm>>
    tpu.enqueue_dma source(%dma_start3A_544 : memref<512xf32, #tpu.memory_space<hbm>>) target(%dma_start3A_542 : memref<512xf32, #tpu.memory_space<vmem>>) target_semaphore(%arg12 : memref<!tpu.dma_semaphore, #tpu.memory_space<semaphore_mem>>)
    %dma_start3A_545 = arith.constant 57 : i32
    %dma_start3A_546 = arith.constant 29184 : i32
    %dma_start3A_547 = tpu.memref_slice %arg9[%dma_start3A_546] : memref<32768xf32, #tpu.memory_space<vmem>> -> memref<512xf32, #tpu.memory_space<vmem>>
    %dma_start3A_548 = tpu.memref_slice %arg2[%select_n3A, %dma_start3A_545, %mul3A_32] : memref<16x64x1024xf32, #tpu.memory_space<hbm>> -> memref<1x1x512xf32, #tpu.memory_space<hbm>>
    %dma_start3A_549 = tpu.memref_squeeze %dma_start3A_548 : memref<1x1x512xf32, #tpu.memory_space<hbm>> -> memref<512xf32, #tpu.memory_space<hbm>>
    %dma_start3A_550 = arith.constant 29184 : i32
    %dma_start3A_551 = tpu.memref_slice %arg9[%dma_start3A_550] : memref<32768xf32, #tpu.memory_space<vmem>> -> memref<512xf32, #tpu.memory_space<vmem>>
    %dma_start3A_552 = tpu.memref_slice %arg2[%select_n3A, %dma_start3A_545, %mul3A_32] : memref<16x64x1024xf32, #tpu.memory_space<hbm>> -> memref<1x1x512xf32, #tpu.memory_space<hbm>>
    %dma_start3A_553 = tpu.memref_squeeze %dma_start3A_552 : memref<1x1x512xf32, #tpu.memory_space<hbm>> -> memref<512xf32, #tpu.memory_space<hbm>>
    tpu.enqueue_dma source(%dma_start3A_553 : memref<512xf32, #tpu.memory_space<hbm>>) target(%dma_start3A_551 : memref<512xf32, #tpu.memory_space<vmem>>) target_semaphore(%arg12 : memref<!tpu.dma_semaphore, #tpu.memory_space<semaphore_mem>>)
    %dma_start3A_554 = arith.constant 58 : i32
    %dma_start3A_555 = arith.constant 29696 : i32
    %dma_start3A_556 = tpu.memref_slice %arg9[%dma_start3A_555] : memref<32768xf32, #tpu.memory_space<vmem>> -> memref<512xf32, #tpu.memory_space<vmem>>
    %dma_start3A_557 = tpu.memref_slice %arg2[%select_n3A, %dma_start3A_554, %mul3A_32] : memref<16x64x1024xf32, #tpu.memory_space<hbm>> -> memref<1x1x512xf32, #tpu.memory_space<hbm>>
    %dma_start3A_558 = tpu.memref_squeeze %dma_start3A_557 : memref<1x1x512xf32, #tpu.memory_space<hbm>> -> memref<512xf32, #tpu.memory_space<hbm>>
    %dma_start3A_559 = arith.constant 29696 : i32
    %dma_start3A_560 = tpu.memref_slice %arg9[%dma_start3A_559] : memref<32768xf32, #tpu.memory_space<vmem>> -> memref<512xf32, #tpu.memory_space<vmem>>
    %dma_start3A_561 = tpu.memref_slice %arg2[%select_n3A, %dma_start3A_554, %mul3A_32] : memref<16x64x1024xf32, #tpu.memory_space<hbm>> -> memref<1x1x512xf32, #tpu.memory_space<hbm>>
    %dma_start3A_562 = tpu.memref_squeeze %dma_start3A_561 : memref<1x1x512xf32, #tpu.memory_space<hbm>> -> memref<512xf32, #tpu.memory_space<hbm>>
    tpu.enqueue_dma source(%dma_start3A_562 : memref<512xf32, #tpu.memory_space<hbm>>) target(%dma_start3A_560 : memref<512xf32, #tpu.memory_space<vmem>>) target_semaphore(%arg12 : memref<!tpu.dma_semaphore, #tpu.memory_space<semaphore_mem>>)
    %dma_start3A_563 = arith.constant 59 : i32
    %dma_start3A_564 = arith.constant 30208 : i32
    %dma_start3A_565 = tpu.memref_slice %arg9[%dma_start3A_564] : memref<32768xf32, #tpu.memory_space<vmem>> -> memref<512xf32, #tpu.memory_space<vmem>>
    %dma_start3A_566 = tpu.memref_slice %arg2[%select_n3A, %dma_start3A_563, %mul3A_32] : memref<16x64x1024xf32, #tpu.memory_space<hbm>> -> memref<1x1x512xf32, #tpu.memory_space<hbm>>
    %dma_start3A_567 = tpu.memref_squeeze %dma_start3A_566 : memref<1x1x512xf32, #tpu.memory_space<hbm>> -> memref<512xf32, #tpu.memory_space<hbm>>
    %dma_start3A_568 = arith.constant 30208 : i32
    %dma_start3A_569 = tpu.memref_slice %arg9[%dma_start3A_568] : memref<32768xf32, #tpu.memory_space<vmem>> -> memref<512xf32, #tpu.memory_space<vmem>>
    %dma_start3A_570 = tpu.memref_slice %arg2[%select_n3A, %dma_start3A_563, %mul3A_32] : memref<16x64x1024xf32, #tpu.memory_space<hbm>> -> memref<1x1x512xf32, #tpu.memory_space<hbm>>
    %dma_start3A_571 = tpu.memref_squeeze %dma_start3A_570 : memref<1x1x512xf32, #tpu.memory_space<hbm>> -> memref<512xf32, #tpu.memory_space<hbm>>
    tpu.enqueue_dma source(%dma_start3A_571 : memref<512xf32, #tpu.memory_space<hbm>>) target(%dma_start3A_569 : memref<512xf32, #tpu.memory_space<vmem>>) target_semaphore(%arg12 : memref<!tpu.dma_semaphore, #tpu.memory_space<semaphore_mem>>)
    %dma_start3A_572 = arith.constant 60 : i32
    %dma_start3A_573 = arith.constant 30720 : i32
    %dma_start3A_574 = tpu.memref_slice %arg9[%dma_start3A_573] : memref<32768xf32, #tpu.memory_space<vmem>> -> memref<512xf32, #tpu.memory_space<vmem>>
    %dma_start3A_575 = tpu.memref_slice %arg2[%select_n3A, %dma_start3A_572, %mul3A_32] : memref<16x64x1024xf32, #tpu.memory_space<hbm>> -> memref<1x1x512xf32, #tpu.memory_space<hbm>>
    %dma_start3A_576 = tpu.memref_squeeze %dma_start3A_575 : memref<1x1x512xf32, #tpu.memory_space<hbm>> -> memref<512xf32, #tpu.memory_space<hbm>>
    %dma_start3A_577 = arith.constant 30720 : i32
    %dma_start3A_578 = tpu.memref_slice %arg9[%dma_start3A_577] : memref<32768xf32, #tpu.memory_space<vmem>> -> memref<512xf32, #tpu.memory_space<vmem>>
    %dma_start3A_579 = tpu.memref_slice %arg2[%select_n3A, %dma_start3A_572, %mul3A_32] : memref<16x64x1024xf32, #tpu.memory_space<hbm>> -> memref<1x1x512xf32, #tpu.memory_space<hbm>>
    %dma_start3A_580 = tpu.memref_squeeze %dma_start3A_579 : memref<1x1x512xf32, #tpu.memory_space<hbm>> -> memref<512xf32, #tpu.memory_space<hbm>>
    tpu.enqueue_dma source(%dma_start3A_580 : memref<512xf32, #tpu.memory_space<hbm>>) target(%dma_start3A_578 : memref<512xf32, #tpu.memory_space<vmem>>) target_semaphore(%arg12 : memref<!tpu.dma_semaphore, #tpu.memory_space<semaphore_mem>>)
    %dma_start3A_581 = arith.constant 61 : i32
    %dma_start3A_582 = arith.constant 31232 : i32
    %dma_start3A_583 = tpu.memref_slice %arg9[%dma_start3A_582] : memref<32768xf32, #tpu.memory_space<vmem>> -> memref<512xf32, #tpu.memory_space<vmem>>
    %dma_start3A_584 = tpu.memref_slice %arg2[%select_n3A, %dma_start3A_581, %mul3A_32] : memref<16x64x1024xf32, #tpu.memory_space<hbm>> -> memref<1x1x512xf32, #tpu.memory_space<hbm>>
    %dma_start3A_585 = tpu.memref_squeeze %dma_start3A_584 : memref<1x1x512xf32, #tpu.memory_space<hbm>> -> memref<512xf32, #tpu.memory_space<hbm>>
    %dma_start3A_586 = arith.constant 31232 : i32
    %dma_start3A_587 = tpu.memref_slice %arg9[%dma_start3A_586] : memref<32768xf32, #tpu.memory_space<vmem>> -> memref<512xf32, #tpu.memory_space<vmem>>
    %dma_start3A_588 = tpu.memref_slice %arg2[%select_n3A, %dma_start3A_581, %mul3A_32] : memref<16x64x1024xf32, #tpu.memory_space<hbm>> -> memref<1x1x512xf32, #tpu.memory_space<hbm>>
    %dma_start3A_589 = tpu.memref_squeeze %dma_start3A_588 : memref<1x1x512xf32, #tpu.memory_space<hbm>> -> memref<512xf32, #tpu.memory_space<hbm>>
    tpu.enqueue_dma source(%dma_start3A_589 : memref<512xf32, #tpu.memory_space<hbm>>) target(%dma_start3A_587 : memref<512xf32, #tpu.memory_space<vmem>>) target_semaphore(%arg12 : memref<!tpu.dma_semaphore, #tpu.memory_space<semaphore_mem>>)
    %dma_start3A_590 = arith.constant 62 : i32
    %dma_start3A_591 = arith.constant 31744 : i32
    %dma_start3A_592 = tpu.memref_slice %arg9[%dma_start3A_591] : memref<32768xf32, #tpu.memory_space<vmem>> -> memref<512xf32, #tpu.memory_space<vmem>>
    %dma_start3A_593 = tpu.memref_slice %arg2[%select_n3A, %dma_start3A_590, %mul3A_32] : memref<16x64x1024xf32, #tpu.memory_space<hbm>> -> memref<1x1x512xf32, #tpu.memory_space<hbm>>
    %dma_start3A_594 = tpu.memref_squeeze %dma_start3A_593 : memref<1x1x512xf32, #tpu.memory_space<hbm>> -> memref<512xf32, #tpu.memory_space<hbm>>
    %dma_start3A_595 = arith.constant 31744 : i32
    %dma_start3A_596 = tpu.memref_slice %arg9[%dma_start3A_595] : memref<32768xf32, #tpu.memory_space<vmem>> -> memref<512xf32, #tpu.memory_space<vmem>>
    %dma_start3A_597 = tpu.memref_slice %arg2[%select_n3A, %dma_start3A_590, %mul3A_32] : memref<16x64x1024xf32, #tpu.memory_space<hbm>> -> memref<1x1x512xf32, #tpu.memory_space<hbm>>
    %dma_start3A_598 = tpu.memref_squeeze %dma_start3A_597 : memref<1x1x512xf32, #tpu.memory_space<hbm>> -> memref<512xf32, #tpu.memory_space<hbm>>
    tpu.enqueue_dma source(%dma_start3A_598 : memref<512xf32, #tpu.memory_space<hbm>>) target(%dma_start3A_596 : memref<512xf32, #tpu.memory_space<vmem>>) target_semaphore(%arg12 : memref<!tpu.dma_semaphore, #tpu.memory_space<semaphore_mem>>)
    %dma_start3A_599 = arith.constant 63 : i32
    %dma_start3A_600 = arith.constant 32256 : i32
    %dma_start3A_601 = tpu.memref_slice %arg9[%dma_start3A_600] : memref<32768xf32, #tpu.memory_space<vmem>> -> memref<512xf32, #tpu.memory_space<vmem>>
    %dma_start3A_602 = tpu.memref_slice %arg2[%select_n3A, %dma_start3A_599, %mul3A_32] : memref<16x64x1024xf32, #tpu.memory_space<hbm>> -> memref<1x1x512xf32, #tpu.memory_space<hbm>>
    %dma_start3A_603 = tpu.memref_squeeze %dma_start3A_602 : memref<1x1x512xf32, #tpu.memory_space<hbm>> -> memref<512xf32, #tpu.memory_space<hbm>>
    %dma_start3A_604 = arith.constant 32256 : i32
    %dma_start3A_605 = tpu.memref_slice %arg9[%dma_start3A_604] : memref<32768xf32, #tpu.memory_space<vmem>> -> memref<512xf32, #tpu.memory_space<vmem>>
    %dma_start3A_606 = tpu.memref_slice %arg2[%select_n3A, %dma_start3A_599, %mul3A_32] : memref<16x64x1024xf32, #tpu.memory_space<hbm>> -> memref<1x1x512xf32, #tpu.memory_space<hbm>>
    %dma_start3A_607 = tpu.memref_squeeze %dma_start3A_606 : memref<1x1x512xf32, #tpu.memory_space<hbm>> -> memref<512xf32, #tpu.memory_space<hbm>>
    tpu.enqueue_dma source(%dma_start3A_607 : memref<512xf32, #tpu.memory_space<hbm>>) target(%dma_start3A_605 : memref<512xf32, #tpu.memory_space<vmem>>) target_semaphore(%arg12 : memref<!tpu.dma_semaphore, #tpu.memory_space<semaphore_mem>>)
    %dma_wait3A = arith.constant 0 : i32
    %dma_wait3A_608 = arith.constant 0 : i32
    %dma_wait3A_609 = tpu.memref_slice %arg9[%dma_wait3A_608] : memref<32768xf32, #tpu.memory_space<vmem>> -> memref<512xf32, #tpu.memory_space<vmem>>
    %dma_wait3A_610 = tpu.memref_slice %arg2[%select_n3A, %dma_wait3A, %mul3A_32] : memref<16x64x1024xf32, #tpu.memory_space<hbm>> -> memref<1x1x512xf32, #tpu.memory_space<hbm>>
    %dma_wait3A_611 = tpu.memref_squeeze %dma_wait3A_610 : memref<1x1x512xf32, #tpu.memory_space<hbm>> -> memref<512xf32, #tpu.memory_space<hbm>>
    %dma_wait3A_612 = arith.constant 0 : i32
    %dma_wait3A_613 = tpu.memref_slice %arg9[%dma_wait3A_612] : memref<32768xf32, #tpu.memory_space<vmem>> -> memref<512xf32, #tpu.memory_space<vmem>>
    %dma_wait3A_614 = tpu.memref_slice %arg2[%select_n3A, %dma_wait3A, %mul3A_32] : memref<16x64x1024xf32, #tpu.memory_space<hbm>> -> memref<1x1x512xf32, #tpu.memory_space<hbm>>
    %dma_wait3A_615 = tpu.memref_squeeze %dma_wait3A_614 : memref<1x1x512xf32, #tpu.memory_space<hbm>> -> memref<512xf32, #tpu.memory_space<hbm>>
    tpu.wait_dma2 semaphore(%arg12 : memref<!tpu.dma_semaphore, #tpu.memory_space<semaphore_mem>>) src(%dma_wait3A_615 : memref<512xf32, #tpu.memory_space<hbm>>) dst(%dma_wait3A_613 : memref<512xf32, #tpu.memory_space<vmem>>)
    %dma_wait3A_616 = arith.constant 1 : i32
    %dma_wait3A_617 = arith.constant 512 : i32
    %dma_wait3A_618 = tpu.memref_slice %arg9[%dma_wait3A_617] : memref<32768xf32, #tpu.memory_space<vmem>> -> memref<512xf32, #tpu.memory_space<vmem>>
    %dma_wait3A_619 = tpu.memref_slice %arg2[%select_n3A, %dma_wait3A_616, %mul3A_32] : memref<16x64x1024xf32, #tpu.memory_space<hbm>> -> memref<1x1x512xf32, #tpu.memory_space<hbm>>
    %dma_wait3A_620 = tpu.memref_squeeze %dma_wait3A_619 : memref<1x1x512xf32, #tpu.memory_space<hbm>> -> memref<512xf32, #tpu.memory_space<hbm>>
    %dma_wait3A_621 = arith.constant 512 : i32
    %dma_wait3A_622 = tpu.memref_slice %arg9[%dma_wait3A_621] : memref<32768xf32, #tpu.memory_space<vmem>> -> memref<512xf32, #tpu.memory_space<vmem>>
    %dma_wait3A_623 = tpu.memref_slice %arg2[%select_n3A, %dma_wait3A_616, %mul3A_32] : memref<16x64x1024xf32, #tpu.memory_space<hbm>> -> memref<1x1x512xf32, #tpu.memory_space<hbm>>
    %dma_wait3A_624 = tpu.memref_squeeze %dma_wait3A_623 : memref<1x1x512xf32, #tpu.memory_space<hbm>> -> memref<512xf32, #tpu.memory_space<hbm>>
    tpu.wait_dma2 semaphore(%arg12 : memref<!tpu.dma_semaphore, #tpu.memory_space<semaphore_mem>>) src(%dma_wait3A_624 : memref<512xf32, #tpu.memory_space<hbm>>) dst(%dma_wait3A_622 : memref<512xf32, #tpu.memory_space<vmem>>)
    %dma_wait3A_625 = arith.constant 2 : i32
    %dma_wait3A_626 = arith.constant 1024 : i32
    %dma_wait3A_627 = tpu.memref_slice %arg9[%dma_wait3A_626] : memref<32768xf32, #tpu.memory_space<vmem>> -> memref<512xf32, #tpu.memory_space<vmem>>
    %dma_wait3A_628 = tpu.memref_slice %arg2[%select_n3A, %dma_wait3A_625, %mul3A_32] : memref<16x64x1024xf32, #tpu.memory_space<hbm>> -> memref<1x1x512xf32, #tpu.memory_space<hbm>>
    %dma_wait3A_629 = tpu.memref_squeeze %dma_wait3A_628 : memref<1x1x512xf32, #tpu.memory_space<hbm>> -> memref<512xf32, #tpu.memory_space<hbm>>
    %dma_wait3A_630 = arith.constant 1024 : i32
    %dma_wait3A_631 = tpu.memref_slice %arg9[%dma_wait3A_630] : memref<32768xf32, #tpu.memory_space<vmem>> -> memref<512xf32, #tpu.memory_space<vmem>>
    %dma_wait3A_632 = tpu.memref_slice %arg2[%select_n3A, %dma_wait3A_625, %mul3A_32] : memref<16x64x1024xf32, #tpu.memory_space<hbm>> -> memref<1x1x512xf32, #tpu.memory_space<hbm>>
    %dma_wait3A_633 = tpu.memref_squeeze %dma_wait3A_632 : memref<1x1x512xf32, #tpu.memory_space<hbm>> -> memref<512xf32, #tpu.memory_space<hbm>>
    tpu.wait_dma2 semaphore(%arg12 : memref<!tpu.dma_semaphore, #tpu.memory_space<semaphore_mem>>) src(%dma_wait3A_633 : memref<512xf32, #tpu.memory_space<hbm>>) dst(%dma_wait3A_631 : memref<512xf32, #tpu.memory_space<vmem>>)
    %dma_wait3A_634 = arith.constant 3 : i32
    %dma_wait3A_635 = arith.constant 1536 : i32
    %dma_wait3A_636 = tpu.memref_slice %arg9[%dma_wait3A_635] : memref<32768xf32, #tpu.memory_space<vmem>> -> memref<512xf32, #tpu.memory_space<vmem>>
    %dma_wait3A_637 = tpu.memref_slice %arg2[%select_n3A, %dma_wait3A_634, %mul3A_32] : memref<16x64x1024xf32, #tpu.memory_space<hbm>> -> memref<1x1x512xf32, #tpu.memory_space<hbm>>
    %dma_wait3A_638 = tpu.memref_squeeze %dma_wait3A_637 : memref<1x1x512xf32, #tpu.memory_space<hbm>> -> memref<512xf32, #tpu.memory_space<hbm>>
    %dma_wait3A_639 = arith.constant 1536 : i32
    %dma_wait3A_640 = tpu.memref_slice %arg9[%dma_wait3A_639] : memref<32768xf32, #tpu.memory_space<vmem>> -> memref<512xf32, #tpu.memory_space<vmem>>
    %dma_wait3A_641 = tpu.memref_slice %arg2[%select_n3A, %dma_wait3A_634, %mul3A_32] : memref<16x64x1024xf32, #tpu.memory_space<hbm>> -> memref<1x1x512xf32, #tpu.memory_space<hbm>>
    %dma_wait3A_642 = tpu.memref_squeeze %dma_wait3A_641 : memref<1x1x512xf32, #tpu.memory_space<hbm>> -> memref<512xf32, #tpu.memory_space<hbm>>
    tpu.wait_dma2 semaphore(%arg12 : memref<!tpu.dma_semaphore, #tpu.memory_space<semaphore_mem>>) src(%dma_wait3A_642 : memref<512xf32, #tpu.memory_space<hbm>>) dst(%dma_wait3A_640 : memref<512xf32, #tpu.memory_space<vmem>>)
    %dma_wait3A_643 = arith.constant 4 : i32
    %dma_wait3A_644 = arith.constant 2048 : i32
    %dma_wait3A_645 = tpu.memref_slice %arg9[%dma_wait3A_644] : memref<32768xf32, #tpu.memory_space<vmem>> -> memref<512xf32, #tpu.memory_space<vmem>>
    %dma_wait3A_646 = tpu.memref_slice %arg2[%select_n3A, %dma_wait3A_643, %mul3A_32] : memref<16x64x1024xf32, #tpu.memory_space<hbm>> -> memref<1x1x512xf32, #tpu.memory_space<hbm>>
    %dma_wait3A_647 = tpu.memref_squeeze %dma_wait3A_646 : memref<1x1x512xf32, #tpu.memory_space<hbm>> -> memref<512xf32, #tpu.memory_space<hbm>>
    %dma_wait3A_648 = arith.constant 2048 : i32
    %dma_wait3A_649 = tpu.memref_slice %arg9[%dma_wait3A_648] : memref<32768xf32, #tpu.memory_space<vmem>> -> memref<512xf32, #tpu.memory_space<vmem>>
    %dma_wait3A_650 = tpu.memref_slice %arg2[%select_n3A, %dma_wait3A_643, %mul3A_32] : memref<16x64x1024xf32, #tpu.memory_space<hbm>> -> memref<1x1x512xf32, #tpu.memory_space<hbm>>
    %dma_wait3A_651 = tpu.memref_squeeze %dma_wait3A_650 : memref<1x1x512xf32, #tpu.memory_space<hbm>> -> memref<512xf32, #tpu.memory_space<hbm>>
    tpu.wait_dma2 semaphore(%arg12 : memref<!tpu.dma_semaphore, #tpu.memory_space<semaphore_mem>>) src(%dma_wait3A_651 : memref<512xf32, #tpu.memory_space<hbm>>) dst(%dma_wait3A_649 : memref<512xf32, #tpu.memory_space<vmem>>)
    %dma_wait3A_652 = arith.constant 5 : i32
    %dma_wait3A_653 = arith.constant 2560 : i32
    %dma_wait3A_654 = tpu.memref_slice %arg9[%dma_wait3A_653] : memref<32768xf32, #tpu.memory_space<vmem>> -> memref<512xf32, #tpu.memory_space<vmem>>
    %dma_wait3A_655 = tpu.memref_slice %arg2[%select_n3A, %dma_wait3A_652, %mul3A_32] : memref<16x64x1024xf32, #tpu.memory_space<hbm>> -> memref<1x1x512xf32, #tpu.memory_space<hbm>>
    %dma_wait3A_656 = tpu.memref_squeeze %dma_wait3A_655 : memref<1x1x512xf32, #tpu.memory_space<hbm>> -> memref<512xf32, #tpu.memory_space<hbm>>
    %dma_wait3A_657 = arith.constant 2560 : i32
    %dma_wait3A_658 = tpu.memref_slice %arg9[%dma_wait3A_657] : memref<32768xf32, #tpu.memory_space<vmem>> -> memref<512xf32, #tpu.memory_space<vmem>>
    %dma_wait3A_659 = tpu.memref_slice %arg2[%select_n3A, %dma_wait3A_652, %mul3A_32] : memref<16x64x1024xf32, #tpu.memory_space<hbm>> -> memref<1x1x512xf32, #tpu.memory_space<hbm>>
    %dma_wait3A_660 = tpu.memref_squeeze %dma_wait3A_659 : memref<1x1x512xf32, #tpu.memory_space<hbm>> -> memref<512xf32, #tpu.memory_space<hbm>>
    tpu.wait_dma2 semaphore(%arg12 : memref<!tpu.dma_semaphore, #tpu.memory_space<semaphore_mem>>) src(%dma_wait3A_660 : memref<512xf32, #tpu.memory_space<hbm>>) dst(%dma_wait3A_658 : memref<512xf32, #tpu.memory_space<vmem>>)
    %dma_wait3A_661 = arith.constant 6 : i32
    %dma_wait3A_662 = arith.constant 3072 : i32
    %dma_wait3A_663 = tpu.memref_slice %arg9[%dma_wait3A_662] : memref<32768xf32, #tpu.memory_space<vmem>> -> memref<512xf32, #tpu.memory_space<vmem>>
    %dma_wait3A_664 = tpu.memref_slice %arg2[%select_n3A, %dma_wait3A_661, %mul3A_32] : memref<16x64x1024xf32, #tpu.memory_space<hbm>> -> memref<1x1x512xf32, #tpu.memory_space<hbm>>
    %dma_wait3A_665 = tpu.memref_squeeze %dma_wait3A_664 : memref<1x1x512xf32, #tpu.memory_space<hbm>> -> memref<512xf32, #tpu.memory_space<hbm>>
    %dma_wait3A_666 = arith.constant 3072 : i32
    %dma_wait3A_667 = tpu.memref_slice %arg9[%dma_wait3A_666] : memref<32768xf32, #tpu.memory_space<vmem>> -> memref<512xf32, #tpu.memory_space<vmem>>
    %dma_wait3A_668 = tpu.memref_slice %arg2[%select_n3A, %dma_wait3A_661, %mul3A_32] : memref<16x64x1024xf32, #tpu.memory_space<hbm>> -> memref<1x1x512xf32, #tpu.memory_space<hbm>>
    %dma_wait3A_669 = tpu.memref_squeeze %dma_wait3A_668 : memref<1x1x512xf32, #tpu.memory_space<hbm>> -> memref<512xf32, #tpu.memory_space<hbm>>
    tpu.wait_dma2 semaphore(%arg12 : memref<!tpu.dma_semaphore, #tpu.memory_space<semaphore_mem>>) src(%dma_wait3A_669 : memref<512xf32, #tpu.memory_space<hbm>>) dst(%dma_wait3A_667 : memref<512xf32, #tpu.memory_space<vmem>>)
    %dma_wait3A_670 = arith.constant 7 : i32
    %dma_wait3A_671 = arith.constant 3584 : i32
    %dma_wait3A_672 = tpu.memref_slice %arg9[%dma_wait3A_671] : memref<32768xf32, #tpu.memory_space<vmem>> -> memref<512xf32, #tpu.memory_space<vmem>>
    %dma_wait3A_673 = tpu.memref_slice %arg2[%select_n3A, %dma_wait3A_670, %mul3A_32] : memref<16x64x1024xf32, #tpu.memory_space<hbm>> -> memref<1x1x512xf32, #tpu.memory_space<hbm>>
    %dma_wait3A_674 = tpu.memref_squeeze %dma_wait3A_673 : memref<1x1x512xf32, #tpu.memory_space<hbm>> -> memref<512xf32, #tpu.memory_space<hbm>>
    %dma_wait3A_675 = arith.constant 3584 : i32
    %dma_wait3A_676 = tpu.memref_slice %arg9[%dma_wait3A_675] : memref<32768xf32, #tpu.memory_space<vmem>> -> memref<512xf32, #tpu.memory_space<vmem>>
    %dma_wait3A_677 = tpu.memref_slice %arg2[%select_n3A, %dma_wait3A_670, %mul3A_32] : memref<16x64x1024xf32, #tpu.memory_space<hbm>> -> memref<1x1x512xf32, #tpu.memory_space<hbm>>
    %dma_wait3A_678 = tpu.memref_squeeze %dma_wait3A_677 : memref<1x1x512xf32, #tpu.memory_space<hbm>> -> memref<512xf32, #tpu.memory_space<hbm>>
    tpu.wait_dma2 semaphore(%arg12 : memref<!tpu.dma_semaphore, #tpu.memory_space<semaphore_mem>>) src(%dma_wait3A_678 : memref<512xf32, #tpu.memory_space<hbm>>) dst(%dma_wait3A_676 : memref<512xf32, #tpu.memory_space<vmem>>)
    %dma_wait3A_679 = arith.constant 8 : i32
    %dma_wait3A_680 = arith.constant 4096 : i32
    %dma_wait3A_681 = tpu.memref_slice %arg9[%dma_wait3A_680] : memref<32768xf32, #tpu.memory_space<vmem>> -> memref<512xf32, #tpu.memory_space<vmem>>
    %dma_wait3A_682 = tpu.memref_slice %arg2[%select_n3A, %dma_wait3A_679, %mul3A_32] : memref<16x64x1024xf32, #tpu.memory_space<hbm>> -> memref<1x1x512xf32, #tpu.memory_space<hbm>>
    %dma_wait3A_683 = tpu.memref_squeeze %dma_wait3A_682 : memref<1x1x512xf32, #tpu.memory_space<hbm>> -> memref<512xf32, #tpu.memory_space<hbm>>
    %dma_wait3A_684 = arith.constant 4096 : i32
    %dma_wait3A_685 = tpu.memref_slice %arg9[%dma_wait3A_684] : memref<32768xf32, #tpu.memory_space<vmem>> -> memref<512xf32, #tpu.memory_space<vmem>>
    %dma_wait3A_686 = tpu.memref_slice %arg2[%select_n3A, %dma_wait3A_679, %mul3A_32] : memref<16x64x1024xf32, #tpu.memory_space<hbm>> -> memref<1x1x512xf32, #tpu.memory_space<hbm>>
    %dma_wait3A_687 = tpu.memref_squeeze %dma_wait3A_686 : memref<1x1x512xf32, #tpu.memory_space<hbm>> -> memref<512xf32, #tpu.memory_space<hbm>>
    tpu.wait_dma2 semaphore(%arg12 : memref<!tpu.dma_semaphore, #tpu.memory_space<semaphore_mem>>) src(%dma_wait3A_687 : memref<512xf32, #tpu.memory_space<hbm>>) dst(%dma_wait3A_685 : memref<512xf32, #tpu.memory_space<vmem>>)
    %dma_wait3A_688 = arith.constant 9 : i32
    %dma_wait3A_689 = arith.constant 4608 : i32
    %dma_wait3A_690 = tpu.memref_slice %arg9[%dma_wait3A_689] : memref<32768xf32, #tpu.memory_space<vmem>> -> memref<512xf32, #tpu.memory_space<vmem>>
    %dma_wait3A_691 = tpu.memref_slice %arg2[%select_n3A, %dma_wait3A_688, %mul3A_32] : memref<16x64x1024xf32, #tpu.memory_space<hbm>> -> memref<1x1x512xf32, #tpu.memory_space<hbm>>
    %dma_wait3A_692 = tpu.memref_squeeze %dma_wait3A_691 : memref<1x1x512xf32, #tpu.memory_space<hbm>> -> memref<512xf32, #tpu.memory_space<hbm>>
    %dma_wait3A_693 = arith.constant 4608 : i32
    %dma_wait3A_694 = tpu.memref_slice %arg9[%dma_wait3A_693] : memref<32768xf32, #tpu.memory_space<vmem>> -> memref<512xf32, #tpu.memory_space<vmem>>
    %dma_wait3A_695 = tpu.memref_slice %arg2[%select_n3A, %dma_wait3A_688, %mul3A_32] : memref<16x64x1024xf32, #tpu.memory_space<hbm>> -> memref<1x1x512xf32, #tpu.memory_space<hbm>>
    %dma_wait3A_696 = tpu.memref_squeeze %dma_wait3A_695 : memref<1x1x512xf32, #tpu.memory_space<hbm>> -> memref<512xf32, #tpu.memory_space<hbm>>
    tpu.wait_dma2 semaphore(%arg12 : memref<!tpu.dma_semaphore, #tpu.memory_space<semaphore_mem>>) src(%dma_wait3A_696 : memref<512xf32, #tpu.memory_space<hbm>>) dst(%dma_wait3A_694 : memref<512xf32, #tpu.memory_space<vmem>>)
    %dma_wait3A_697 = arith.constant 10 : i32
    %dma_wait3A_698 = arith.constant 5120 : i32
    %dma_wait3A_699 = tpu.memref_slice %arg9[%dma_wait3A_698] : memref<32768xf32, #tpu.memory_space<vmem>> -> memref<512xf32, #tpu.memory_space<vmem>>
    %dma_wait3A_700 = tpu.memref_slice %arg2[%select_n3A, %dma_wait3A_697, %mul3A_32] : memref<16x64x1024xf32, #tpu.memory_space<hbm>> -> memref<1x1x512xf32, #tpu.memory_space<hbm>>
    %dma_wait3A_701 = tpu.memref_squeeze %dma_wait3A_700 : memref<1x1x512xf32, #tpu.memory_space<hbm>> -> memref<512xf32, #tpu.memory_space<hbm>>
    %dma_wait3A_702 = arith.constant 5120 : i32
    %dma_wait3A_703 = tpu.memref_slice %arg9[%dma_wait3A_702] : memref<32768xf32, #tpu.memory_space<vmem>> -> memref<512xf32, #tpu.memory_space<vmem>>
    %dma_wait3A_704 = tpu.memref_slice %arg2[%select_n3A, %dma_wait3A_697, %mul3A_32] : memref<16x64x1024xf32, #tpu.memory_space<hbm>> -> memref<1x1x512xf32, #tpu.memory_space<hbm>>
    %dma_wait3A_705 = tpu.memref_squeeze %dma_wait3A_704 : memref<1x1x512xf32, #tpu.memory_space<hbm>> -> memref<512xf32, #tpu.memory_space<hbm>>
    tpu.wait_dma2 semaphore(%arg12 : memref<!tpu.dma_semaphore, #tpu.memory_space<semaphore_mem>>) src(%dma_wait3A_705 : memref<512xf32, #tpu.memory_space<hbm>>) dst(%dma_wait3A_703 : memref<512xf32, #tpu.memory_space<vmem>>)
    %dma_wait3A_706 = arith.constant 11 : i32
    %dma_wait3A_707 = arith.constant 5632 : i32
    %dma_wait3A_708 = tpu.memref_slice %arg9[%dma_wait3A_707] : memref<32768xf32, #tpu.memory_space<vmem>> -> memref<512xf32, #tpu.memory_space<vmem>>
    %dma_wait3A_709 = tpu.memref_slice %arg2[%select_n3A, %dma_wait3A_706, %mul3A_32] : memref<16x64x1024xf32, #tpu.memory_space<hbm>> -> memref<1x1x512xf32, #tpu.memory_space<hbm>>
    %dma_wait3A_710 = tpu.memref_squeeze %dma_wait3A_709 : memref<1x1x512xf32, #tpu.memory_space<hbm>> -> memref<512xf32, #tpu.memory_space<hbm>>
    %dma_wait3A_711 = arith.constant 5632 : i32
    %dma_wait3A_712 = tpu.memref_slice %arg9[%dma_wait3A_711] : memref<32768xf32, #tpu.memory_space<vmem>> -> memref<512xf32, #tpu.memory_space<vmem>>
    %dma_wait3A_713 = tpu.memref_slice %arg2[%select_n3A, %dma_wait3A_706, %mul3A_32] : memref<16x64x1024xf32, #tpu.memory_space<hbm>> -> memref<1x1x512xf32, #tpu.memory_space<hbm>>
    %dma_wait3A_714 = tpu.memref_squeeze %dma_wait3A_713 : memref<1x1x512xf32, #tpu.memory_space<hbm>> -> memref<512xf32, #tpu.memory_space<hbm>>
    tpu.wait_dma2 semaphore(%arg12 : memref<!tpu.dma_semaphore, #tpu.memory_space<semaphore_mem>>) src(%dma_wait3A_714 : memref<512xf32, #tpu.memory_space<hbm>>) dst(%dma_wait3A_712 : memref<512xf32, #tpu.memory_space<vmem>>)
    %dma_wait3A_715 = arith.constant 12 : i32
    %dma_wait3A_716 = arith.constant 6144 : i32
    %dma_wait3A_717 = tpu.memref_slice %arg9[%dma_wait3A_716] : memref<32768xf32, #tpu.memory_space<vmem>> -> memref<512xf32, #tpu.memory_space<vmem>>
    %dma_wait3A_718 = tpu.memref_slice %arg2[%select_n3A, %dma_wait3A_715, %mul3A_32] : memref<16x64x1024xf32, #tpu.memory_space<hbm>> -> memref<1x1x512xf32, #tpu.memory_space<hbm>>
    %dma_wait3A_719 = tpu.memref_squeeze %dma_wait3A_718 : memref<1x1x512xf32, #tpu.memory_space<hbm>> -> memref<512xf32, #tpu.memory_space<hbm>>
    %dma_wait3A_720 = arith.constant 6144 : i32
    %dma_wait3A_721 = tpu.memref_slice %arg9[%dma_wait3A_720] : memref<32768xf32, #tpu.memory_space<vmem>> -> memref<512xf32, #tpu.memory_space<vmem>>
    %dma_wait3A_722 = tpu.memref_slice %arg2[%select_n3A, %dma_wait3A_715, %mul3A_32] : memref<16x64x1024xf32, #tpu.memory_space<hbm>> -> memref<1x1x512xf32, #tpu.memory_space<hbm>>
    %dma_wait3A_723 = tpu.memref_squeeze %dma_wait3A_722 : memref<1x1x512xf32, #tpu.memory_space<hbm>> -> memref<512xf32, #tpu.memory_space<hbm>>
    tpu.wait_dma2 semaphore(%arg12 : memref<!tpu.dma_semaphore, #tpu.memory_space<semaphore_mem>>) src(%dma_wait3A_723 : memref<512xf32, #tpu.memory_space<hbm>>) dst(%dma_wait3A_721 : memref<512xf32, #tpu.memory_space<vmem>>)
    %dma_wait3A_724 = arith.constant 13 : i32
    %dma_wait3A_725 = arith.constant 6656 : i32
    %dma_wait3A_726 = tpu.memref_slice %arg9[%dma_wait3A_725] : memref<32768xf32, #tpu.memory_space<vmem>> -> memref<512xf32, #tpu.memory_space<vmem>>
    %dma_wait3A_727 = tpu.memref_slice %arg2[%select_n3A, %dma_wait3A_724, %mul3A_32] : memref<16x64x1024xf32, #tpu.memory_space<hbm>> -> memref<1x1x512xf32, #tpu.memory_space<hbm>>
    %dma_wait3A_728 = tpu.memref_squeeze %dma_wait3A_727 : memref<1x1x512xf32, #tpu.memory_space<hbm>> -> memref<512xf32, #tpu.memory_space<hbm>>
    %dma_wait3A_729 = arith.constant 6656 : i32
    %dma_wait3A_730 = tpu.memref_slice %arg9[%dma_wait3A_729] : memref<32768xf32, #tpu.memory_space<vmem>> -> memref<512xf32, #tpu.memory_space<vmem>>
    %dma_wait3A_731 = tpu.memref_slice %arg2[%select_n3A, %dma_wait3A_724, %mul3A_32] : memref<16x64x1024xf32, #tpu.memory_space<hbm>> -> memref<1x1x512xf32, #tpu.memory_space<hbm>>
    %dma_wait3A_732 = tpu.memref_squeeze %dma_wait3A_731 : memref<1x1x512xf32, #tpu.memory_space<hbm>> -> memref<512xf32, #tpu.memory_space<hbm>>
    tpu.wait_dma2 semaphore(%arg12 : memref<!tpu.dma_semaphore, #tpu.memory_space<semaphore_mem>>) src(%dma_wait3A_732 : memref<512xf32, #tpu.memory_space<hbm>>) dst(%dma_wait3A_730 : memref<512xf32, #tpu.memory_space<vmem>>)
    %dma_wait3A_733 = arith.constant 14 : i32
    %dma_wait3A_734 = arith.constant 7168 : i32
    %dma_wait3A_735 = tpu.memref_slice %arg9[%dma_wait3A_734] : memref<32768xf32, #tpu.memory_space<vmem>> -> memref<512xf32, #tpu.memory_space<vmem>>
    %dma_wait3A_736 = tpu.memref_slice %arg2[%select_n3A, %dma_wait3A_733, %mul3A_32] : memref<16x64x1024xf32, #tpu.memory_space<hbm>> -> memref<1x1x512xf32, #tpu.memory_space<hbm>>
    %dma_wait3A_737 = tpu.memref_squeeze %dma_wait3A_736 : memref<1x1x512xf32, #tpu.memory_space<hbm>> -> memref<512xf32, #tpu.memory_space<hbm>>
    %dma_wait3A_738 = arith.constant 7168 : i32
    %dma_wait3A_739 = tpu.memref_slice %arg9[%dma_wait3A_738] : memref<32768xf32, #tpu.memory_space<vmem>> -> memref<512xf32, #tpu.memory_space<vmem>>
    %dma_wait3A_740 = tpu.memref_slice %arg2[%select_n3A, %dma_wait3A_733, %mul3A_32] : memref<16x64x1024xf32, #tpu.memory_space<hbm>> -> memref<1x1x512xf32, #tpu.memory_space<hbm>>
    %dma_wait3A_741 = tpu.memref_squeeze %dma_wait3A_740 : memref<1x1x512xf32, #tpu.memory_space<hbm>> -> memref<512xf32, #tpu.memory_space<hbm>>
    tpu.wait_dma2 semaphore(%arg12 : memref<!tpu.dma_semaphore, #tpu.memory_space<semaphore_mem>>) src(%dma_wait3A_741 : memref<512xf32, #tpu.memory_space<hbm>>) dst(%dma_wait3A_739 : memref<512xf32, #tpu.memory_space<vmem>>)
    %dma_wait3A_742 = arith.constant 15 : i32
    %dma_wait3A_743 = arith.constant 7680 : i32
    %dma_wait3A_744 = tpu.memref_slice %arg9[%dma_wait3A_743] : memref<32768xf32, #tpu.memory_space<vmem>> -> memref<512xf32, #tpu.memory_space<vmem>>
    %dma_wait3A_745 = tpu.memref_slice %arg2[%select_n3A, %dma_wait3A_742, %mul3A_32] : memref<16x64x1024xf32, #tpu.memory_space<hbm>> -> memref<1x1x512xf32, #tpu.memory_space<hbm>>
    %dma_wait3A_746 = tpu.memref_squeeze %dma_wait3A_745 : memref<1x1x512xf32, #tpu.memory_space<hbm>> -> memref<512xf32, #tpu.memory_space<hbm>>
    %dma_wait3A_747 = arith.constant 7680 : i32
    %dma_wait3A_748 = tpu.memref_slice %arg9[%dma_wait3A_747] : memref<32768xf32, #tpu.memory_space<vmem>> -> memref<512xf32, #tpu.memory_space<vmem>>
    %dma_wait3A_749 = tpu.memref_slice %arg2[%select_n3A, %dma_wait3A_742, %mul3A_32] : memref<16x64x1024xf32, #tpu.memory_space<hbm>> -> memref<1x1x512xf32, #tpu.memory_space<hbm>>
    %dma_wait3A_750 = tpu.memref_squeeze %dma_wait3A_749 : memref<1x1x512xf32, #tpu.memory_space<hbm>> -> memref<512xf32, #tpu.memory_space<hbm>>
    tpu.wait_dma2 semaphore(%arg12 : memref<!tpu.dma_semaphore, #tpu.memory_space<semaphore_mem>>) src(%dma_wait3A_750 : memref<512xf32, #tpu.memory_space<hbm>>) dst(%dma_wait3A_748 : memref<512xf32, #tpu.memory_space<vmem>>)
    %dma_wait3A_751 = arith.constant 16 : i32
    %dma_wait3A_752 = arith.constant 8192 : i32
    %dma_wait3A_753 = tpu.memref_slice %arg9[%dma_wait3A_752] : memref<32768xf32, #tpu.memory_space<vmem>> -> memref<512xf32, #tpu.memory_space<vmem>>
    %dma_wait3A_754 = tpu.memref_slice %arg2[%select_n3A, %dma_wait3A_751, %mul3A_32] : memref<16x64x1024xf32, #tpu.memory_space<hbm>> -> memref<1x1x512xf32, #tpu.memory_space<hbm>>
    %dma_wait3A_755 = tpu.memref_squeeze %dma_wait3A_754 : memref<1x1x512xf32, #tpu.memory_space<hbm>> -> memref<512xf32, #tpu.memory_space<hbm>>
    %dma_wait3A_756 = arith.constant 8192 : i32
    %dma_wait3A_757 = tpu.memref_slice %arg9[%dma_wait3A_756] : memref<32768xf32, #tpu.memory_space<vmem>> -> memref<512xf32, #tpu.memory_space<vmem>>
    %dma_wait3A_758 = tpu.memref_slice %arg2[%select_n3A, %dma_wait3A_751, %mul3A_32] : memref<16x64x1024xf32, #tpu.memory_space<hbm>> -> memref<1x1x512xf32, #tpu.memory_space<hbm>>
    %dma_wait3A_759 = tpu.memref_squeeze %dma_wait3A_758 : memref<1x1x512xf32, #tpu.memory_space<hbm>> -> memref<512xf32, #tpu.memory_space<hbm>>
    tpu.wait_dma2 semaphore(%arg12 : memref<!tpu.dma_semaphore, #tpu.memory_space<semaphore_mem>>) src(%dma_wait3A_759 : memref<512xf32, #tpu.memory_space<hbm>>) dst(%dma_wait3A_757 : memref<512xf32, #tpu.memory_space<vmem>>)
    %dma_wait3A_760 = arith.constant 17 : i32
    %dma_wait3A_761 = arith.constant 8704 : i32
    %dma_wait3A_762 = tpu.memref_slice %arg9[%dma_wait3A_761] : memref<32768xf32, #tpu.memory_space<vmem>> -> memref<512xf32, #tpu.memory_space<vmem>>
    %dma_wait3A_763 = tpu.memref_slice %arg2[%select_n3A, %dma_wait3A_760, %mul3A_32] : memref<16x64x1024xf32, #tpu.memory_space<hbm>> -> memref<1x1x512xf32, #tpu.memory_space<hbm>>
    %dma_wait3A_764 = tpu.memref_squeeze %dma_wait3A_763 : memref<1x1x512xf32, #tpu.memory_space<hbm>> -> memref<512xf32, #tpu.memory_space<hbm>>
    %dma_wait3A_765 = arith.constant 8704 : i32
    %dma_wait3A_766 = tpu.memref_slice %arg9[%dma_wait3A_765] : memref<32768xf32, #tpu.memory_space<vmem>> -> memref<512xf32, #tpu.memory_space<vmem>>
    %dma_wait3A_767 = tpu.memref_slice %arg2[%select_n3A, %dma_wait3A_760, %mul3A_32] : memref<16x64x1024xf32, #tpu.memory_space<hbm>> -> memref<1x1x512xf32, #tpu.memory_space<hbm>>
    %dma_wait3A_768 = tpu.memref_squeeze %dma_wait3A_767 : memref<1x1x512xf32, #tpu.memory_space<hbm>> -> memref<512xf32, #tpu.memory_space<hbm>>
    tpu.wait_dma2 semaphore(%arg12 : memref<!tpu.dma_semaphore, #tpu.memory_space<semaphore_mem>>) src(%dma_wait3A_768 : memref<512xf32, #tpu.memory_space<hbm>>) dst(%dma_wait3A_766 : memref<512xf32, #tpu.memory_space<vmem>>)
    %dma_wait3A_769 = arith.constant 18 : i32
    %dma_wait3A_770 = arith.constant 9216 : i32
    %dma_wait3A_771 = tpu.memref_slice %arg9[%dma_wait3A_770] : memref<32768xf32, #tpu.memory_space<vmem>> -> memref<512xf32, #tpu.memory_space<vmem>>
    %dma_wait3A_772 = tpu.memref_slice %arg2[%select_n3A, %dma_wait3A_769, %mul3A_32] : memref<16x64x1024xf32, #tpu.memory_space<hbm>> -> memref<1x1x512xf32, #tpu.memory_space<hbm>>
    %dma_wait3A_773 = tpu.memref_squeeze %dma_wait3A_772 : memref<1x1x512xf32, #tpu.memory_space<hbm>> -> memref<512xf32, #tpu.memory_space<hbm>>
    %dma_wait3A_774 = arith.constant 9216 : i32
    %dma_wait3A_775 = tpu.memref_slice %arg9[%dma_wait3A_774] : memref<32768xf32, #tpu.memory_space<vmem>> -> memref<512xf32, #tpu.memory_space<vmem>>
    %dma_wait3A_776 = tpu.memref_slice %arg2[%select_n3A, %dma_wait3A_769, %mul3A_32] : memref<16x64x1024xf32, #tpu.memory_space<hbm>> -> memref<1x1x512xf32, #tpu.memory_space<hbm>>
    %dma_wait3A_777 = tpu.memref_squeeze %dma_wait3A_776 : memref<1x1x512xf32, #tpu.memory_space<hbm>> -> memref<512xf32, #tpu.memory_space<hbm>>
    tpu.wait_dma2 semaphore(%arg12 : memref<!tpu.dma_semaphore, #tpu.memory_space<semaphore_mem>>) src(%dma_wait3A_777 : memref<512xf32, #tpu.memory_space<hbm>>) dst(%dma_wait3A_775 : memref<512xf32, #tpu.memory_space<vmem>>)
    %dma_wait3A_778 = arith.constant 19 : i32
    %dma_wait3A_779 = arith.constant 9728 : i32
    %dma_wait3A_780 = tpu.memref_slice %arg9[%dma_wait3A_779] : memref<32768xf32, #tpu.memory_space<vmem>> -> memref<512xf32, #tpu.memory_space<vmem>>
    %dma_wait3A_781 = tpu.memref_slice %arg2[%select_n3A, %dma_wait3A_778, %mul3A_32] : memref<16x64x1024xf32, #tpu.memory_space<hbm>> -> memref<1x1x512xf32, #tpu.memory_space<hbm>>
    %dma_wait3A_782 = tpu.memref_squeeze %dma_wait3A_781 : memref<1x1x512xf32, #tpu.memory_space<hbm>> -> memref<512xf32, #tpu.memory_space<hbm>>
    %dma_wait3A_783 = arith.constant 9728 : i32
    %dma_wait3A_784 = tpu.memref_slice %arg9[%dma_wait3A_783] : memref<32768xf32, #tpu.memory_space<vmem>> -> memref<512xf32, #tpu.memory_space<vmem>>
    %dma_wait3A_785 = tpu.memref_slice %arg2[%select_n3A, %dma_wait3A_778, %mul3A_32] : memref<16x64x1024xf32, #tpu.memory_space<hbm>> -> memref<1x1x512xf32, #tpu.memory_space<hbm>>
    %dma_wait3A_786 = tpu.memref_squeeze %dma_wait3A_785 : memref<1x1x512xf32, #tpu.memory_space<hbm>> -> memref<512xf32, #tpu.memory_space<hbm>>
    tpu.wait_dma2 semaphore(%arg12 : memref<!tpu.dma_semaphore, #tpu.memory_space<semaphore_mem>>) src(%dma_wait3A_786 : memref<512xf32, #tpu.memory_space<hbm>>) dst(%dma_wait3A_784 : memref<512xf32, #tpu.memory_space<vmem>>)
    %dma_wait3A_787 = arith.constant 20 : i32
    %dma_wait3A_788 = arith.constant 10240 : i32
    %dma_wait3A_789 = tpu.memref_slice %arg9[%dma_wait3A_788] : memref<32768xf32, #tpu.memory_space<vmem>> -> memref<512xf32, #tpu.memory_space<vmem>>
    %dma_wait3A_790 = tpu.memref_slice %arg2[%select_n3A, %dma_wait3A_787, %mul3A_32] : memref<16x64x1024xf32, #tpu.memory_space<hbm>> -> memref<1x1x512xf32, #tpu.memory_space<hbm>>
    %dma_wait3A_791 = tpu.memref_squeeze %dma_wait3A_790 : memref<1x1x512xf32, #tpu.memory_space<hbm>> -> memref<512xf32, #tpu.memory_space<hbm>>
    %dma_wait3A_792 = arith.constant 10240 : i32
    %dma_wait3A_793 = tpu.memref_slice %arg9[%dma_wait3A_792] : memref<32768xf32, #tpu.memory_space<vmem>> -> memref<512xf32, #tpu.memory_space<vmem>>
    %dma_wait3A_794 = tpu.memref_slice %arg2[%select_n3A, %dma_wait3A_787, %mul3A_32] : memref<16x64x1024xf32, #tpu.memory_space<hbm>> -> memref<1x1x512xf32, #tpu.memory_space<hbm>>
    %dma_wait3A_795 = tpu.memref_squeeze %dma_wait3A_794 : memref<1x1x512xf32, #tpu.memory_space<hbm>> -> memref<512xf32, #tpu.memory_space<hbm>>
    tpu.wait_dma2 semaphore(%arg12 : memref<!tpu.dma_semaphore, #tpu.memory_space<semaphore_mem>>) src(%dma_wait3A_795 : memref<512xf32, #tpu.memory_space<hbm>>) dst(%dma_wait3A_793 : memref<512xf32, #tpu.memory_space<vmem>>)
    %dma_wait3A_796 = arith.constant 21 : i32
    %dma_wait3A_797 = arith.constant 10752 : i32
    %dma_wait3A_798 = tpu.memref_slice %arg9[%dma_wait3A_797] : memref<32768xf32, #tpu.memory_space<vmem>> -> memref<512xf32, #tpu.memory_space<vmem>>
    %dma_wait3A_799 = tpu.memref_slice %arg2[%select_n3A, %dma_wait3A_796, %mul3A_32] : memref<16x64x1024xf32, #tpu.memory_space<hbm>> -> memref<1x1x512xf32, #tpu.memory_space<hbm>>
    %dma_wait3A_800 = tpu.memref_squeeze %dma_wait3A_799 : memref<1x1x512xf32, #tpu.memory_space<hbm>> -> memref<512xf32, #tpu.memory_space<hbm>>
    %dma_wait3A_801 = arith.constant 10752 : i32
    %dma_wait3A_802 = tpu.memref_slice %arg9[%dma_wait3A_801] : memref<32768xf32, #tpu.memory_space<vmem>> -> memref<512xf32, #tpu.memory_space<vmem>>
    %dma_wait3A_803 = tpu.memref_slice %arg2[%select_n3A, %dma_wait3A_796, %mul3A_32] : memref<16x64x1024xf32, #tpu.memory_space<hbm>> -> memref<1x1x512xf32, #tpu.memory_space<hbm>>
    %dma_wait3A_804 = tpu.memref_squeeze %dma_wait3A_803 : memref<1x1x512xf32, #tpu.memory_space<hbm>> -> memref<512xf32, #tpu.memory_space<hbm>>
    tpu.wait_dma2 semaphore(%arg12 : memref<!tpu.dma_semaphore, #tpu.memory_space<semaphore_mem>>) src(%dma_wait3A_804 : memref<512xf32, #tpu.memory_space<hbm>>) dst(%dma_wait3A_802 : memref<512xf32, #tpu.memory_space<vmem>>)
    %dma_wait3A_805 = arith.constant 22 : i32
    %dma_wait3A_806 = arith.constant 11264 : i32
    %dma_wait3A_807 = tpu.memref_slice %arg9[%dma_wait3A_806] : memref<32768xf32, #tpu.memory_space<vmem>> -> memref<512xf32, #tpu.memory_space<vmem>>
    %dma_wait3A_808 = tpu.memref_slice %arg2[%select_n3A, %dma_wait3A_805, %mul3A_32] : memref<16x64x1024xf32, #tpu.memory_space<hbm>> -> memref<1x1x512xf32, #tpu.memory_space<hbm>>
    %dma_wait3A_809 = tpu.memref_squeeze %dma_wait3A_808 : memref<1x1x512xf32, #tpu.memory_space<hbm>> -> memref<512xf32, #tpu.memory_space<hbm>>
    %dma_wait3A_810 = arith.constant 11264 : i32
    %dma_wait3A_811 = tpu.memref_slice %arg9[%dma_wait3A_810] : memref<32768xf32, #tpu.memory_space<vmem>> -> memref<512xf32, #tpu.memory_space<vmem>>
    %dma_wait3A_812 = tpu.memref_slice %arg2[%select_n3A, %dma_wait3A_805, %mul3A_32] : memref<16x64x1024xf32, #tpu.memory_space<hbm>> -> memref<1x1x512xf32, #tpu.memory_space<hbm>>
    %dma_wait3A_813 = tpu.memref_squeeze %dma_wait3A_812 : memref<1x1x512xf32, #tpu.memory_space<hbm>> -> memref<512xf32, #tpu.memory_space<hbm>>
    tpu.wait_dma2 semaphore(%arg12 : memref<!tpu.dma_semaphore, #tpu.memory_space<semaphore_mem>>) src(%dma_wait3A_813 : memref<512xf32, #tpu.memory_space<hbm>>) dst(%dma_wait3A_811 : memref<512xf32, #tpu.memory_space<vmem>>)
    %dma_wait3A_814 = arith.constant 23 : i32
    %dma_wait3A_815 = arith.constant 11776 : i32
    %dma_wait3A_816 = tpu.memref_slice %arg9[%dma_wait3A_815] : memref<32768xf32, #tpu.memory_space<vmem>> -> memref<512xf32, #tpu.memory_space<vmem>>
    %dma_wait3A_817 = tpu.memref_slice %arg2[%select_n3A, %dma_wait3A_814, %mul3A_32] : memref<16x64x1024xf32, #tpu.memory_space<hbm>> -> memref<1x1x512xf32, #tpu.memory_space<hbm>>
    %dma_wait3A_818 = tpu.memref_squeeze %dma_wait3A_817 : memref<1x1x512xf32, #tpu.memory_space<hbm>> -> memref<512xf32, #tpu.memory_space<hbm>>
    %dma_wait3A_819 = arith.constant 11776 : i32
    %dma_wait3A_820 = tpu.memref_slice %arg9[%dma_wait3A_819] : memref<32768xf32, #tpu.memory_space<vmem>> -> memref<512xf32, #tpu.memory_space<vmem>>
    %dma_wait3A_821 = tpu.memref_slice %arg2[%select_n3A, %dma_wait3A_814, %mul3A_32] : memref<16x64x1024xf32, #tpu.memory_space<hbm>> -> memref<1x1x512xf32, #tpu.memory_space<hbm>>
    %dma_wait3A_822 = tpu.memref_squeeze %dma_wait3A_821 : memref<1x1x512xf32, #tpu.memory_space<hbm>> -> memref<512xf32, #tpu.memory_space<hbm>>
    tpu.wait_dma2 semaphore(%arg12 : memref<!tpu.dma_semaphore, #tpu.memory_space<semaphore_mem>>) src(%dma_wait3A_822 : memref<512xf32, #tpu.memory_space<hbm>>) dst(%dma_wait3A_820 : memref<512xf32, #tpu.memory_space<vmem>>)
    %dma_wait3A_823 = arith.constant 24 : i32
    %dma_wait3A_824 = arith.constant 12288 : i32
    %dma_wait3A_825 = tpu.memref_slice %arg9[%dma_wait3A_824] : memref<32768xf32, #tpu.memory_space<vmem>> -> memref<512xf32, #tpu.memory_space<vmem>>
    %dma_wait3A_826 = tpu.memref_slice %arg2[%select_n3A, %dma_wait3A_823, %mul3A_32] : memref<16x64x1024xf32, #tpu.memory_space<hbm>> -> memref<1x1x512xf32, #tpu.memory_space<hbm>>
    %dma_wait3A_827 = tpu.memref_squeeze %dma_wait3A_826 : memref<1x1x512xf32, #tpu.memory_space<hbm>> -> memref<512xf32, #tpu.memory_space<hbm>>
    %dma_wait3A_828 = arith.constant 12288 : i32
    %dma_wait3A_829 = tpu.memref_slice %arg9[%dma_wait3A_828] : memref<32768xf32, #tpu.memory_space<vmem>> -> memref<512xf32, #tpu.memory_space<vmem>>
    %dma_wait3A_830 = tpu.memref_slice %arg2[%select_n3A, %dma_wait3A_823, %mul3A_32] : memref<16x64x1024xf32, #tpu.memory_space<hbm>> -> memref<1x1x512xf32, #tpu.memory_space<hbm>>
    %dma_wait3A_831 = tpu.memref_squeeze %dma_wait3A_830 : memref<1x1x512xf32, #tpu.memory_space<hbm>> -> memref<512xf32, #tpu.memory_space<hbm>>
    tpu.wait_dma2 semaphore(%arg12 : memref<!tpu.dma_semaphore, #tpu.memory_space<semaphore_mem>>) src(%dma_wait3A_831 : memref<512xf32, #tpu.memory_space<hbm>>) dst(%dma_wait3A_829 : memref<512xf32, #tpu.memory_space<vmem>>)
    %dma_wait3A_832 = arith.constant 25 : i32
    %dma_wait3A_833 = arith.constant 12800 : i32
    %dma_wait3A_834 = tpu.memref_slice %arg9[%dma_wait3A_833] : memref<32768xf32, #tpu.memory_space<vmem>> -> memref<512xf32, #tpu.memory_space<vmem>>
    %dma_wait3A_835 = tpu.memref_slice %arg2[%select_n3A, %dma_wait3A_832, %mul3A_32] : memref<16x64x1024xf32, #tpu.memory_space<hbm>> -> memref<1x1x512xf32, #tpu.memory_space<hbm>>
    %dma_wait3A_836 = tpu.memref_squeeze %dma_wait3A_835 : memref<1x1x512xf32, #tpu.memory_space<hbm>> -> memref<512xf32, #tpu.memory_space<hbm>>
    %dma_wait3A_837 = arith.constant 12800 : i32
    %dma_wait3A_838 = tpu.memref_slice %arg9[%dma_wait3A_837] : memref<32768xf32, #tpu.memory_space<vmem>> -> memref<512xf32, #tpu.memory_space<vmem>>
    %dma_wait3A_839 = tpu.memref_slice %arg2[%select_n3A, %dma_wait3A_832, %mul3A_32] : memref<16x64x1024xf32, #tpu.memory_space<hbm>> -> memref<1x1x512xf32, #tpu.memory_space<hbm>>
    %dma_wait3A_840 = tpu.memref_squeeze %dma_wait3A_839 : memref<1x1x512xf32, #tpu.memory_space<hbm>> -> memref<512xf32, #tpu.memory_space<hbm>>
    tpu.wait_dma2 semaphore(%arg12 : memref<!tpu.dma_semaphore, #tpu.memory_space<semaphore_mem>>) src(%dma_wait3A_840 : memref<512xf32, #tpu.memory_space<hbm>>) dst(%dma_wait3A_838 : memref<512xf32, #tpu.memory_space<vmem>>)
    %dma_wait3A_841 = arith.constant 26 : i32
    %dma_wait3A_842 = arith.constant 13312 : i32
    %dma_wait3A_843 = tpu.memref_slice %arg9[%dma_wait3A_842] : memref<32768xf32, #tpu.memory_space<vmem>> -> memref<512xf32, #tpu.memory_space<vmem>>
    %dma_wait3A_844 = tpu.memref_slice %arg2[%select_n3A, %dma_wait3A_841, %mul3A_32] : memref<16x64x1024xf32, #tpu.memory_space<hbm>> -> memref<1x1x512xf32, #tpu.memory_space<hbm>>
    %dma_wait3A_845 = tpu.memref_squeeze %dma_wait3A_844 : memref<1x1x512xf32, #tpu.memory_space<hbm>> -> memref<512xf32, #tpu.memory_space<hbm>>
    %dma_wait3A_846 = arith.constant 13312 : i32
    %dma_wait3A_847 = tpu.memref_slice %arg9[%dma_wait3A_846] : memref<32768xf32, #tpu.memory_space<vmem>> -> memref<512xf32, #tpu.memory_space<vmem>>
    %dma_wait3A_848 = tpu.memref_slice %arg2[%select_n3A, %dma_wait3A_841, %mul3A_32] : memref<16x64x1024xf32, #tpu.memory_space<hbm>> -> memref<1x1x512xf32, #tpu.memory_space<hbm>>
    %dma_wait3A_849 = tpu.memref_squeeze %dma_wait3A_848 : memref<1x1x512xf32, #tpu.memory_space<hbm>> -> memref<512xf32, #tpu.memory_space<hbm>>
    tpu.wait_dma2 semaphore(%arg12 : memref<!tpu.dma_semaphore, #tpu.memory_space<semaphore_mem>>) src(%dma_wait3A_849 : memref<512xf32, #tpu.memory_space<hbm>>) dst(%dma_wait3A_847 : memref<512xf32, #tpu.memory_space<vmem>>)
    %dma_wait3A_850 = arith.constant 27 : i32
    %dma_wait3A_851 = arith.constant 13824 : i32
    %dma_wait3A_852 = tpu.memref_slice %arg9[%dma_wait3A_851] : memref<32768xf32, #tpu.memory_space<vmem>> -> memref<512xf32, #tpu.memory_space<vmem>>
    %dma_wait3A_853 = tpu.memref_slice %arg2[%select_n3A, %dma_wait3A_850, %mul3A_32] : memref<16x64x1024xf32, #tpu.memory_space<hbm>> -> memref<1x1x512xf32, #tpu.memory_space<hbm>>
    %dma_wait3A_854 = tpu.memref_squeeze %dma_wait3A_853 : memref<1x1x512xf32, #tpu.memory_space<hbm>> -> memref<512xf32, #tpu.memory_space<hbm>>
    %dma_wait3A_855 = arith.constant 13824 : i32
    %dma_wait3A_856 = tpu.memref_slice %arg9[%dma_wait3A_855] : memref<32768xf32, #tpu.memory_space<vmem>> -> memref<512xf32, #tpu.memory_space<vmem>>
    %dma_wait3A_857 = tpu.memref_slice %arg2[%select_n3A, %dma_wait3A_850, %mul3A_32] : memref<16x64x1024xf32, #tpu.memory_space<hbm>> -> memref<1x1x512xf32, #tpu.memory_space<hbm>>
    %dma_wait3A_858 = tpu.memref_squeeze %dma_wait3A_857 : memref<1x1x512xf32, #tpu.memory_space<hbm>> -> memref<512xf32, #tpu.memory_space<hbm>>
    tpu.wait_dma2 semaphore(%arg12 : memref<!tpu.dma_semaphore, #tpu.memory_space<semaphore_mem>>) src(%dma_wait3A_858 : memref<512xf32, #tpu.memory_space<hbm>>) dst(%dma_wait3A_856 : memref<512xf32, #tpu.memory_space<vmem>>)
    %dma_wait3A_859 = arith.constant 28 : i32
    %dma_wait3A_860 = arith.constant 14336 : i32
    %dma_wait3A_861 = tpu.memref_slice %arg9[%dma_wait3A_860] : memref<32768xf32, #tpu.memory_space<vmem>> -> memref<512xf32, #tpu.memory_space<vmem>>
    %dma_wait3A_862 = tpu.memref_slice %arg2[%select_n3A, %dma_wait3A_859, %mul3A_32] : memref<16x64x1024xf32, #tpu.memory_space<hbm>> -> memref<1x1x512xf32, #tpu.memory_space<hbm>>
    %dma_wait3A_863 = tpu.memref_squeeze %dma_wait3A_862 : memref<1x1x512xf32, #tpu.memory_space<hbm>> -> memref<512xf32, #tpu.memory_space<hbm>>
    %dma_wait3A_864 = arith.constant 14336 : i32
    %dma_wait3A_865 = tpu.memref_slice %arg9[%dma_wait3A_864] : memref<32768xf32, #tpu.memory_space<vmem>> -> memref<512xf32, #tpu.memory_space<vmem>>
    %dma_wait3A_866 = tpu.memref_slice %arg2[%select_n3A, %dma_wait3A_859, %mul3A_32] : memref<16x64x1024xf32, #tpu.memory_space<hbm>> -> memref<1x1x512xf32, #tpu.memory_space<hbm>>
    %dma_wait3A_867 = tpu.memref_squeeze %dma_wait3A_866 : memref<1x1x512xf32, #tpu.memory_space<hbm>> -> memref<512xf32, #tpu.memory_space<hbm>>
    tpu.wait_dma2 semaphore(%arg12 : memref<!tpu.dma_semaphore, #tpu.memory_space<semaphore_mem>>) src(%dma_wait3A_867 : memref<512xf32, #tpu.memory_space<hbm>>) dst(%dma_wait3A_865 : memref<512xf32, #tpu.memory_space<vmem>>)
    %dma_wait3A_868 = arith.constant 29 : i32
    %dma_wait3A_869 = arith.constant 14848 : i32
    %dma_wait3A_870 = tpu.memref_slice %arg9[%dma_wait3A_869] : memref<32768xf32, #tpu.memory_space<vmem>> -> memref<512xf32, #tpu.memory_space<vmem>>
    %dma_wait3A_871 = tpu.memref_slice %arg2[%select_n3A, %dma_wait3A_868, %mul3A_32] : memref<16x64x1024xf32, #tpu.memory_space<hbm>> -> memref<1x1x512xf32, #tpu.memory_space<hbm>>
    %dma_wait3A_872 = tpu.memref_squeeze %dma_wait3A_871 : memref<1x1x512xf32, #tpu.memory_space<hbm>> -> memref<512xf32, #tpu.memory_space<hbm>>
    %dma_wait3A_873 = arith.constant 14848 : i32
    %dma_wait3A_874 = tpu.memref_slice %arg9[%dma_wait3A_873] : memref<32768xf32, #tpu.memory_space<vmem>> -> memref<512xf32, #tpu.memory_space<vmem>>
    %dma_wait3A_875 = tpu.memref_slice %arg2[%select_n3A, %dma_wait3A_868, %mul3A_32] : memref<16x64x1024xf32, #tpu.memory_space<hbm>> -> memref<1x1x512xf32, #tpu.memory_space<hbm>>
    %dma_wait3A_876 = tpu.memref_squeeze %dma_wait3A_875 : memref<1x1x512xf32, #tpu.memory_space<hbm>> -> memref<512xf32, #tpu.memory_space<hbm>>
    tpu.wait_dma2 semaphore(%arg12 : memref<!tpu.dma_semaphore, #tpu.memory_space<semaphore_mem>>) src(%dma_wait3A_876 : memref<512xf32, #tpu.memory_space<hbm>>) dst(%dma_wait3A_874 : memref<512xf32, #tpu.memory_space<vmem>>)
    %dma_wait3A_877 = arith.constant 30 : i32
    %dma_wait3A_878 = arith.constant 15360 : i32
    %dma_wait3A_879 = tpu.memref_slice %arg9[%dma_wait3A_878] : memref<32768xf32, #tpu.memory_space<vmem>> -> memref<512xf32, #tpu.memory_space<vmem>>
    %dma_wait3A_880 = tpu.memref_slice %arg2[%select_n3A, %dma_wait3A_877, %mul3A_32] : memref<16x64x1024xf32, #tpu.memory_space<hbm>> -> memref<1x1x512xf32, #tpu.memory_space<hbm>>
    %dma_wait3A_881 = tpu.memref_squeeze %dma_wait3A_880 : memref<1x1x512xf32, #tpu.memory_space<hbm>> -> memref<512xf32, #tpu.memory_space<hbm>>
    %dma_wait3A_882 = arith.constant 15360 : i32
    %dma_wait3A_883 = tpu.memref_slice %arg9[%dma_wait3A_882] : memref<32768xf32, #tpu.memory_space<vmem>> -> memref<512xf32, #tpu.memory_space<vmem>>
    %dma_wait3A_884 = tpu.memref_slice %arg2[%select_n3A, %dma_wait3A_877, %mul3A_32] : memref<16x64x1024xf32, #tpu.memory_space<hbm>> -> memref<1x1x512xf32, #tpu.memory_space<hbm>>
    %dma_wait3A_885 = tpu.memref_squeeze %dma_wait3A_884 : memref<1x1x512xf32, #tpu.memory_space<hbm>> -> memref<512xf32, #tpu.memory_space<hbm>>
    tpu.wait_dma2 semaphore(%arg12 : memref<!tpu.dma_semaphore, #tpu.memory_space<semaphore_mem>>) src(%dma_wait3A_885 : memref<512xf32, #tpu.memory_space<hbm>>) dst(%dma_wait3A_883 : memref<512xf32, #tpu.memory_space<vmem>>)
    %dma_wait3A_886 = arith.constant 31 : i32
    %dma_wait3A_887 = arith.constant 15872 : i32
    %dma_wait3A_888 = tpu.memref_slice %arg9[%dma_wait3A_887] : memref<32768xf32, #tpu.memory_space<vmem>> -> memref<512xf32, #tpu.memory_space<vmem>>
    %dma_wait3A_889 = tpu.memref_slice %arg2[%select_n3A, %dma_wait3A_886, %mul3A_32] : memref<16x64x1024xf32, #tpu.memory_space<hbm>> -> memref<1x1x512xf32, #tpu.memory_space<hbm>>
    %dma_wait3A_890 = tpu.memref_squeeze %dma_wait3A_889 : memref<1x1x512xf32, #tpu.memory_space<hbm>> -> memref<512xf32, #tpu.memory_space<hbm>>
    %dma_wait3A_891 = arith.constant 15872 : i32
    %dma_wait3A_892 = tpu.memref_slice %arg9[%dma_wait3A_891] : memref<32768xf32, #tpu.memory_space<vmem>> -> memref<512xf32, #tpu.memory_space<vmem>>
    %dma_wait3A_893 = tpu.memref_slice %arg2[%select_n3A, %dma_wait3A_886, %mul3A_32] : memref<16x64x1024xf32, #tpu.memory_space<hbm>> -> memref<1x1x512xf32, #tpu.memory_space<hbm>>
    %dma_wait3A_894 = tpu.memref_squeeze %dma_wait3A_893 : memref<1x1x512xf32, #tpu.memory_space<hbm>> -> memref<512xf32, #tpu.memory_space<hbm>>
    tpu.wait_dma2 semaphore(%arg12 : memref<!tpu.dma_semaphore, #tpu.memory_space<semaphore_mem>>) src(%dma_wait3A_894 : memref<512xf32, #tpu.memory_space<hbm>>) dst(%dma_wait3A_892 : memref<512xf32, #tpu.memory_space<vmem>>)
    %dma_wait3A_895 = arith.constant 32 : i32
    %dma_wait3A_896 = arith.constant 16384 : i32
    %dma_wait3A_897 = tpu.memref_slice %arg9[%dma_wait3A_896] : memref<32768xf32, #tpu.memory_space<vmem>> -> memref<512xf32, #tpu.memory_space<vmem>>
    %dma_wait3A_898 = tpu.memref_slice %arg2[%select_n3A, %dma_wait3A_895, %mul3A_32] : memref<16x64x1024xf32, #tpu.memory_space<hbm>> -> memref<1x1x512xf32, #tpu.memory_space<hbm>>
    %dma_wait3A_899 = tpu.memref_squeeze %dma_wait3A_898 : memref<1x1x512xf32, #tpu.memory_space<hbm>> -> memref<512xf32, #tpu.memory_space<hbm>>
    %dma_wait3A_900 = arith.constant 16384 : i32
    %dma_wait3A_901 = tpu.memref_slice %arg9[%dma_wait3A_900] : memref<32768xf32, #tpu.memory_space<vmem>> -> memref<512xf32, #tpu.memory_space<vmem>>
    %dma_wait3A_902 = tpu.memref_slice %arg2[%select_n3A, %dma_wait3A_895, %mul3A_32] : memref<16x64x1024xf32, #tpu.memory_space<hbm>> -> memref<1x1x512xf32, #tpu.memory_space<hbm>>
    %dma_wait3A_903 = tpu.memref_squeeze %dma_wait3A_902 : memref<1x1x512xf32, #tpu.memory_space<hbm>> -> memref<512xf32, #tpu.memory_space<hbm>>
    tpu.wait_dma2 semaphore(%arg12 : memref<!tpu.dma_semaphore, #tpu.memory_space<semaphore_mem>>) src(%dma_wait3A_903 : memref<512xf32, #tpu.memory_space<hbm>>) dst(%dma_wait3A_901 : memref<512xf32, #tpu.memory_space<vmem>>)
    %dma_wait3A_904 = arith.constant 33 : i32
    %dma_wait3A_905 = arith.constant 16896 : i32
    %dma_wait3A_906 = tpu.memref_slice %arg9[%dma_wait3A_905] : memref<32768xf32, #tpu.memory_space<vmem>> -> memref<512xf32, #tpu.memory_space<vmem>>
    %dma_wait3A_907 = tpu.memref_slice %arg2[%select_n3A, %dma_wait3A_904, %mul3A_32] : memref<16x64x1024xf32, #tpu.memory_space<hbm>> -> memref<1x1x512xf32, #tpu.memory_space<hbm>>
    %dma_wait3A_908 = tpu.memref_squeeze %dma_wait3A_907 : memref<1x1x512xf32, #tpu.memory_space<hbm>> -> memref<512xf32, #tpu.memory_space<hbm>>
    %dma_wait3A_909 = arith.constant 16896 : i32
    %dma_wait3A_910 = tpu.memref_slice %arg9[%dma_wait3A_909] : memref<32768xf32, #tpu.memory_space<vmem>> -> memref<512xf32, #tpu.memory_space<vmem>>
    %dma_wait3A_911 = tpu.memref_slice %arg2[%select_n3A, %dma_wait3A_904, %mul3A_32] : memref<16x64x1024xf32, #tpu.memory_space<hbm>> -> memref<1x1x512xf32, #tpu.memory_space<hbm>>
    %dma_wait3A_912 = tpu.memref_squeeze %dma_wait3A_911 : memref<1x1x512xf32, #tpu.memory_space<hbm>> -> memref<512xf32, #tpu.memory_space<hbm>>
    tpu.wait_dma2 semaphore(%arg12 : memref<!tpu.dma_semaphore, #tpu.memory_space<semaphore_mem>>) src(%dma_wait3A_912 : memref<512xf32, #tpu.memory_space<hbm>>) dst(%dma_wait3A_910 : memref<512xf32, #tpu.memory_space<vmem>>)
    %dma_wait3A_913 = arith.constant 34 : i32
    %dma_wait3A_914 = arith.constant 17408 : i32
    %dma_wait3A_915 = tpu.memref_slice %arg9[%dma_wait3A_914] : memref<32768xf32, #tpu.memory_space<vmem>> -> memref<512xf32, #tpu.memory_space<vmem>>
    %dma_wait3A_916 = tpu.memref_slice %arg2[%select_n3A, %dma_wait3A_913, %mul3A_32] : memref<16x64x1024xf32, #tpu.memory_space<hbm>> -> memref<1x1x512xf32, #tpu.memory_space<hbm>>
    %dma_wait3A_917 = tpu.memref_squeeze %dma_wait3A_916 : memref<1x1x512xf32, #tpu.memory_space<hbm>> -> memref<512xf32, #tpu.memory_space<hbm>>
    %dma_wait3A_918 = arith.constant 17408 : i32
    %dma_wait3A_919 = tpu.memref_slice %arg9[%dma_wait3A_918] : memref<32768xf32, #tpu.memory_space<vmem>> -> memref<512xf32, #tpu.memory_space<vmem>>
    %dma_wait3A_920 = tpu.memref_slice %arg2[%select_n3A, %dma_wait3A_913, %mul3A_32] : memref<16x64x1024xf32, #tpu.memory_space<hbm>> -> memref<1x1x512xf32, #tpu.memory_space<hbm>>
    %dma_wait3A_921 = tpu.memref_squeeze %dma_wait3A_920 : memref<1x1x512xf32, #tpu.memory_space<hbm>> -> memref<512xf32, #tpu.memory_space<hbm>>
    tpu.wait_dma2 semaphore(%arg12 : memref<!tpu.dma_semaphore, #tpu.memory_space<semaphore_mem>>) src(%dma_wait3A_921 : memref<512xf32, #tpu.memory_space<hbm>>) dst(%dma_wait3A_919 : memref<512xf32, #tpu.memory_space<vmem>>)
    %dma_wait3A_922 = arith.constant 35 : i32
    %dma_wait3A_923 = arith.constant 17920 : i32
    %dma_wait3A_924 = tpu.memref_slice %arg9[%dma_wait3A_923] : memref<32768xf32, #tpu.memory_space<vmem>> -> memref<512xf32, #tpu.memory_space<vmem>>
    %dma_wait3A_925 = tpu.memref_slice %arg2[%select_n3A, %dma_wait3A_922, %mul3A_32] : memref<16x64x1024xf32, #tpu.memory_space<hbm>> -> memref<1x1x512xf32, #tpu.memory_space<hbm>>
    %dma_wait3A_926 = tpu.memref_squeeze %dma_wait3A_925 : memref<1x1x512xf32, #tpu.memory_space<hbm>> -> memref<512xf32, #tpu.memory_space<hbm>>
    %dma_wait3A_927 = arith.constant 17920 : i32
    %dma_wait3A_928 = tpu.memref_slice %arg9[%dma_wait3A_927] : memref<32768xf32, #tpu.memory_space<vmem>> -> memref<512xf32, #tpu.memory_space<vmem>>
    %dma_wait3A_929 = tpu.memref_slice %arg2[%select_n3A, %dma_wait3A_922, %mul3A_32] : memref<16x64x1024xf32, #tpu.memory_space<hbm>> -> memref<1x1x512xf32, #tpu.memory_space<hbm>>
    %dma_wait3A_930 = tpu.memref_squeeze %dma_wait3A_929 : memref<1x1x512xf32, #tpu.memory_space<hbm>> -> memref<512xf32, #tpu.memory_space<hbm>>
    tpu.wait_dma2 semaphore(%arg12 : memref<!tpu.dma_semaphore, #tpu.memory_space<semaphore_mem>>) src(%dma_wait3A_930 : memref<512xf32, #tpu.memory_space<hbm>>) dst(%dma_wait3A_928 : memref<512xf32, #tpu.memory_space<vmem>>)
    %dma_wait3A_931 = arith.constant 36 : i32
    %dma_wait3A_932 = arith.constant 18432 : i32
    %dma_wait3A_933 = tpu.memref_slice %arg9[%dma_wait3A_932] : memref<32768xf32, #tpu.memory_space<vmem>> -> memref<512xf32, #tpu.memory_space<vmem>>
    %dma_wait3A_934 = tpu.memref_slice %arg2[%select_n3A, %dma_wait3A_931, %mul3A_32] : memref<16x64x1024xf32, #tpu.memory_space<hbm>> -> memref<1x1x512xf32, #tpu.memory_space<hbm>>
    %dma_wait3A_935 = tpu.memref_squeeze %dma_wait3A_934 : memref<1x1x512xf32, #tpu.memory_space<hbm>> -> memref<512xf32, #tpu.memory_space<hbm>>
    %dma_wait3A_936 = arith.constant 18432 : i32
    %dma_wait3A_937 = tpu.memref_slice %arg9[%dma_wait3A_936] : memref<32768xf32, #tpu.memory_space<vmem>> -> memref<512xf32, #tpu.memory_space<vmem>>
    %dma_wait3A_938 = tpu.memref_slice %arg2[%select_n3A, %dma_wait3A_931, %mul3A_32] : memref<16x64x1024xf32, #tpu.memory_space<hbm>> -> memref<1x1x512xf32, #tpu.memory_space<hbm>>
    %dma_wait3A_939 = tpu.memref_squeeze %dma_wait3A_938 : memref<1x1x512xf32, #tpu.memory_space<hbm>> -> memref<512xf32, #tpu.memory_space<hbm>>
    tpu.wait_dma2 semaphore(%arg12 : memref<!tpu.dma_semaphore, #tpu.memory_space<semaphore_mem>>) src(%dma_wait3A_939 : memref<512xf32, #tpu.memory_space<hbm>>) dst(%dma_wait3A_937 : memref<512xf32, #tpu.memory_space<vmem>>)
    %dma_wait3A_940 = arith.constant 37 : i32
    %dma_wait3A_941 = arith.constant 18944 : i32
    %dma_wait3A_942 = tpu.memref_slice %arg9[%dma_wait3A_941] : memref<32768xf32, #tpu.memory_space<vmem>> -> memref<512xf32, #tpu.memory_space<vmem>>
    %dma_wait3A_943 = tpu.memref_slice %arg2[%select_n3A, %dma_wait3A_940, %mul3A_32] : memref<16x64x1024xf32, #tpu.memory_space<hbm>> -> memref<1x1x512xf32, #tpu.memory_space<hbm>>
    %dma_wait3A_944 = tpu.memref_squeeze %dma_wait3A_943 : memref<1x1x512xf32, #tpu.memory_space<hbm>> -> memref<512xf32, #tpu.memory_space<hbm>>
    %dma_wait3A_945 = arith.constant 18944 : i32
    %dma_wait3A_946 = tpu.memref_slice %arg9[%dma_wait3A_945] : memref<32768xf32, #tpu.memory_space<vmem>> -> memref<512xf32, #tpu.memory_space<vmem>>
    %dma_wait3A_947 = tpu.memref_slice %arg2[%select_n3A, %dma_wait3A_940, %mul3A_32] : memref<16x64x1024xf32, #tpu.memory_space<hbm>> -> memref<1x1x512xf32, #tpu.memory_space<hbm>>
    %dma_wait3A_948 = tpu.memref_squeeze %dma_wait3A_947 : memref<1x1x512xf32, #tpu.memory_space<hbm>> -> memref<512xf32, #tpu.memory_space<hbm>>
    tpu.wait_dma2 semaphore(%arg12 : memref<!tpu.dma_semaphore, #tpu.memory_space<semaphore_mem>>) src(%dma_wait3A_948 : memref<512xf32, #tpu.memory_space<hbm>>) dst(%dma_wait3A_946 : memref<512xf32, #tpu.memory_space<vmem>>)
    %dma_wait3A_949 = arith.constant 38 : i32
    %dma_wait3A_950 = arith.constant 19456 : i32
    %dma_wait3A_951 = tpu.memref_slice %arg9[%dma_wait3A_950] : memref<32768xf32, #tpu.memory_space<vmem>> -> memref<512xf32, #tpu.memory_space<vmem>>
    %dma_wait3A_952 = tpu.memref_slice %arg2[%select_n3A, %dma_wait3A_949, %mul3A_32] : memref<16x64x1024xf32, #tpu.memory_space<hbm>> -> memref<1x1x512xf32, #tpu.memory_space<hbm>>
    %dma_wait3A_953 = tpu.memref_squeeze %dma_wait3A_952 : memref<1x1x512xf32, #tpu.memory_space<hbm>> -> memref<512xf32, #tpu.memory_space<hbm>>
    %dma_wait3A_954 = arith.constant 19456 : i32
    %dma_wait3A_955 = tpu.memref_slice %arg9[%dma_wait3A_954] : memref<32768xf32, #tpu.memory_space<vmem>> -> memref<512xf32, #tpu.memory_space<vmem>>
    %dma_wait3A_956 = tpu.memref_slice %arg2[%select_n3A, %dma_wait3A_949, %mul3A_32] : memref<16x64x1024xf32, #tpu.memory_space<hbm>> -> memref<1x1x512xf32, #tpu.memory_space<hbm>>
    %dma_wait3A_957 = tpu.memref_squeeze %dma_wait3A_956 : memref<1x1x512xf32, #tpu.memory_space<hbm>> -> memref<512xf32, #tpu.memory_space<hbm>>
    tpu.wait_dma2 semaphore(%arg12 : memref<!tpu.dma_semaphore, #tpu.memory_space<semaphore_mem>>) src(%dma_wait3A_957 : memref<512xf32, #tpu.memory_space<hbm>>) dst(%dma_wait3A_955 : memref<512xf32, #tpu.memory_space<vmem>>)
    %dma_wait3A_958 = arith.constant 39 : i32
    %dma_wait3A_959 = arith.constant 19968 : i32
    %dma_wait3A_960 = tpu.memref_slice %arg9[%dma_wait3A_959] : memref<32768xf32, #tpu.memory_space<vmem>> -> memref<512xf32, #tpu.memory_space<vmem>>
    %dma_wait3A_961 = tpu.memref_slice %arg2[%select_n3A, %dma_wait3A_958, %mul3A_32] : memref<16x64x1024xf32, #tpu.memory_space<hbm>> -> memref<1x1x512xf32, #tpu.memory_space<hbm>>
    %dma_wait3A_962 = tpu.memref_squeeze %dma_wait3A_961 : memref<1x1x512xf32, #tpu.memory_space<hbm>> -> memref<512xf32, #tpu.memory_space<hbm>>
    %dma_wait3A_963 = arith.constant 19968 : i32
    %dma_wait3A_964 = tpu.memref_slice %arg9[%dma_wait3A_963] : memref<32768xf32, #tpu.memory_space<vmem>> -> memref<512xf32, #tpu.memory_space<vmem>>
    %dma_wait3A_965 = tpu.memref_slice %arg2[%select_n3A, %dma_wait3A_958, %mul3A_32] : memref<16x64x1024xf32, #tpu.memory_space<hbm>> -> memref<1x1x512xf32, #tpu.memory_space<hbm>>
    %dma_wait3A_966 = tpu.memref_squeeze %dma_wait3A_965 : memref<1x1x512xf32, #tpu.memory_space<hbm>> -> memref<512xf32, #tpu.memory_space<hbm>>
    tpu.wait_dma2 semaphore(%arg12 : memref<!tpu.dma_semaphore, #tpu.memory_space<semaphore_mem>>) src(%dma_wait3A_966 : memref<512xf32, #tpu.memory_space<hbm>>) dst(%dma_wait3A_964 : memref<512xf32, #tpu.memory_space<vmem>>)
    %dma_wait3A_967 = arith.constant 40 : i32
    %dma_wait3A_968 = arith.constant 20480 : i32
    %dma_wait3A_969 = tpu.memref_slice %arg9[%dma_wait3A_968] : memref<32768xf32, #tpu.memory_space<vmem>> -> memref<512xf32, #tpu.memory_space<vmem>>
    %dma_wait3A_970 = tpu.memref_slice %arg2[%select_n3A, %dma_wait3A_967, %mul3A_32] : memref<16x64x1024xf32, #tpu.memory_space<hbm>> -> memref<1x1x512xf32, #tpu.memory_space<hbm>>
    %dma_wait3A_971 = tpu.memref_squeeze %dma_wait3A_970 : memref<1x1x512xf32, #tpu.memory_space<hbm>> -> memref<512xf32, #tpu.memory_space<hbm>>
    %dma_wait3A_972 = arith.constant 20480 : i32
    %dma_wait3A_973 = tpu.memref_slice %arg9[%dma_wait3A_972] : memref<32768xf32, #tpu.memory_space<vmem>> -> memref<512xf32, #tpu.memory_space<vmem>>
    %dma_wait3A_974 = tpu.memref_slice %arg2[%select_n3A, %dma_wait3A_967, %mul3A_32] : memref<16x64x1024xf32, #tpu.memory_space<hbm>> -> memref<1x1x512xf32, #tpu.memory_space<hbm>>
    %dma_wait3A_975 = tpu.memref_squeeze %dma_wait3A_974 : memref<1x1x512xf32, #tpu.memory_space<hbm>> -> memref<512xf32, #tpu.memory_space<hbm>>
    tpu.wait_dma2 semaphore(%arg12 : memref<!tpu.dma_semaphore, #tpu.memory_space<semaphore_mem>>) src(%dma_wait3A_975 : memref<512xf32, #tpu.memory_space<hbm>>) dst(%dma_wait3A_973 : memref<512xf32, #tpu.memory_space<vmem>>)
    %dma_wait3A_976 = arith.constant 41 : i32
    %dma_wait3A_977 = arith.constant 20992 : i32
    %dma_wait3A_978 = tpu.memref_slice %arg9[%dma_wait3A_977] : memref<32768xf32, #tpu.memory_space<vmem>> -> memref<512xf32, #tpu.memory_space<vmem>>
    %dma_wait3A_979 = tpu.memref_slice %arg2[%select_n3A, %dma_wait3A_976, %mul3A_32] : memref<16x64x1024xf32, #tpu.memory_space<hbm>> -> memref<1x1x512xf32, #tpu.memory_space<hbm>>
    %dma_wait3A_980 = tpu.memref_squeeze %dma_wait3A_979 : memref<1x1x512xf32, #tpu.memory_space<hbm>> -> memref<512xf32, #tpu.memory_space<hbm>>
    %dma_wait3A_981 = arith.constant 20992 : i32
    %dma_wait3A_982 = tpu.memref_slice %arg9[%dma_wait3A_981] : memref<32768xf32, #tpu.memory_space<vmem>> -> memref<512xf32, #tpu.memory_space<vmem>>
    %dma_wait3A_983 = tpu.memref_slice %arg2[%select_n3A, %dma_wait3A_976, %mul3A_32] : memref<16x64x1024xf32, #tpu.memory_space<hbm>> -> memref<1x1x512xf32, #tpu.memory_space<hbm>>
    %dma_wait3A_984 = tpu.memref_squeeze %dma_wait3A_983 : memref<1x1x512xf32, #tpu.memory_space<hbm>> -> memref<512xf32, #tpu.memory_space<hbm>>
    tpu.wait_dma2 semaphore(%arg12 : memref<!tpu.dma_semaphore, #tpu.memory_space<semaphore_mem>>) src(%dma_wait3A_984 : memref<512xf32, #tpu.memory_space<hbm>>) dst(%dma_wait3A_982 : memref<512xf32, #tpu.memory_space<vmem>>)
    %dma_wait3A_985 = arith.constant 42 : i32
    %dma_wait3A_986 = arith.constant 21504 : i32
    %dma_wait3A_987 = tpu.memref_slice %arg9[%dma_wait3A_986] : memref<32768xf32, #tpu.memory_space<vmem>> -> memref<512xf32, #tpu.memory_space<vmem>>
    %dma_wait3A_988 = tpu.memref_slice %arg2[%select_n3A, %dma_wait3A_985, %mul3A_32] : memref<16x64x1024xf32, #tpu.memory_space<hbm>> -> memref<1x1x512xf32, #tpu.memory_space<hbm>>
    %dma_wait3A_989 = tpu.memref_squeeze %dma_wait3A_988 : memref<1x1x512xf32, #tpu.memory_space<hbm>> -> memref<512xf32, #tpu.memory_space<hbm>>
    %dma_wait3A_990 = arith.constant 21504 : i32
    %dma_wait3A_991 = tpu.memref_slice %arg9[%dma_wait3A_990] : memref<32768xf32, #tpu.memory_space<vmem>> -> memref<512xf32, #tpu.memory_space<vmem>>
    %dma_wait3A_992 = tpu.memref_slice %arg2[%select_n3A, %dma_wait3A_985, %mul3A_32] : memref<16x64x1024xf32, #tpu.memory_space<hbm>> -> memref<1x1x512xf32, #tpu.memory_space<hbm>>
    %dma_wait3A_993 = tpu.memref_squeeze %dma_wait3A_992 : memref<1x1x512xf32, #tpu.memory_space<hbm>> -> memref<512xf32, #tpu.memory_space<hbm>>
    tpu.wait_dma2 semaphore(%arg12 : memref<!tpu.dma_semaphore, #tpu.memory_space<semaphore_mem>>) src(%dma_wait3A_993 : memref<512xf32, #tpu.memory_space<hbm>>) dst(%dma_wait3A_991 : memref<512xf32, #tpu.memory_space<vmem>>)
    %dma_wait3A_994 = arith.constant 43 : i32
    %dma_wait3A_995 = arith.constant 22016 : i32
    %dma_wait3A_996 = tpu.memref_slice %arg9[%dma_wait3A_995] : memref<32768xf32, #tpu.memory_space<vmem>> -> memref<512xf32, #tpu.memory_space<vmem>>
    %dma_wait3A_997 = tpu.memref_slice %arg2[%select_n3A, %dma_wait3A_994, %mul3A_32] : memref<16x64x1024xf32, #tpu.memory_space<hbm>> -> memref<1x1x512xf32, #tpu.memory_space<hbm>>
    %dma_wait3A_998 = tpu.memref_squeeze %dma_wait3A_997 : memref<1x1x512xf32, #tpu.memory_space<hbm>> -> memref<512xf32, #tpu.memory_space<hbm>>
    %dma_wait3A_999 = arith.constant 22016 : i32
    %dma_wait3A_1000 = tpu.memref_slice %arg9[%dma_wait3A_999] : memref<32768xf32, #tpu.memory_space<vmem>> -> memref<512xf32, #tpu.memory_space<vmem>>
    %dma_wait3A_1001 = tpu.memref_slice %arg2[%select_n3A, %dma_wait3A_994, %mul3A_32] : memref<16x64x1024xf32, #tpu.memory_space<hbm>> -> memref<1x1x512xf32, #tpu.memory_space<hbm>>
    %dma_wait3A_1002 = tpu.memref_squeeze %dma_wait3A_1001 : memref<1x1x512xf32, #tpu.memory_space<hbm>> -> memref<512xf32, #tpu.memory_space<hbm>>
    tpu.wait_dma2 semaphore(%arg12 : memref<!tpu.dma_semaphore, #tpu.memory_space<semaphore_mem>>) src(%dma_wait3A_1002 : memref<512xf32, #tpu.memory_space<hbm>>) dst(%dma_wait3A_1000 : memref<512xf32, #tpu.memory_space<vmem>>)
    %dma_wait3A_1003 = arith.constant 44 : i32
    %dma_wait3A_1004 = arith.constant 22528 : i32
    %dma_wait3A_1005 = tpu.memref_slice %arg9[%dma_wait3A_1004] : memref<32768xf32, #tpu.memory_space<vmem>> -> memref<512xf32, #tpu.memory_space<vmem>>
    %dma_wait3A_1006 = tpu.memref_slice %arg2[%select_n3A, %dma_wait3A_1003, %mul3A_32] : memref<16x64x1024xf32, #tpu.memory_space<hbm>> -> memref<1x1x512xf32, #tpu.memory_space<hbm>>
    %dma_wait3A_1007 = tpu.memref_squeeze %dma_wait3A_1006 : memref<1x1x512xf32, #tpu.memory_space<hbm>> -> memref<512xf32, #tpu.memory_space<hbm>>
    %dma_wait3A_1008 = arith.constant 22528 : i32
    %dma_wait3A_1009 = tpu.memref_slice %arg9[%dma_wait3A_1008] : memref<32768xf32, #tpu.memory_space<vmem>> -> memref<512xf32, #tpu.memory_space<vmem>>
    %dma_wait3A_1010 = tpu.memref_slice %arg2[%select_n3A, %dma_wait3A_1003, %mul3A_32] : memref<16x64x1024xf32, #tpu.memory_space<hbm>> -> memref<1x1x512xf32, #tpu.memory_space<hbm>>
    %dma_wait3A_1011 = tpu.memref_squeeze %dma_wait3A_1010 : memref<1x1x512xf32, #tpu.memory_space<hbm>> -> memref<512xf32, #tpu.memory_space<hbm>>
    tpu.wait_dma2 semaphore(%arg12 : memref<!tpu.dma_semaphore, #tpu.memory_space<semaphore_mem>>) src(%dma_wait3A_1011 : memref<512xf32, #tpu.memory_space<hbm>>) dst(%dma_wait3A_1009 : memref<512xf32, #tpu.memory_space<vmem>>)
    %dma_wait3A_1012 = arith.constant 45 : i32
    %dma_wait3A_1013 = arith.constant 23040 : i32
    %dma_wait3A_1014 = tpu.memref_slice %arg9[%dma_wait3A_1013] : memref<32768xf32, #tpu.memory_space<vmem>> -> memref<512xf32, #tpu.memory_space<vmem>>
    %dma_wait3A_1015 = tpu.memref_slice %arg2[%select_n3A, %dma_wait3A_1012, %mul3A_32] : memref<16x64x1024xf32, #tpu.memory_space<hbm>> -> memref<1x1x512xf32, #tpu.memory_space<hbm>>
    %dma_wait3A_1016 = tpu.memref_squeeze %dma_wait3A_1015 : memref<1x1x512xf32, #tpu.memory_space<hbm>> -> memref<512xf32, #tpu.memory_space<hbm>>
    %dma_wait3A_1017 = arith.constant 23040 : i32
    %dma_wait3A_1018 = tpu.memref_slice %arg9[%dma_wait3A_1017] : memref<32768xf32, #tpu.memory_space<vmem>> -> memref<512xf32, #tpu.memory_space<vmem>>
    %dma_wait3A_1019 = tpu.memref_slice %arg2[%select_n3A, %dma_wait3A_1012, %mul3A_32] : memref<16x64x1024xf32, #tpu.memory_space<hbm>> -> memref<1x1x512xf32, #tpu.memory_space<hbm>>
    %dma_wait3A_1020 = tpu.memref_squeeze %dma_wait3A_1019 : memref<1x1x512xf32, #tpu.memory_space<hbm>> -> memref<512xf32, #tpu.memory_space<hbm>>
    tpu.wait_dma2 semaphore(%arg12 : memref<!tpu.dma_semaphore, #tpu.memory_space<semaphore_mem>>) src(%dma_wait3A_1020 : memref<512xf32, #tpu.memory_space<hbm>>) dst(%dma_wait3A_1018 : memref<512xf32, #tpu.memory_space<vmem>>)
    %dma_wait3A_1021 = arith.constant 46 : i32
    %dma_wait3A_1022 = arith.constant 23552 : i32
    %dma_wait3A_1023 = tpu.memref_slice %arg9[%dma_wait3A_1022] : memref<32768xf32, #tpu.memory_space<vmem>> -> memref<512xf32, #tpu.memory_space<vmem>>
    %dma_wait3A_1024 = tpu.memref_slice %arg2[%select_n3A, %dma_wait3A_1021, %mul3A_32] : memref<16x64x1024xf32, #tpu.memory_space<hbm>> -> memref<1x1x512xf32, #tpu.memory_space<hbm>>
    %dma_wait3A_1025 = tpu.memref_squeeze %dma_wait3A_1024 : memref<1x1x512xf32, #tpu.memory_space<hbm>> -> memref<512xf32, #tpu.memory_space<hbm>>
    %dma_wait3A_1026 = arith.constant 23552 : i32
    %dma_wait3A_1027 = tpu.memref_slice %arg9[%dma_wait3A_1026] : memref<32768xf32, #tpu.memory_space<vmem>> -> memref<512xf32, #tpu.memory_space<vmem>>
    %dma_wait3A_1028 = tpu.memref_slice %arg2[%select_n3A, %dma_wait3A_1021, %mul3A_32] : memref<16x64x1024xf32, #tpu.memory_space<hbm>> -> memref<1x1x512xf32, #tpu.memory_space<hbm>>
    %dma_wait3A_1029 = tpu.memref_squeeze %dma_wait3A_1028 : memref<1x1x512xf32, #tpu.memory_space<hbm>> -> memref<512xf32, #tpu.memory_space<hbm>>
    tpu.wait_dma2 semaphore(%arg12 : memref<!tpu.dma_semaphore, #tpu.memory_space<semaphore_mem>>) src(%dma_wait3A_1029 : memref<512xf32, #tpu.memory_space<hbm>>) dst(%dma_wait3A_1027 : memref<512xf32, #tpu.memory_space<vmem>>)
    %dma_wait3A_1030 = arith.constant 47 : i32
    %dma_wait3A_1031 = arith.constant 24064 : i32
    %dma_wait3A_1032 = tpu.memref_slice %arg9[%dma_wait3A_1031] : memref<32768xf32, #tpu.memory_space<vmem>> -> memref<512xf32, #tpu.memory_space<vmem>>
    %dma_wait3A_1033 = tpu.memref_slice %arg2[%select_n3A, %dma_wait3A_1030, %mul3A_32] : memref<16x64x1024xf32, #tpu.memory_space<hbm>> -> memref<1x1x512xf32, #tpu.memory_space<hbm>>
    %dma_wait3A_1034 = tpu.memref_squeeze %dma_wait3A_1033 : memref<1x1x512xf32, #tpu.memory_space<hbm>> -> memref<512xf32, #tpu.memory_space<hbm>>
    %dma_wait3A_1035 = arith.constant 24064 : i32
    %dma_wait3A_1036 = tpu.memref_slice %arg9[%dma_wait3A_1035] : memref<32768xf32, #tpu.memory_space<vmem>> -> memref<512xf32, #tpu.memory_space<vmem>>
    %dma_wait3A_1037 = tpu.memref_slice %arg2[%select_n3A, %dma_wait3A_1030, %mul3A_32] : memref<16x64x1024xf32, #tpu.memory_space<hbm>> -> memref<1x1x512xf32, #tpu.memory_space<hbm>>
    %dma_wait3A_1038 = tpu.memref_squeeze %dma_wait3A_1037 : memref<1x1x512xf32, #tpu.memory_space<hbm>> -> memref<512xf32, #tpu.memory_space<hbm>>
    tpu.wait_dma2 semaphore(%arg12 : memref<!tpu.dma_semaphore, #tpu.memory_space<semaphore_mem>>) src(%dma_wait3A_1038 : memref<512xf32, #tpu.memory_space<hbm>>) dst(%dma_wait3A_1036 : memref<512xf32, #tpu.memory_space<vmem>>)
    %dma_wait3A_1039 = arith.constant 48 : i32
    %dma_wait3A_1040 = arith.constant 24576 : i32
    %dma_wait3A_1041 = tpu.memref_slice %arg9[%dma_wait3A_1040] : memref<32768xf32, #tpu.memory_space<vmem>> -> memref<512xf32, #tpu.memory_space<vmem>>
    %dma_wait3A_1042 = tpu.memref_slice %arg2[%select_n3A, %dma_wait3A_1039, %mul3A_32] : memref<16x64x1024xf32, #tpu.memory_space<hbm>> -> memref<1x1x512xf32, #tpu.memory_space<hbm>>
    %dma_wait3A_1043 = tpu.memref_squeeze %dma_wait3A_1042 : memref<1x1x512xf32, #tpu.memory_space<hbm>> -> memref<512xf32, #tpu.memory_space<hbm>>
    %dma_wait3A_1044 = arith.constant 24576 : i32
    %dma_wait3A_1045 = tpu.memref_slice %arg9[%dma_wait3A_1044] : memref<32768xf32, #tpu.memory_space<vmem>> -> memref<512xf32, #tpu.memory_space<vmem>>
    %dma_wait3A_1046 = tpu.memref_slice %arg2[%select_n3A, %dma_wait3A_1039, %mul3A_32] : memref<16x64x1024xf32, #tpu.memory_space<hbm>> -> memref<1x1x512xf32, #tpu.memory_space<hbm>>
    %dma_wait3A_1047 = tpu.memref_squeeze %dma_wait3A_1046 : memref<1x1x512xf32, #tpu.memory_space<hbm>> -> memref<512xf32, #tpu.memory_space<hbm>>
    tpu.wait_dma2 semaphore(%arg12 : memref<!tpu.dma_semaphore, #tpu.memory_space<semaphore_mem>>) src(%dma_wait3A_1047 : memref<512xf32, #tpu.memory_space<hbm>>) dst(%dma_wait3A_1045 : memref<512xf32, #tpu.memory_space<vmem>>)
    %dma_wait3A_1048 = arith.constant 49 : i32
    %dma_wait3A_1049 = arith.constant 25088 : i32
    %dma_wait3A_1050 = tpu.memref_slice %arg9[%dma_wait3A_1049] : memref<32768xf32, #tpu.memory_space<vmem>> -> memref<512xf32, #tpu.memory_space<vmem>>
    %dma_wait3A_1051 = tpu.memref_slice %arg2[%select_n3A, %dma_wait3A_1048, %mul3A_32] : memref<16x64x1024xf32, #tpu.memory_space<hbm>> -> memref<1x1x512xf32, #tpu.memory_space<hbm>>
    %dma_wait3A_1052 = tpu.memref_squeeze %dma_wait3A_1051 : memref<1x1x512xf32, #tpu.memory_space<hbm>> -> memref<512xf32, #tpu.memory_space<hbm>>
    %dma_wait3A_1053 = arith.constant 25088 : i32
    %dma_wait3A_1054 = tpu.memref_slice %arg9[%dma_wait3A_1053] : memref<32768xf32, #tpu.memory_space<vmem>> -> memref<512xf32, #tpu.memory_space<vmem>>
    %dma_wait3A_1055 = tpu.memref_slice %arg2[%select_n3A, %dma_wait3A_1048, %mul3A_32] : memref<16x64x1024xf32, #tpu.memory_space<hbm>> -> memref<1x1x512xf32, #tpu.memory_space<hbm>>
    %dma_wait3A_1056 = tpu.memref_squeeze %dma_wait3A_1055 : memref<1x1x512xf32, #tpu.memory_space<hbm>> -> memref<512xf32, #tpu.memory_space<hbm>>
    tpu.wait_dma2 semaphore(%arg12 : memref<!tpu.dma_semaphore, #tpu.memory_space<semaphore_mem>>) src(%dma_wait3A_1056 : memref<512xf32, #tpu.memory_space<hbm>>) dst(%dma_wait3A_1054 : memref<512xf32, #tpu.memory_space<vmem>>)
    %dma_wait3A_1057 = arith.constant 50 : i32
    %dma_wait3A_1058 = arith.constant 25600 : i32
    %dma_wait3A_1059 = tpu.memref_slice %arg9[%dma_wait3A_1058] : memref<32768xf32, #tpu.memory_space<vmem>> -> memref<512xf32, #tpu.memory_space<vmem>>
    %dma_wait3A_1060 = tpu.memref_slice %arg2[%select_n3A, %dma_wait3A_1057, %mul3A_32] : memref<16x64x1024xf32, #tpu.memory_space<hbm>> -> memref<1x1x512xf32, #tpu.memory_space<hbm>>
    %dma_wait3A_1061 = tpu.memref_squeeze %dma_wait3A_1060 : memref<1x1x512xf32, #tpu.memory_space<hbm>> -> memref<512xf32, #tpu.memory_space<hbm>>
    %dma_wait3A_1062 = arith.constant 25600 : i32
    %dma_wait3A_1063 = tpu.memref_slice %arg9[%dma_wait3A_1062] : memref<32768xf32, #tpu.memory_space<vmem>> -> memref<512xf32, #tpu.memory_space<vmem>>
    %dma_wait3A_1064 = tpu.memref_slice %arg2[%select_n3A, %dma_wait3A_1057, %mul3A_32] : memref<16x64x1024xf32, #tpu.memory_space<hbm>> -> memref<1x1x512xf32, #tpu.memory_space<hbm>>
    %dma_wait3A_1065 = tpu.memref_squeeze %dma_wait3A_1064 : memref<1x1x512xf32, #tpu.memory_space<hbm>> -> memref<512xf32, #tpu.memory_space<hbm>>
    tpu.wait_dma2 semaphore(%arg12 : memref<!tpu.dma_semaphore, #tpu.memory_space<semaphore_mem>>) src(%dma_wait3A_1065 : memref<512xf32, #tpu.memory_space<hbm>>) dst(%dma_wait3A_1063 : memref<512xf32, #tpu.memory_space<vmem>>)
    %dma_wait3A_1066 = arith.constant 51 : i32
    %dma_wait3A_1067 = arith.constant 26112 : i32
    %dma_wait3A_1068 = tpu.memref_slice %arg9[%dma_wait3A_1067] : memref<32768xf32, #tpu.memory_space<vmem>> -> memref<512xf32, #tpu.memory_space<vmem>>
    %dma_wait3A_1069 = tpu.memref_slice %arg2[%select_n3A, %dma_wait3A_1066, %mul3A_32] : memref<16x64x1024xf32, #tpu.memory_space<hbm>> -> memref<1x1x512xf32, #tpu.memory_space<hbm>>
    %dma_wait3A_1070 = tpu.memref_squeeze %dma_wait3A_1069 : memref<1x1x512xf32, #tpu.memory_space<hbm>> -> memref<512xf32, #tpu.memory_space<hbm>>
    %dma_wait3A_1071 = arith.constant 26112 : i32
    %dma_wait3A_1072 = tpu.memref_slice %arg9[%dma_wait3A_1071] : memref<32768xf32, #tpu.memory_space<vmem>> -> memref<512xf32, #tpu.memory_space<vmem>>
    %dma_wait3A_1073 = tpu.memref_slice %arg2[%select_n3A, %dma_wait3A_1066, %mul3A_32] : memref<16x64x1024xf32, #tpu.memory_space<hbm>> -> memref<1x1x512xf32, #tpu.memory_space<hbm>>
    %dma_wait3A_1074 = tpu.memref_squeeze %dma_wait3A_1073 : memref<1x1x512xf32, #tpu.memory_space<hbm>> -> memref<512xf32, #tpu.memory_space<hbm>>
    tpu.wait_dma2 semaphore(%arg12 : memref<!tpu.dma_semaphore, #tpu.memory_space<semaphore_mem>>) src(%dma_wait3A_1074 : memref<512xf32, #tpu.memory_space<hbm>>) dst(%dma_wait3A_1072 : memref<512xf32, #tpu.memory_space<vmem>>)
    %dma_wait3A_1075 = arith.constant 52 : i32
    %dma_wait3A_1076 = arith.constant 26624 : i32
    %dma_wait3A_1077 = tpu.memref_slice %arg9[%dma_wait3A_1076] : memref<32768xf32, #tpu.memory_space<vmem>> -> memref<512xf32, #tpu.memory_space<vmem>>
    %dma_wait3A_1078 = tpu.memref_slice %arg2[%select_n3A, %dma_wait3A_1075, %mul3A_32] : memref<16x64x1024xf32, #tpu.memory_space<hbm>> -> memref<1x1x512xf32, #tpu.memory_space<hbm>>
    %dma_wait3A_1079 = tpu.memref_squeeze %dma_wait3A_1078 : memref<1x1x512xf32, #tpu.memory_space<hbm>> -> memref<512xf32, #tpu.memory_space<hbm>>
    %dma_wait3A_1080 = arith.constant 26624 : i32
    %dma_wait3A_1081 = tpu.memref_slice %arg9[%dma_wait3A_1080] : memref<32768xf32, #tpu.memory_space<vmem>> -> memref<512xf32, #tpu.memory_space<vmem>>
    %dma_wait3A_1082 = tpu.memref_slice %arg2[%select_n3A, %dma_wait3A_1075, %mul3A_32] : memref<16x64x1024xf32, #tpu.memory_space<hbm>> -> memref<1x1x512xf32, #tpu.memory_space<hbm>>
    %dma_wait3A_1083 = tpu.memref_squeeze %dma_wait3A_1082 : memref<1x1x512xf32, #tpu.memory_space<hbm>> -> memref<512xf32, #tpu.memory_space<hbm>>
    tpu.wait_dma2 semaphore(%arg12 : memref<!tpu.dma_semaphore, #tpu.memory_space<semaphore_mem>>) src(%dma_wait3A_1083 : memref<512xf32, #tpu.memory_space<hbm>>) dst(%dma_wait3A_1081 : memref<512xf32, #tpu.memory_space<vmem>>)
    %dma_wait3A_1084 = arith.constant 53 : i32
    %dma_wait3A_1085 = arith.constant 27136 : i32
    %dma_wait3A_1086 = tpu.memref_slice %arg9[%dma_wait3A_1085] : memref<32768xf32, #tpu.memory_space<vmem>> -> memref<512xf32, #tpu.memory_space<vmem>>
    %dma_wait3A_1087 = tpu.memref_slice %arg2[%select_n3A, %dma_wait3A_1084, %mul3A_32] : memref<16x64x1024xf32, #tpu.memory_space<hbm>> -> memref<1x1x512xf32, #tpu.memory_space<hbm>>
    %dma_wait3A_1088 = tpu.memref_squeeze %dma_wait3A_1087 : memref<1x1x512xf32, #tpu.memory_space<hbm>> -> memref<512xf32, #tpu.memory_space<hbm>>
    %dma_wait3A_1089 = arith.constant 27136 : i32
    %dma_wait3A_1090 = tpu.memref_slice %arg9[%dma_wait3A_1089] : memref<32768xf32, #tpu.memory_space<vmem>> -> memref<512xf32, #tpu.memory_space<vmem>>
    %dma_wait3A_1091 = tpu.memref_slice %arg2[%select_n3A, %dma_wait3A_1084, %mul3A_32] : memref<16x64x1024xf32, #tpu.memory_space<hbm>> -> memref<1x1x512xf32, #tpu.memory_space<hbm>>
    %dma_wait3A_1092 = tpu.memref_squeeze %dma_wait3A_1091 : memref<1x1x512xf32, #tpu.memory_space<hbm>> -> memref<512xf32, #tpu.memory_space<hbm>>
    tpu.wait_dma2 semaphore(%arg12 : memref<!tpu.dma_semaphore, #tpu.memory_space<semaphore_mem>>) src(%dma_wait3A_1092 : memref<512xf32, #tpu.memory_space<hbm>>) dst(%dma_wait3A_1090 : memref<512xf32, #tpu.memory_space<vmem>>)
    %dma_wait3A_1093 = arith.constant 54 : i32
    %dma_wait3A_1094 = arith.constant 27648 : i32
    %dma_wait3A_1095 = tpu.memref_slice %arg9[%dma_wait3A_1094] : memref<32768xf32, #tpu.memory_space<vmem>> -> memref<512xf32, #tpu.memory_space<vmem>>
    %dma_wait3A_1096 = tpu.memref_slice %arg2[%select_n3A, %dma_wait3A_1093, %mul3A_32] : memref<16x64x1024xf32, #tpu.memory_space<hbm>> -> memref<1x1x512xf32, #tpu.memory_space<hbm>>
    %dma_wait3A_1097 = tpu.memref_squeeze %dma_wait3A_1096 : memref<1x1x512xf32, #tpu.memory_space<hbm>> -> memref<512xf32, #tpu.memory_space<hbm>>
    %dma_wait3A_1098 = arith.constant 27648 : i32
    %dma_wait3A_1099 = tpu.memref_slice %arg9[%dma_wait3A_1098] : memref<32768xf32, #tpu.memory_space<vmem>> -> memref<512xf32, #tpu.memory_space<vmem>>
    %dma_wait3A_1100 = tpu.memref_slice %arg2[%select_n3A, %dma_wait3A_1093, %mul3A_32] : memref<16x64x1024xf32, #tpu.memory_space<hbm>> -> memref<1x1x512xf32, #tpu.memory_space<hbm>>
    %dma_wait3A_1101 = tpu.memref_squeeze %dma_wait3A_1100 : memref<1x1x512xf32, #tpu.memory_space<hbm>> -> memref<512xf32, #tpu.memory_space<hbm>>
    tpu.wait_dma2 semaphore(%arg12 : memref<!tpu.dma_semaphore, #tpu.memory_space<semaphore_mem>>) src(%dma_wait3A_1101 : memref<512xf32, #tpu.memory_space<hbm>>) dst(%dma_wait3A_1099 : memref<512xf32, #tpu.memory_space<vmem>>)
    %dma_wait3A_1102 = arith.constant 55 : i32
    %dma_wait3A_1103 = arith.constant 28160 : i32
    %dma_wait3A_1104 = tpu.memref_slice %arg9[%dma_wait3A_1103] : memref<32768xf32, #tpu.memory_space<vmem>> -> memref<512xf32, #tpu.memory_space<vmem>>
    %dma_wait3A_1105 = tpu.memref_slice %arg2[%select_n3A, %dma_wait3A_1102, %mul3A_32] : memref<16x64x1024xf32, #tpu.memory_space<hbm>> -> memref<1x1x512xf32, #tpu.memory_space<hbm>>
    %dma_wait3A_1106 = tpu.memref_squeeze %dma_wait3A_1105 : memref<1x1x512xf32, #tpu.memory_space<hbm>> -> memref<512xf32, #tpu.memory_space<hbm>>
    %dma_wait3A_1107 = arith.constant 28160 : i32
    %dma_wait3A_1108 = tpu.memref_slice %arg9[%dma_wait3A_1107] : memref<32768xf32, #tpu.memory_space<vmem>> -> memref<512xf32, #tpu.memory_space<vmem>>
    %dma_wait3A_1109 = tpu.memref_slice %arg2[%select_n3A, %dma_wait3A_1102, %mul3A_32] : memref<16x64x1024xf32, #tpu.memory_space<hbm>> -> memref<1x1x512xf32, #tpu.memory_space<hbm>>
    %dma_wait3A_1110 = tpu.memref_squeeze %dma_wait3A_1109 : memref<1x1x512xf32, #tpu.memory_space<hbm>> -> memref<512xf32, #tpu.memory_space<hbm>>
    tpu.wait_dma2 semaphore(%arg12 : memref<!tpu.dma_semaphore, #tpu.memory_space<semaphore_mem>>) src(%dma_wait3A_1110 : memref<512xf32, #tpu.memory_space<hbm>>) dst(%dma_wait3A_1108 : memref<512xf32, #tpu.memory_space<vmem>>)
    %dma_wait3A_1111 = arith.constant 56 : i32
    %dma_wait3A_1112 = arith.constant 28672 : i32
    %dma_wait3A_1113 = tpu.memref_slice %arg9[%dma_wait3A_1112] : memref<32768xf32, #tpu.memory_space<vmem>> -> memref<512xf32, #tpu.memory_space<vmem>>
    %dma_wait3A_1114 = tpu.memref_slice %arg2[%select_n3A, %dma_wait3A_1111, %mul3A_32] : memref<16x64x1024xf32, #tpu.memory_space<hbm>> -> memref<1x1x512xf32, #tpu.memory_space<hbm>>
    %dma_wait3A_1115 = tpu.memref_squeeze %dma_wait3A_1114 : memref<1x1x512xf32, #tpu.memory_space<hbm>> -> memref<512xf32, #tpu.memory_space<hbm>>
    %dma_wait3A_1116 = arith.constant 28672 : i32
    %dma_wait3A_1117 = tpu.memref_slice %arg9[%dma_wait3A_1116] : memref<32768xf32, #tpu.memory_space<vmem>> -> memref<512xf32, #tpu.memory_space<vmem>>
    %dma_wait3A_1118 = tpu.memref_slice %arg2[%select_n3A, %dma_wait3A_1111, %mul3A_32] : memref<16x64x1024xf32, #tpu.memory_space<hbm>> -> memref<1x1x512xf32, #tpu.memory_space<hbm>>
    %dma_wait3A_1119 = tpu.memref_squeeze %dma_wait3A_1118 : memref<1x1x512xf32, #tpu.memory_space<hbm>> -> memref<512xf32, #tpu.memory_space<hbm>>
    tpu.wait_dma2 semaphore(%arg12 : memref<!tpu.dma_semaphore, #tpu.memory_space<semaphore_mem>>) src(%dma_wait3A_1119 : memref<512xf32, #tpu.memory_space<hbm>>) dst(%dma_wait3A_1117 : memref<512xf32, #tpu.memory_space<vmem>>)
    %dma_wait3A_1120 = arith.constant 57 : i32
    %dma_wait3A_1121 = arith.constant 29184 : i32
    %dma_wait3A_1122 = tpu.memref_slice %arg9[%dma_wait3A_1121] : memref<32768xf32, #tpu.memory_space<vmem>> -> memref<512xf32, #tpu.memory_space<vmem>>
    %dma_wait3A_1123 = tpu.memref_slice %arg2[%select_n3A, %dma_wait3A_1120, %mul3A_32] : memref<16x64x1024xf32, #tpu.memory_space<hbm>> -> memref<1x1x512xf32, #tpu.memory_space<hbm>>
    %dma_wait3A_1124 = tpu.memref_squeeze %dma_wait3A_1123 : memref<1x1x512xf32, #tpu.memory_space<hbm>> -> memref<512xf32, #tpu.memory_space<hbm>>
    %dma_wait3A_1125 = arith.constant 29184 : i32
    %dma_wait3A_1126 = tpu.memref_slice %arg9[%dma_wait3A_1125] : memref<32768xf32, #tpu.memory_space<vmem>> -> memref<512xf32, #tpu.memory_space<vmem>>
    %dma_wait3A_1127 = tpu.memref_slice %arg2[%select_n3A, %dma_wait3A_1120, %mul3A_32] : memref<16x64x1024xf32, #tpu.memory_space<hbm>> -> memref<1x1x512xf32, #tpu.memory_space<hbm>>
    %dma_wait3A_1128 = tpu.memref_squeeze %dma_wait3A_1127 : memref<1x1x512xf32, #tpu.memory_space<hbm>> -> memref<512xf32, #tpu.memory_space<hbm>>
    tpu.wait_dma2 semaphore(%arg12 : memref<!tpu.dma_semaphore, #tpu.memory_space<semaphore_mem>>) src(%dma_wait3A_1128 : memref<512xf32, #tpu.memory_space<hbm>>) dst(%dma_wait3A_1126 : memref<512xf32, #tpu.memory_space<vmem>>)
    %dma_wait3A_1129 = arith.constant 58 : i32
    %dma_wait3A_1130 = arith.constant 29696 : i32
    %dma_wait3A_1131 = tpu.memref_slice %arg9[%dma_wait3A_1130] : memref<32768xf32, #tpu.memory_space<vmem>> -> memref<512xf32, #tpu.memory_space<vmem>>
    %dma_wait3A_1132 = tpu.memref_slice %arg2[%select_n3A, %dma_wait3A_1129, %mul3A_32] : memref<16x64x1024xf32, #tpu.memory_space<hbm>> -> memref<1x1x512xf32, #tpu.memory_space<hbm>>
    %dma_wait3A_1133 = tpu.memref_squeeze %dma_wait3A_1132 : memref<1x1x512xf32, #tpu.memory_space<hbm>> -> memref<512xf32, #tpu.memory_space<hbm>>
    %dma_wait3A_1134 = arith.constant 29696 : i32
    %dma_wait3A_1135 = tpu.memref_slice %arg9[%dma_wait3A_1134] : memref<32768xf32, #tpu.memory_space<vmem>> -> memref<512xf32, #tpu.memory_space<vmem>>
    %dma_wait3A_1136 = tpu.memref_slice %arg2[%select_n3A, %dma_wait3A_1129, %mul3A_32] : memref<16x64x1024xf32, #tpu.memory_space<hbm>> -> memref<1x1x512xf32, #tpu.memory_space<hbm>>
    %dma_wait3A_1137 = tpu.memref_squeeze %dma_wait3A_1136 : memref<1x1x512xf32, #tpu.memory_space<hbm>> -> memref<512xf32, #tpu.memory_space<hbm>>
    tpu.wait_dma2 semaphore(%arg12 : memref<!tpu.dma_semaphore, #tpu.memory_space<semaphore_mem>>) src(%dma_wait3A_1137 : memref<512xf32, #tpu.memory_space<hbm>>) dst(%dma_wait3A_1135 : memref<512xf32, #tpu.memory_space<vmem>>)
    %dma_wait3A_1138 = arith.constant 59 : i32
    %dma_wait3A_1139 = arith.constant 30208 : i32
    %dma_wait3A_1140 = tpu.memref_slice %arg9[%dma_wait3A_1139] : memref<32768xf32, #tpu.memory_space<vmem>> -> memref<512xf32, #tpu.memory_space<vmem>>
    %dma_wait3A_1141 = tpu.memref_slice %arg2[%select_n3A, %dma_wait3A_1138, %mul3A_32] : memref<16x64x1024xf32, #tpu.memory_space<hbm>> -> memref<1x1x512xf32, #tpu.memory_space<hbm>>
    %dma_wait3A_1142 = tpu.memref_squeeze %dma_wait3A_1141 : memref<1x1x512xf32, #tpu.memory_space<hbm>> -> memref<512xf32, #tpu.memory_space<hbm>>
    %dma_wait3A_1143 = arith.constant 30208 : i32
    %dma_wait3A_1144 = tpu.memref_slice %arg9[%dma_wait3A_1143] : memref<32768xf32, #tpu.memory_space<vmem>> -> memref<512xf32, #tpu.memory_space<vmem>>
    %dma_wait3A_1145 = tpu.memref_slice %arg2[%select_n3A, %dma_wait3A_1138, %mul3A_32] : memref<16x64x1024xf32, #tpu.memory_space<hbm>> -> memref<1x1x512xf32, #tpu.memory_space<hbm>>
    %dma_wait3A_1146 = tpu.memref_squeeze %dma_wait3A_1145 : memref<1x1x512xf32, #tpu.memory_space<hbm>> -> memref<512xf32, #tpu.memory_space<hbm>>
    tpu.wait_dma2 semaphore(%arg12 : memref<!tpu.dma_semaphore, #tpu.memory_space<semaphore_mem>>) src(%dma_wait3A_1146 : memref<512xf32, #tpu.memory_space<hbm>>) dst(%dma_wait3A_1144 : memref<512xf32, #tpu.memory_space<vmem>>)
    %dma_wait3A_1147 = arith.constant 60 : i32
    %dma_wait3A_1148 = arith.constant 30720 : i32
    %dma_wait3A_1149 = tpu.memref_slice %arg9[%dma_wait3A_1148] : memref<32768xf32, #tpu.memory_space<vmem>> -> memref<512xf32, #tpu.memory_space<vmem>>
    %dma_wait3A_1150 = tpu.memref_slice %arg2[%select_n3A, %dma_wait3A_1147, %mul3A_32] : memref<16x64x1024xf32, #tpu.memory_space<hbm>> -> memref<1x1x512xf32, #tpu.memory_space<hbm>>
    %dma_wait3A_1151 = tpu.memref_squeeze %dma_wait3A_1150 : memref<1x1x512xf32, #tpu.memory_space<hbm>> -> memref<512xf32, #tpu.memory_space<hbm>>
    %dma_wait3A_1152 = arith.constant 30720 : i32
    %dma_wait3A_1153 = tpu.memref_slice %arg9[%dma_wait3A_1152] : memref<32768xf32, #tpu.memory_space<vmem>> -> memref<512xf32, #tpu.memory_space<vmem>>
    %dma_wait3A_1154 = tpu.memref_slice %arg2[%select_n3A, %dma_wait3A_1147, %mul3A_32] : memref<16x64x1024xf32, #tpu.memory_space<hbm>> -> memref<1x1x512xf32, #tpu.memory_space<hbm>>
    %dma_wait3A_1155 = tpu.memref_squeeze %dma_wait3A_1154 : memref<1x1x512xf32, #tpu.memory_space<hbm>> -> memref<512xf32, #tpu.memory_space<hbm>>
    tpu.wait_dma2 semaphore(%arg12 : memref<!tpu.dma_semaphore, #tpu.memory_space<semaphore_mem>>) src(%dma_wait3A_1155 : memref<512xf32, #tpu.memory_space<hbm>>) dst(%dma_wait3A_1153 : memref<512xf32, #tpu.memory_space<vmem>>)
    %dma_wait3A_1156 = arith.constant 61 : i32
    %dma_wait3A_1157 = arith.constant 31232 : i32
    %dma_wait3A_1158 = tpu.memref_slice %arg9[%dma_wait3A_1157] : memref<32768xf32, #tpu.memory_space<vmem>> -> memref<512xf32, #tpu.memory_space<vmem>>
    %dma_wait3A_1159 = tpu.memref_slice %arg2[%select_n3A, %dma_wait3A_1156, %mul3A_32] : memref<16x64x1024xf32, #tpu.memory_space<hbm>> -> memref<1x1x512xf32, #tpu.memory_space<hbm>>
    %dma_wait3A_1160 = tpu.memref_squeeze %dma_wait3A_1159 : memref<1x1x512xf32, #tpu.memory_space<hbm>> -> memref<512xf32, #tpu.memory_space<hbm>>
    %dma_wait3A_1161 = arith.constant 31232 : i32
    %dma_wait3A_1162 = tpu.memref_slice %arg9[%dma_wait3A_1161] : memref<32768xf32, #tpu.memory_space<vmem>> -> memref<512xf32, #tpu.memory_space<vmem>>
    %dma_wait3A_1163 = tpu.memref_slice %arg2[%select_n3A, %dma_wait3A_1156, %mul3A_32] : memref<16x64x1024xf32, #tpu.memory_space<hbm>> -> memref<1x1x512xf32, #tpu.memory_space<hbm>>
    %dma_wait3A_1164 = tpu.memref_squeeze %dma_wait3A_1163 : memref<1x1x512xf32, #tpu.memory_space<hbm>> -> memref<512xf32, #tpu.memory_space<hbm>>
    tpu.wait_dma2 semaphore(%arg12 : memref<!tpu.dma_semaphore, #tpu.memory_space<semaphore_mem>>) src(%dma_wait3A_1164 : memref<512xf32, #tpu.memory_space<hbm>>) dst(%dma_wait3A_1162 : memref<512xf32, #tpu.memory_space<vmem>>)
    %dma_wait3A_1165 = arith.constant 62 : i32
    %dma_wait3A_1166 = arith.constant 31744 : i32
    %dma_wait3A_1167 = tpu.memref_slice %arg9[%dma_wait3A_1166] : memref<32768xf32, #tpu.memory_space<vmem>> -> memref<512xf32, #tpu.memory_space<vmem>>
    %dma_wait3A_1168 = tpu.memref_slice %arg2[%select_n3A, %dma_wait3A_1165, %mul3A_32] : memref<16x64x1024xf32, #tpu.memory_space<hbm>> -> memref<1x1x512xf32, #tpu.memory_space<hbm>>
    %dma_wait3A_1169 = tpu.memref_squeeze %dma_wait3A_1168 : memref<1x1x512xf32, #tpu.memory_space<hbm>> -> memref<512xf32, #tpu.memory_space<hbm>>
    %dma_wait3A_1170 = arith.constant 31744 : i32
    %dma_wait3A_1171 = tpu.memref_slice %arg9[%dma_wait3A_1170] : memref<32768xf32, #tpu.memory_space<vmem>> -> memref<512xf32, #tpu.memory_space<vmem>>
    %dma_wait3A_1172 = tpu.memref_slice %arg2[%select_n3A, %dma_wait3A_1165, %mul3A_32] : memref<16x64x1024xf32, #tpu.memory_space<hbm>> -> memref<1x1x512xf32, #tpu.memory_space<hbm>>
    %dma_wait3A_1173 = tpu.memref_squeeze %dma_wait3A_1172 : memref<1x1x512xf32, #tpu.memory_space<hbm>> -> memref<512xf32, #tpu.memory_space<hbm>>
    tpu.wait_dma2 semaphore(%arg12 : memref<!tpu.dma_semaphore, #tpu.memory_space<semaphore_mem>>) src(%dma_wait3A_1173 : memref<512xf32, #tpu.memory_space<hbm>>) dst(%dma_wait3A_1171 : memref<512xf32, #tpu.memory_space<vmem>>)
    %dma_wait3A_1174 = arith.constant 63 : i32
    %dma_wait3A_1175 = arith.constant 32256 : i32
    %dma_wait3A_1176 = tpu.memref_slice %arg9[%dma_wait3A_1175] : memref<32768xf32, #tpu.memory_space<vmem>> -> memref<512xf32, #tpu.memory_space<vmem>>
    %dma_wait3A_1177 = tpu.memref_slice %arg2[%select_n3A, %dma_wait3A_1174, %mul3A_32] : memref<16x64x1024xf32, #tpu.memory_space<hbm>> -> memref<1x1x512xf32, #tpu.memory_space<hbm>>
    %dma_wait3A_1178 = tpu.memref_squeeze %dma_wait3A_1177 : memref<1x1x512xf32, #tpu.memory_space<hbm>> -> memref<512xf32, #tpu.memory_space<hbm>>
    %dma_wait3A_1179 = arith.constant 32256 : i32
    %dma_wait3A_1180 = tpu.memref_slice %arg9[%dma_wait3A_1179] : memref<32768xf32, #tpu.memory_space<vmem>> -> memref<512xf32, #tpu.memory_space<vmem>>
    %dma_wait3A_1181 = tpu.memref_slice %arg2[%select_n3A, %dma_wait3A_1174, %mul3A_32] : memref<16x64x1024xf32, #tpu.memory_space<hbm>> -> memref<1x1x512xf32, #tpu.memory_space<hbm>>
    %dma_wait3A_1182 = tpu.memref_squeeze %dma_wait3A_1181 : memref<1x1x512xf32, #tpu.memory_space<hbm>> -> memref<512xf32, #tpu.memory_space<hbm>>
    tpu.wait_dma2 semaphore(%arg12 : memref<!tpu.dma_semaphore, #tpu.memory_space<semaphore_mem>>) src(%dma_wait3A_1182 : memref<512xf32, #tpu.memory_space<hbm>>) dst(%dma_wait3A_1180 : memref<512xf32, #tpu.memory_space<vmem>>)
    %iota3A = tpu.iota {dimensions = array<i32: 0>} : vector<16xi32>
    %mul3A_1183 = arith.constant 512 : i32
    %mul3A_1184 = vector.broadcast %mul3A_1183 : i32 to vector<16xi32>
    %mul3A_1185 = arith.muli %iota3A, %mul3A_1184 : vector<16xi32>
    %broadcast_in_dim3A = arith.constant 0.000000e+00 : f32
    %broadcast_in_dim3A_1186 = vector.broadcast %broadcast_in_dim3A : f32 to vector<16xf32>
    %dma_start3A_1187 = arith.constant 0 : i32
    %dma_start3A_1188 = tpu.memref_slice %arg7[%dma_start3A_1187] : memref<512xi32, #tpu.memory_space<vmem>> -> memref<256xi32, #tpu.memory_space<vmem>>
    %dma_start3A_1189 = arith.constant 0 : i32
    %dma_start3A_1190 = arith.constant 0 : i32
    %dma_start3A_1191 = tpu.memref_slice %arg3[%dma_start3A_1189, %dma_start3A_1190] : memref<1024x128xf32, #tpu.memory_space<hbm>> -> memref<1024x128xf32, #tpu.memory_space<hbm>>
    tpu.enqueue_indirect_dma source(%dma_start3A_1191 : memref<1024x128xf32, #tpu.memory_space<hbm>>) target(%arg8 : memref<256x128xf32, #tpu.memory_space<vmem>>) offsets(%dma_start3A_1188 : memref<256xi32, #tpu.memory_space<vmem>>) semaphore(%arg12 : memref<!tpu.dma_semaphore, #tpu.memory_space<semaphore_mem>>)
    %dma_wait3A_1192 = arith.constant 0 : i32
    %dma_wait3A_1193 = tpu.memref_slice %arg7[%dma_wait3A_1192] : memref<512xi32, #tpu.memory_space<vmem>> -> memref<256xi32, #tpu.memory_space<vmem>>
    %dma_wait3A_1194 = arith.constant 0 : i32
    %dma_wait3A_1195 = arith.constant 0 : i32
    %dma_wait3A_1196 = tpu.memref_slice %arg3[%dma_wait3A_1194, %dma_wait3A_1195] : memref<1024x128xf32, #tpu.memory_space<hbm>> -> memref<1024x128xf32, #tpu.memory_space<hbm>>
    tpu.wait_indirect_dma semaphore(%arg12 : memref<!tpu.dma_semaphore, #tpu.memory_space<semaphore_mem>>) src(%dma_wait3A_1196 : memref<1024x128xf32, #tpu.memory_space<hbm>>) dst(%arg8 : memref<256x128xf32, #tpu.memory_space<vmem>>)
    %scan3A = arith.constant 0 : i32
    %scan3A_1197 = arith.constant 256 : i32
    %scan3A_1198 = arith.addi %scan3A, %scan3A_1197 : i32
    %scan3A_1199 = arith.constant 1 : i32
    %scan3A_1200:4 = scf.for %scan3A_2374 = %scan3A to %scan3A_1198 step %scan3A_1199 iter_args(%scan3A_2375 = %broadcast_in_dim3A_1186, %scan3A_2376 = %broadcast_in_dim3A_1186, %scan3A_2377 = %broadcast_in_dim3A_1186, %scan3A_2378 = %broadcast_in_dim3A_1186) -> (vector<16xf32>, vector<16xf32>, vector<16xf32>, vector<16xf32>)  : i32 {
      %add3A_2379 = arith.constant 0 : i32
      %add3A_2380 = arith.addi %add3A_2379, %scan3A_2374 : i32
      %add3A_2381 = vector.broadcast %add3A_2380 : i32 to vector<16xi32>
      %add3A_2382 = arith.addi %mul3A_1185, %add3A_2381 : vector<16xi32>
      %get3A = arith.index_cast %scan3A_2374 : i32 to index
      %get3A_2383 = arith.constant 0 : index
      %get3A_2384 = tpu.vector_load %arg8[%get3A, %get3A_2383] {strides = array<i32>} : memref<256x128xf32, #tpu.memory_space<vmem>>, vector<16xf32>,
      %gather3A = tpu.vector_load_idx %arg9[%add3A_2382] : memref<32768xf32, #tpu.memory_space<vmem>>[vector<16xi32>], vector<16xf32>,
      %sub3A_2385 = arith.subf %get3A_2384, %gather3A : vector<16xf32>
      %mul3A_2386 = arith.mulf %sub3A_2385, %sub3A_2385 : vector<16xf32>
      %add3A_2387 = arith.addf %scan3A_2375, %mul3A_2386 : vector<16xf32>
      %add3A_2388 = arith.addf %gather3A, %sub3A_2385 : vector<16xf32>
      tpu.vector_store_idx %arg10[%add3A_2382], %add3A_2388 : memref<32768xf32, #tpu.memory_space<vmem>>[vector<16xi32>], vector<16xf32>,
      %add3A_2389 = arith.constant 8192 : i32
      %add3A_2390 = arith.addi %add3A_2389, %scan3A_2374 : i32
      %add3A_2391 = vector.broadcast %add3A_2390 : i32 to vector<16xi32>
      %add3A_2392 = arith.addi %mul3A_1185, %add3A_2391 : vector<16xi32>
      %get3A_2393 = arith.index_cast %scan3A_2374 : i32 to index
      %get3A_2394 = arith.constant 16 : index
      %get3A_2395 = tpu.vector_load %arg8[%get3A_2393, %get3A_2394] {strides = array<i32>} : memref<256x128xf32, #tpu.memory_space<vmem>>, vector<16xf32>,
      %gather3A_2396 = tpu.vector_load_idx %arg9[%add3A_2392] : memref<32768xf32, #tpu.memory_space<vmem>>[vector<16xi32>], vector<16xf32>,
      %sub3A_2397 = arith.subf %get3A_2395, %gather3A_2396 : vector<16xf32>
      %mul3A_2398 = arith.mulf %sub3A_2397, %sub3A_2397 : vector<16xf32>
      %add3A_2399 = arith.addf %scan3A_2376, %mul3A_2398 : vector<16xf32>
      %add3A_2400 = arith.addf %gather3A_2396, %sub3A_2397 : vector<16xf32>
      tpu.vector_store_idx %arg10[%add3A_2392], %add3A_2400 : memref<32768xf32, #tpu.memory_space<vmem>>[vector<16xi32>], vector<16xf32>,
      %add3A_2401 = arith.constant 16384 : i32
      %add3A_2402 = arith.addi %add3A_2401, %scan3A_2374 : i32
      %add3A_2403 = vector.broadcast %add3A_2402 : i32 to vector<16xi32>
      %add3A_2404 = arith.addi %mul3A_1185, %add3A_2403 : vector<16xi32>
      %get3A_2405 = arith.index_cast %scan3A_2374 : i32 to index
      %get3A_2406 = arith.constant 32 : index
      %get3A_2407 = tpu.vector_load %arg8[%get3A_2405, %get3A_2406] {strides = array<i32>} : memref<256x128xf32, #tpu.memory_space<vmem>>, vector<16xf32>,
      %gather3A_2408 = tpu.vector_load_idx %arg9[%add3A_2404] : memref<32768xf32, #tpu.memory_space<vmem>>[vector<16xi32>], vector<16xf32>,
      %sub3A_2409 = arith.subf %get3A_2407, %gather3A_2408 : vector<16xf32>
      %mul3A_2410 = arith.mulf %sub3A_2409, %sub3A_2409 : vector<16xf32>
      %add3A_2411 = arith.addf %scan3A_2377, %mul3A_2410 : vector<16xf32>
      %add3A_2412 = arith.addf %gather3A_2408, %sub3A_2409 : vector<16xf32>
      tpu.vector_store_idx %arg10[%add3A_2404], %add3A_2412 : memref<32768xf32, #tpu.memory_space<vmem>>[vector<16xi32>], vector<16xf32>,
      %add3A_2413 = arith.constant 24576 : i32
      %add3A_2414 = arith.addi %add3A_2413, %scan3A_2374 : i32
      %add3A_2415 = vector.broadcast %add3A_2414 : i32 to vector<16xi32>
      %add3A_2416 = arith.addi %mul3A_1185, %add3A_2415 : vector<16xi32>
      %get3A_2417 = arith.index_cast %scan3A_2374 : i32 to index
      %get3A_2418 = arith.constant 48 : index
      %get3A_2419 = tpu.vector_load %arg8[%get3A_2417, %get3A_2418] {strides = array<i32>} : memref<256x128xf32, #tpu.memory_space<vmem>>, vector<16xf32>,
      %gather3A_2420 = tpu.vector_load_idx %arg9[%add3A_2416] : memref<32768xf32, #tpu.memory_space<vmem>>[vector<16xi32>], vector<16xf32>,
      %sub3A_2421 = arith.subf %get3A_2419, %gather3A_2420 : vector<16xf32>
      %mul3A_2422 = arith.mulf %sub3A_2421, %sub3A_2421 : vector<16xf32>
      %add3A_2423 = arith.addf %scan3A_2378, %mul3A_2422 : vector<16xf32>
      %add3A_2424 = arith.addf %gather3A_2420, %sub3A_2421 : vector<16xf32>
      tpu.vector_store_idx %arg10[%add3A_2416], %add3A_2424 : memref<32768xf32, #tpu.memory_space<vmem>>[vector<16xi32>], vector<16xf32>,
      scf.yield %add3A_2387, %add3A_2399, %add3A_2411, %add3A_2423 : vector<16xf32>, vector<16xf32>, vector<16xf32>, vector<16xf32>
    }
    %scan3A_1201 = arith.constant 256 : i32
    %dma_start3A_1202 = arith.constant 256 : i32
    %dma_start3A_1203 = tpu.memref_slice %arg7[%dma_start3A_1202] : memref<512xi32, #tpu.memory_space<vmem>> -> memref<256xi32, #tpu.memory_space<vmem>>
    %dma_start3A_1204 = arith.constant 0 : i32
    %dma_start3A_1205 = arith.constant 0 : i32
    %dma_start3A_1206 = tpu.memref_slice %arg3[%dma_start3A_1204, %dma_start3A_1205] : memref<1024x128xf32, #tpu.memory_space<hbm>> -> memref<1024x128xf32, #tpu.memory_space<hbm>>
    tpu.enqueue_indirect_dma source(%dma_start3A_1206 : memref<1024x128xf32, #tpu.memory_space<hbm>>) target(%arg8 : memref<256x128xf32, #tpu.memory_space<vmem>>) offsets(%dma_start3A_1203 : memref<256xi32, #tpu.memory_space<vmem>>) semaphore(%arg12 : memref<!tpu.dma_semaphore, #tpu.memory_space<semaphore_mem>>)
    %dma_wait3A_1207 = arith.constant 256 : i32
    %dma_wait3A_1208 = tpu.memref_slice %arg7[%dma_wait3A_1207] : memref<512xi32, #tpu.memory_space<vmem>> -> memref<256xi32, #tpu.memory_space<vmem>>
    %dma_wait3A_1209 = arith.constant 0 : i32
    %dma_wait3A_1210 = arith.constant 0 : i32
    %dma_wait3A_1211 = tpu.memref_slice %arg3[%dma_wait3A_1209, %dma_wait3A_1210] : memref<1024x128xf32, #tpu.memory_space<hbm>> -> memref<1024x128xf32, #tpu.memory_space<hbm>>
    tpu.wait_indirect_dma semaphore(%arg12 : memref<!tpu.dma_semaphore, #tpu.memory_space<semaphore_mem>>) src(%dma_wait3A_1211 : memref<1024x128xf32, #tpu.memory_space<hbm>>) dst(%arg8 : memref<256x128xf32, #tpu.memory_space<vmem>>)
    %scan3A_1212 = arith.constant 0 : i32
    %scan3A_1213 = arith.constant 256 : i32
    %scan3A_1214 = arith.addi %scan3A_1212, %scan3A_1213 : i32
    %scan3A_1215 = arith.constant 1 : i32
    %scan3A_1216:4 = scf.for %scan3A_2374 = %scan3A_1212 to %scan3A_1214 step %scan3A_1215 iter_args(%scan3A_2375 = %scan3A_1200#0, %scan3A_2376 = %scan3A_1200#1, %scan3A_2377 = %scan3A_1200#2, %scan3A_2378 = %scan3A_1200#3) -> (vector<16xf32>, vector<16xf32>, vector<16xf32>, vector<16xf32>)  : i32 {
      %add3A_2379 = arith.constant 256 : i32
      %add3A_2380 = arith.addi %add3A_2379, %scan3A_2374 : i32
      %add3A_2381 = vector.broadcast %add3A_2380 : i32 to vector<16xi32>
      %add3A_2382 = arith.addi %mul3A_1185, %add3A_2381 : vector<16xi32>
      %get3A = arith.index_cast %scan3A_2374 : i32 to index
      %get3A_2383 = arith.constant 0 : index
      %get3A_2384 = tpu.vector_load %arg8[%get3A, %get3A_2383] {strides = array<i32>} : memref<256x128xf32, #tpu.memory_space<vmem>>, vector<16xf32>,
      %gather3A = tpu.vector_load_idx %arg9[%add3A_2382] : memref<32768xf32, #tpu.memory_space<vmem>>[vector<16xi32>], vector<16xf32>,
      %sub3A_2385 = arith.subf %get3A_2384, %gather3A : vector<16xf32>
      %mul3A_2386 = arith.mulf %sub3A_2385, %sub3A_2385 : vector<16xf32>
      %add3A_2387 = arith.addf %scan3A_2375, %mul3A_2386 : vector<16xf32>
      %add3A_2388 = arith.addf %gather3A, %sub3A_2385 : vector<16xf32>
      tpu.vector_store_idx %arg10[%add3A_2382], %add3A_2388 : memref<32768xf32, #tpu.memory_space<vmem>>[vector<16xi32>], vector<16xf32>,
      %add3A_2389 = arith.constant 8448 : i32
      %add3A_2390 = arith.addi %add3A_2389, %scan3A_2374 : i32
      %add3A_2391 = vector.broadcast %add3A_2390 : i32 to vector<16xi32>
      %add3A_2392 = arith.addi %mul3A_1185, %add3A_2391 : vector<16xi32>
      %get3A_2393 = arith.index_cast %scan3A_2374 : i32 to index
      %get3A_2394 = arith.constant 16 : index
      %get3A_2395 = tpu.vector_load %arg8[%get3A_2393, %get3A_2394] {strides = array<i32>} : memref<256x128xf32, #tpu.memory_space<vmem>>, vector<16xf32>,
      %gather3A_2396 = tpu.vector_load_idx %arg9[%add3A_2392] : memref<32768xf32, #tpu.memory_space<vmem>>[vector<16xi32>], vector<16xf32>,
      %sub3A_2397 = arith.subf %get3A_2395, %gather3A_2396 : vector<16xf32>
      %mul3A_2398 = arith.mulf %sub3A_2397, %sub3A_2397 : vector<16xf32>
      %add3A_2399 = arith.addf %scan3A_2376, %mul3A_2398 : vector<16xf32>
      %add3A_2400 = arith.addf %gather3A_2396, %sub3A_2397 : vector<16xf32>
      tpu.vector_store_idx %arg10[%add3A_2392], %add3A_2400 : memref<32768xf32, #tpu.memory_space<vmem>>[vector<16xi32>], vector<16xf32>,
      %add3A_2401 = arith.constant 16640 : i32
      %add3A_2402 = arith.addi %add3A_2401, %scan3A_2374 : i32
      %add3A_2403 = vector.broadcast %add3A_2402 : i32 to vector<16xi32>
      %add3A_2404 = arith.addi %mul3A_1185, %add3A_2403 : vector<16xi32>
      %get3A_2405 = arith.index_cast %scan3A_2374 : i32 to index
      %get3A_2406 = arith.constant 32 : index
      %get3A_2407 = tpu.vector_load %arg8[%get3A_2405, %get3A_2406] {strides = array<i32>} : memref<256x128xf32, #tpu.memory_space<vmem>>, vector<16xf32>,
      %gather3A_2408 = tpu.vector_load_idx %arg9[%add3A_2404] : memref<32768xf32, #tpu.memory_space<vmem>>[vector<16xi32>], vector<16xf32>,
      %sub3A_2409 = arith.subf %get3A_2407, %gather3A_2408 : vector<16xf32>
      %mul3A_2410 = arith.mulf %sub3A_2409, %sub3A_2409 : vector<16xf32>
      %add3A_2411 = arith.addf %scan3A_2377, %mul3A_2410 : vector<16xf32>
      %add3A_2412 = arith.addf %gather3A_2408, %sub3A_2409 : vector<16xf32>
      tpu.vector_store_idx %arg10[%add3A_2404], %add3A_2412 : memref<32768xf32, #tpu.memory_space<vmem>>[vector<16xi32>], vector<16xf32>,
      %add3A_2413 = arith.constant 24832 : i32
      %add3A_2414 = arith.addi %add3A_2413, %scan3A_2374 : i32
      %add3A_2415 = vector.broadcast %add3A_2414 : i32 to vector<16xi32>
      %add3A_2416 = arith.addi %mul3A_1185, %add3A_2415 : vector<16xi32>
      %get3A_2417 = arith.index_cast %scan3A_2374 : i32 to index
      %get3A_2418 = arith.constant 48 : index
      %get3A_2419 = tpu.vector_load %arg8[%get3A_2417, %get3A_2418] {strides = array<i32>} : memref<256x128xf32, #tpu.memory_space<vmem>>, vector<16xf32>,
      %gather3A_2420 = tpu.vector_load_idx %arg9[%add3A_2416] : memref<32768xf32, #tpu.memory_space<vmem>>[vector<16xi32>], vector<16xf32>,
      %sub3A_2421 = arith.subf %get3A_2419, %gather3A_2420 : vector<16xf32>
      %mul3A_2422 = arith.mulf %sub3A_2421, %sub3A_2421 : vector<16xf32>
      %add3A_2423 = arith.addf %scan3A_2378, %mul3A_2422 : vector<16xf32>
      %add3A_2424 = arith.addf %gather3A_2420, %sub3A_2421 : vector<16xf32>
      tpu.vector_store_idx %arg10[%add3A_2416], %add3A_2424 : memref<32768xf32, #tpu.memory_space<vmem>>[vector<16xi32>], vector<16xf32>,
      scf.yield %add3A_2387, %add3A_2399, %add3A_2411, %add3A_2423 : vector<16xf32>, vector<16xf32>, vector<16xf32>, vector<16xf32>
    }
    %scan3A_1217 = arith.constant 256 : i32
    %add3A_1218 = arith.addf %scan3A_1216#0, %scan3A_1216#1 : vector<16xf32>
    %add3A_1219 = arith.addf %add3A_1218, %scan3A_1216#2 : vector<16xf32>
    %add3A_1220 = arith.addf %add3A_1219, %scan3A_1216#3 : vector<16xf32>
    %swap3A = arith.constant 0 : index
    %swap3A_1221 = tpu.vector_load %arg11[%swap3A] {strides = array<i32>} : memref<16xf32, #tpu.memory_space<vmem>>, vector<16xf32>,
    tpu.vector_store %arg11[%swap3A], %add3A_1220 {strides = array<i32>} : memref<16xf32, #tpu.memory_space<vmem>>, vector<16xf32>,
    %dma_start3A_1222 = arith.constant 0 : i32
    %dma_start3A_1223 = arith.constant 0 : i32
    %dma_start3A_1224 = tpu.memref_slice %arg10[%dma_start3A_1223] : memref<32768xf32, #tpu.memory_space<vmem>> -> memref<512xf32, #tpu.memory_space<vmem>>
    %dma_start3A_1225 = tpu.memref_slice %arg5[%select_n3A, %dma_start3A_1222, %mul3A_32] : memref<16x64x1024xf32, #tpu.memory_space<hbm>> -> memref<1x1x512xf32, #tpu.memory_space<hbm>>
    %dma_start3A_1226 = tpu.memref_squeeze %dma_start3A_1225 : memref<1x1x512xf32, #tpu.memory_space<hbm>> -> memref<512xf32, #tpu.memory_space<hbm>>
    %dma_start3A_1227 = tpu.memref_slice %arg5[%select_n3A, %dma_start3A_1222, %mul3A_32] : memref<16x64x1024xf32, #tpu.memory_space<hbm>> -> memref<1x1x512xf32, #tpu.memory_space<hbm>>
    %dma_start3A_1228 = tpu.memref_squeeze %dma_start3A_1227 : memref<1x1x512xf32, #tpu.memory_space<hbm>> -> memref<512xf32, #tpu.memory_space<hbm>>
    %dma_start3A_1229 = arith.constant 0 : i32
    %dma_start3A_1230 = tpu.memref_slice %arg10[%dma_start3A_1229] : memref<32768xf32, #tpu.memory_space<vmem>> -> memref<512xf32, #tpu.memory_space<vmem>>
    tpu.enqueue_dma source(%dma_start3A_1230 : memref<512xf32, #tpu.memory_space<vmem>>) target(%dma_start3A_1228 : memref<512xf32, #tpu.memory_space<hbm>>) target_semaphore(%arg12 : memref<!tpu.dma_semaphore, #tpu.memory_space<semaphore_mem>>)
    %dma_start3A_1231 = arith.constant 1 : i32
    %dma_start3A_1232 = arith.constant 512 : i32
    %dma_start3A_1233 = tpu.memref_slice %arg10[%dma_start3A_1232] : memref<32768xf32, #tpu.memory_space<vmem>> -> memref<512xf32, #tpu.memory_space<vmem>>
    %dma_start3A_1234 = tpu.memref_slice %arg5[%select_n3A, %dma_start3A_1231, %mul3A_32] : memref<16x64x1024xf32, #tpu.memory_space<hbm>> -> memref<1x1x512xf32, #tpu.memory_space<hbm>>
    %dma_start3A_1235 = tpu.memref_squeeze %dma_start3A_1234 : memref<1x1x512xf32, #tpu.memory_space<hbm>> -> memref<512xf32, #tpu.memory_space<hbm>>
    %dma_start3A_1236 = tpu.memref_slice %arg5[%select_n3A, %dma_start3A_1231, %mul3A_32] : memref<16x64x1024xf32, #tpu.memory_space<hbm>> -> memref<1x1x512xf32, #tpu.memory_space<hbm>>
    %dma_start3A_1237 = tpu.memref_squeeze %dma_start3A_1236 : memref<1x1x512xf32, #tpu.memory_space<hbm>> -> memref<512xf32, #tpu.memory_space<hbm>>
    %dma_start3A_1238 = arith.constant 512 : i32
    %dma_start3A_1239 = tpu.memref_slice %arg10[%dma_start3A_1238] : memref<32768xf32, #tpu.memory_space<vmem>> -> memref<512xf32, #tpu.memory_space<vmem>>
    tpu.enqueue_dma source(%dma_start3A_1239 : memref<512xf32, #tpu.memory_space<vmem>>) target(%dma_start3A_1237 : memref<512xf32, #tpu.memory_space<hbm>>) target_semaphore(%arg12 : memref<!tpu.dma_semaphore, #tpu.memory_space<semaphore_mem>>)
    %dma_start3A_1240 = arith.constant 2 : i32
    %dma_start3A_1241 = arith.constant 1024 : i32
    %dma_start3A_1242 = tpu.memref_slice %arg10[%dma_start3A_1241] : memref<32768xf32, #tpu.memory_space<vmem>> -> memref<512xf32, #tpu.memory_space<vmem>>
    %dma_start3A_1243 = tpu.memref_slice %arg5[%select_n3A, %dma_start3A_1240, %mul3A_32] : memref<16x64x1024xf32, #tpu.memory_space<hbm>> -> memref<1x1x512xf32, #tpu.memory_space<hbm>>
    %dma_start3A_1244 = tpu.memref_squeeze %dma_start3A_1243 : memref<1x1x512xf32, #tpu.memory_space<hbm>> -> memref<512xf32, #tpu.memory_space<hbm>>
    %dma_start3A_1245 = tpu.memref_slice %arg5[%select_n3A, %dma_start3A_1240, %mul3A_32] : memref<16x64x1024xf32, #tpu.memory_space<hbm>> -> memref<1x1x512xf32, #tpu.memory_space<hbm>>
    %dma_start3A_1246 = tpu.memref_squeeze %dma_start3A_1245 : memref<1x1x512xf32, #tpu.memory_space<hbm>> -> memref<512xf32, #tpu.memory_space<hbm>>
    %dma_start3A_1247 = arith.constant 1024 : i32
    %dma_start3A_1248 = tpu.memref_slice %arg10[%dma_start3A_1247] : memref<32768xf32, #tpu.memory_space<vmem>> -> memref<512xf32, #tpu.memory_space<vmem>>
    tpu.enqueue_dma source(%dma_start3A_1248 : memref<512xf32, #tpu.memory_space<vmem>>) target(%dma_start3A_1246 : memref<512xf32, #tpu.memory_space<hbm>>) target_semaphore(%arg12 : memref<!tpu.dma_semaphore, #tpu.memory_space<semaphore_mem>>)
    %dma_start3A_1249 = arith.constant 3 : i32
    %dma_start3A_1250 = arith.constant 1536 : i32
    %dma_start3A_1251 = tpu.memref_slice %arg10[%dma_start3A_1250] : memref<32768xf32, #tpu.memory_space<vmem>> -> memref<512xf32, #tpu.memory_space<vmem>>
    %dma_start3A_1252 = tpu.memref_slice %arg5[%select_n3A, %dma_start3A_1249, %mul3A_32] : memref<16x64x1024xf32, #tpu.memory_space<hbm>> -> memref<1x1x512xf32, #tpu.memory_space<hbm>>
    %dma_start3A_1253 = tpu.memref_squeeze %dma_start3A_1252 : memref<1x1x512xf32, #tpu.memory_space<hbm>> -> memref<512xf32, #tpu.memory_space<hbm>>
    %dma_start3A_1254 = tpu.memref_slice %arg5[%select_n3A, %dma_start3A_1249, %mul3A_32] : memref<16x64x1024xf32, #tpu.memory_space<hbm>> -> memref<1x1x512xf32, #tpu.memory_space<hbm>>
    %dma_start3A_1255 = tpu.memref_squeeze %dma_start3A_1254 : memref<1x1x512xf32, #tpu.memory_space<hbm>> -> memref<512xf32, #tpu.memory_space<hbm>>
    %dma_start3A_1256 = arith.constant 1536 : i32
    %dma_start3A_1257 = tpu.memref_slice %arg10[%dma_start3A_1256] : memref<32768xf32, #tpu.memory_space<vmem>> -> memref<512xf32, #tpu.memory_space<vmem>>
    tpu.enqueue_dma source(%dma_start3A_1257 : memref<512xf32, #tpu.memory_space<vmem>>) target(%dma_start3A_1255 : memref<512xf32, #tpu.memory_space<hbm>>) target_semaphore(%arg12 : memref<!tpu.dma_semaphore, #tpu.memory_space<semaphore_mem>>)
    %dma_start3A_1258 = arith.constant 4 : i32
    %dma_start3A_1259 = arith.constant 2048 : i32
    %dma_start3A_1260 = tpu.memref_slice %arg10[%dma_start3A_1259] : memref<32768xf32, #tpu.memory_space<vmem>> -> memref<512xf32, #tpu.memory_space<vmem>>
    %dma_start3A_1261 = tpu.memref_slice %arg5[%select_n3A, %dma_start3A_1258, %mul3A_32] : memref<16x64x1024xf32, #tpu.memory_space<hbm>> -> memref<1x1x512xf32, #tpu.memory_space<hbm>>
    %dma_start3A_1262 = tpu.memref_squeeze %dma_start3A_1261 : memref<1x1x512xf32, #tpu.memory_space<hbm>> -> memref<512xf32, #tpu.memory_space<hbm>>
    %dma_start3A_1263 = tpu.memref_slice %arg5[%select_n3A, %dma_start3A_1258, %mul3A_32] : memref<16x64x1024xf32, #tpu.memory_space<hbm>> -> memref<1x1x512xf32, #tpu.memory_space<hbm>>
    %dma_start3A_1264 = tpu.memref_squeeze %dma_start3A_1263 : memref<1x1x512xf32, #tpu.memory_space<hbm>> -> memref<512xf32, #tpu.memory_space<hbm>>
    %dma_start3A_1265 = arith.constant 2048 : i32
    %dma_start3A_1266 = tpu.memref_slice %arg10[%dma_start3A_1265] : memref<32768xf32, #tpu.memory_space<vmem>> -> memref<512xf32, #tpu.memory_space<vmem>>
    tpu.enqueue_dma source(%dma_start3A_1266 : memref<512xf32, #tpu.memory_space<vmem>>) target(%dma_start3A_1264 : memref<512xf32, #tpu.memory_space<hbm>>) target_semaphore(%arg12 : memref<!tpu.dma_semaphore, #tpu.memory_space<semaphore_mem>>)
    %dma_start3A_1267 = arith.constant 5 : i32
    %dma_start3A_1268 = arith.constant 2560 : i32
    %dma_start3A_1269 = tpu.memref_slice %arg10[%dma_start3A_1268] : memref<32768xf32, #tpu.memory_space<vmem>> -> memref<512xf32, #tpu.memory_space<vmem>>
    %dma_start3A_1270 = tpu.memref_slice %arg5[%select_n3A, %dma_start3A_1267, %mul3A_32] : memref<16x64x1024xf32, #tpu.memory_space<hbm>> -> memref<1x1x512xf32, #tpu.memory_space<hbm>>
    %dma_start3A_1271 = tpu.memref_squeeze %dma_start3A_1270 : memref<1x1x512xf32, #tpu.memory_space<hbm>> -> memref<512xf32, #tpu.memory_space<hbm>>
    %dma_start3A_1272 = tpu.memref_slice %arg5[%select_n3A, %dma_start3A_1267, %mul3A_32] : memref<16x64x1024xf32, #tpu.memory_space<hbm>> -> memref<1x1x512xf32, #tpu.memory_space<hbm>>
    %dma_start3A_1273 = tpu.memref_squeeze %dma_start3A_1272 : memref<1x1x512xf32, #tpu.memory_space<hbm>> -> memref<512xf32, #tpu.memory_space<hbm>>
    %dma_start3A_1274 = arith.constant 2560 : i32
    %dma_start3A_1275 = tpu.memref_slice %arg10[%dma_start3A_1274] : memref<32768xf32, #tpu.memory_space<vmem>> -> memref<512xf32, #tpu.memory_space<vmem>>
    tpu.enqueue_dma source(%dma_start3A_1275 : memref<512xf32, #tpu.memory_space<vmem>>) target(%dma_start3A_1273 : memref<512xf32, #tpu.memory_space<hbm>>) target_semaphore(%arg12 : memref<!tpu.dma_semaphore, #tpu.memory_space<semaphore_mem>>)
    %dma_start3A_1276 = arith.constant 6 : i32
    %dma_start3A_1277 = arith.constant 3072 : i32
    %dma_start3A_1278 = tpu.memref_slice %arg10[%dma_start3A_1277] : memref<32768xf32, #tpu.memory_space<vmem>> -> memref<512xf32, #tpu.memory_space<vmem>>
    %dma_start3A_1279 = tpu.memref_slice %arg5[%select_n3A, %dma_start3A_1276, %mul3A_32] : memref<16x64x1024xf32, #tpu.memory_space<hbm>> -> memref<1x1x512xf32, #tpu.memory_space<hbm>>
    %dma_start3A_1280 = tpu.memref_squeeze %dma_start3A_1279 : memref<1x1x512xf32, #tpu.memory_space<hbm>> -> memref<512xf32, #tpu.memory_space<hbm>>
    %dma_start3A_1281 = tpu.memref_slice %arg5[%select_n3A, %dma_start3A_1276, %mul3A_32] : memref<16x64x1024xf32, #tpu.memory_space<hbm>> -> memref<1x1x512xf32, #tpu.memory_space<hbm>>
    %dma_start3A_1282 = tpu.memref_squeeze %dma_start3A_1281 : memref<1x1x512xf32, #tpu.memory_space<hbm>> -> memref<512xf32, #tpu.memory_space<hbm>>
    %dma_start3A_1283 = arith.constant 3072 : i32
    %dma_start3A_1284 = tpu.memref_slice %arg10[%dma_start3A_1283] : memref<32768xf32, #tpu.memory_space<vmem>> -> memref<512xf32, #tpu.memory_space<vmem>>
    tpu.enqueue_dma source(%dma_start3A_1284 : memref<512xf32, #tpu.memory_space<vmem>>) target(%dma_start3A_1282 : memref<512xf32, #tpu.memory_space<hbm>>) target_semaphore(%arg12 : memref<!tpu.dma_semaphore, #tpu.memory_space<semaphore_mem>>)
    %dma_start3A_1285 = arith.constant 7 : i32
    %dma_start3A_1286 = arith.constant 3584 : i32
    %dma_start3A_1287 = tpu.memref_slice %arg10[%dma_start3A_1286] : memref<32768xf32, #tpu.memory_space<vmem>> -> memref<512xf32, #tpu.memory_space<vmem>>
    %dma_start3A_1288 = tpu.memref_slice %arg5[%select_n3A, %dma_start3A_1285, %mul3A_32] : memref<16x64x1024xf32, #tpu.memory_space<hbm>> -> memref<1x1x512xf32, #tpu.memory_space<hbm>>
    %dma_start3A_1289 = tpu.memref_squeeze %dma_start3A_1288 : memref<1x1x512xf32, #tpu.memory_space<hbm>> -> memref<512xf32, #tpu.memory_space<hbm>>
    %dma_start3A_1290 = tpu.memref_slice %arg5[%select_n3A, %dma_start3A_1285, %mul3A_32] : memref<16x64x1024xf32, #tpu.memory_space<hbm>> -> memref<1x1x512xf32, #tpu.memory_space<hbm>>
    %dma_start3A_1291 = tpu.memref_squeeze %dma_start3A_1290 : memref<1x1x512xf32, #tpu.memory_space<hbm>> -> memref<512xf32, #tpu.memory_space<hbm>>
    %dma_start3A_1292 = arith.constant 3584 : i32
    %dma_start3A_1293 = tpu.memref_slice %arg10[%dma_start3A_1292] : memref<32768xf32, #tpu.memory_space<vmem>> -> memref<512xf32, #tpu.memory_space<vmem>>
    tpu.enqueue_dma source(%dma_start3A_1293 : memref<512xf32, #tpu.memory_space<vmem>>) target(%dma_start3A_1291 : memref<512xf32, #tpu.memory_space<hbm>>) target_semaphore(%arg12 : memref<!tpu.dma_semaphore, #tpu.memory_space<semaphore_mem>>)
    %dma_start3A_1294 = arith.constant 8 : i32
    %dma_start3A_1295 = arith.constant 4096 : i32
    %dma_start3A_1296 = tpu.memref_slice %arg10[%dma_start3A_1295] : memref<32768xf32, #tpu.memory_space<vmem>> -> memref<512xf32, #tpu.memory_space<vmem>>
    %dma_start3A_1297 = tpu.memref_slice %arg5[%select_n3A, %dma_start3A_1294, %mul3A_32] : memref<16x64x1024xf32, #tpu.memory_space<hbm>> -> memref<1x1x512xf32, #tpu.memory_space<hbm>>
    %dma_start3A_1298 = tpu.memref_squeeze %dma_start3A_1297 : memref<1x1x512xf32, #tpu.memory_space<hbm>> -> memref<512xf32, #tpu.memory_space<hbm>>
    %dma_start3A_1299 = tpu.memref_slice %arg5[%select_n3A, %dma_start3A_1294, %mul3A_32] : memref<16x64x1024xf32, #tpu.memory_space<hbm>> -> memref<1x1x512xf32, #tpu.memory_space<hbm>>
    %dma_start3A_1300 = tpu.memref_squeeze %dma_start3A_1299 : memref<1x1x512xf32, #tpu.memory_space<hbm>> -> memref<512xf32, #tpu.memory_space<hbm>>
    %dma_start3A_1301 = arith.constant 4096 : i32
    %dma_start3A_1302 = tpu.memref_slice %arg10[%dma_start3A_1301] : memref<32768xf32, #tpu.memory_space<vmem>> -> memref<512xf32, #tpu.memory_space<vmem>>
    tpu.enqueue_dma source(%dma_start3A_1302 : memref<512xf32, #tpu.memory_space<vmem>>) target(%dma_start3A_1300 : memref<512xf32, #tpu.memory_space<hbm>>) target_semaphore(%arg12 : memref<!tpu.dma_semaphore, #tpu.memory_space<semaphore_mem>>)
    %dma_start3A_1303 = arith.constant 9 : i32
    %dma_start3A_1304 = arith.constant 4608 : i32
    %dma_start3A_1305 = tpu.memref_slice %arg10[%dma_start3A_1304] : memref<32768xf32, #tpu.memory_space<vmem>> -> memref<512xf32, #tpu.memory_space<vmem>>
    %dma_start3A_1306 = tpu.memref_slice %arg5[%select_n3A, %dma_start3A_1303, %mul3A_32] : memref<16x64x1024xf32, #tpu.memory_space<hbm>> -> memref<1x1x512xf32, #tpu.memory_space<hbm>>
    %dma_start3A_1307 = tpu.memref_squeeze %dma_start3A_1306 : memref<1x1x512xf32, #tpu.memory_space<hbm>> -> memref<512xf32, #tpu.memory_space<hbm>>
    %dma_start3A_1308 = tpu.memref_slice %arg5[%select_n3A, %dma_start3A_1303, %mul3A_32] : memref<16x64x1024xf32, #tpu.memory_space<hbm>> -> memref<1x1x512xf32, #tpu.memory_space<hbm>>
    %dma_start3A_1309 = tpu.memref_squeeze %dma_start3A_1308 : memref<1x1x512xf32, #tpu.memory_space<hbm>> -> memref<512xf32, #tpu.memory_space<hbm>>
    %dma_start3A_1310 = arith.constant 4608 : i32
    %dma_start3A_1311 = tpu.memref_slice %arg10[%dma_start3A_1310] : memref<32768xf32, #tpu.memory_space<vmem>> -> memref<512xf32, #tpu.memory_space<vmem>>
    tpu.enqueue_dma source(%dma_start3A_1311 : memref<512xf32, #tpu.memory_space<vmem>>) target(%dma_start3A_1309 : memref<512xf32, #tpu.memory_space<hbm>>) target_semaphore(%arg12 : memref<!tpu.dma_semaphore, #tpu.memory_space<semaphore_mem>>)
    %dma_start3A_1312 = arith.constant 10 : i32
    %dma_start3A_1313 = arith.constant 5120 : i32
    %dma_start3A_1314 = tpu.memref_slice %arg10[%dma_start3A_1313] : memref<32768xf32, #tpu.memory_space<vmem>> -> memref<512xf32, #tpu.memory_space<vmem>>
    %dma_start3A_1315 = tpu.memref_slice %arg5[%select_n3A, %dma_start3A_1312, %mul3A_32] : memref<16x64x1024xf32, #tpu.memory_space<hbm>> -> memref<1x1x512xf32, #tpu.memory_space<hbm>>
    %dma_start3A_1316 = tpu.memref_squeeze %dma_start3A_1315 : memref<1x1x512xf32, #tpu.memory_space<hbm>> -> memref<512xf32, #tpu.memory_space<hbm>>
    %dma_start3A_1317 = tpu.memref_slice %arg5[%select_n3A, %dma_start3A_1312, %mul3A_32] : memref<16x64x1024xf32, #tpu.memory_space<hbm>> -> memref<1x1x512xf32, #tpu.memory_space<hbm>>
    %dma_start3A_1318 = tpu.memref_squeeze %dma_start3A_1317 : memref<1x1x512xf32, #tpu.memory_space<hbm>> -> memref<512xf32, #tpu.memory_space<hbm>>
    %dma_start3A_1319 = arith.constant 5120 : i32
    %dma_start3A_1320 = tpu.memref_slice %arg10[%dma_start3A_1319] : memref<32768xf32, #tpu.memory_space<vmem>> -> memref<512xf32, #tpu.memory_space<vmem>>
    tpu.enqueue_dma source(%dma_start3A_1320 : memref<512xf32, #tpu.memory_space<vmem>>) target(%dma_start3A_1318 : memref<512xf32, #tpu.memory_space<hbm>>) target_semaphore(%arg12 : memref<!tpu.dma_semaphore, #tpu.memory_space<semaphore_mem>>)
    %dma_start3A_1321 = arith.constant 11 : i32
    %dma_start3A_1322 = arith.constant 5632 : i32
    %dma_start3A_1323 = tpu.memref_slice %arg10[%dma_start3A_1322] : memref<32768xf32, #tpu.memory_space<vmem>> -> memref<512xf32, #tpu.memory_space<vmem>>
    %dma_start3A_1324 = tpu.memref_slice %arg5[%select_n3A, %dma_start3A_1321, %mul3A_32] : memref<16x64x1024xf32, #tpu.memory_space<hbm>> -> memref<1x1x512xf32, #tpu.memory_space<hbm>>
    %dma_start3A_1325 = tpu.memref_squeeze %dma_start3A_1324 : memref<1x1x512xf32, #tpu.memory_space<hbm>> -> memref<512xf32, #tpu.memory_space<hbm>>
    %dma_start3A_1326 = tpu.memref_slice %arg5[%select_n3A, %dma_start3A_1321, %mul3A_32] : memref<16x64x1024xf32, #tpu.memory_space<hbm>> -> memref<1x1x512xf32, #tpu.memory_space<hbm>>
    %dma_start3A_1327 = tpu.memref_squeeze %dma_start3A_1326 : memref<1x1x512xf32, #tpu.memory_space<hbm>> -> memref<512xf32, #tpu.memory_space<hbm>>
    %dma_start3A_1328 = arith.constant 5632 : i32
    %dma_start3A_1329 = tpu.memref_slice %arg10[%dma_start3A_1328] : memref<32768xf32, #tpu.memory_space<vmem>> -> memref<512xf32, #tpu.memory_space<vmem>>
    tpu.enqueue_dma source(%dma_start3A_1329 : memref<512xf32, #tpu.memory_space<vmem>>) target(%dma_start3A_1327 : memref<512xf32, #tpu.memory_space<hbm>>) target_semaphore(%arg12 : memref<!tpu.dma_semaphore, #tpu.memory_space<semaphore_mem>>)
    %dma_start3A_1330 = arith.constant 12 : i32
    %dma_start3A_1331 = arith.constant 6144 : i32
    %dma_start3A_1332 = tpu.memref_slice %arg10[%dma_start3A_1331] : memref<32768xf32, #tpu.memory_space<vmem>> -> memref<512xf32, #tpu.memory_space<vmem>>
    %dma_start3A_1333 = tpu.memref_slice %arg5[%select_n3A, %dma_start3A_1330, %mul3A_32] : memref<16x64x1024xf32, #tpu.memory_space<hbm>> -> memref<1x1x512xf32, #tpu.memory_space<hbm>>
    %dma_start3A_1334 = tpu.memref_squeeze %dma_start3A_1333 : memref<1x1x512xf32, #tpu.memory_space<hbm>> -> memref<512xf32, #tpu.memory_space<hbm>>
    %dma_start3A_1335 = tpu.memref_slice %arg5[%select_n3A, %dma_start3A_1330, %mul3A_32] : memref<16x64x1024xf32, #tpu.memory_space<hbm>> -> memref<1x1x512xf32, #tpu.memory_space<hbm>>
    %dma_start3A_1336 = tpu.memref_squeeze %dma_start3A_1335 : memref<1x1x512xf32, #tpu.memory_space<hbm>> -> memref<512xf32, #tpu.memory_space<hbm>>
    %dma_start3A_1337 = arith.constant 6144 : i32
    %dma_start3A_1338 = tpu.memref_slice %arg10[%dma_start3A_1337] : memref<32768xf32, #tpu.memory_space<vmem>> -> memref<512xf32, #tpu.memory_space<vmem>>
    tpu.enqueue_dma source(%dma_start3A_1338 : memref<512xf32, #tpu.memory_space<vmem>>) target(%dma_start3A_1336 : memref<512xf32, #tpu.memory_space<hbm>>) target_semaphore(%arg12 : memref<!tpu.dma_semaphore, #tpu.memory_space<semaphore_mem>>)
    %dma_start3A_1339 = arith.constant 13 : i32
    %dma_start3A_1340 = arith.constant 6656 : i32
    %dma_start3A_1341 = tpu.memref_slice %arg10[%dma_start3A_1340] : memref<32768xf32, #tpu.memory_space<vmem>> -> memref<512xf32, #tpu.memory_space<vmem>>
    %dma_start3A_1342 = tpu.memref_slice %arg5[%select_n3A, %dma_start3A_1339, %mul3A_32] : memref<16x64x1024xf32, #tpu.memory_space<hbm>> -> memref<1x1x512xf32, #tpu.memory_space<hbm>>
    %dma_start3A_1343 = tpu.memref_squeeze %dma_start3A_1342 : memref<1x1x512xf32, #tpu.memory_space<hbm>> -> memref<512xf32, #tpu.memory_space<hbm>>
    %dma_start3A_1344 = tpu.memref_slice %arg5[%select_n3A, %dma_start3A_1339, %mul3A_32] : memref<16x64x1024xf32, #tpu.memory_space<hbm>> -> memref<1x1x512xf32, #tpu.memory_space<hbm>>
    %dma_start3A_1345 = tpu.memref_squeeze %dma_start3A_1344 : memref<1x1x512xf32, #tpu.memory_space<hbm>> -> memref<512xf32, #tpu.memory_space<hbm>>
    %dma_start3A_1346 = arith.constant 6656 : i32
    %dma_start3A_1347 = tpu.memref_slice %arg10[%dma_start3A_1346] : memref<32768xf32, #tpu.memory_space<vmem>> -> memref<512xf32, #tpu.memory_space<vmem>>
    tpu.enqueue_dma source(%dma_start3A_1347 : memref<512xf32, #tpu.memory_space<vmem>>) target(%dma_start3A_1345 : memref<512xf32, #tpu.memory_space<hbm>>) target_semaphore(%arg12 : memref<!tpu.dma_semaphore, #tpu.memory_space<semaphore_mem>>)
    %dma_start3A_1348 = arith.constant 14 : i32
    %dma_start3A_1349 = arith.constant 7168 : i32
    %dma_start3A_1350 = tpu.memref_slice %arg10[%dma_start3A_1349] : memref<32768xf32, #tpu.memory_space<vmem>> -> memref<512xf32, #tpu.memory_space<vmem>>
    %dma_start3A_1351 = tpu.memref_slice %arg5[%select_n3A, %dma_start3A_1348, %mul3A_32] : memref<16x64x1024xf32, #tpu.memory_space<hbm>> -> memref<1x1x512xf32, #tpu.memory_space<hbm>>
    %dma_start3A_1352 = tpu.memref_squeeze %dma_start3A_1351 : memref<1x1x512xf32, #tpu.memory_space<hbm>> -> memref<512xf32, #tpu.memory_space<hbm>>
    %dma_start3A_1353 = tpu.memref_slice %arg5[%select_n3A, %dma_start3A_1348, %mul3A_32] : memref<16x64x1024xf32, #tpu.memory_space<hbm>> -> memref<1x1x512xf32, #tpu.memory_space<hbm>>
    %dma_start3A_1354 = tpu.memref_squeeze %dma_start3A_1353 : memref<1x1x512xf32, #tpu.memory_space<hbm>> -> memref<512xf32, #tpu.memory_space<hbm>>
    %dma_start3A_1355 = arith.constant 7168 : i32
    %dma_start3A_1356 = tpu.memref_slice %arg10[%dma_start3A_1355] : memref<32768xf32, #tpu.memory_space<vmem>> -> memref<512xf32, #tpu.memory_space<vmem>>
    tpu.enqueue_dma source(%dma_start3A_1356 : memref<512xf32, #tpu.memory_space<vmem>>) target(%dma_start3A_1354 : memref<512xf32, #tpu.memory_space<hbm>>) target_semaphore(%arg12 : memref<!tpu.dma_semaphore, #tpu.memory_space<semaphore_mem>>)
    %dma_start3A_1357 = arith.constant 15 : i32
    %dma_start3A_1358 = arith.constant 7680 : i32
    %dma_start3A_1359 = tpu.memref_slice %arg10[%dma_start3A_1358] : memref<32768xf32, #tpu.memory_space<vmem>> -> memref<512xf32, #tpu.memory_space<vmem>>
    %dma_start3A_1360 = tpu.memref_slice %arg5[%select_n3A, %dma_start3A_1357, %mul3A_32] : memref<16x64x1024xf32, #tpu.memory_space<hbm>> -> memref<1x1x512xf32, #tpu.memory_space<hbm>>
    %dma_start3A_1361 = tpu.memref_squeeze %dma_start3A_1360 : memref<1x1x512xf32, #tpu.memory_space<hbm>> -> memref<512xf32, #tpu.memory_space<hbm>>
    %dma_start3A_1362 = tpu.memref_slice %arg5[%select_n3A, %dma_start3A_1357, %mul3A_32] : memref<16x64x1024xf32, #tpu.memory_space<hbm>> -> memref<1x1x512xf32, #tpu.memory_space<hbm>>
    %dma_start3A_1363 = tpu.memref_squeeze %dma_start3A_1362 : memref<1x1x512xf32, #tpu.memory_space<hbm>> -> memref<512xf32, #tpu.memory_space<hbm>>
    %dma_start3A_1364 = arith.constant 7680 : i32
    %dma_start3A_1365 = tpu.memref_slice %arg10[%dma_start3A_1364] : memref<32768xf32, #tpu.memory_space<vmem>> -> memref<512xf32, #tpu.memory_space<vmem>>
    tpu.enqueue_dma source(%dma_start3A_1365 : memref<512xf32, #tpu.memory_space<vmem>>) target(%dma_start3A_1363 : memref<512xf32, #tpu.memory_space<hbm>>) target_semaphore(%arg12 : memref<!tpu.dma_semaphore, #tpu.memory_space<semaphore_mem>>)
    %dma_start3A_1366 = arith.constant 16 : i32
    %dma_start3A_1367 = arith.constant 8192 : i32
    %dma_start3A_1368 = tpu.memref_slice %arg10[%dma_start3A_1367] : memref<32768xf32, #tpu.memory_space<vmem>> -> memref<512xf32, #tpu.memory_space<vmem>>
    %dma_start3A_1369 = tpu.memref_slice %arg5[%select_n3A, %dma_start3A_1366, %mul3A_32] : memref<16x64x1024xf32, #tpu.memory_space<hbm>> -> memref<1x1x512xf32, #tpu.memory_space<hbm>>
    %dma_start3A_1370 = tpu.memref_squeeze %dma_start3A_1369 : memref<1x1x512xf32, #tpu.memory_space<hbm>> -> memref<512xf32, #tpu.memory_space<hbm>>
    %dma_start3A_1371 = tpu.memref_slice %arg5[%select_n3A, %dma_start3A_1366, %mul3A_32] : memref<16x64x1024xf32, #tpu.memory_space<hbm>> -> memref<1x1x512xf32, #tpu.memory_space<hbm>>
    %dma_start3A_1372 = tpu.memref_squeeze %dma_start3A_1371 : memref<1x1x512xf32, #tpu.memory_space<hbm>> -> memref<512xf32, #tpu.memory_space<hbm>>
    %dma_start3A_1373 = arith.constant 8192 : i32
    %dma_start3A_1374 = tpu.memref_slice %arg10[%dma_start3A_1373] : memref<32768xf32, #tpu.memory_space<vmem>> -> memref<512xf32, #tpu.memory_space<vmem>>
    tpu.enqueue_dma source(%dma_start3A_1374 : memref<512xf32, #tpu.memory_space<vmem>>) target(%dma_start3A_1372 : memref<512xf32, #tpu.memory_space<hbm>>) target_semaphore(%arg12 : memref<!tpu.dma_semaphore, #tpu.memory_space<semaphore_mem>>)
    %dma_start3A_1375 = arith.constant 17 : i32
    %dma_start3A_1376 = arith.constant 8704 : i32
    %dma_start3A_1377 = tpu.memref_slice %arg10[%dma_start3A_1376] : memref<32768xf32, #tpu.memory_space<vmem>> -> memref<512xf32, #tpu.memory_space<vmem>>
    %dma_start3A_1378 = tpu.memref_slice %arg5[%select_n3A, %dma_start3A_1375, %mul3A_32] : memref<16x64x1024xf32, #tpu.memory_space<hbm>> -> memref<1x1x512xf32, #tpu.memory_space<hbm>>
    %dma_start3A_1379 = tpu.memref_squeeze %dma_start3A_1378 : memref<1x1x512xf32, #tpu.memory_space<hbm>> -> memref<512xf32, #tpu.memory_space<hbm>>
    %dma_start3A_1380 = tpu.memref_slice %arg5[%select_n3A, %dma_start3A_1375, %mul3A_32] : memref<16x64x1024xf32, #tpu.memory_space<hbm>> -> memref<1x1x512xf32, #tpu.memory_space<hbm>>
    %dma_start3A_1381 = tpu.memref_squeeze %dma_start3A_1380 : memref<1x1x512xf32, #tpu.memory_space<hbm>> -> memref<512xf32, #tpu.memory_space<hbm>>
    %dma_start3A_1382 = arith.constant 8704 : i32
    %dma_start3A_1383 = tpu.memref_slice %arg10[%dma_start3A_1382] : memref<32768xf32, #tpu.memory_space<vmem>> -> memref<512xf32, #tpu.memory_space<vmem>>
    tpu.enqueue_dma source(%dma_start3A_1383 : memref<512xf32, #tpu.memory_space<vmem>>) target(%dma_start3A_1381 : memref<512xf32, #tpu.memory_space<hbm>>) target_semaphore(%arg12 : memref<!tpu.dma_semaphore, #tpu.memory_space<semaphore_mem>>)
    %dma_start3A_1384 = arith.constant 18 : i32
    %dma_start3A_1385 = arith.constant 9216 : i32
    %dma_start3A_1386 = tpu.memref_slice %arg10[%dma_start3A_1385] : memref<32768xf32, #tpu.memory_space<vmem>> -> memref<512xf32, #tpu.memory_space<vmem>>
    %dma_start3A_1387 = tpu.memref_slice %arg5[%select_n3A, %dma_start3A_1384, %mul3A_32] : memref<16x64x1024xf32, #tpu.memory_space<hbm>> -> memref<1x1x512xf32, #tpu.memory_space<hbm>>
    %dma_start3A_1388 = tpu.memref_squeeze %dma_start3A_1387 : memref<1x1x512xf32, #tpu.memory_space<hbm>> -> memref<512xf32, #tpu.memory_space<hbm>>
    %dma_start3A_1389 = tpu.memref_slice %arg5[%select_n3A, %dma_start3A_1384, %mul3A_32] : memref<16x64x1024xf32, #tpu.memory_space<hbm>> -> memref<1x1x512xf32, #tpu.memory_space<hbm>>
    %dma_start3A_1390 = tpu.memref_squeeze %dma_start3A_1389 : memref<1x1x512xf32, #tpu.memory_space<hbm>> -> memref<512xf32, #tpu.memory_space<hbm>>
    %dma_start3A_1391 = arith.constant 9216 : i32
    %dma_start3A_1392 = tpu.memref_slice %arg10[%dma_start3A_1391] : memref<32768xf32, #tpu.memory_space<vmem>> -> memref<512xf32, #tpu.memory_space<vmem>>
    tpu.enqueue_dma source(%dma_start3A_1392 : memref<512xf32, #tpu.memory_space<vmem>>) target(%dma_start3A_1390 : memref<512xf32, #tpu.memory_space<hbm>>) target_semaphore(%arg12 : memref<!tpu.dma_semaphore, #tpu.memory_space<semaphore_mem>>)
    %dma_start3A_1393 = arith.constant 19 : i32
    %dma_start3A_1394 = arith.constant 9728 : i32
    %dma_start3A_1395 = tpu.memref_slice %arg10[%dma_start3A_1394] : memref<32768xf32, #tpu.memory_space<vmem>> -> memref<512xf32, #tpu.memory_space<vmem>>
    %dma_start3A_1396 = tpu.memref_slice %arg5[%select_n3A, %dma_start3A_1393, %mul3A_32] : memref<16x64x1024xf32, #tpu.memory_space<hbm>> -> memref<1x1x512xf32, #tpu.memory_space<hbm>>
    %dma_start3A_1397 = tpu.memref_squeeze %dma_start3A_1396 : memref<1x1x512xf32, #tpu.memory_space<hbm>> -> memref<512xf32, #tpu.memory_space<hbm>>
    %dma_start3A_1398 = tpu.memref_slice %arg5[%select_n3A, %dma_start3A_1393, %mul3A_32] : memref<16x64x1024xf32, #tpu.memory_space<hbm>> -> memref<1x1x512xf32, #tpu.memory_space<hbm>>
    %dma_start3A_1399 = tpu.memref_squeeze %dma_start3A_1398 : memref<1x1x512xf32, #tpu.memory_space<hbm>> -> memref<512xf32, #tpu.memory_space<hbm>>
    %dma_start3A_1400 = arith.constant 9728 : i32
    %dma_start3A_1401 = tpu.memref_slice %arg10[%dma_start3A_1400] : memref<32768xf32, #tpu.memory_space<vmem>> -> memref<512xf32, #tpu.memory_space<vmem>>
    tpu.enqueue_dma source(%dma_start3A_1401 : memref<512xf32, #tpu.memory_space<vmem>>) target(%dma_start3A_1399 : memref<512xf32, #tpu.memory_space<hbm>>) target_semaphore(%arg12 : memref<!tpu.dma_semaphore, #tpu.memory_space<semaphore_mem>>)
    %dma_start3A_1402 = arith.constant 20 : i32
    %dma_start3A_1403 = arith.constant 10240 : i32
    %dma_start3A_1404 = tpu.memref_slice %arg10[%dma_start3A_1403] : memref<32768xf32, #tpu.memory_space<vmem>> -> memref<512xf32, #tpu.memory_space<vmem>>
    %dma_start3A_1405 = tpu.memref_slice %arg5[%select_n3A, %dma_start3A_1402, %mul3A_32] : memref<16x64x1024xf32, #tpu.memory_space<hbm>> -> memref<1x1x512xf32, #tpu.memory_space<hbm>>
    %dma_start3A_1406 = tpu.memref_squeeze %dma_start3A_1405 : memref<1x1x512xf32, #tpu.memory_space<hbm>> -> memref<512xf32, #tpu.memory_space<hbm>>
    %dma_start3A_1407 = tpu.memref_slice %arg5[%select_n3A, %dma_start3A_1402, %mul3A_32] : memref<16x64x1024xf32, #tpu.memory_space<hbm>> -> memref<1x1x512xf32, #tpu.memory_space<hbm>>
    %dma_start3A_1408 = tpu.memref_squeeze %dma_start3A_1407 : memref<1x1x512xf32, #tpu.memory_space<hbm>> -> memref<512xf32, #tpu.memory_space<hbm>>
    %dma_start3A_1409 = arith.constant 10240 : i32
    %dma_start3A_1410 = tpu.memref_slice %arg10[%dma_start3A_1409] : memref<32768xf32, #tpu.memory_space<vmem>> -> memref<512xf32, #tpu.memory_space<vmem>>
    tpu.enqueue_dma source(%dma_start3A_1410 : memref<512xf32, #tpu.memory_space<vmem>>) target(%dma_start3A_1408 : memref<512xf32, #tpu.memory_space<hbm>>) target_semaphore(%arg12 : memref<!tpu.dma_semaphore, #tpu.memory_space<semaphore_mem>>)
    %dma_start3A_1411 = arith.constant 21 : i32
    %dma_start3A_1412 = arith.constant 10752 : i32
    %dma_start3A_1413 = tpu.memref_slice %arg10[%dma_start3A_1412] : memref<32768xf32, #tpu.memory_space<vmem>> -> memref<512xf32, #tpu.memory_space<vmem>>
    %dma_start3A_1414 = tpu.memref_slice %arg5[%select_n3A, %dma_start3A_1411, %mul3A_32] : memref<16x64x1024xf32, #tpu.memory_space<hbm>> -> memref<1x1x512xf32, #tpu.memory_space<hbm>>
    %dma_start3A_1415 = tpu.memref_squeeze %dma_start3A_1414 : memref<1x1x512xf32, #tpu.memory_space<hbm>> -> memref<512xf32, #tpu.memory_space<hbm>>
    %dma_start3A_1416 = tpu.memref_slice %arg5[%select_n3A, %dma_start3A_1411, %mul3A_32] : memref<16x64x1024xf32, #tpu.memory_space<hbm>> -> memref<1x1x512xf32, #tpu.memory_space<hbm>>
    %dma_start3A_1417 = tpu.memref_squeeze %dma_start3A_1416 : memref<1x1x512xf32, #tpu.memory_space<hbm>> -> memref<512xf32, #tpu.memory_space<hbm>>
    %dma_start3A_1418 = arith.constant 10752 : i32
    %dma_start3A_1419 = tpu.memref_slice %arg10[%dma_start3A_1418] : memref<32768xf32, #tpu.memory_space<vmem>> -> memref<512xf32, #tpu.memory_space<vmem>>
    tpu.enqueue_dma source(%dma_start3A_1419 : memref<512xf32, #tpu.memory_space<vmem>>) target(%dma_start3A_1417 : memref<512xf32, #tpu.memory_space<hbm>>) target_semaphore(%arg12 : memref<!tpu.dma_semaphore, #tpu.memory_space<semaphore_mem>>)
    %dma_start3A_1420 = arith.constant 22 : i32
    %dma_start3A_1421 = arith.constant 11264 : i32
    %dma_start3A_1422 = tpu.memref_slice %arg10[%dma_start3A_1421] : memref<32768xf32, #tpu.memory_space<vmem>> -> memref<512xf32, #tpu.memory_space<vmem>>
    %dma_start3A_1423 = tpu.memref_slice %arg5[%select_n3A, %dma_start3A_1420, %mul3A_32] : memref<16x64x1024xf32, #tpu.memory_space<hbm>> -> memref<1x1x512xf32, #tpu.memory_space<hbm>>
    %dma_start3A_1424 = tpu.memref_squeeze %dma_start3A_1423 : memref<1x1x512xf32, #tpu.memory_space<hbm>> -> memref<512xf32, #tpu.memory_space<hbm>>
    %dma_start3A_1425 = tpu.memref_slice %arg5[%select_n3A, %dma_start3A_1420, %mul3A_32] : memref<16x64x1024xf32, #tpu.memory_space<hbm>> -> memref<1x1x512xf32, #tpu.memory_space<hbm>>
    %dma_start3A_1426 = tpu.memref_squeeze %dma_start3A_1425 : memref<1x1x512xf32, #tpu.memory_space<hbm>> -> memref<512xf32, #tpu.memory_space<hbm>>
    %dma_start3A_1427 = arith.constant 11264 : i32
    %dma_start3A_1428 = tpu.memref_slice %arg10[%dma_start3A_1427] : memref<32768xf32, #tpu.memory_space<vmem>> -> memref<512xf32, #tpu.memory_space<vmem>>
    tpu.enqueue_dma source(%dma_start3A_1428 : memref<512xf32, #tpu.memory_space<vmem>>) target(%dma_start3A_1426 : memref<512xf32, #tpu.memory_space<hbm>>) target_semaphore(%arg12 : memref<!tpu.dma_semaphore, #tpu.memory_space<semaphore_mem>>)
    %dma_start3A_1429 = arith.constant 23 : i32
    %dma_start3A_1430 = arith.constant 11776 : i32
    %dma_start3A_1431 = tpu.memref_slice %arg10[%dma_start3A_1430] : memref<32768xf32, #tpu.memory_space<vmem>> -> memref<512xf32, #tpu.memory_space<vmem>>
    %dma_start3A_1432 = tpu.memref_slice %arg5[%select_n3A, %dma_start3A_1429, %mul3A_32] : memref<16x64x1024xf32, #tpu.memory_space<hbm>> -> memref<1x1x512xf32, #tpu.memory_space<hbm>>
    %dma_start3A_1433 = tpu.memref_squeeze %dma_start3A_1432 : memref<1x1x512xf32, #tpu.memory_space<hbm>> -> memref<512xf32, #tpu.memory_space<hbm>>
    %dma_start3A_1434 = tpu.memref_slice %arg5[%select_n3A, %dma_start3A_1429, %mul3A_32] : memref<16x64x1024xf32, #tpu.memory_space<hbm>> -> memref<1x1x512xf32, #tpu.memory_space<hbm>>
    %dma_start3A_1435 = tpu.memref_squeeze %dma_start3A_1434 : memref<1x1x512xf32, #tpu.memory_space<hbm>> -> memref<512xf32, #tpu.memory_space<hbm>>
    %dma_start3A_1436 = arith.constant 11776 : i32
    %dma_start3A_1437 = tpu.memref_slice %arg10[%dma_start3A_1436] : memref<32768xf32, #tpu.memory_space<vmem>> -> memref<512xf32, #tpu.memory_space<vmem>>
    tpu.enqueue_dma source(%dma_start3A_1437 : memref<512xf32, #tpu.memory_space<vmem>>) target(%dma_start3A_1435 : memref<512xf32, #tpu.memory_space<hbm>>) target_semaphore(%arg12 : memref<!tpu.dma_semaphore, #tpu.memory_space<semaphore_mem>>)
    %dma_start3A_1438 = arith.constant 24 : i32
    %dma_start3A_1439 = arith.constant 12288 : i32
    %dma_start3A_1440 = tpu.memref_slice %arg10[%dma_start3A_1439] : memref<32768xf32, #tpu.memory_space<vmem>> -> memref<512xf32, #tpu.memory_space<vmem>>
    %dma_start3A_1441 = tpu.memref_slice %arg5[%select_n3A, %dma_start3A_1438, %mul3A_32] : memref<16x64x1024xf32, #tpu.memory_space<hbm>> -> memref<1x1x512xf32, #tpu.memory_space<hbm>>
    %dma_start3A_1442 = tpu.memref_squeeze %dma_start3A_1441 : memref<1x1x512xf32, #tpu.memory_space<hbm>> -> memref<512xf32, #tpu.memory_space<hbm>>
    %dma_start3A_1443 = tpu.memref_slice %arg5[%select_n3A, %dma_start3A_1438, %mul3A_32] : memref<16x64x1024xf32, #tpu.memory_space<hbm>> -> memref<1x1x512xf32, #tpu.memory_space<hbm>>
    %dma_start3A_1444 = tpu.memref_squeeze %dma_start3A_1443 : memref<1x1x512xf32, #tpu.memory_space<hbm>> -> memref<512xf32, #tpu.memory_space<hbm>>
    %dma_start3A_1445 = arith.constant 12288 : i32
    %dma_start3A_1446 = tpu.memref_slice %arg10[%dma_start3A_1445] : memref<32768xf32, #tpu.memory_space<vmem>> -> memref<512xf32, #tpu.memory_space<vmem>>
    tpu.enqueue_dma source(%dma_start3A_1446 : memref<512xf32, #tpu.memory_space<vmem>>) target(%dma_start3A_1444 : memref<512xf32, #tpu.memory_space<hbm>>) target_semaphore(%arg12 : memref<!tpu.dma_semaphore, #tpu.memory_space<semaphore_mem>>)
    %dma_start3A_1447 = arith.constant 25 : i32
    %dma_start3A_1448 = arith.constant 12800 : i32
    %dma_start3A_1449 = tpu.memref_slice %arg10[%dma_start3A_1448] : memref<32768xf32, #tpu.memory_space<vmem>> -> memref<512xf32, #tpu.memory_space<vmem>>
    %dma_start3A_1450 = tpu.memref_slice %arg5[%select_n3A, %dma_start3A_1447, %mul3A_32] : memref<16x64x1024xf32, #tpu.memory_space<hbm>> -> memref<1x1x512xf32, #tpu.memory_space<hbm>>
    %dma_start3A_1451 = tpu.memref_squeeze %dma_start3A_1450 : memref<1x1x512xf32, #tpu.memory_space<hbm>> -> memref<512xf32, #tpu.memory_space<hbm>>
    %dma_start3A_1452 = tpu.memref_slice %arg5[%select_n3A, %dma_start3A_1447, %mul3A_32] : memref<16x64x1024xf32, #tpu.memory_space<hbm>> -> memref<1x1x512xf32, #tpu.memory_space<hbm>>
    %dma_start3A_1453 = tpu.memref_squeeze %dma_start3A_1452 : memref<1x1x512xf32, #tpu.memory_space<hbm>> -> memref<512xf32, #tpu.memory_space<hbm>>
    %dma_start3A_1454 = arith.constant 12800 : i32
    %dma_start3A_1455 = tpu.memref_slice %arg10[%dma_start3A_1454] : memref<32768xf32, #tpu.memory_space<vmem>> -> memref<512xf32, #tpu.memory_space<vmem>>
    tpu.enqueue_dma source(%dma_start3A_1455 : memref<512xf32, #tpu.memory_space<vmem>>) target(%dma_start3A_1453 : memref<512xf32, #tpu.memory_space<hbm>>) target_semaphore(%arg12 : memref<!tpu.dma_semaphore, #tpu.memory_space<semaphore_mem>>)
    %dma_start3A_1456 = arith.constant 26 : i32
    %dma_start3A_1457 = arith.constant 13312 : i32
    %dma_start3A_1458 = tpu.memref_slice %arg10[%dma_start3A_1457] : memref<32768xf32, #tpu.memory_space<vmem>> -> memref<512xf32, #tpu.memory_space<vmem>>
    %dma_start3A_1459 = tpu.memref_slice %arg5[%select_n3A, %dma_start3A_1456, %mul3A_32] : memref<16x64x1024xf32, #tpu.memory_space<hbm>> -> memref<1x1x512xf32, #tpu.memory_space<hbm>>
    %dma_start3A_1460 = tpu.memref_squeeze %dma_start3A_1459 : memref<1x1x512xf32, #tpu.memory_space<hbm>> -> memref<512xf32, #tpu.memory_space<hbm>>
    %dma_start3A_1461 = tpu.memref_slice %arg5[%select_n3A, %dma_start3A_1456, %mul3A_32] : memref<16x64x1024xf32, #tpu.memory_space<hbm>> -> memref<1x1x512xf32, #tpu.memory_space<hbm>>
    %dma_start3A_1462 = tpu.memref_squeeze %dma_start3A_1461 : memref<1x1x512xf32, #tpu.memory_space<hbm>> -> memref<512xf32, #tpu.memory_space<hbm>>
    %dma_start3A_1463 = arith.constant 13312 : i32
    %dma_start3A_1464 = tpu.memref_slice %arg10[%dma_start3A_1463] : memref<32768xf32, #tpu.memory_space<vmem>> -> memref<512xf32, #tpu.memory_space<vmem>>
    tpu.enqueue_dma source(%dma_start3A_1464 : memref<512xf32, #tpu.memory_space<vmem>>) target(%dma_start3A_1462 : memref<512xf32, #tpu.memory_space<hbm>>) target_semaphore(%arg12 : memref<!tpu.dma_semaphore, #tpu.memory_space<semaphore_mem>>)
    %dma_start3A_1465 = arith.constant 27 : i32
    %dma_start3A_1466 = arith.constant 13824 : i32
    %dma_start3A_1467 = tpu.memref_slice %arg10[%dma_start3A_1466] : memref<32768xf32, #tpu.memory_space<vmem>> -> memref<512xf32, #tpu.memory_space<vmem>>
    %dma_start3A_1468 = tpu.memref_slice %arg5[%select_n3A, %dma_start3A_1465, %mul3A_32] : memref<16x64x1024xf32, #tpu.memory_space<hbm>> -> memref<1x1x512xf32, #tpu.memory_space<hbm>>
    %dma_start3A_1469 = tpu.memref_squeeze %dma_start3A_1468 : memref<1x1x512xf32, #tpu.memory_space<hbm>> -> memref<512xf32, #tpu.memory_space<hbm>>
    %dma_start3A_1470 = tpu.memref_slice %arg5[%select_n3A, %dma_start3A_1465, %mul3A_32] : memref<16x64x1024xf32, #tpu.memory_space<hbm>> -> memref<1x1x512xf32, #tpu.memory_space<hbm>>
    %dma_start3A_1471 = tpu.memref_squeeze %dma_start3A_1470 : memref<1x1x512xf32, #tpu.memory_space<hbm>> -> memref<512xf32, #tpu.memory_space<hbm>>
    %dma_start3A_1472 = arith.constant 13824 : i32
    %dma_start3A_1473 = tpu.memref_slice %arg10[%dma_start3A_1472] : memref<32768xf32, #tpu.memory_space<vmem>> -> memref<512xf32, #tpu.memory_space<vmem>>
    tpu.enqueue_dma source(%dma_start3A_1473 : memref<512xf32, #tpu.memory_space<vmem>>) target(%dma_start3A_1471 : memref<512xf32, #tpu.memory_space<hbm>>) target_semaphore(%arg12 : memref<!tpu.dma_semaphore, #tpu.memory_space<semaphore_mem>>)
    %dma_start3A_1474 = arith.constant 28 : i32
    %dma_start3A_1475 = arith.constant 14336 : i32
    %dma_start3A_1476 = tpu.memref_slice %arg10[%dma_start3A_1475] : memref<32768xf32, #tpu.memory_space<vmem>> -> memref<512xf32, #tpu.memory_space<vmem>>
    %dma_start3A_1477 = tpu.memref_slice %arg5[%select_n3A, %dma_start3A_1474, %mul3A_32] : memref<16x64x1024xf32, #tpu.memory_space<hbm>> -> memref<1x1x512xf32, #tpu.memory_space<hbm>>
    %dma_start3A_1478 = tpu.memref_squeeze %dma_start3A_1477 : memref<1x1x512xf32, #tpu.memory_space<hbm>> -> memref<512xf32, #tpu.memory_space<hbm>>
    %dma_start3A_1479 = tpu.memref_slice %arg5[%select_n3A, %dma_start3A_1474, %mul3A_32] : memref<16x64x1024xf32, #tpu.memory_space<hbm>> -> memref<1x1x512xf32, #tpu.memory_space<hbm>>
    %dma_start3A_1480 = tpu.memref_squeeze %dma_start3A_1479 : memref<1x1x512xf32, #tpu.memory_space<hbm>> -> memref<512xf32, #tpu.memory_space<hbm>>
    %dma_start3A_1481 = arith.constant 14336 : i32
    %dma_start3A_1482 = tpu.memref_slice %arg10[%dma_start3A_1481] : memref<32768xf32, #tpu.memory_space<vmem>> -> memref<512xf32, #tpu.memory_space<vmem>>
    tpu.enqueue_dma source(%dma_start3A_1482 : memref<512xf32, #tpu.memory_space<vmem>>) target(%dma_start3A_1480 : memref<512xf32, #tpu.memory_space<hbm>>) target_semaphore(%arg12 : memref<!tpu.dma_semaphore, #tpu.memory_space<semaphore_mem>>)
    %dma_start3A_1483 = arith.constant 29 : i32
    %dma_start3A_1484 = arith.constant 14848 : i32
    %dma_start3A_1485 = tpu.memref_slice %arg10[%dma_start3A_1484] : memref<32768xf32, #tpu.memory_space<vmem>> -> memref<512xf32, #tpu.memory_space<vmem>>
    %dma_start3A_1486 = tpu.memref_slice %arg5[%select_n3A, %dma_start3A_1483, %mul3A_32] : memref<16x64x1024xf32, #tpu.memory_space<hbm>> -> memref<1x1x512xf32, #tpu.memory_space<hbm>>
    %dma_start3A_1487 = tpu.memref_squeeze %dma_start3A_1486 : memref<1x1x512xf32, #tpu.memory_space<hbm>> -> memref<512xf32, #tpu.memory_space<hbm>>
    %dma_start3A_1488 = tpu.memref_slice %arg5[%select_n3A, %dma_start3A_1483, %mul3A_32] : memref<16x64x1024xf32, #tpu.memory_space<hbm>> -> memref<1x1x512xf32, #tpu.memory_space<hbm>>
    %dma_start3A_1489 = tpu.memref_squeeze %dma_start3A_1488 : memref<1x1x512xf32, #tpu.memory_space<hbm>> -> memref<512xf32, #tpu.memory_space<hbm>>
    %dma_start3A_1490 = arith.constant 14848 : i32
    %dma_start3A_1491 = tpu.memref_slice %arg10[%dma_start3A_1490] : memref<32768xf32, #tpu.memory_space<vmem>> -> memref<512xf32, #tpu.memory_space<vmem>>
    tpu.enqueue_dma source(%dma_start3A_1491 : memref<512xf32, #tpu.memory_space<vmem>>) target(%dma_start3A_1489 : memref<512xf32, #tpu.memory_space<hbm>>) target_semaphore(%arg12 : memref<!tpu.dma_semaphore, #tpu.memory_space<semaphore_mem>>)
    %dma_start3A_1492 = arith.constant 30 : i32
    %dma_start3A_1493 = arith.constant 15360 : i32
    %dma_start3A_1494 = tpu.memref_slice %arg10[%dma_start3A_1493] : memref<32768xf32, #tpu.memory_space<vmem>> -> memref<512xf32, #tpu.memory_space<vmem>>
    %dma_start3A_1495 = tpu.memref_slice %arg5[%select_n3A, %dma_start3A_1492, %mul3A_32] : memref<16x64x1024xf32, #tpu.memory_space<hbm>> -> memref<1x1x512xf32, #tpu.memory_space<hbm>>
    %dma_start3A_1496 = tpu.memref_squeeze %dma_start3A_1495 : memref<1x1x512xf32, #tpu.memory_space<hbm>> -> memref<512xf32, #tpu.memory_space<hbm>>
    %dma_start3A_1497 = tpu.memref_slice %arg5[%select_n3A, %dma_start3A_1492, %mul3A_32] : memref<16x64x1024xf32, #tpu.memory_space<hbm>> -> memref<1x1x512xf32, #tpu.memory_space<hbm>>
    %dma_start3A_1498 = tpu.memref_squeeze %dma_start3A_1497 : memref<1x1x512xf32, #tpu.memory_space<hbm>> -> memref<512xf32, #tpu.memory_space<hbm>>
    %dma_start3A_1499 = arith.constant 15360 : i32
    %dma_start3A_1500 = tpu.memref_slice %arg10[%dma_start3A_1499] : memref<32768xf32, #tpu.memory_space<vmem>> -> memref<512xf32, #tpu.memory_space<vmem>>
    tpu.enqueue_dma source(%dma_start3A_1500 : memref<512xf32, #tpu.memory_space<vmem>>) target(%dma_start3A_1498 : memref<512xf32, #tpu.memory_space<hbm>>) target_semaphore(%arg12 : memref<!tpu.dma_semaphore, #tpu.memory_space<semaphore_mem>>)
    %dma_start3A_1501 = arith.constant 31 : i32
    %dma_start3A_1502 = arith.constant 15872 : i32
    %dma_start3A_1503 = tpu.memref_slice %arg10[%dma_start3A_1502] : memref<32768xf32, #tpu.memory_space<vmem>> -> memref<512xf32, #tpu.memory_space<vmem>>
    %dma_start3A_1504 = tpu.memref_slice %arg5[%select_n3A, %dma_start3A_1501, %mul3A_32] : memref<16x64x1024xf32, #tpu.memory_space<hbm>> -> memref<1x1x512xf32, #tpu.memory_space<hbm>>
    %dma_start3A_1505 = tpu.memref_squeeze %dma_start3A_1504 : memref<1x1x512xf32, #tpu.memory_space<hbm>> -> memref<512xf32, #tpu.memory_space<hbm>>
    %dma_start3A_1506 = tpu.memref_slice %arg5[%select_n3A, %dma_start3A_1501, %mul3A_32] : memref<16x64x1024xf32, #tpu.memory_space<hbm>> -> memref<1x1x512xf32, #tpu.memory_space<hbm>>
    %dma_start3A_1507 = tpu.memref_squeeze %dma_start3A_1506 : memref<1x1x512xf32, #tpu.memory_space<hbm>> -> memref<512xf32, #tpu.memory_space<hbm>>
    %dma_start3A_1508 = arith.constant 15872 : i32
    %dma_start3A_1509 = tpu.memref_slice %arg10[%dma_start3A_1508] : memref<32768xf32, #tpu.memory_space<vmem>> -> memref<512xf32, #tpu.memory_space<vmem>>
    tpu.enqueue_dma source(%dma_start3A_1509 : memref<512xf32, #tpu.memory_space<vmem>>) target(%dma_start3A_1507 : memref<512xf32, #tpu.memory_space<hbm>>) target_semaphore(%arg12 : memref<!tpu.dma_semaphore, #tpu.memory_space<semaphore_mem>>)
    %dma_start3A_1510 = arith.constant 32 : i32
    %dma_start3A_1511 = arith.constant 16384 : i32
    %dma_start3A_1512 = tpu.memref_slice %arg10[%dma_start3A_1511] : memref<32768xf32, #tpu.memory_space<vmem>> -> memref<512xf32, #tpu.memory_space<vmem>>
    %dma_start3A_1513 = tpu.memref_slice %arg5[%select_n3A, %dma_start3A_1510, %mul3A_32] : memref<16x64x1024xf32, #tpu.memory_space<hbm>> -> memref<1x1x512xf32, #tpu.memory_space<hbm>>
    %dma_start3A_1514 = tpu.memref_squeeze %dma_start3A_1513 : memref<1x1x512xf32, #tpu.memory_space<hbm>> -> memref<512xf32, #tpu.memory_space<hbm>>
    %dma_start3A_1515 = tpu.memref_slice %arg5[%select_n3A, %dma_start3A_1510, %mul3A_32] : memref<16x64x1024xf32, #tpu.memory_space<hbm>> -> memref<1x1x512xf32, #tpu.memory_space<hbm>>
    %dma_start3A_1516 = tpu.memref_squeeze %dma_start3A_1515 : memref<1x1x512xf32, #tpu.memory_space<hbm>> -> memref<512xf32, #tpu.memory_space<hbm>>
    %dma_start3A_1517 = arith.constant 16384 : i32
    %dma_start3A_1518 = tpu.memref_slice %arg10[%dma_start3A_1517] : memref<32768xf32, #tpu.memory_space<vmem>> -> memref<512xf32, #tpu.memory_space<vmem>>
    tpu.enqueue_dma source(%dma_start3A_1518 : memref<512xf32, #tpu.memory_space<vmem>>) target(%dma_start3A_1516 : memref<512xf32, #tpu.memory_space<hbm>>) target_semaphore(%arg12 : memref<!tpu.dma_semaphore, #tpu.memory_space<semaphore_mem>>)
    %dma_start3A_1519 = arith.constant 33 : i32
    %dma_start3A_1520 = arith.constant 16896 : i32
    %dma_start3A_1521 = tpu.memref_slice %arg10[%dma_start3A_1520] : memref<32768xf32, #tpu.memory_space<vmem>> -> memref<512xf32, #tpu.memory_space<vmem>>
    %dma_start3A_1522 = tpu.memref_slice %arg5[%select_n3A, %dma_start3A_1519, %mul3A_32] : memref<16x64x1024xf32, #tpu.memory_space<hbm>> -> memref<1x1x512xf32, #tpu.memory_space<hbm>>
    %dma_start3A_1523 = tpu.memref_squeeze %dma_start3A_1522 : memref<1x1x512xf32, #tpu.memory_space<hbm>> -> memref<512xf32, #tpu.memory_space<hbm>>
    %dma_start3A_1524 = tpu.memref_slice %arg5[%select_n3A, %dma_start3A_1519, %mul3A_32] : memref<16x64x1024xf32, #tpu.memory_space<hbm>> -> memref<1x1x512xf32, #tpu.memory_space<hbm>>
    %dma_start3A_1525 = tpu.memref_squeeze %dma_start3A_1524 : memref<1x1x512xf32, #tpu.memory_space<hbm>> -> memref<512xf32, #tpu.memory_space<hbm>>
    %dma_start3A_1526 = arith.constant 16896 : i32
    %dma_start3A_1527 = tpu.memref_slice %arg10[%dma_start3A_1526] : memref<32768xf32, #tpu.memory_space<vmem>> -> memref<512xf32, #tpu.memory_space<vmem>>
    tpu.enqueue_dma source(%dma_start3A_1527 : memref<512xf32, #tpu.memory_space<vmem>>) target(%dma_start3A_1525 : memref<512xf32, #tpu.memory_space<hbm>>) target_semaphore(%arg12 : memref<!tpu.dma_semaphore, #tpu.memory_space<semaphore_mem>>)
    %dma_start3A_1528 = arith.constant 34 : i32
    %dma_start3A_1529 = arith.constant 17408 : i32
    %dma_start3A_1530 = tpu.memref_slice %arg10[%dma_start3A_1529] : memref<32768xf32, #tpu.memory_space<vmem>> -> memref<512xf32, #tpu.memory_space<vmem>>
    %dma_start3A_1531 = tpu.memref_slice %arg5[%select_n3A, %dma_start3A_1528, %mul3A_32] : memref<16x64x1024xf32, #tpu.memory_space<hbm>> -> memref<1x1x512xf32, #tpu.memory_space<hbm>>
    %dma_start3A_1532 = tpu.memref_squeeze %dma_start3A_1531 : memref<1x1x512xf32, #tpu.memory_space<hbm>> -> memref<512xf32, #tpu.memory_space<hbm>>
    %dma_start3A_1533 = tpu.memref_slice %arg5[%select_n3A, %dma_start3A_1528, %mul3A_32] : memref<16x64x1024xf32, #tpu.memory_space<hbm>> -> memref<1x1x512xf32, #tpu.memory_space<hbm>>
    %dma_start3A_1534 = tpu.memref_squeeze %dma_start3A_1533 : memref<1x1x512xf32, #tpu.memory_space<hbm>> -> memref<512xf32, #tpu.memory_space<hbm>>
    %dma_start3A_1535 = arith.constant 17408 : i32
    %dma_start3A_1536 = tpu.memref_slice %arg10[%dma_start3A_1535] : memref<32768xf32, #tpu.memory_space<vmem>> -> memref<512xf32, #tpu.memory_space<vmem>>
    tpu.enqueue_dma source(%dma_start3A_1536 : memref<512xf32, #tpu.memory_space<vmem>>) target(%dma_start3A_1534 : memref<512xf32, #tpu.memory_space<hbm>>) target_semaphore(%arg12 : memref<!tpu.dma_semaphore, #tpu.memory_space<semaphore_mem>>)
    %dma_start3A_1537 = arith.constant 35 : i32
    %dma_start3A_1538 = arith.constant 17920 : i32
    %dma_start3A_1539 = tpu.memref_slice %arg10[%dma_start3A_1538] : memref<32768xf32, #tpu.memory_space<vmem>> -> memref<512xf32, #tpu.memory_space<vmem>>
    %dma_start3A_1540 = tpu.memref_slice %arg5[%select_n3A, %dma_start3A_1537, %mul3A_32] : memref<16x64x1024xf32, #tpu.memory_space<hbm>> -> memref<1x1x512xf32, #tpu.memory_space<hbm>>
    %dma_start3A_1541 = tpu.memref_squeeze %dma_start3A_1540 : memref<1x1x512xf32, #tpu.memory_space<hbm>> -> memref<512xf32, #tpu.memory_space<hbm>>
    %dma_start3A_1542 = tpu.memref_slice %arg5[%select_n3A, %dma_start3A_1537, %mul3A_32] : memref<16x64x1024xf32, #tpu.memory_space<hbm>> -> memref<1x1x512xf32, #tpu.memory_space<hbm>>
    %dma_start3A_1543 = tpu.memref_squeeze %dma_start3A_1542 : memref<1x1x512xf32, #tpu.memory_space<hbm>> -> memref<512xf32, #tpu.memory_space<hbm>>
    %dma_start3A_1544 = arith.constant 17920 : i32
    %dma_start3A_1545 = tpu.memref_slice %arg10[%dma_start3A_1544] : memref<32768xf32, #tpu.memory_space<vmem>> -> memref<512xf32, #tpu.memory_space<vmem>>
    tpu.enqueue_dma source(%dma_start3A_1545 : memref<512xf32, #tpu.memory_space<vmem>>) target(%dma_start3A_1543 : memref<512xf32, #tpu.memory_space<hbm>>) target_semaphore(%arg12 : memref<!tpu.dma_semaphore, #tpu.memory_space<semaphore_mem>>)
    %dma_start3A_1546 = arith.constant 36 : i32
    %dma_start3A_1547 = arith.constant 18432 : i32
    %dma_start3A_1548 = tpu.memref_slice %arg10[%dma_start3A_1547] : memref<32768xf32, #tpu.memory_space<vmem>> -> memref<512xf32, #tpu.memory_space<vmem>>
    %dma_start3A_1549 = tpu.memref_slice %arg5[%select_n3A, %dma_start3A_1546, %mul3A_32] : memref<16x64x1024xf32, #tpu.memory_space<hbm>> -> memref<1x1x512xf32, #tpu.memory_space<hbm>>
    %dma_start3A_1550 = tpu.memref_squeeze %dma_start3A_1549 : memref<1x1x512xf32, #tpu.memory_space<hbm>> -> memref<512xf32, #tpu.memory_space<hbm>>
    %dma_start3A_1551 = tpu.memref_slice %arg5[%select_n3A, %dma_start3A_1546, %mul3A_32] : memref<16x64x1024xf32, #tpu.memory_space<hbm>> -> memref<1x1x512xf32, #tpu.memory_space<hbm>>
    %dma_start3A_1552 = tpu.memref_squeeze %dma_start3A_1551 : memref<1x1x512xf32, #tpu.memory_space<hbm>> -> memref<512xf32, #tpu.memory_space<hbm>>
    %dma_start3A_1553 = arith.constant 18432 : i32
    %dma_start3A_1554 = tpu.memref_slice %arg10[%dma_start3A_1553] : memref<32768xf32, #tpu.memory_space<vmem>> -> memref<512xf32, #tpu.memory_space<vmem>>
    tpu.enqueue_dma source(%dma_start3A_1554 : memref<512xf32, #tpu.memory_space<vmem>>) target(%dma_start3A_1552 : memref<512xf32, #tpu.memory_space<hbm>>) target_semaphore(%arg12 : memref<!tpu.dma_semaphore, #tpu.memory_space<semaphore_mem>>)
    %dma_start3A_1555 = arith.constant 37 : i32
    %dma_start3A_1556 = arith.constant 18944 : i32
    %dma_start3A_1557 = tpu.memref_slice %arg10[%dma_start3A_1556] : memref<32768xf32, #tpu.memory_space<vmem>> -> memref<512xf32, #tpu.memory_space<vmem>>
    %dma_start3A_1558 = tpu.memref_slice %arg5[%select_n3A, %dma_start3A_1555, %mul3A_32] : memref<16x64x1024xf32, #tpu.memory_space<hbm>> -> memref<1x1x512xf32, #tpu.memory_space<hbm>>
    %dma_start3A_1559 = tpu.memref_squeeze %dma_start3A_1558 : memref<1x1x512xf32, #tpu.memory_space<hbm>> -> memref<512xf32, #tpu.memory_space<hbm>>
    %dma_start3A_1560 = tpu.memref_slice %arg5[%select_n3A, %dma_start3A_1555, %mul3A_32] : memref<16x64x1024xf32, #tpu.memory_space<hbm>> -> memref<1x1x512xf32, #tpu.memory_space<hbm>>
    %dma_start3A_1561 = tpu.memref_squeeze %dma_start3A_1560 : memref<1x1x512xf32, #tpu.memory_space<hbm>> -> memref<512xf32, #tpu.memory_space<hbm>>
    %dma_start3A_1562 = arith.constant 18944 : i32
    %dma_start3A_1563 = tpu.memref_slice %arg10[%dma_start3A_1562] : memref<32768xf32, #tpu.memory_space<vmem>> -> memref<512xf32, #tpu.memory_space<vmem>>
    tpu.enqueue_dma source(%dma_start3A_1563 : memref<512xf32, #tpu.memory_space<vmem>>) target(%dma_start3A_1561 : memref<512xf32, #tpu.memory_space<hbm>>) target_semaphore(%arg12 : memref<!tpu.dma_semaphore, #tpu.memory_space<semaphore_mem>>)
    %dma_start3A_1564 = arith.constant 38 : i32
    %dma_start3A_1565 = arith.constant 19456 : i32
    %dma_start3A_1566 = tpu.memref_slice %arg10[%dma_start3A_1565] : memref<32768xf32, #tpu.memory_space<vmem>> -> memref<512xf32, #tpu.memory_space<vmem>>
    %dma_start3A_1567 = tpu.memref_slice %arg5[%select_n3A, %dma_start3A_1564, %mul3A_32] : memref<16x64x1024xf32, #tpu.memory_space<hbm>> -> memref<1x1x512xf32, #tpu.memory_space<hbm>>
    %dma_start3A_1568 = tpu.memref_squeeze %dma_start3A_1567 : memref<1x1x512xf32, #tpu.memory_space<hbm>> -> memref<512xf32, #tpu.memory_space<hbm>>
    %dma_start3A_1569 = tpu.memref_slice %arg5[%select_n3A, %dma_start3A_1564, %mul3A_32] : memref<16x64x1024xf32, #tpu.memory_space<hbm>> -> memref<1x1x512xf32, #tpu.memory_space<hbm>>
    %dma_start3A_1570 = tpu.memref_squeeze %dma_start3A_1569 : memref<1x1x512xf32, #tpu.memory_space<hbm>> -> memref<512xf32, #tpu.memory_space<hbm>>
    %dma_start3A_1571 = arith.constant 19456 : i32
    %dma_start3A_1572 = tpu.memref_slice %arg10[%dma_start3A_1571] : memref<32768xf32, #tpu.memory_space<vmem>> -> memref<512xf32, #tpu.memory_space<vmem>>
    tpu.enqueue_dma source(%dma_start3A_1572 : memref<512xf32, #tpu.memory_space<vmem>>) target(%dma_start3A_1570 : memref<512xf32, #tpu.memory_space<hbm>>) target_semaphore(%arg12 : memref<!tpu.dma_semaphore, #tpu.memory_space<semaphore_mem>>)
    %dma_start3A_1573 = arith.constant 39 : i32
    %dma_start3A_1574 = arith.constant 19968 : i32
    %dma_start3A_1575 = tpu.memref_slice %arg10[%dma_start3A_1574] : memref<32768xf32, #tpu.memory_space<vmem>> -> memref<512xf32, #tpu.memory_space<vmem>>
    %dma_start3A_1576 = tpu.memref_slice %arg5[%select_n3A, %dma_start3A_1573, %mul3A_32] : memref<16x64x1024xf32, #tpu.memory_space<hbm>> -> memref<1x1x512xf32, #tpu.memory_space<hbm>>
    %dma_start3A_1577 = tpu.memref_squeeze %dma_start3A_1576 : memref<1x1x512xf32, #tpu.memory_space<hbm>> -> memref<512xf32, #tpu.memory_space<hbm>>
    %dma_start3A_1578 = tpu.memref_slice %arg5[%select_n3A, %dma_start3A_1573, %mul3A_32] : memref<16x64x1024xf32, #tpu.memory_space<hbm>> -> memref<1x1x512xf32, #tpu.memory_space<hbm>>
    %dma_start3A_1579 = tpu.memref_squeeze %dma_start3A_1578 : memref<1x1x512xf32, #tpu.memory_space<hbm>> -> memref<512xf32, #tpu.memory_space<hbm>>
    %dma_start3A_1580 = arith.constant 19968 : i32
    %dma_start3A_1581 = tpu.memref_slice %arg10[%dma_start3A_1580] : memref<32768xf32, #tpu.memory_space<vmem>> -> memref<512xf32, #tpu.memory_space<vmem>>
    tpu.enqueue_dma source(%dma_start3A_1581 : memref<512xf32, #tpu.memory_space<vmem>>) target(%dma_start3A_1579 : memref<512xf32, #tpu.memory_space<hbm>>) target_semaphore(%arg12 : memref<!tpu.dma_semaphore, #tpu.memory_space<semaphore_mem>>)
    %dma_start3A_1582 = arith.constant 40 : i32
    %dma_start3A_1583 = arith.constant 20480 : i32
    %dma_start3A_1584 = tpu.memref_slice %arg10[%dma_start3A_1583] : memref<32768xf32, #tpu.memory_space<vmem>> -> memref<512xf32, #tpu.memory_space<vmem>>
    %dma_start3A_1585 = tpu.memref_slice %arg5[%select_n3A, %dma_start3A_1582, %mul3A_32] : memref<16x64x1024xf32, #tpu.memory_space<hbm>> -> memref<1x1x512xf32, #tpu.memory_space<hbm>>
    %dma_start3A_1586 = tpu.memref_squeeze %dma_start3A_1585 : memref<1x1x512xf32, #tpu.memory_space<hbm>> -> memref<512xf32, #tpu.memory_space<hbm>>
    %dma_start3A_1587 = tpu.memref_slice %arg5[%select_n3A, %dma_start3A_1582, %mul3A_32] : memref<16x64x1024xf32, #tpu.memory_space<hbm>> -> memref<1x1x512xf32, #tpu.memory_space<hbm>>
    %dma_start3A_1588 = tpu.memref_squeeze %dma_start3A_1587 : memref<1x1x512xf32, #tpu.memory_space<hbm>> -> memref<512xf32, #tpu.memory_space<hbm>>
    %dma_start3A_1589 = arith.constant 20480 : i32
    %dma_start3A_1590 = tpu.memref_slice %arg10[%dma_start3A_1589] : memref<32768xf32, #tpu.memory_space<vmem>> -> memref<512xf32, #tpu.memory_space<vmem>>
    tpu.enqueue_dma source(%dma_start3A_1590 : memref<512xf32, #tpu.memory_space<vmem>>) target(%dma_start3A_1588 : memref<512xf32, #tpu.memory_space<hbm>>) target_semaphore(%arg12 : memref<!tpu.dma_semaphore, #tpu.memory_space<semaphore_mem>>)
    %dma_start3A_1591 = arith.constant 41 : i32
    %dma_start3A_1592 = arith.constant 20992 : i32
    %dma_start3A_1593 = tpu.memref_slice %arg10[%dma_start3A_1592] : memref<32768xf32, #tpu.memory_space<vmem>> -> memref<512xf32, #tpu.memory_space<vmem>>
    %dma_start3A_1594 = tpu.memref_slice %arg5[%select_n3A, %dma_start3A_1591, %mul3A_32] : memref<16x64x1024xf32, #tpu.memory_space<hbm>> -> memref<1x1x512xf32, #tpu.memory_space<hbm>>
    %dma_start3A_1595 = tpu.memref_squeeze %dma_start3A_1594 : memref<1x1x512xf32, #tpu.memory_space<hbm>> -> memref<512xf32, #tpu.memory_space<hbm>>
    %dma_start3A_1596 = tpu.memref_slice %arg5[%select_n3A, %dma_start3A_1591, %mul3A_32] : memref<16x64x1024xf32, #tpu.memory_space<hbm>> -> memref<1x1x512xf32, #tpu.memory_space<hbm>>
    %dma_start3A_1597 = tpu.memref_squeeze %dma_start3A_1596 : memref<1x1x512xf32, #tpu.memory_space<hbm>> -> memref<512xf32, #tpu.memory_space<hbm>>
    %dma_start3A_1598 = arith.constant 20992 : i32
    %dma_start3A_1599 = tpu.memref_slice %arg10[%dma_start3A_1598] : memref<32768xf32, #tpu.memory_space<vmem>> -> memref<512xf32, #tpu.memory_space<vmem>>
    tpu.enqueue_dma source(%dma_start3A_1599 : memref<512xf32, #tpu.memory_space<vmem>>) target(%dma_start3A_1597 : memref<512xf32, #tpu.memory_space<hbm>>) target_semaphore(%arg12 : memref<!tpu.dma_semaphore, #tpu.memory_space<semaphore_mem>>)
    %dma_start3A_1600 = arith.constant 42 : i32
    %dma_start3A_1601 = arith.constant 21504 : i32
    %dma_start3A_1602 = tpu.memref_slice %arg10[%dma_start3A_1601] : memref<32768xf32, #tpu.memory_space<vmem>> -> memref<512xf32, #tpu.memory_space<vmem>>
    %dma_start3A_1603 = tpu.memref_slice %arg5[%select_n3A, %dma_start3A_1600, %mul3A_32] : memref<16x64x1024xf32, #tpu.memory_space<hbm>> -> memref<1x1x512xf32, #tpu.memory_space<hbm>>
    %dma_start3A_1604 = tpu.memref_squeeze %dma_start3A_1603 : memref<1x1x512xf32, #tpu.memory_space<hbm>> -> memref<512xf32, #tpu.memory_space<hbm>>
    %dma_start3A_1605 = tpu.memref_slice %arg5[%select_n3A, %dma_start3A_1600, %mul3A_32] : memref<16x64x1024xf32, #tpu.memory_space<hbm>> -> memref<1x1x512xf32, #tpu.memory_space<hbm>>
    %dma_start3A_1606 = tpu.memref_squeeze %dma_start3A_1605 : memref<1x1x512xf32, #tpu.memory_space<hbm>> -> memref<512xf32, #tpu.memory_space<hbm>>
    %dma_start3A_1607 = arith.constant 21504 : i32
    %dma_start3A_1608 = tpu.memref_slice %arg10[%dma_start3A_1607] : memref<32768xf32, #tpu.memory_space<vmem>> -> memref<512xf32, #tpu.memory_space<vmem>>
    tpu.enqueue_dma source(%dma_start3A_1608 : memref<512xf32, #tpu.memory_space<vmem>>) target(%dma_start3A_1606 : memref<512xf32, #tpu.memory_space<hbm>>) target_semaphore(%arg12 : memref<!tpu.dma_semaphore, #tpu.memory_space<semaphore_mem>>)
    %dma_start3A_1609 = arith.constant 43 : i32
    %dma_start3A_1610 = arith.constant 22016 : i32
    %dma_start3A_1611 = tpu.memref_slice %arg10[%dma_start3A_1610] : memref<32768xf32, #tpu.memory_space<vmem>> -> memref<512xf32, #tpu.memory_space<vmem>>
    %dma_start3A_1612 = tpu.memref_slice %arg5[%select_n3A, %dma_start3A_1609, %mul3A_32] : memref<16x64x1024xf32, #tpu.memory_space<hbm>> -> memref<1x1x512xf32, #tpu.memory_space<hbm>>
    %dma_start3A_1613 = tpu.memref_squeeze %dma_start3A_1612 : memref<1x1x512xf32, #tpu.memory_space<hbm>> -> memref<512xf32, #tpu.memory_space<hbm>>
    %dma_start3A_1614 = tpu.memref_slice %arg5[%select_n3A, %dma_start3A_1609, %mul3A_32] : memref<16x64x1024xf32, #tpu.memory_space<hbm>> -> memref<1x1x512xf32, #tpu.memory_space<hbm>>
    %dma_start3A_1615 = tpu.memref_squeeze %dma_start3A_1614 : memref<1x1x512xf32, #tpu.memory_space<hbm>> -> memref<512xf32, #tpu.memory_space<hbm>>
    %dma_start3A_1616 = arith.constant 22016 : i32
    %dma_start3A_1617 = tpu.memref_slice %arg10[%dma_start3A_1616] : memref<32768xf32, #tpu.memory_space<vmem>> -> memref<512xf32, #tpu.memory_space<vmem>>
    tpu.enqueue_dma source(%dma_start3A_1617 : memref<512xf32, #tpu.memory_space<vmem>>) target(%dma_start3A_1615 : memref<512xf32, #tpu.memory_space<hbm>>) target_semaphore(%arg12 : memref<!tpu.dma_semaphore, #tpu.memory_space<semaphore_mem>>)
    %dma_start3A_1618 = arith.constant 44 : i32
    %dma_start3A_1619 = arith.constant 22528 : i32
    %dma_start3A_1620 = tpu.memref_slice %arg10[%dma_start3A_1619] : memref<32768xf32, #tpu.memory_space<vmem>> -> memref<512xf32, #tpu.memory_space<vmem>>
    %dma_start3A_1621 = tpu.memref_slice %arg5[%select_n3A, %dma_start3A_1618, %mul3A_32] : memref<16x64x1024xf32, #tpu.memory_space<hbm>> -> memref<1x1x512xf32, #tpu.memory_space<hbm>>
    %dma_start3A_1622 = tpu.memref_squeeze %dma_start3A_1621 : memref<1x1x512xf32, #tpu.memory_space<hbm>> -> memref<512xf32, #tpu.memory_space<hbm>>
    %dma_start3A_1623 = tpu.memref_slice %arg5[%select_n3A, %dma_start3A_1618, %mul3A_32] : memref<16x64x1024xf32, #tpu.memory_space<hbm>> -> memref<1x1x512xf32, #tpu.memory_space<hbm>>
    %dma_start3A_1624 = tpu.memref_squeeze %dma_start3A_1623 : memref<1x1x512xf32, #tpu.memory_space<hbm>> -> memref<512xf32, #tpu.memory_space<hbm>>
    %dma_start3A_1625 = arith.constant 22528 : i32
    %dma_start3A_1626 = tpu.memref_slice %arg10[%dma_start3A_1625] : memref<32768xf32, #tpu.memory_space<vmem>> -> memref<512xf32, #tpu.memory_space<vmem>>
    tpu.enqueue_dma source(%dma_start3A_1626 : memref<512xf32, #tpu.memory_space<vmem>>) target(%dma_start3A_1624 : memref<512xf32, #tpu.memory_space<hbm>>) target_semaphore(%arg12 : memref<!tpu.dma_semaphore, #tpu.memory_space<semaphore_mem>>)
    %dma_start3A_1627 = arith.constant 45 : i32
    %dma_start3A_1628 = arith.constant 23040 : i32
    %dma_start3A_1629 = tpu.memref_slice %arg10[%dma_start3A_1628] : memref<32768xf32, #tpu.memory_space<vmem>> -> memref<512xf32, #tpu.memory_space<vmem>>
    %dma_start3A_1630 = tpu.memref_slice %arg5[%select_n3A, %dma_start3A_1627, %mul3A_32] : memref<16x64x1024xf32, #tpu.memory_space<hbm>> -> memref<1x1x512xf32, #tpu.memory_space<hbm>>
    %dma_start3A_1631 = tpu.memref_squeeze %dma_start3A_1630 : memref<1x1x512xf32, #tpu.memory_space<hbm>> -> memref<512xf32, #tpu.memory_space<hbm>>
    %dma_start3A_1632 = tpu.memref_slice %arg5[%select_n3A, %dma_start3A_1627, %mul3A_32] : memref<16x64x1024xf32, #tpu.memory_space<hbm>> -> memref<1x1x512xf32, #tpu.memory_space<hbm>>
    %dma_start3A_1633 = tpu.memref_squeeze %dma_start3A_1632 : memref<1x1x512xf32, #tpu.memory_space<hbm>> -> memref<512xf32, #tpu.memory_space<hbm>>
    %dma_start3A_1634 = arith.constant 23040 : i32
    %dma_start3A_1635 = tpu.memref_slice %arg10[%dma_start3A_1634] : memref<32768xf32, #tpu.memory_space<vmem>> -> memref<512xf32, #tpu.memory_space<vmem>>
    tpu.enqueue_dma source(%dma_start3A_1635 : memref<512xf32, #tpu.memory_space<vmem>>) target(%dma_start3A_1633 : memref<512xf32, #tpu.memory_space<hbm>>) target_semaphore(%arg12 : memref<!tpu.dma_semaphore, #tpu.memory_space<semaphore_mem>>)
    %dma_start3A_1636 = arith.constant 46 : i32
    %dma_start3A_1637 = arith.constant 23552 : i32
    %dma_start3A_1638 = tpu.memref_slice %arg10[%dma_start3A_1637] : memref<32768xf32, #tpu.memory_space<vmem>> -> memref<512xf32, #tpu.memory_space<vmem>>
    %dma_start3A_1639 = tpu.memref_slice %arg5[%select_n3A, %dma_start3A_1636, %mul3A_32] : memref<16x64x1024xf32, #tpu.memory_space<hbm>> -> memref<1x1x512xf32, #tpu.memory_space<hbm>>
    %dma_start3A_1640 = tpu.memref_squeeze %dma_start3A_1639 : memref<1x1x512xf32, #tpu.memory_space<hbm>> -> memref<512xf32, #tpu.memory_space<hbm>>
    %dma_start3A_1641 = tpu.memref_slice %arg5[%select_n3A, %dma_start3A_1636, %mul3A_32] : memref<16x64x1024xf32, #tpu.memory_space<hbm>> -> memref<1x1x512xf32, #tpu.memory_space<hbm>>
    %dma_start3A_1642 = tpu.memref_squeeze %dma_start3A_1641 : memref<1x1x512xf32, #tpu.memory_space<hbm>> -> memref<512xf32, #tpu.memory_space<hbm>>
    %dma_start3A_1643 = arith.constant 23552 : i32
    %dma_start3A_1644 = tpu.memref_slice %arg10[%dma_start3A_1643] : memref<32768xf32, #tpu.memory_space<vmem>> -> memref<512xf32, #tpu.memory_space<vmem>>
    tpu.enqueue_dma source(%dma_start3A_1644 : memref<512xf32, #tpu.memory_space<vmem>>) target(%dma_start3A_1642 : memref<512xf32, #tpu.memory_space<hbm>>) target_semaphore(%arg12 : memref<!tpu.dma_semaphore, #tpu.memory_space<semaphore_mem>>)
    %dma_start3A_1645 = arith.constant 47 : i32
    %dma_start3A_1646 = arith.constant 24064 : i32
    %dma_start3A_1647 = tpu.memref_slice %arg10[%dma_start3A_1646] : memref<32768xf32, #tpu.memory_space<vmem>> -> memref<512xf32, #tpu.memory_space<vmem>>
    %dma_start3A_1648 = tpu.memref_slice %arg5[%select_n3A, %dma_start3A_1645, %mul3A_32] : memref<16x64x1024xf32, #tpu.memory_space<hbm>> -> memref<1x1x512xf32, #tpu.memory_space<hbm>>
    %dma_start3A_1649 = tpu.memref_squeeze %dma_start3A_1648 : memref<1x1x512xf32, #tpu.memory_space<hbm>> -> memref<512xf32, #tpu.memory_space<hbm>>
    %dma_start3A_1650 = tpu.memref_slice %arg5[%select_n3A, %dma_start3A_1645, %mul3A_32] : memref<16x64x1024xf32, #tpu.memory_space<hbm>> -> memref<1x1x512xf32, #tpu.memory_space<hbm>>
    %dma_start3A_1651 = tpu.memref_squeeze %dma_start3A_1650 : memref<1x1x512xf32, #tpu.memory_space<hbm>> -> memref<512xf32, #tpu.memory_space<hbm>>
    %dma_start3A_1652 = arith.constant 24064 : i32
    %dma_start3A_1653 = tpu.memref_slice %arg10[%dma_start3A_1652] : memref<32768xf32, #tpu.memory_space<vmem>> -> memref<512xf32, #tpu.memory_space<vmem>>
    tpu.enqueue_dma source(%dma_start3A_1653 : memref<512xf32, #tpu.memory_space<vmem>>) target(%dma_start3A_1651 : memref<512xf32, #tpu.memory_space<hbm>>) target_semaphore(%arg12 : memref<!tpu.dma_semaphore, #tpu.memory_space<semaphore_mem>>)
    %dma_start3A_1654 = arith.constant 48 : i32
    %dma_start3A_1655 = arith.constant 24576 : i32
    %dma_start3A_1656 = tpu.memref_slice %arg10[%dma_start3A_1655] : memref<32768xf32, #tpu.memory_space<vmem>> -> memref<512xf32, #tpu.memory_space<vmem>>
    %dma_start3A_1657 = tpu.memref_slice %arg5[%select_n3A, %dma_start3A_1654, %mul3A_32] : memref<16x64x1024xf32, #tpu.memory_space<hbm>> -> memref<1x1x512xf32, #tpu.memory_space<hbm>>
    %dma_start3A_1658 = tpu.memref_squeeze %dma_start3A_1657 : memref<1x1x512xf32, #tpu.memory_space<hbm>> -> memref<512xf32, #tpu.memory_space<hbm>>
    %dma_start3A_1659 = tpu.memref_slice %arg5[%select_n3A, %dma_start3A_1654, %mul3A_32] : memref<16x64x1024xf32, #tpu.memory_space<hbm>> -> memref<1x1x512xf32, #tpu.memory_space<hbm>>
    %dma_start3A_1660 = tpu.memref_squeeze %dma_start3A_1659 : memref<1x1x512xf32, #tpu.memory_space<hbm>> -> memref<512xf32, #tpu.memory_space<hbm>>
    %dma_start3A_1661 = arith.constant 24576 : i32
    %dma_start3A_1662 = tpu.memref_slice %arg10[%dma_start3A_1661] : memref<32768xf32, #tpu.memory_space<vmem>> -> memref<512xf32, #tpu.memory_space<vmem>>
    tpu.enqueue_dma source(%dma_start3A_1662 : memref<512xf32, #tpu.memory_space<vmem>>) target(%dma_start3A_1660 : memref<512xf32, #tpu.memory_space<hbm>>) target_semaphore(%arg12 : memref<!tpu.dma_semaphore, #tpu.memory_space<semaphore_mem>>)
    %dma_start3A_1663 = arith.constant 49 : i32
    %dma_start3A_1664 = arith.constant 25088 : i32
    %dma_start3A_1665 = tpu.memref_slice %arg10[%dma_start3A_1664] : memref<32768xf32, #tpu.memory_space<vmem>> -> memref<512xf32, #tpu.memory_space<vmem>>
    %dma_start3A_1666 = tpu.memref_slice %arg5[%select_n3A, %dma_start3A_1663, %mul3A_32] : memref<16x64x1024xf32, #tpu.memory_space<hbm>> -> memref<1x1x512xf32, #tpu.memory_space<hbm>>
    %dma_start3A_1667 = tpu.memref_squeeze %dma_start3A_1666 : memref<1x1x512xf32, #tpu.memory_space<hbm>> -> memref<512xf32, #tpu.memory_space<hbm>>
    %dma_start3A_1668 = tpu.memref_slice %arg5[%select_n3A, %dma_start3A_1663, %mul3A_32] : memref<16x64x1024xf32, #tpu.memory_space<hbm>> -> memref<1x1x512xf32, #tpu.memory_space<hbm>>
    %dma_start3A_1669 = tpu.memref_squeeze %dma_start3A_1668 : memref<1x1x512xf32, #tpu.memory_space<hbm>> -> memref<512xf32, #tpu.memory_space<hbm>>
    %dma_start3A_1670 = arith.constant 25088 : i32
    %dma_start3A_1671 = tpu.memref_slice %arg10[%dma_start3A_1670] : memref<32768xf32, #tpu.memory_space<vmem>> -> memref<512xf32, #tpu.memory_space<vmem>>
    tpu.enqueue_dma source(%dma_start3A_1671 : memref<512xf32, #tpu.memory_space<vmem>>) target(%dma_start3A_1669 : memref<512xf32, #tpu.memory_space<hbm>>) target_semaphore(%arg12 : memref<!tpu.dma_semaphore, #tpu.memory_space<semaphore_mem>>)
    %dma_start3A_1672 = arith.constant 50 : i32
    %dma_start3A_1673 = arith.constant 25600 : i32
    %dma_start3A_1674 = tpu.memref_slice %arg10[%dma_start3A_1673] : memref<32768xf32, #tpu.memory_space<vmem>> -> memref<512xf32, #tpu.memory_space<vmem>>
    %dma_start3A_1675 = tpu.memref_slice %arg5[%select_n3A, %dma_start3A_1672, %mul3A_32] : memref<16x64x1024xf32, #tpu.memory_space<hbm>> -> memref<1x1x512xf32, #tpu.memory_space<hbm>>
    %dma_start3A_1676 = tpu.memref_squeeze %dma_start3A_1675 : memref<1x1x512xf32, #tpu.memory_space<hbm>> -> memref<512xf32, #tpu.memory_space<hbm>>
    %dma_start3A_1677 = tpu.memref_slice %arg5[%select_n3A, %dma_start3A_1672, %mul3A_32] : memref<16x64x1024xf32, #tpu.memory_space<hbm>> -> memref<1x1x512xf32, #tpu.memory_space<hbm>>
    %dma_start3A_1678 = tpu.memref_squeeze %dma_start3A_1677 : memref<1x1x512xf32, #tpu.memory_space<hbm>> -> memref<512xf32, #tpu.memory_space<hbm>>
    %dma_start3A_1679 = arith.constant 25600 : i32
    %dma_start3A_1680 = tpu.memref_slice %arg10[%dma_start3A_1679] : memref<32768xf32, #tpu.memory_space<vmem>> -> memref<512xf32, #tpu.memory_space<vmem>>
    tpu.enqueue_dma source(%dma_start3A_1680 : memref<512xf32, #tpu.memory_space<vmem>>) target(%dma_start3A_1678 : memref<512xf32, #tpu.memory_space<hbm>>) target_semaphore(%arg12 : memref<!tpu.dma_semaphore, #tpu.memory_space<semaphore_mem>>)
    %dma_start3A_1681 = arith.constant 51 : i32
    %dma_start3A_1682 = arith.constant 26112 : i32
    %dma_start3A_1683 = tpu.memref_slice %arg10[%dma_start3A_1682] : memref<32768xf32, #tpu.memory_space<vmem>> -> memref<512xf32, #tpu.memory_space<vmem>>
    %dma_start3A_1684 = tpu.memref_slice %arg5[%select_n3A, %dma_start3A_1681, %mul3A_32] : memref<16x64x1024xf32, #tpu.memory_space<hbm>> -> memref<1x1x512xf32, #tpu.memory_space<hbm>>
    %dma_start3A_1685 = tpu.memref_squeeze %dma_start3A_1684 : memref<1x1x512xf32, #tpu.memory_space<hbm>> -> memref<512xf32, #tpu.memory_space<hbm>>
    %dma_start3A_1686 = tpu.memref_slice %arg5[%select_n3A, %dma_start3A_1681, %mul3A_32] : memref<16x64x1024xf32, #tpu.memory_space<hbm>> -> memref<1x1x512xf32, #tpu.memory_space<hbm>>
    %dma_start3A_1687 = tpu.memref_squeeze %dma_start3A_1686 : memref<1x1x512xf32, #tpu.memory_space<hbm>> -> memref<512xf32, #tpu.memory_space<hbm>>
    %dma_start3A_1688 = arith.constant 26112 : i32
    %dma_start3A_1689 = tpu.memref_slice %arg10[%dma_start3A_1688] : memref<32768xf32, #tpu.memory_space<vmem>> -> memref<512xf32, #tpu.memory_space<vmem>>
    tpu.enqueue_dma source(%dma_start3A_1689 : memref<512xf32, #tpu.memory_space<vmem>>) target(%dma_start3A_1687 : memref<512xf32, #tpu.memory_space<hbm>>) target_semaphore(%arg12 : memref<!tpu.dma_semaphore, #tpu.memory_space<semaphore_mem>>)
    %dma_start3A_1690 = arith.constant 52 : i32
    %dma_start3A_1691 = arith.constant 26624 : i32
    %dma_start3A_1692 = tpu.memref_slice %arg10[%dma_start3A_1691] : memref<32768xf32, #tpu.memory_space<vmem>> -> memref<512xf32, #tpu.memory_space<vmem>>
    %dma_start3A_1693 = tpu.memref_slice %arg5[%select_n3A, %dma_start3A_1690, %mul3A_32] : memref<16x64x1024xf32, #tpu.memory_space<hbm>> -> memref<1x1x512xf32, #tpu.memory_space<hbm>>
    %dma_start3A_1694 = tpu.memref_squeeze %dma_start3A_1693 : memref<1x1x512xf32, #tpu.memory_space<hbm>> -> memref<512xf32, #tpu.memory_space<hbm>>
    %dma_start3A_1695 = tpu.memref_slice %arg5[%select_n3A, %dma_start3A_1690, %mul3A_32] : memref<16x64x1024xf32, #tpu.memory_space<hbm>> -> memref<1x1x512xf32, #tpu.memory_space<hbm>>
    %dma_start3A_1696 = tpu.memref_squeeze %dma_start3A_1695 : memref<1x1x512xf32, #tpu.memory_space<hbm>> -> memref<512xf32, #tpu.memory_space<hbm>>
    %dma_start3A_1697 = arith.constant 26624 : i32
    %dma_start3A_1698 = tpu.memref_slice %arg10[%dma_start3A_1697] : memref<32768xf32, #tpu.memory_space<vmem>> -> memref<512xf32, #tpu.memory_space<vmem>>
    tpu.enqueue_dma source(%dma_start3A_1698 : memref<512xf32, #tpu.memory_space<vmem>>) target(%dma_start3A_1696 : memref<512xf32, #tpu.memory_space<hbm>>) target_semaphore(%arg12 : memref<!tpu.dma_semaphore, #tpu.memory_space<semaphore_mem>>)
    %dma_start3A_1699 = arith.constant 53 : i32
    %dma_start3A_1700 = arith.constant 27136 : i32
    %dma_start3A_1701 = tpu.memref_slice %arg10[%dma_start3A_1700] : memref<32768xf32, #tpu.memory_space<vmem>> -> memref<512xf32, #tpu.memory_space<vmem>>
    %dma_start3A_1702 = tpu.memref_slice %arg5[%select_n3A, %dma_start3A_1699, %mul3A_32] : memref<16x64x1024xf32, #tpu.memory_space<hbm>> -> memref<1x1x512xf32, #tpu.memory_space<hbm>>
    %dma_start3A_1703 = tpu.memref_squeeze %dma_start3A_1702 : memref<1x1x512xf32, #tpu.memory_space<hbm>> -> memref<512xf32, #tpu.memory_space<hbm>>
    %dma_start3A_1704 = tpu.memref_slice %arg5[%select_n3A, %dma_start3A_1699, %mul3A_32] : memref<16x64x1024xf32, #tpu.memory_space<hbm>> -> memref<1x1x512xf32, #tpu.memory_space<hbm>>
    %dma_start3A_1705 = tpu.memref_squeeze %dma_start3A_1704 : memref<1x1x512xf32, #tpu.memory_space<hbm>> -> memref<512xf32, #tpu.memory_space<hbm>>
    %dma_start3A_1706 = arith.constant 27136 : i32
    %dma_start3A_1707 = tpu.memref_slice %arg10[%dma_start3A_1706] : memref<32768xf32, #tpu.memory_space<vmem>> -> memref<512xf32, #tpu.memory_space<vmem>>
    tpu.enqueue_dma source(%dma_start3A_1707 : memref<512xf32, #tpu.memory_space<vmem>>) target(%dma_start3A_1705 : memref<512xf32, #tpu.memory_space<hbm>>) target_semaphore(%arg12 : memref<!tpu.dma_semaphore, #tpu.memory_space<semaphore_mem>>)
    %dma_start3A_1708 = arith.constant 54 : i32
    %dma_start3A_1709 = arith.constant 27648 : i32
    %dma_start3A_1710 = tpu.memref_slice %arg10[%dma_start3A_1709] : memref<32768xf32, #tpu.memory_space<vmem>> -> memref<512xf32, #tpu.memory_space<vmem>>
    %dma_start3A_1711 = tpu.memref_slice %arg5[%select_n3A, %dma_start3A_1708, %mul3A_32] : memref<16x64x1024xf32, #tpu.memory_space<hbm>> -> memref<1x1x512xf32, #tpu.memory_space<hbm>>
    %dma_start3A_1712 = tpu.memref_squeeze %dma_start3A_1711 : memref<1x1x512xf32, #tpu.memory_space<hbm>> -> memref<512xf32, #tpu.memory_space<hbm>>
    %dma_start3A_1713 = tpu.memref_slice %arg5[%select_n3A, %dma_start3A_1708, %mul3A_32] : memref<16x64x1024xf32, #tpu.memory_space<hbm>> -> memref<1x1x512xf32, #tpu.memory_space<hbm>>
    %dma_start3A_1714 = tpu.memref_squeeze %dma_start3A_1713 : memref<1x1x512xf32, #tpu.memory_space<hbm>> -> memref<512xf32, #tpu.memory_space<hbm>>
    %dma_start3A_1715 = arith.constant 27648 : i32
    %dma_start3A_1716 = tpu.memref_slice %arg10[%dma_start3A_1715] : memref<32768xf32, #tpu.memory_space<vmem>> -> memref<512xf32, #tpu.memory_space<vmem>>
    tpu.enqueue_dma source(%dma_start3A_1716 : memref<512xf32, #tpu.memory_space<vmem>>) target(%dma_start3A_1714 : memref<512xf32, #tpu.memory_space<hbm>>) target_semaphore(%arg12 : memref<!tpu.dma_semaphore, #tpu.memory_space<semaphore_mem>>)
    %dma_start3A_1717 = arith.constant 55 : i32
    %dma_start3A_1718 = arith.constant 28160 : i32
    %dma_start3A_1719 = tpu.memref_slice %arg10[%dma_start3A_1718] : memref<32768xf32, #tpu.memory_space<vmem>> -> memref<512xf32, #tpu.memory_space<vmem>>
    %dma_start3A_1720 = tpu.memref_slice %arg5[%select_n3A, %dma_start3A_1717, %mul3A_32] : memref<16x64x1024xf32, #tpu.memory_space<hbm>> -> memref<1x1x512xf32, #tpu.memory_space<hbm>>
    %dma_start3A_1721 = tpu.memref_squeeze %dma_start3A_1720 : memref<1x1x512xf32, #tpu.memory_space<hbm>> -> memref<512xf32, #tpu.memory_space<hbm>>
    %dma_start3A_1722 = tpu.memref_slice %arg5[%select_n3A, %dma_start3A_1717, %mul3A_32] : memref<16x64x1024xf32, #tpu.memory_space<hbm>> -> memref<1x1x512xf32, #tpu.memory_space<hbm>>
    %dma_start3A_1723 = tpu.memref_squeeze %dma_start3A_1722 : memref<1x1x512xf32, #tpu.memory_space<hbm>> -> memref<512xf32, #tpu.memory_space<hbm>>
    %dma_start3A_1724 = arith.constant 28160 : i32
    %dma_start3A_1725 = tpu.memref_slice %arg10[%dma_start3A_1724] : memref<32768xf32, #tpu.memory_space<vmem>> -> memref<512xf32, #tpu.memory_space<vmem>>
    tpu.enqueue_dma source(%dma_start3A_1725 : memref<512xf32, #tpu.memory_space<vmem>>) target(%dma_start3A_1723 : memref<512xf32, #tpu.memory_space<hbm>>) target_semaphore(%arg12 : memref<!tpu.dma_semaphore, #tpu.memory_space<semaphore_mem>>)
    %dma_start3A_1726 = arith.constant 56 : i32
    %dma_start3A_1727 = arith.constant 28672 : i32
    %dma_start3A_1728 = tpu.memref_slice %arg10[%dma_start3A_1727] : memref<32768xf32, #tpu.memory_space<vmem>> -> memref<512xf32, #tpu.memory_space<vmem>>
    %dma_start3A_1729 = tpu.memref_slice %arg5[%select_n3A, %dma_start3A_1726, %mul3A_32] : memref<16x64x1024xf32, #tpu.memory_space<hbm>> -> memref<1x1x512xf32, #tpu.memory_space<hbm>>
    %dma_start3A_1730 = tpu.memref_squeeze %dma_start3A_1729 : memref<1x1x512xf32, #tpu.memory_space<hbm>> -> memref<512xf32, #tpu.memory_space<hbm>>
    %dma_start3A_1731 = tpu.memref_slice %arg5[%select_n3A, %dma_start3A_1726, %mul3A_32] : memref<16x64x1024xf32, #tpu.memory_space<hbm>> -> memref<1x1x512xf32, #tpu.memory_space<hbm>>
    %dma_start3A_1732 = tpu.memref_squeeze %dma_start3A_1731 : memref<1x1x512xf32, #tpu.memory_space<hbm>> -> memref<512xf32, #tpu.memory_space<hbm>>
    %dma_start3A_1733 = arith.constant 28672 : i32
    %dma_start3A_1734 = tpu.memref_slice %arg10[%dma_start3A_1733] : memref<32768xf32, #tpu.memory_space<vmem>> -> memref<512xf32, #tpu.memory_space<vmem>>
    tpu.enqueue_dma source(%dma_start3A_1734 : memref<512xf32, #tpu.memory_space<vmem>>) target(%dma_start3A_1732 : memref<512xf32, #tpu.memory_space<hbm>>) target_semaphore(%arg12 : memref<!tpu.dma_semaphore, #tpu.memory_space<semaphore_mem>>)
    %dma_start3A_1735 = arith.constant 57 : i32
    %dma_start3A_1736 = arith.constant 29184 : i32
    %dma_start3A_1737 = tpu.memref_slice %arg10[%dma_start3A_1736] : memref<32768xf32, #tpu.memory_space<vmem>> -> memref<512xf32, #tpu.memory_space<vmem>>
    %dma_start3A_1738 = tpu.memref_slice %arg5[%select_n3A, %dma_start3A_1735, %mul3A_32] : memref<16x64x1024xf32, #tpu.memory_space<hbm>> -> memref<1x1x512xf32, #tpu.memory_space<hbm>>
    %dma_start3A_1739 = tpu.memref_squeeze %dma_start3A_1738 : memref<1x1x512xf32, #tpu.memory_space<hbm>> -> memref<512xf32, #tpu.memory_space<hbm>>
    %dma_start3A_1740 = tpu.memref_slice %arg5[%select_n3A, %dma_start3A_1735, %mul3A_32] : memref<16x64x1024xf32, #tpu.memory_space<hbm>> -> memref<1x1x512xf32, #tpu.memory_space<hbm>>
    %dma_start3A_1741 = tpu.memref_squeeze %dma_start3A_1740 : memref<1x1x512xf32, #tpu.memory_space<hbm>> -> memref<512xf32, #tpu.memory_space<hbm>>
    %dma_start3A_1742 = arith.constant 29184 : i32
    %dma_start3A_1743 = tpu.memref_slice %arg10[%dma_start3A_1742] : memref<32768xf32, #tpu.memory_space<vmem>> -> memref<512xf32, #tpu.memory_space<vmem>>
    tpu.enqueue_dma source(%dma_start3A_1743 : memref<512xf32, #tpu.memory_space<vmem>>) target(%dma_start3A_1741 : memref<512xf32, #tpu.memory_space<hbm>>) target_semaphore(%arg12 : memref<!tpu.dma_semaphore, #tpu.memory_space<semaphore_mem>>)
    %dma_start3A_1744 = arith.constant 58 : i32
    %dma_start3A_1745 = arith.constant 29696 : i32
    %dma_start3A_1746 = tpu.memref_slice %arg10[%dma_start3A_1745] : memref<32768xf32, #tpu.memory_space<vmem>> -> memref<512xf32, #tpu.memory_space<vmem>>
    %dma_start3A_1747 = tpu.memref_slice %arg5[%select_n3A, %dma_start3A_1744, %mul3A_32] : memref<16x64x1024xf32, #tpu.memory_space<hbm>> -> memref<1x1x512xf32, #tpu.memory_space<hbm>>
    %dma_start3A_1748 = tpu.memref_squeeze %dma_start3A_1747 : memref<1x1x512xf32, #tpu.memory_space<hbm>> -> memref<512xf32, #tpu.memory_space<hbm>>
    %dma_start3A_1749 = tpu.memref_slice %arg5[%select_n3A, %dma_start3A_1744, %mul3A_32] : memref<16x64x1024xf32, #tpu.memory_space<hbm>> -> memref<1x1x512xf32, #tpu.memory_space<hbm>>
    %dma_start3A_1750 = tpu.memref_squeeze %dma_start3A_1749 : memref<1x1x512xf32, #tpu.memory_space<hbm>> -> memref<512xf32, #tpu.memory_space<hbm>>
    %dma_start3A_1751 = arith.constant 29696 : i32
    %dma_start3A_1752 = tpu.memref_slice %arg10[%dma_start3A_1751] : memref<32768xf32, #tpu.memory_space<vmem>> -> memref<512xf32, #tpu.memory_space<vmem>>
    tpu.enqueue_dma source(%dma_start3A_1752 : memref<512xf32, #tpu.memory_space<vmem>>) target(%dma_start3A_1750 : memref<512xf32, #tpu.memory_space<hbm>>) target_semaphore(%arg12 : memref<!tpu.dma_semaphore, #tpu.memory_space<semaphore_mem>>)
    %dma_start3A_1753 = arith.constant 59 : i32
    %dma_start3A_1754 = arith.constant 30208 : i32
    %dma_start3A_1755 = tpu.memref_slice %arg10[%dma_start3A_1754] : memref<32768xf32, #tpu.memory_space<vmem>> -> memref<512xf32, #tpu.memory_space<vmem>>
    %dma_start3A_1756 = tpu.memref_slice %arg5[%select_n3A, %dma_start3A_1753, %mul3A_32] : memref<16x64x1024xf32, #tpu.memory_space<hbm>> -> memref<1x1x512xf32, #tpu.memory_space<hbm>>
    %dma_start3A_1757 = tpu.memref_squeeze %dma_start3A_1756 : memref<1x1x512xf32, #tpu.memory_space<hbm>> -> memref<512xf32, #tpu.memory_space<hbm>>
    %dma_start3A_1758 = tpu.memref_slice %arg5[%select_n3A, %dma_start3A_1753, %mul3A_32] : memref<16x64x1024xf32, #tpu.memory_space<hbm>> -> memref<1x1x512xf32, #tpu.memory_space<hbm>>
    %dma_start3A_1759 = tpu.memref_squeeze %dma_start3A_1758 : memref<1x1x512xf32, #tpu.memory_space<hbm>> -> memref<512xf32, #tpu.memory_space<hbm>>
    %dma_start3A_1760 = arith.constant 30208 : i32
    %dma_start3A_1761 = tpu.memref_slice %arg10[%dma_start3A_1760] : memref<32768xf32, #tpu.memory_space<vmem>> -> memref<512xf32, #tpu.memory_space<vmem>>
    tpu.enqueue_dma source(%dma_start3A_1761 : memref<512xf32, #tpu.memory_space<vmem>>) target(%dma_start3A_1759 : memref<512xf32, #tpu.memory_space<hbm>>) target_semaphore(%arg12 : memref<!tpu.dma_semaphore, #tpu.memory_space<semaphore_mem>>)
    %dma_start3A_1762 = arith.constant 60 : i32
    %dma_start3A_1763 = arith.constant 30720 : i32
    %dma_start3A_1764 = tpu.memref_slice %arg10[%dma_start3A_1763] : memref<32768xf32, #tpu.memory_space<vmem>> -> memref<512xf32, #tpu.memory_space<vmem>>
    %dma_start3A_1765 = tpu.memref_slice %arg5[%select_n3A, %dma_start3A_1762, %mul3A_32] : memref<16x64x1024xf32, #tpu.memory_space<hbm>> -> memref<1x1x512xf32, #tpu.memory_space<hbm>>
    %dma_start3A_1766 = tpu.memref_squeeze %dma_start3A_1765 : memref<1x1x512xf32, #tpu.memory_space<hbm>> -> memref<512xf32, #tpu.memory_space<hbm>>
    %dma_start3A_1767 = tpu.memref_slice %arg5[%select_n3A, %dma_start3A_1762, %mul3A_32] : memref<16x64x1024xf32, #tpu.memory_space<hbm>> -> memref<1x1x512xf32, #tpu.memory_space<hbm>>
    %dma_start3A_1768 = tpu.memref_squeeze %dma_start3A_1767 : memref<1x1x512xf32, #tpu.memory_space<hbm>> -> memref<512xf32, #tpu.memory_space<hbm>>
    %dma_start3A_1769 = arith.constant 30720 : i32
    %dma_start3A_1770 = tpu.memref_slice %arg10[%dma_start3A_1769] : memref<32768xf32, #tpu.memory_space<vmem>> -> memref<512xf32, #tpu.memory_space<vmem>>
    tpu.enqueue_dma source(%dma_start3A_1770 : memref<512xf32, #tpu.memory_space<vmem>>) target(%dma_start3A_1768 : memref<512xf32, #tpu.memory_space<hbm>>) target_semaphore(%arg12 : memref<!tpu.dma_semaphore, #tpu.memory_space<semaphore_mem>>)
    %dma_start3A_1771 = arith.constant 61 : i32
    %dma_start3A_1772 = arith.constant 31232 : i32
    %dma_start3A_1773 = tpu.memref_slice %arg10[%dma_start3A_1772] : memref<32768xf32, #tpu.memory_space<vmem>> -> memref<512xf32, #tpu.memory_space<vmem>>
    %dma_start3A_1774 = tpu.memref_slice %arg5[%select_n3A, %dma_start3A_1771, %mul3A_32] : memref<16x64x1024xf32, #tpu.memory_space<hbm>> -> memref<1x1x512xf32, #tpu.memory_space<hbm>>
    %dma_start3A_1775 = tpu.memref_squeeze %dma_start3A_1774 : memref<1x1x512xf32, #tpu.memory_space<hbm>> -> memref<512xf32, #tpu.memory_space<hbm>>
    %dma_start3A_1776 = tpu.memref_slice %arg5[%select_n3A, %dma_start3A_1771, %mul3A_32] : memref<16x64x1024xf32, #tpu.memory_space<hbm>> -> memref<1x1x512xf32, #tpu.memory_space<hbm>>
    %dma_start3A_1777 = tpu.memref_squeeze %dma_start3A_1776 : memref<1x1x512xf32, #tpu.memory_space<hbm>> -> memref<512xf32, #tpu.memory_space<hbm>>
    %dma_start3A_1778 = arith.constant 31232 : i32
    %dma_start3A_1779 = tpu.memref_slice %arg10[%dma_start3A_1778] : memref<32768xf32, #tpu.memory_space<vmem>> -> memref<512xf32, #tpu.memory_space<vmem>>
    tpu.enqueue_dma source(%dma_start3A_1779 : memref<512xf32, #tpu.memory_space<vmem>>) target(%dma_start3A_1777 : memref<512xf32, #tpu.memory_space<hbm>>) target_semaphore(%arg12 : memref<!tpu.dma_semaphore, #tpu.memory_space<semaphore_mem>>)
    %dma_start3A_1780 = arith.constant 62 : i32
    %dma_start3A_1781 = arith.constant 31744 : i32
    %dma_start3A_1782 = tpu.memref_slice %arg10[%dma_start3A_1781] : memref<32768xf32, #tpu.memory_space<vmem>> -> memref<512xf32, #tpu.memory_space<vmem>>
    %dma_start3A_1783 = tpu.memref_slice %arg5[%select_n3A, %dma_start3A_1780, %mul3A_32] : memref<16x64x1024xf32, #tpu.memory_space<hbm>> -> memref<1x1x512xf32, #tpu.memory_space<hbm>>
    %dma_start3A_1784 = tpu.memref_squeeze %dma_start3A_1783 : memref<1x1x512xf32, #tpu.memory_space<hbm>> -> memref<512xf32, #tpu.memory_space<hbm>>
    %dma_start3A_1785 = tpu.memref_slice %arg5[%select_n3A, %dma_start3A_1780, %mul3A_32] : memref<16x64x1024xf32, #tpu.memory_space<hbm>> -> memref<1x1x512xf32, #tpu.memory_space<hbm>>
    %dma_start3A_1786 = tpu.memref_squeeze %dma_start3A_1785 : memref<1x1x512xf32, #tpu.memory_space<hbm>> -> memref<512xf32, #tpu.memory_space<hbm>>
    %dma_start3A_1787 = arith.constant 31744 : i32
    %dma_start3A_1788 = tpu.memref_slice %arg10[%dma_start3A_1787] : memref<32768xf32, #tpu.memory_space<vmem>> -> memref<512xf32, #tpu.memory_space<vmem>>
    tpu.enqueue_dma source(%dma_start3A_1788 : memref<512xf32, #tpu.memory_space<vmem>>) target(%dma_start3A_1786 : memref<512xf32, #tpu.memory_space<hbm>>) target_semaphore(%arg12 : memref<!tpu.dma_semaphore, #tpu.memory_space<semaphore_mem>>)
    %dma_start3A_1789 = arith.constant 63 : i32
    %dma_start3A_1790 = arith.constant 32256 : i32
    %dma_start3A_1791 = tpu.memref_slice %arg10[%dma_start3A_1790] : memref<32768xf32, #tpu.memory_space<vmem>> -> memref<512xf32, #tpu.memory_space<vmem>>
    %dma_start3A_1792 = tpu.memref_slice %arg5[%select_n3A, %dma_start3A_1789, %mul3A_32] : memref<16x64x1024xf32, #tpu.memory_space<hbm>> -> memref<1x1x512xf32, #tpu.memory_space<hbm>>
    %dma_start3A_1793 = tpu.memref_squeeze %dma_start3A_1792 : memref<1x1x512xf32, #tpu.memory_space<hbm>> -> memref<512xf32, #tpu.memory_space<hbm>>
    %dma_start3A_1794 = tpu.memref_slice %arg5[%select_n3A, %dma_start3A_1789, %mul3A_32] : memref<16x64x1024xf32, #tpu.memory_space<hbm>> -> memref<1x1x512xf32, #tpu.memory_space<hbm>>
    %dma_start3A_1795 = tpu.memref_squeeze %dma_start3A_1794 : memref<1x1x512xf32, #tpu.memory_space<hbm>> -> memref<512xf32, #tpu.memory_space<hbm>>
    %dma_start3A_1796 = arith.constant 32256 : i32
    %dma_start3A_1797 = tpu.memref_slice %arg10[%dma_start3A_1796] : memref<32768xf32, #tpu.memory_space<vmem>> -> memref<512xf32, #tpu.memory_space<vmem>>
    tpu.enqueue_dma source(%dma_start3A_1797 : memref<512xf32, #tpu.memory_space<vmem>>) target(%dma_start3A_1795 : memref<512xf32, #tpu.memory_space<hbm>>) target_semaphore(%arg12 : memref<!tpu.dma_semaphore, #tpu.memory_space<semaphore_mem>>)
    %dma_wait3A_1798 = arith.constant 0 : i32
    %dma_wait3A_1799 = arith.constant 0 : i32
    %dma_wait3A_1800 = tpu.memref_slice %arg10[%dma_wait3A_1799] : memref<32768xf32, #tpu.memory_space<vmem>> -> memref<512xf32, #tpu.memory_space<vmem>>
    %dma_wait3A_1801 = tpu.memref_slice %arg5[%select_n3A, %dma_wait3A_1798, %mul3A_32] : memref<16x64x1024xf32, #tpu.memory_space<hbm>> -> memref<1x1x512xf32, #tpu.memory_space<hbm>>
    %dma_wait3A_1802 = tpu.memref_squeeze %dma_wait3A_1801 : memref<1x1x512xf32, #tpu.memory_space<hbm>> -> memref<512xf32, #tpu.memory_space<hbm>>
    %dma_wait3A_1803 = tpu.memref_slice %arg5[%select_n3A, %dma_wait3A_1798, %mul3A_32] : memref<16x64x1024xf32, #tpu.memory_space<hbm>> -> memref<1x1x512xf32, #tpu.memory_space<hbm>>
    %dma_wait3A_1804 = tpu.memref_squeeze %dma_wait3A_1803 : memref<1x1x512xf32, #tpu.memory_space<hbm>> -> memref<512xf32, #tpu.memory_space<hbm>>
    %dma_wait3A_1805 = arith.constant 0 : i32
    %dma_wait3A_1806 = tpu.memref_slice %arg10[%dma_wait3A_1805] : memref<32768xf32, #tpu.memory_space<vmem>> -> memref<512xf32, #tpu.memory_space<vmem>>
    tpu.wait_dma2 semaphore(%arg12 : memref<!tpu.dma_semaphore, #tpu.memory_space<semaphore_mem>>) src(%dma_wait3A_1806 : memref<512xf32, #tpu.memory_space<vmem>>) dst(%dma_wait3A_1804 : memref<512xf32, #tpu.memory_space<hbm>>)
    %dma_wait3A_1807 = arith.constant 1 : i32
    %dma_wait3A_1808 = arith.constant 512 : i32
    %dma_wait3A_1809 = tpu.memref_slice %arg10[%dma_wait3A_1808] : memref<32768xf32, #tpu.memory_space<vmem>> -> memref<512xf32, #tpu.memory_space<vmem>>
    %dma_wait3A_1810 = tpu.memref_slice %arg5[%select_n3A, %dma_wait3A_1807, %mul3A_32] : memref<16x64x1024xf32, #tpu.memory_space<hbm>> -> memref<1x1x512xf32, #tpu.memory_space<hbm>>
    %dma_wait3A_1811 = tpu.memref_squeeze %dma_wait3A_1810 : memref<1x1x512xf32, #tpu.memory_space<hbm>> -> memref<512xf32, #tpu.memory_space<hbm>>
    %dma_wait3A_1812 = tpu.memref_slice %arg5[%select_n3A, %dma_wait3A_1807, %mul3A_32] : memref<16x64x1024xf32, #tpu.memory_space<hbm>> -> memref<1x1x512xf32, #tpu.memory_space<hbm>>
    %dma_wait3A_1813 = tpu.memref_squeeze %dma_wait3A_1812 : memref<1x1x512xf32, #tpu.memory_space<hbm>> -> memref<512xf32, #tpu.memory_space<hbm>>
    %dma_wait3A_1814 = arith.constant 512 : i32
    %dma_wait3A_1815 = tpu.memref_slice %arg10[%dma_wait3A_1814] : memref<32768xf32, #tpu.memory_space<vmem>> -> memref<512xf32, #tpu.memory_space<vmem>>
    tpu.wait_dma2 semaphore(%arg12 : memref<!tpu.dma_semaphore, #tpu.memory_space<semaphore_mem>>) src(%dma_wait3A_1815 : memref<512xf32, #tpu.memory_space<vmem>>) dst(%dma_wait3A_1813 : memref<512xf32, #tpu.memory_space<hbm>>)
    %dma_wait3A_1816 = arith.constant 2 : i32
    %dma_wait3A_1817 = arith.constant 1024 : i32
    %dma_wait3A_1818 = tpu.memref_slice %arg10[%dma_wait3A_1817] : memref<32768xf32, #tpu.memory_space<vmem>> -> memref<512xf32, #tpu.memory_space<vmem>>
    %dma_wait3A_1819 = tpu.memref_slice %arg5[%select_n3A, %dma_wait3A_1816, %mul3A_32] : memref<16x64x1024xf32, #tpu.memory_space<hbm>> -> memref<1x1x512xf32, #tpu.memory_space<hbm>>
    %dma_wait3A_1820 = tpu.memref_squeeze %dma_wait3A_1819 : memref<1x1x512xf32, #tpu.memory_space<hbm>> -> memref<512xf32, #tpu.memory_space<hbm>>
    %dma_wait3A_1821 = tpu.memref_slice %arg5[%select_n3A, %dma_wait3A_1816, %mul3A_32] : memref<16x64x1024xf32, #tpu.memory_space<hbm>> -> memref<1x1x512xf32, #tpu.memory_space<hbm>>
    %dma_wait3A_1822 = tpu.memref_squeeze %dma_wait3A_1821 : memref<1x1x512xf32, #tpu.memory_space<hbm>> -> memref<512xf32, #tpu.memory_space<hbm>>
    %dma_wait3A_1823 = arith.constant 1024 : i32
    %dma_wait3A_1824 = tpu.memref_slice %arg10[%dma_wait3A_1823] : memref<32768xf32, #tpu.memory_space<vmem>> -> memref<512xf32, #tpu.memory_space<vmem>>
    tpu.wait_dma2 semaphore(%arg12 : memref<!tpu.dma_semaphore, #tpu.memory_space<semaphore_mem>>) src(%dma_wait3A_1824 : memref<512xf32, #tpu.memory_space<vmem>>) dst(%dma_wait3A_1822 : memref<512xf32, #tpu.memory_space<hbm>>)
    %dma_wait3A_1825 = arith.constant 3 : i32
    %dma_wait3A_1826 = arith.constant 1536 : i32
    %dma_wait3A_1827 = tpu.memref_slice %arg10[%dma_wait3A_1826] : memref<32768xf32, #tpu.memory_space<vmem>> -> memref<512xf32, #tpu.memory_space<vmem>>
    %dma_wait3A_1828 = tpu.memref_slice %arg5[%select_n3A, %dma_wait3A_1825, %mul3A_32] : memref<16x64x1024xf32, #tpu.memory_space<hbm>> -> memref<1x1x512xf32, #tpu.memory_space<hbm>>
    %dma_wait3A_1829 = tpu.memref_squeeze %dma_wait3A_1828 : memref<1x1x512xf32, #tpu.memory_space<hbm>> -> memref<512xf32, #tpu.memory_space<hbm>>
    %dma_wait3A_1830 = tpu.memref_slice %arg5[%select_n3A, %dma_wait3A_1825, %mul3A_32] : memref<16x64x1024xf32, #tpu.memory_space<hbm>> -> memref<1x1x512xf32, #tpu.memory_space<hbm>>
    %dma_wait3A_1831 = tpu.memref_squeeze %dma_wait3A_1830 : memref<1x1x512xf32, #tpu.memory_space<hbm>> -> memref<512xf32, #tpu.memory_space<hbm>>
    %dma_wait3A_1832 = arith.constant 1536 : i32
    %dma_wait3A_1833 = tpu.memref_slice %arg10[%dma_wait3A_1832] : memref<32768xf32, #tpu.memory_space<vmem>> -> memref<512xf32, #tpu.memory_space<vmem>>
    tpu.wait_dma2 semaphore(%arg12 : memref<!tpu.dma_semaphore, #tpu.memory_space<semaphore_mem>>) src(%dma_wait3A_1833 : memref<512xf32, #tpu.memory_space<vmem>>) dst(%dma_wait3A_1831 : memref<512xf32, #tpu.memory_space<hbm>>)
    %dma_wait3A_1834 = arith.constant 4 : i32
    %dma_wait3A_1835 = arith.constant 2048 : i32
    %dma_wait3A_1836 = tpu.memref_slice %arg10[%dma_wait3A_1835] : memref<32768xf32, #tpu.memory_space<vmem>> -> memref<512xf32, #tpu.memory_space<vmem>>
    %dma_wait3A_1837 = tpu.memref_slice %arg5[%select_n3A, %dma_wait3A_1834, %mul3A_32] : memref<16x64x1024xf32, #tpu.memory_space<hbm>> -> memref<1x1x512xf32, #tpu.memory_space<hbm>>
    %dma_wait3A_1838 = tpu.memref_squeeze %dma_wait3A_1837 : memref<1x1x512xf32, #tpu.memory_space<hbm>> -> memref<512xf32, #tpu.memory_space<hbm>>
    %dma_wait3A_1839 = tpu.memref_slice %arg5[%select_n3A, %dma_wait3A_1834, %mul3A_32] : memref<16x64x1024xf32, #tpu.memory_space<hbm>> -> memref<1x1x512xf32, #tpu.memory_space<hbm>>
    %dma_wait3A_1840 = tpu.memref_squeeze %dma_wait3A_1839 : memref<1x1x512xf32, #tpu.memory_space<hbm>> -> memref<512xf32, #tpu.memory_space<hbm>>
    %dma_wait3A_1841 = arith.constant 2048 : i32
    %dma_wait3A_1842 = tpu.memref_slice %arg10[%dma_wait3A_1841] : memref<32768xf32, #tpu.memory_space<vmem>> -> memref<512xf32, #tpu.memory_space<vmem>>
    tpu.wait_dma2 semaphore(%arg12 : memref<!tpu.dma_semaphore, #tpu.memory_space<semaphore_mem>>) src(%dma_wait3A_1842 : memref<512xf32, #tpu.memory_space<vmem>>) dst(%dma_wait3A_1840 : memref<512xf32, #tpu.memory_space<hbm>>)
    %dma_wait3A_1843 = arith.constant 5 : i32
    %dma_wait3A_1844 = arith.constant 2560 : i32
    %dma_wait3A_1845 = tpu.memref_slice %arg10[%dma_wait3A_1844] : memref<32768xf32, #tpu.memory_space<vmem>> -> memref<512xf32, #tpu.memory_space<vmem>>
    %dma_wait3A_1846 = tpu.memref_slice %arg5[%select_n3A, %dma_wait3A_1843, %mul3A_32] : memref<16x64x1024xf32, #tpu.memory_space<hbm>> -> memref<1x1x512xf32, #tpu.memory_space<hbm>>
    %dma_wait3A_1847 = tpu.memref_squeeze %dma_wait3A_1846 : memref<1x1x512xf32, #tpu.memory_space<hbm>> -> memref<512xf32, #tpu.memory_space<hbm>>
    %dma_wait3A_1848 = tpu.memref_slice %arg5[%select_n3A, %dma_wait3A_1843, %mul3A_32] : memref<16x64x1024xf32, #tpu.memory_space<hbm>> -> memref<1x1x512xf32, #tpu.memory_space<hbm>>
    %dma_wait3A_1849 = tpu.memref_squeeze %dma_wait3A_1848 : memref<1x1x512xf32, #tpu.memory_space<hbm>> -> memref<512xf32, #tpu.memory_space<hbm>>
    %dma_wait3A_1850 = arith.constant 2560 : i32
    %dma_wait3A_1851 = tpu.memref_slice %arg10[%dma_wait3A_1850] : memref<32768xf32, #tpu.memory_space<vmem>> -> memref<512xf32, #tpu.memory_space<vmem>>
    tpu.wait_dma2 semaphore(%arg12 : memref<!tpu.dma_semaphore, #tpu.memory_space<semaphore_mem>>) src(%dma_wait3A_1851 : memref<512xf32, #tpu.memory_space<vmem>>) dst(%dma_wait3A_1849 : memref<512xf32, #tpu.memory_space<hbm>>)
    %dma_wait3A_1852 = arith.constant 6 : i32
    %dma_wait3A_1853 = arith.constant 3072 : i32
    %dma_wait3A_1854 = tpu.memref_slice %arg10[%dma_wait3A_1853] : memref<32768xf32, #tpu.memory_space<vmem>> -> memref<512xf32, #tpu.memory_space<vmem>>
    %dma_wait3A_1855 = tpu.memref_slice %arg5[%select_n3A, %dma_wait3A_1852, %mul3A_32] : memref<16x64x1024xf32, #tpu.memory_space<hbm>> -> memref<1x1x512xf32, #tpu.memory_space<hbm>>
    %dma_wait3A_1856 = tpu.memref_squeeze %dma_wait3A_1855 : memref<1x1x512xf32, #tpu.memory_space<hbm>> -> memref<512xf32, #tpu.memory_space<hbm>>
    %dma_wait3A_1857 = tpu.memref_slice %arg5[%select_n3A, %dma_wait3A_1852, %mul3A_32] : memref<16x64x1024xf32, #tpu.memory_space<hbm>> -> memref<1x1x512xf32, #tpu.memory_space<hbm>>
    %dma_wait3A_1858 = tpu.memref_squeeze %dma_wait3A_1857 : memref<1x1x512xf32, #tpu.memory_space<hbm>> -> memref<512xf32, #tpu.memory_space<hbm>>
    %dma_wait3A_1859 = arith.constant 3072 : i32
    %dma_wait3A_1860 = tpu.memref_slice %arg10[%dma_wait3A_1859] : memref<32768xf32, #tpu.memory_space<vmem>> -> memref<512xf32, #tpu.memory_space<vmem>>
    tpu.wait_dma2 semaphore(%arg12 : memref<!tpu.dma_semaphore, #tpu.memory_space<semaphore_mem>>) src(%dma_wait3A_1860 : memref<512xf32, #tpu.memory_space<vmem>>) dst(%dma_wait3A_1858 : memref<512xf32, #tpu.memory_space<hbm>>)
    %dma_wait3A_1861 = arith.constant 7 : i32
    %dma_wait3A_1862 = arith.constant 3584 : i32
    %dma_wait3A_1863 = tpu.memref_slice %arg10[%dma_wait3A_1862] : memref<32768xf32, #tpu.memory_space<vmem>> -> memref<512xf32, #tpu.memory_space<vmem>>
    %dma_wait3A_1864 = tpu.memref_slice %arg5[%select_n3A, %dma_wait3A_1861, %mul3A_32] : memref<16x64x1024xf32, #tpu.memory_space<hbm>> -> memref<1x1x512xf32, #tpu.memory_space<hbm>>
    %dma_wait3A_1865 = tpu.memref_squeeze %dma_wait3A_1864 : memref<1x1x512xf32, #tpu.memory_space<hbm>> -> memref<512xf32, #tpu.memory_space<hbm>>
    %dma_wait3A_1866 = tpu.memref_slice %arg5[%select_n3A, %dma_wait3A_1861, %mul3A_32] : memref<16x64x1024xf32, #tpu.memory_space<hbm>> -> memref<1x1x512xf32, #tpu.memory_space<hbm>>
    %dma_wait3A_1867 = tpu.memref_squeeze %dma_wait3A_1866 : memref<1x1x512xf32, #tpu.memory_space<hbm>> -> memref<512xf32, #tpu.memory_space<hbm>>
    %dma_wait3A_1868 = arith.constant 3584 : i32
    %dma_wait3A_1869 = tpu.memref_slice %arg10[%dma_wait3A_1868] : memref<32768xf32, #tpu.memory_space<vmem>> -> memref<512xf32, #tpu.memory_space<vmem>>
    tpu.wait_dma2 semaphore(%arg12 : memref<!tpu.dma_semaphore, #tpu.memory_space<semaphore_mem>>) src(%dma_wait3A_1869 : memref<512xf32, #tpu.memory_space<vmem>>) dst(%dma_wait3A_1867 : memref<512xf32, #tpu.memory_space<hbm>>)
    %dma_wait3A_1870 = arith.constant 8 : i32
    %dma_wait3A_1871 = arith.constant 4096 : i32
    %dma_wait3A_1872 = tpu.memref_slice %arg10[%dma_wait3A_1871] : memref<32768xf32, #tpu.memory_space<vmem>> -> memref<512xf32, #tpu.memory_space<vmem>>
    %dma_wait3A_1873 = tpu.memref_slice %arg5[%select_n3A, %dma_wait3A_1870, %mul3A_32] : memref<16x64x1024xf32, #tpu.memory_space<hbm>> -> memref<1x1x512xf32, #tpu.memory_space<hbm>>
    %dma_wait3A_1874 = tpu.memref_squeeze %dma_wait3A_1873 : memref<1x1x512xf32, #tpu.memory_space<hbm>> -> memref<512xf32, #tpu.memory_space<hbm>>
    %dma_wait3A_1875 = tpu.memref_slice %arg5[%select_n3A, %dma_wait3A_1870, %mul3A_32] : memref<16x64x1024xf32, #tpu.memory_space<hbm>> -> memref<1x1x512xf32, #tpu.memory_space<hbm>>
    %dma_wait3A_1876 = tpu.memref_squeeze %dma_wait3A_1875 : memref<1x1x512xf32, #tpu.memory_space<hbm>> -> memref<512xf32, #tpu.memory_space<hbm>>
    %dma_wait3A_1877 = arith.constant 4096 : i32
    %dma_wait3A_1878 = tpu.memref_slice %arg10[%dma_wait3A_1877] : memref<32768xf32, #tpu.memory_space<vmem>> -> memref<512xf32, #tpu.memory_space<vmem>>
    tpu.wait_dma2 semaphore(%arg12 : memref<!tpu.dma_semaphore, #tpu.memory_space<semaphore_mem>>) src(%dma_wait3A_1878 : memref<512xf32, #tpu.memory_space<vmem>>) dst(%dma_wait3A_1876 : memref<512xf32, #tpu.memory_space<hbm>>)
    %dma_wait3A_1879 = arith.constant 9 : i32
    %dma_wait3A_1880 = arith.constant 4608 : i32
    %dma_wait3A_1881 = tpu.memref_slice %arg10[%dma_wait3A_1880] : memref<32768xf32, #tpu.memory_space<vmem>> -> memref<512xf32, #tpu.memory_space<vmem>>
    %dma_wait3A_1882 = tpu.memref_slice %arg5[%select_n3A, %dma_wait3A_1879, %mul3A_32] : memref<16x64x1024xf32, #tpu.memory_space<hbm>> -> memref<1x1x512xf32, #tpu.memory_space<hbm>>
    %dma_wait3A_1883 = tpu.memref_squeeze %dma_wait3A_1882 : memref<1x1x512xf32, #tpu.memory_space<hbm>> -> memref<512xf32, #tpu.memory_space<hbm>>
    %dma_wait3A_1884 = tpu.memref_slice %arg5[%select_n3A, %dma_wait3A_1879, %mul3A_32] : memref<16x64x1024xf32, #tpu.memory_space<hbm>> -> memref<1x1x512xf32, #tpu.memory_space<hbm>>
    %dma_wait3A_1885 = tpu.memref_squeeze %dma_wait3A_1884 : memref<1x1x512xf32, #tpu.memory_space<hbm>> -> memref<512xf32, #tpu.memory_space<hbm>>
    %dma_wait3A_1886 = arith.constant 4608 : i32
    %dma_wait3A_1887 = tpu.memref_slice %arg10[%dma_wait3A_1886] : memref<32768xf32, #tpu.memory_space<vmem>> -> memref<512xf32, #tpu.memory_space<vmem>>
    tpu.wait_dma2 semaphore(%arg12 : memref<!tpu.dma_semaphore, #tpu.memory_space<semaphore_mem>>) src(%dma_wait3A_1887 : memref<512xf32, #tpu.memory_space<vmem>>) dst(%dma_wait3A_1885 : memref<512xf32, #tpu.memory_space<hbm>>)
    %dma_wait3A_1888 = arith.constant 10 : i32
    %dma_wait3A_1889 = arith.constant 5120 : i32
    %dma_wait3A_1890 = tpu.memref_slice %arg10[%dma_wait3A_1889] : memref<32768xf32, #tpu.memory_space<vmem>> -> memref<512xf32, #tpu.memory_space<vmem>>
    %dma_wait3A_1891 = tpu.memref_slice %arg5[%select_n3A, %dma_wait3A_1888, %mul3A_32] : memref<16x64x1024xf32, #tpu.memory_space<hbm>> -> memref<1x1x512xf32, #tpu.memory_space<hbm>>
    %dma_wait3A_1892 = tpu.memref_squeeze %dma_wait3A_1891 : memref<1x1x512xf32, #tpu.memory_space<hbm>> -> memref<512xf32, #tpu.memory_space<hbm>>
    %dma_wait3A_1893 = tpu.memref_slice %arg5[%select_n3A, %dma_wait3A_1888, %mul3A_32] : memref<16x64x1024xf32, #tpu.memory_space<hbm>> -> memref<1x1x512xf32, #tpu.memory_space<hbm>>
    %dma_wait3A_1894 = tpu.memref_squeeze %dma_wait3A_1893 : memref<1x1x512xf32, #tpu.memory_space<hbm>> -> memref<512xf32, #tpu.memory_space<hbm>>
    %dma_wait3A_1895 = arith.constant 5120 : i32
    %dma_wait3A_1896 = tpu.memref_slice %arg10[%dma_wait3A_1895] : memref<32768xf32, #tpu.memory_space<vmem>> -> memref<512xf32, #tpu.memory_space<vmem>>
    tpu.wait_dma2 semaphore(%arg12 : memref<!tpu.dma_semaphore, #tpu.memory_space<semaphore_mem>>) src(%dma_wait3A_1896 : memref<512xf32, #tpu.memory_space<vmem>>) dst(%dma_wait3A_1894 : memref<512xf32, #tpu.memory_space<hbm>>)
    %dma_wait3A_1897 = arith.constant 11 : i32
    %dma_wait3A_1898 = arith.constant 5632 : i32
    %dma_wait3A_1899 = tpu.memref_slice %arg10[%dma_wait3A_1898] : memref<32768xf32, #tpu.memory_space<vmem>> -> memref<512xf32, #tpu.memory_space<vmem>>
    %dma_wait3A_1900 = tpu.memref_slice %arg5[%select_n3A, %dma_wait3A_1897, %mul3A_32] : memref<16x64x1024xf32, #tpu.memory_space<hbm>> -> memref<1x1x512xf32, #tpu.memory_space<hbm>>
    %dma_wait3A_1901 = tpu.memref_squeeze %dma_wait3A_1900 : memref<1x1x512xf32, #tpu.memory_space<hbm>> -> memref<512xf32, #tpu.memory_space<hbm>>
    %dma_wait3A_1902 = tpu.memref_slice %arg5[%select_n3A, %dma_wait3A_1897, %mul3A_32] : memref<16x64x1024xf32, #tpu.memory_space<hbm>> -> memref<1x1x512xf32, #tpu.memory_space<hbm>>
    %dma_wait3A_1903 = tpu.memref_squeeze %dma_wait3A_1902 : memref<1x1x512xf32, #tpu.memory_space<hbm>> -> memref<512xf32, #tpu.memory_space<hbm>>
    %dma_wait3A_1904 = arith.constant 5632 : i32
    %dma_wait3A_1905 = tpu.memref_slice %arg10[%dma_wait3A_1904] : memref<32768xf32, #tpu.memory_space<vmem>> -> memref<512xf32, #tpu.memory_space<vmem>>
    tpu.wait_dma2 semaphore(%arg12 : memref<!tpu.dma_semaphore, #tpu.memory_space<semaphore_mem>>) src(%dma_wait3A_1905 : memref<512xf32, #tpu.memory_space<vmem>>) dst(%dma_wait3A_1903 : memref<512xf32, #tpu.memory_space<hbm>>)
    %dma_wait3A_1906 = arith.constant 12 : i32
    %dma_wait3A_1907 = arith.constant 6144 : i32
    %dma_wait3A_1908 = tpu.memref_slice %arg10[%dma_wait3A_1907] : memref<32768xf32, #tpu.memory_space<vmem>> -> memref<512xf32, #tpu.memory_space<vmem>>
    %dma_wait3A_1909 = tpu.memref_slice %arg5[%select_n3A, %dma_wait3A_1906, %mul3A_32] : memref<16x64x1024xf32, #tpu.memory_space<hbm>> -> memref<1x1x512xf32, #tpu.memory_space<hbm>>
    %dma_wait3A_1910 = tpu.memref_squeeze %dma_wait3A_1909 : memref<1x1x512xf32, #tpu.memory_space<hbm>> -> memref<512xf32, #tpu.memory_space<hbm>>
    %dma_wait3A_1911 = tpu.memref_slice %arg5[%select_n3A, %dma_wait3A_1906, %mul3A_32] : memref<16x64x1024xf32, #tpu.memory_space<hbm>> -> memref<1x1x512xf32, #tpu.memory_space<hbm>>
    %dma_wait3A_1912 = tpu.memref_squeeze %dma_wait3A_1911 : memref<1x1x512xf32, #tpu.memory_space<hbm>> -> memref<512xf32, #tpu.memory_space<hbm>>
    %dma_wait3A_1913 = arith.constant 6144 : i32
    %dma_wait3A_1914 = tpu.memref_slice %arg10[%dma_wait3A_1913] : memref<32768xf32, #tpu.memory_space<vmem>> -> memref<512xf32, #tpu.memory_space<vmem>>
    tpu.wait_dma2 semaphore(%arg12 : memref<!tpu.dma_semaphore, #tpu.memory_space<semaphore_mem>>) src(%dma_wait3A_1914 : memref<512xf32, #tpu.memory_space<vmem>>) dst(%dma_wait3A_1912 : memref<512xf32, #tpu.memory_space<hbm>>)
    %dma_wait3A_1915 = arith.constant 13 : i32
    %dma_wait3A_1916 = arith.constant 6656 : i32
    %dma_wait3A_1917 = tpu.memref_slice %arg10[%dma_wait3A_1916] : memref<32768xf32, #tpu.memory_space<vmem>> -> memref<512xf32, #tpu.memory_space<vmem>>
    %dma_wait3A_1918 = tpu.memref_slice %arg5[%select_n3A, %dma_wait3A_1915, %mul3A_32] : memref<16x64x1024xf32, #tpu.memory_space<hbm>> -> memref<1x1x512xf32, #tpu.memory_space<hbm>>
    %dma_wait3A_1919 = tpu.memref_squeeze %dma_wait3A_1918 : memref<1x1x512xf32, #tpu.memory_space<hbm>> -> memref<512xf32, #tpu.memory_space<hbm>>
    %dma_wait3A_1920 = tpu.memref_slice %arg5[%select_n3A, %dma_wait3A_1915, %mul3A_32] : memref<16x64x1024xf32, #tpu.memory_space<hbm>> -> memref<1x1x512xf32, #tpu.memory_space<hbm>>
    %dma_wait3A_1921 = tpu.memref_squeeze %dma_wait3A_1920 : memref<1x1x512xf32, #tpu.memory_space<hbm>> -> memref<512xf32, #tpu.memory_space<hbm>>
    %dma_wait3A_1922 = arith.constant 6656 : i32
    %dma_wait3A_1923 = tpu.memref_slice %arg10[%dma_wait3A_1922] : memref<32768xf32, #tpu.memory_space<vmem>> -> memref<512xf32, #tpu.memory_space<vmem>>
    tpu.wait_dma2 semaphore(%arg12 : memref<!tpu.dma_semaphore, #tpu.memory_space<semaphore_mem>>) src(%dma_wait3A_1923 : memref<512xf32, #tpu.memory_space<vmem>>) dst(%dma_wait3A_1921 : memref<512xf32, #tpu.memory_space<hbm>>)
    %dma_wait3A_1924 = arith.constant 14 : i32
    %dma_wait3A_1925 = arith.constant 7168 : i32
    %dma_wait3A_1926 = tpu.memref_slice %arg10[%dma_wait3A_1925] : memref<32768xf32, #tpu.memory_space<vmem>> -> memref<512xf32, #tpu.memory_space<vmem>>
    %dma_wait3A_1927 = tpu.memref_slice %arg5[%select_n3A, %dma_wait3A_1924, %mul3A_32] : memref<16x64x1024xf32, #tpu.memory_space<hbm>> -> memref<1x1x512xf32, #tpu.memory_space<hbm>>
    %dma_wait3A_1928 = tpu.memref_squeeze %dma_wait3A_1927 : memref<1x1x512xf32, #tpu.memory_space<hbm>> -> memref<512xf32, #tpu.memory_space<hbm>>
    %dma_wait3A_1929 = tpu.memref_slice %arg5[%select_n3A, %dma_wait3A_1924, %mul3A_32] : memref<16x64x1024xf32, #tpu.memory_space<hbm>> -> memref<1x1x512xf32, #tpu.memory_space<hbm>>
    %dma_wait3A_1930 = tpu.memref_squeeze %dma_wait3A_1929 : memref<1x1x512xf32, #tpu.memory_space<hbm>> -> memref<512xf32, #tpu.memory_space<hbm>>
    %dma_wait3A_1931 = arith.constant 7168 : i32
    %dma_wait3A_1932 = tpu.memref_slice %arg10[%dma_wait3A_1931] : memref<32768xf32, #tpu.memory_space<vmem>> -> memref<512xf32, #tpu.memory_space<vmem>>
    tpu.wait_dma2 semaphore(%arg12 : memref<!tpu.dma_semaphore, #tpu.memory_space<semaphore_mem>>) src(%dma_wait3A_1932 : memref<512xf32, #tpu.memory_space<vmem>>) dst(%dma_wait3A_1930 : memref<512xf32, #tpu.memory_space<hbm>>)
    %dma_wait3A_1933 = arith.constant 15 : i32
    %dma_wait3A_1934 = arith.constant 7680 : i32
    %dma_wait3A_1935 = tpu.memref_slice %arg10[%dma_wait3A_1934] : memref<32768xf32, #tpu.memory_space<vmem>> -> memref<512xf32, #tpu.memory_space<vmem>>
    %dma_wait3A_1936 = tpu.memref_slice %arg5[%select_n3A, %dma_wait3A_1933, %mul3A_32] : memref<16x64x1024xf32, #tpu.memory_space<hbm>> -> memref<1x1x512xf32, #tpu.memory_space<hbm>>
    %dma_wait3A_1937 = tpu.memref_squeeze %dma_wait3A_1936 : memref<1x1x512xf32, #tpu.memory_space<hbm>> -> memref<512xf32, #tpu.memory_space<hbm>>
    %dma_wait3A_1938 = tpu.memref_slice %arg5[%select_n3A, %dma_wait3A_1933, %mul3A_32] : memref<16x64x1024xf32, #tpu.memory_space<hbm>> -> memref<1x1x512xf32, #tpu.memory_space<hbm>>
    %dma_wait3A_1939 = tpu.memref_squeeze %dma_wait3A_1938 : memref<1x1x512xf32, #tpu.memory_space<hbm>> -> memref<512xf32, #tpu.memory_space<hbm>>
    %dma_wait3A_1940 = arith.constant 7680 : i32
    %dma_wait3A_1941 = tpu.memref_slice %arg10[%dma_wait3A_1940] : memref<32768xf32, #tpu.memory_space<vmem>> -> memref<512xf32, #tpu.memory_space<vmem>>
    tpu.wait_dma2 semaphore(%arg12 : memref<!tpu.dma_semaphore, #tpu.memory_space<semaphore_mem>>) src(%dma_wait3A_1941 : memref<512xf32, #tpu.memory_space<vmem>>) dst(%dma_wait3A_1939 : memref<512xf32, #tpu.memory_space<hbm>>)
    %dma_wait3A_1942 = arith.constant 16 : i32
    %dma_wait3A_1943 = arith.constant 8192 : i32
    %dma_wait3A_1944 = tpu.memref_slice %arg10[%dma_wait3A_1943] : memref<32768xf32, #tpu.memory_space<vmem>> -> memref<512xf32, #tpu.memory_space<vmem>>
    %dma_wait3A_1945 = tpu.memref_slice %arg5[%select_n3A, %dma_wait3A_1942, %mul3A_32] : memref<16x64x1024xf32, #tpu.memory_space<hbm>> -> memref<1x1x512xf32, #tpu.memory_space<hbm>>
    %dma_wait3A_1946 = tpu.memref_squeeze %dma_wait3A_1945 : memref<1x1x512xf32, #tpu.memory_space<hbm>> -> memref<512xf32, #tpu.memory_space<hbm>>
    %dma_wait3A_1947 = tpu.memref_slice %arg5[%select_n3A, %dma_wait3A_1942, %mul3A_32] : memref<16x64x1024xf32, #tpu.memory_space<hbm>> -> memref<1x1x512xf32, #tpu.memory_space<hbm>>
    %dma_wait3A_1948 = tpu.memref_squeeze %dma_wait3A_1947 : memref<1x1x512xf32, #tpu.memory_space<hbm>> -> memref<512xf32, #tpu.memory_space<hbm>>
    %dma_wait3A_1949 = arith.constant 8192 : i32
    %dma_wait3A_1950 = tpu.memref_slice %arg10[%dma_wait3A_1949] : memref<32768xf32, #tpu.memory_space<vmem>> -> memref<512xf32, #tpu.memory_space<vmem>>
    tpu.wait_dma2 semaphore(%arg12 : memref<!tpu.dma_semaphore, #tpu.memory_space<semaphore_mem>>) src(%dma_wait3A_1950 : memref<512xf32, #tpu.memory_space<vmem>>) dst(%dma_wait3A_1948 : memref<512xf32, #tpu.memory_space<hbm>>)
    %dma_wait3A_1951 = arith.constant 17 : i32
    %dma_wait3A_1952 = arith.constant 8704 : i32
    %dma_wait3A_1953 = tpu.memref_slice %arg10[%dma_wait3A_1952] : memref<32768xf32, #tpu.memory_space<vmem>> -> memref<512xf32, #tpu.memory_space<vmem>>
    %dma_wait3A_1954 = tpu.memref_slice %arg5[%select_n3A, %dma_wait3A_1951, %mul3A_32] : memref<16x64x1024xf32, #tpu.memory_space<hbm>> -> memref<1x1x512xf32, #tpu.memory_space<hbm>>
    %dma_wait3A_1955 = tpu.memref_squeeze %dma_wait3A_1954 : memref<1x1x512xf32, #tpu.memory_space<hbm>> -> memref<512xf32, #tpu.memory_space<hbm>>
    %dma_wait3A_1956 = tpu.memref_slice %arg5[%select_n3A, %dma_wait3A_1951, %mul3A_32] : memref<16x64x1024xf32, #tpu.memory_space<hbm>> -> memref<1x1x512xf32, #tpu.memory_space<hbm>>
    %dma_wait3A_1957 = tpu.memref_squeeze %dma_wait3A_1956 : memref<1x1x512xf32, #tpu.memory_space<hbm>> -> memref<512xf32, #tpu.memory_space<hbm>>
    %dma_wait3A_1958 = arith.constant 8704 : i32
    %dma_wait3A_1959 = tpu.memref_slice %arg10[%dma_wait3A_1958] : memref<32768xf32, #tpu.memory_space<vmem>> -> memref<512xf32, #tpu.memory_space<vmem>>
    tpu.wait_dma2 semaphore(%arg12 : memref<!tpu.dma_semaphore, #tpu.memory_space<semaphore_mem>>) src(%dma_wait3A_1959 : memref<512xf32, #tpu.memory_space<vmem>>) dst(%dma_wait3A_1957 : memref<512xf32, #tpu.memory_space<hbm>>)
    %dma_wait3A_1960 = arith.constant 18 : i32
    %dma_wait3A_1961 = arith.constant 9216 : i32
    %dma_wait3A_1962 = tpu.memref_slice %arg10[%dma_wait3A_1961] : memref<32768xf32, #tpu.memory_space<vmem>> -> memref<512xf32, #tpu.memory_space<vmem>>
    %dma_wait3A_1963 = tpu.memref_slice %arg5[%select_n3A, %dma_wait3A_1960, %mul3A_32] : memref<16x64x1024xf32, #tpu.memory_space<hbm>> -> memref<1x1x512xf32, #tpu.memory_space<hbm>>
    %dma_wait3A_1964 = tpu.memref_squeeze %dma_wait3A_1963 : memref<1x1x512xf32, #tpu.memory_space<hbm>> -> memref<512xf32, #tpu.memory_space<hbm>>
    %dma_wait3A_1965 = tpu.memref_slice %arg5[%select_n3A, %dma_wait3A_1960, %mul3A_32] : memref<16x64x1024xf32, #tpu.memory_space<hbm>> -> memref<1x1x512xf32, #tpu.memory_space<hbm>>
    %dma_wait3A_1966 = tpu.memref_squeeze %dma_wait3A_1965 : memref<1x1x512xf32, #tpu.memory_space<hbm>> -> memref<512xf32, #tpu.memory_space<hbm>>
    %dma_wait3A_1967 = arith.constant 9216 : i32
    %dma_wait3A_1968 = tpu.memref_slice %arg10[%dma_wait3A_1967] : memref<32768xf32, #tpu.memory_space<vmem>> -> memref<512xf32, #tpu.memory_space<vmem>>
    tpu.wait_dma2 semaphore(%arg12 : memref<!tpu.dma_semaphore, #tpu.memory_space<semaphore_mem>>) src(%dma_wait3A_1968 : memref<512xf32, #tpu.memory_space<vmem>>) dst(%dma_wait3A_1966 : memref<512xf32, #tpu.memory_space<hbm>>)
    %dma_wait3A_1969 = arith.constant 19 : i32
    %dma_wait3A_1970 = arith.constant 9728 : i32
    %dma_wait3A_1971 = tpu.memref_slice %arg10[%dma_wait3A_1970] : memref<32768xf32, #tpu.memory_space<vmem>> -> memref<512xf32, #tpu.memory_space<vmem>>
    %dma_wait3A_1972 = tpu.memref_slice %arg5[%select_n3A, %dma_wait3A_1969, %mul3A_32] : memref<16x64x1024xf32, #tpu.memory_space<hbm>> -> memref<1x1x512xf32, #tpu.memory_space<hbm>>
    %dma_wait3A_1973 = tpu.memref_squeeze %dma_wait3A_1972 : memref<1x1x512xf32, #tpu.memory_space<hbm>> -> memref<512xf32, #tpu.memory_space<hbm>>
    %dma_wait3A_1974 = tpu.memref_slice %arg5[%select_n3A, %dma_wait3A_1969, %mul3A_32] : memref<16x64x1024xf32, #tpu.memory_space<hbm>> -> memref<1x1x512xf32, #tpu.memory_space<hbm>>
    %dma_wait3A_1975 = tpu.memref_squeeze %dma_wait3A_1974 : memref<1x1x512xf32, #tpu.memory_space<hbm>> -> memref<512xf32, #tpu.memory_space<hbm>>
    %dma_wait3A_1976 = arith.constant 9728 : i32
    %dma_wait3A_1977 = tpu.memref_slice %arg10[%dma_wait3A_1976] : memref<32768xf32, #tpu.memory_space<vmem>> -> memref<512xf32, #tpu.memory_space<vmem>>
    tpu.wait_dma2 semaphore(%arg12 : memref<!tpu.dma_semaphore, #tpu.memory_space<semaphore_mem>>) src(%dma_wait3A_1977 : memref<512xf32, #tpu.memory_space<vmem>>) dst(%dma_wait3A_1975 : memref<512xf32, #tpu.memory_space<hbm>>)
    %dma_wait3A_1978 = arith.constant 20 : i32
    %dma_wait3A_1979 = arith.constant 10240 : i32
    %dma_wait3A_1980 = tpu.memref_slice %arg10[%dma_wait3A_1979] : memref<32768xf32, #tpu.memory_space<vmem>> -> memref<512xf32, #tpu.memory_space<vmem>>
    %dma_wait3A_1981 = tpu.memref_slice %arg5[%select_n3A, %dma_wait3A_1978, %mul3A_32] : memref<16x64x1024xf32, #tpu.memory_space<hbm>> -> memref<1x1x512xf32, #tpu.memory_space<hbm>>
    %dma_wait3A_1982 = tpu.memref_squeeze %dma_wait3A_1981 : memref<1x1x512xf32, #tpu.memory_space<hbm>> -> memref<512xf32, #tpu.memory_space<hbm>>
    %dma_wait3A_1983 = tpu.memref_slice %arg5[%select_n3A, %dma_wait3A_1978, %mul3A_32] : memref<16x64x1024xf32, #tpu.memory_space<hbm>> -> memref<1x1x512xf32, #tpu.memory_space<hbm>>
    %dma_wait3A_1984 = tpu.memref_squeeze %dma_wait3A_1983 : memref<1x1x512xf32, #tpu.memory_space<hbm>> -> memref<512xf32, #tpu.memory_space<hbm>>
    %dma_wait3A_1985 = arith.constant 10240 : i32
    %dma_wait3A_1986 = tpu.memref_slice %arg10[%dma_wait3A_1985] : memref<32768xf32, #tpu.memory_space<vmem>> -> memref<512xf32, #tpu.memory_space<vmem>>
    tpu.wait_dma2 semaphore(%arg12 : memref<!tpu.dma_semaphore, #tpu.memory_space<semaphore_mem>>) src(%dma_wait3A_1986 : memref<512xf32, #tpu.memory_space<vmem>>) dst(%dma_wait3A_1984 : memref<512xf32, #tpu.memory_space<hbm>>)
    %dma_wait3A_1987 = arith.constant 21 : i32
    %dma_wait3A_1988 = arith.constant 10752 : i32
    %dma_wait3A_1989 = tpu.memref_slice %arg10[%dma_wait3A_1988] : memref<32768xf32, #tpu.memory_space<vmem>> -> memref<512xf32, #tpu.memory_space<vmem>>
    %dma_wait3A_1990 = tpu.memref_slice %arg5[%select_n3A, %dma_wait3A_1987, %mul3A_32] : memref<16x64x1024xf32, #tpu.memory_space<hbm>> -> memref<1x1x512xf32, #tpu.memory_space<hbm>>
    %dma_wait3A_1991 = tpu.memref_squeeze %dma_wait3A_1990 : memref<1x1x512xf32, #tpu.memory_space<hbm>> -> memref<512xf32, #tpu.memory_space<hbm>>
    %dma_wait3A_1992 = tpu.memref_slice %arg5[%select_n3A, %dma_wait3A_1987, %mul3A_32] : memref<16x64x1024xf32, #tpu.memory_space<hbm>> -> memref<1x1x512xf32, #tpu.memory_space<hbm>>
    %dma_wait3A_1993 = tpu.memref_squeeze %dma_wait3A_1992 : memref<1x1x512xf32, #tpu.memory_space<hbm>> -> memref<512xf32, #tpu.memory_space<hbm>>
    %dma_wait3A_1994 = arith.constant 10752 : i32
    %dma_wait3A_1995 = tpu.memref_slice %arg10[%dma_wait3A_1994] : memref<32768xf32, #tpu.memory_space<vmem>> -> memref<512xf32, #tpu.memory_space<vmem>>
    tpu.wait_dma2 semaphore(%arg12 : memref<!tpu.dma_semaphore, #tpu.memory_space<semaphore_mem>>) src(%dma_wait3A_1995 : memref<512xf32, #tpu.memory_space<vmem>>) dst(%dma_wait3A_1993 : memref<512xf32, #tpu.memory_space<hbm>>)
    %dma_wait3A_1996 = arith.constant 22 : i32
    %dma_wait3A_1997 = arith.constant 11264 : i32
    %dma_wait3A_1998 = tpu.memref_slice %arg10[%dma_wait3A_1997] : memref<32768xf32, #tpu.memory_space<vmem>> -> memref<512xf32, #tpu.memory_space<vmem>>
    %dma_wait3A_1999 = tpu.memref_slice %arg5[%select_n3A, %dma_wait3A_1996, %mul3A_32] : memref<16x64x1024xf32, #tpu.memory_space<hbm>> -> memref<1x1x512xf32, #tpu.memory_space<hbm>>
    %dma_wait3A_2000 = tpu.memref_squeeze %dma_wait3A_1999 : memref<1x1x512xf32, #tpu.memory_space<hbm>> -> memref<512xf32, #tpu.memory_space<hbm>>
    %dma_wait3A_2001 = tpu.memref_slice %arg5[%select_n3A, %dma_wait3A_1996, %mul3A_32] : memref<16x64x1024xf32, #tpu.memory_space<hbm>> -> memref<1x1x512xf32, #tpu.memory_space<hbm>>
    %dma_wait3A_2002 = tpu.memref_squeeze %dma_wait3A_2001 : memref<1x1x512xf32, #tpu.memory_space<hbm>> -> memref<512xf32, #tpu.memory_space<hbm>>
    %dma_wait3A_2003 = arith.constant 11264 : i32
    %dma_wait3A_2004 = tpu.memref_slice %arg10[%dma_wait3A_2003] : memref<32768xf32, #tpu.memory_space<vmem>> -> memref<512xf32, #tpu.memory_space<vmem>>
    tpu.wait_dma2 semaphore(%arg12 : memref<!tpu.dma_semaphore, #tpu.memory_space<semaphore_mem>>) src(%dma_wait3A_2004 : memref<512xf32, #tpu.memory_space<vmem>>) dst(%dma_wait3A_2002 : memref<512xf32, #tpu.memory_space<hbm>>)
    %dma_wait3A_2005 = arith.constant 23 : i32
    %dma_wait3A_2006 = arith.constant 11776 : i32
    %dma_wait3A_2007 = tpu.memref_slice %arg10[%dma_wait3A_2006] : memref<32768xf32, #tpu.memory_space<vmem>> -> memref<512xf32, #tpu.memory_space<vmem>>
    %dma_wait3A_2008 = tpu.memref_slice %arg5[%select_n3A, %dma_wait3A_2005, %mul3A_32] : memref<16x64x1024xf32, #tpu.memory_space<hbm>> -> memref<1x1x512xf32, #tpu.memory_space<hbm>>
    %dma_wait3A_2009 = tpu.memref_squeeze %dma_wait3A_2008 : memref<1x1x512xf32, #tpu.memory_space<hbm>> -> memref<512xf32, #tpu.memory_space<hbm>>
    %dma_wait3A_2010 = tpu.memref_slice %arg5[%select_n3A, %dma_wait3A_2005, %mul3A_32] : memref<16x64x1024xf32, #tpu.memory_space<hbm>> -> memref<1x1x512xf32, #tpu.memory_space<hbm>>
    %dma_wait3A_2011 = tpu.memref_squeeze %dma_wait3A_2010 : memref<1x1x512xf32, #tpu.memory_space<hbm>> -> memref<512xf32, #tpu.memory_space<hbm>>
    %dma_wait3A_2012 = arith.constant 11776 : i32
    %dma_wait3A_2013 = tpu.memref_slice %arg10[%dma_wait3A_2012] : memref<32768xf32, #tpu.memory_space<vmem>> -> memref<512xf32, #tpu.memory_space<vmem>>
    tpu.wait_dma2 semaphore(%arg12 : memref<!tpu.dma_semaphore, #tpu.memory_space<semaphore_mem>>) src(%dma_wait3A_2013 : memref<512xf32, #tpu.memory_space<vmem>>) dst(%dma_wait3A_2011 : memref<512xf32, #tpu.memory_space<hbm>>)
    %dma_wait3A_2014 = arith.constant 24 : i32
    %dma_wait3A_2015 = arith.constant 12288 : i32
    %dma_wait3A_2016 = tpu.memref_slice %arg10[%dma_wait3A_2015] : memref<32768xf32, #tpu.memory_space<vmem>> -> memref<512xf32, #tpu.memory_space<vmem>>
    %dma_wait3A_2017 = tpu.memref_slice %arg5[%select_n3A, %dma_wait3A_2014, %mul3A_32] : memref<16x64x1024xf32, #tpu.memory_space<hbm>> -> memref<1x1x512xf32, #tpu.memory_space<hbm>>
    %dma_wait3A_2018 = tpu.memref_squeeze %dma_wait3A_2017 : memref<1x1x512xf32, #tpu.memory_space<hbm>> -> memref<512xf32, #tpu.memory_space<hbm>>
    %dma_wait3A_2019 = tpu.memref_slice %arg5[%select_n3A, %dma_wait3A_2014, %mul3A_32] : memref<16x64x1024xf32, #tpu.memory_space<hbm>> -> memref<1x1x512xf32, #tpu.memory_space<hbm>>
    %dma_wait3A_2020 = tpu.memref_squeeze %dma_wait3A_2019 : memref<1x1x512xf32, #tpu.memory_space<hbm>> -> memref<512xf32, #tpu.memory_space<hbm>>
    %dma_wait3A_2021 = arith.constant 12288 : i32
    %dma_wait3A_2022 = tpu.memref_slice %arg10[%dma_wait3A_2021] : memref<32768xf32, #tpu.memory_space<vmem>> -> memref<512xf32, #tpu.memory_space<vmem>>
    tpu.wait_dma2 semaphore(%arg12 : memref<!tpu.dma_semaphore, #tpu.memory_space<semaphore_mem>>) src(%dma_wait3A_2022 : memref<512xf32, #tpu.memory_space<vmem>>) dst(%dma_wait3A_2020 : memref<512xf32, #tpu.memory_space<hbm>>)
    %dma_wait3A_2023 = arith.constant 25 : i32
    %dma_wait3A_2024 = arith.constant 12800 : i32
    %dma_wait3A_2025 = tpu.memref_slice %arg10[%dma_wait3A_2024] : memref<32768xf32, #tpu.memory_space<vmem>> -> memref<512xf32, #tpu.memory_space<vmem>>
    %dma_wait3A_2026 = tpu.memref_slice %arg5[%select_n3A, %dma_wait3A_2023, %mul3A_32] : memref<16x64x1024xf32, #tpu.memory_space<hbm>> -> memref<1x1x512xf32, #tpu.memory_space<hbm>>
    %dma_wait3A_2027 = tpu.memref_squeeze %dma_wait3A_2026 : memref<1x1x512xf32, #tpu.memory_space<hbm>> -> memref<512xf32, #tpu.memory_space<hbm>>
    %dma_wait3A_2028 = tpu.memref_slice %arg5[%select_n3A, %dma_wait3A_2023, %mul3A_32] : memref<16x64x1024xf32, #tpu.memory_space<hbm>> -> memref<1x1x512xf32, #tpu.memory_space<hbm>>
    %dma_wait3A_2029 = tpu.memref_squeeze %dma_wait3A_2028 : memref<1x1x512xf32, #tpu.memory_space<hbm>> -> memref<512xf32, #tpu.memory_space<hbm>>
    %dma_wait3A_2030 = arith.constant 12800 : i32
    %dma_wait3A_2031 = tpu.memref_slice %arg10[%dma_wait3A_2030] : memref<32768xf32, #tpu.memory_space<vmem>> -> memref<512xf32, #tpu.memory_space<vmem>>
    tpu.wait_dma2 semaphore(%arg12 : memref<!tpu.dma_semaphore, #tpu.memory_space<semaphore_mem>>) src(%dma_wait3A_2031 : memref<512xf32, #tpu.memory_space<vmem>>) dst(%dma_wait3A_2029 : memref<512xf32, #tpu.memory_space<hbm>>)
    %dma_wait3A_2032 = arith.constant 26 : i32
    %dma_wait3A_2033 = arith.constant 13312 : i32
    %dma_wait3A_2034 = tpu.memref_slice %arg10[%dma_wait3A_2033] : memref<32768xf32, #tpu.memory_space<vmem>> -> memref<512xf32, #tpu.memory_space<vmem>>
    %dma_wait3A_2035 = tpu.memref_slice %arg5[%select_n3A, %dma_wait3A_2032, %mul3A_32] : memref<16x64x1024xf32, #tpu.memory_space<hbm>> -> memref<1x1x512xf32, #tpu.memory_space<hbm>>
    %dma_wait3A_2036 = tpu.memref_squeeze %dma_wait3A_2035 : memref<1x1x512xf32, #tpu.memory_space<hbm>> -> memref<512xf32, #tpu.memory_space<hbm>>
    %dma_wait3A_2037 = tpu.memref_slice %arg5[%select_n3A, %dma_wait3A_2032, %mul3A_32] : memref<16x64x1024xf32, #tpu.memory_space<hbm>> -> memref<1x1x512xf32, #tpu.memory_space<hbm>>
    %dma_wait3A_2038 = tpu.memref_squeeze %dma_wait3A_2037 : memref<1x1x512xf32, #tpu.memory_space<hbm>> -> memref<512xf32, #tpu.memory_space<hbm>>
    %dma_wait3A_2039 = arith.constant 13312 : i32
    %dma_wait3A_2040 = tpu.memref_slice %arg10[%dma_wait3A_2039] : memref<32768xf32, #tpu.memory_space<vmem>> -> memref<512xf32, #tpu.memory_space<vmem>>
    tpu.wait_dma2 semaphore(%arg12 : memref<!tpu.dma_semaphore, #tpu.memory_space<semaphore_mem>>) src(%dma_wait3A_2040 : memref<512xf32, #tpu.memory_space<vmem>>) dst(%dma_wait3A_2038 : memref<512xf32, #tpu.memory_space<hbm>>)
    %dma_wait3A_2041 = arith.constant 27 : i32
    %dma_wait3A_2042 = arith.constant 13824 : i32
    %dma_wait3A_2043 = tpu.memref_slice %arg10[%dma_wait3A_2042] : memref<32768xf32, #tpu.memory_space<vmem>> -> memref<512xf32, #tpu.memory_space<vmem>>
    %dma_wait3A_2044 = tpu.memref_slice %arg5[%select_n3A, %dma_wait3A_2041, %mul3A_32] : memref<16x64x1024xf32, #tpu.memory_space<hbm>> -> memref<1x1x512xf32, #tpu.memory_space<hbm>>
    %dma_wait3A_2045 = tpu.memref_squeeze %dma_wait3A_2044 : memref<1x1x512xf32, #tpu.memory_space<hbm>> -> memref<512xf32, #tpu.memory_space<hbm>>
    %dma_wait3A_2046 = tpu.memref_slice %arg5[%select_n3A, %dma_wait3A_2041, %mul3A_32] : memref<16x64x1024xf32, #tpu.memory_space<hbm>> -> memref<1x1x512xf32, #tpu.memory_space<hbm>>
    %dma_wait3A_2047 = tpu.memref_squeeze %dma_wait3A_2046 : memref<1x1x512xf32, #tpu.memory_space<hbm>> -> memref<512xf32, #tpu.memory_space<hbm>>
    %dma_wait3A_2048 = arith.constant 13824 : i32
    %dma_wait3A_2049 = tpu.memref_slice %arg10[%dma_wait3A_2048] : memref<32768xf32, #tpu.memory_space<vmem>> -> memref<512xf32, #tpu.memory_space<vmem>>
    tpu.wait_dma2 semaphore(%arg12 : memref<!tpu.dma_semaphore, #tpu.memory_space<semaphore_mem>>) src(%dma_wait3A_2049 : memref<512xf32, #tpu.memory_space<vmem>>) dst(%dma_wait3A_2047 : memref<512xf32, #tpu.memory_space<hbm>>)
    %dma_wait3A_2050 = arith.constant 28 : i32
    %dma_wait3A_2051 = arith.constant 14336 : i32
    %dma_wait3A_2052 = tpu.memref_slice %arg10[%dma_wait3A_2051] : memref<32768xf32, #tpu.memory_space<vmem>> -> memref<512xf32, #tpu.memory_space<vmem>>
    %dma_wait3A_2053 = tpu.memref_slice %arg5[%select_n3A, %dma_wait3A_2050, %mul3A_32] : memref<16x64x1024xf32, #tpu.memory_space<hbm>> -> memref<1x1x512xf32, #tpu.memory_space<hbm>>
    %dma_wait3A_2054 = tpu.memref_squeeze %dma_wait3A_2053 : memref<1x1x512xf32, #tpu.memory_space<hbm>> -> memref<512xf32, #tpu.memory_space<hbm>>
    %dma_wait3A_2055 = tpu.memref_slice %arg5[%select_n3A, %dma_wait3A_2050, %mul3A_32] : memref<16x64x1024xf32, #tpu.memory_space<hbm>> -> memref<1x1x512xf32, #tpu.memory_space<hbm>>
    %dma_wait3A_2056 = tpu.memref_squeeze %dma_wait3A_2055 : memref<1x1x512xf32, #tpu.memory_space<hbm>> -> memref<512xf32, #tpu.memory_space<hbm>>
    %dma_wait3A_2057 = arith.constant 14336 : i32
    %dma_wait3A_2058 = tpu.memref_slice %arg10[%dma_wait3A_2057] : memref<32768xf32, #tpu.memory_space<vmem>> -> memref<512xf32, #tpu.memory_space<vmem>>
    tpu.wait_dma2 semaphore(%arg12 : memref<!tpu.dma_semaphore, #tpu.memory_space<semaphore_mem>>) src(%dma_wait3A_2058 : memref<512xf32, #tpu.memory_space<vmem>>) dst(%dma_wait3A_2056 : memref<512xf32, #tpu.memory_space<hbm>>)
    %dma_wait3A_2059 = arith.constant 29 : i32
    %dma_wait3A_2060 = arith.constant 14848 : i32
    %dma_wait3A_2061 = tpu.memref_slice %arg10[%dma_wait3A_2060] : memref<32768xf32, #tpu.memory_space<vmem>> -> memref<512xf32, #tpu.memory_space<vmem>>
    %dma_wait3A_2062 = tpu.memref_slice %arg5[%select_n3A, %dma_wait3A_2059, %mul3A_32] : memref<16x64x1024xf32, #tpu.memory_space<hbm>> -> memref<1x1x512xf32, #tpu.memory_space<hbm>>
    %dma_wait3A_2063 = tpu.memref_squeeze %dma_wait3A_2062 : memref<1x1x512xf32, #tpu.memory_space<hbm>> -> memref<512xf32, #tpu.memory_space<hbm>>
    %dma_wait3A_2064 = tpu.memref_slice %arg5[%select_n3A, %dma_wait3A_2059, %mul3A_32] : memref<16x64x1024xf32, #tpu.memory_space<hbm>> -> memref<1x1x512xf32, #tpu.memory_space<hbm>>
    %dma_wait3A_2065 = tpu.memref_squeeze %dma_wait3A_2064 : memref<1x1x512xf32, #tpu.memory_space<hbm>> -> memref<512xf32, #tpu.memory_space<hbm>>
    %dma_wait3A_2066 = arith.constant 14848 : i32
    %dma_wait3A_2067 = tpu.memref_slice %arg10[%dma_wait3A_2066] : memref<32768xf32, #tpu.memory_space<vmem>> -> memref<512xf32, #tpu.memory_space<vmem>>
    tpu.wait_dma2 semaphore(%arg12 : memref<!tpu.dma_semaphore, #tpu.memory_space<semaphore_mem>>) src(%dma_wait3A_2067 : memref<512xf32, #tpu.memory_space<vmem>>) dst(%dma_wait3A_2065 : memref<512xf32, #tpu.memory_space<hbm>>)
    %dma_wait3A_2068 = arith.constant 30 : i32
    %dma_wait3A_2069 = arith.constant 15360 : i32
    %dma_wait3A_2070 = tpu.memref_slice %arg10[%dma_wait3A_2069] : memref<32768xf32, #tpu.memory_space<vmem>> -> memref<512xf32, #tpu.memory_space<vmem>>
    %dma_wait3A_2071 = tpu.memref_slice %arg5[%select_n3A, %dma_wait3A_2068, %mul3A_32] : memref<16x64x1024xf32, #tpu.memory_space<hbm>> -> memref<1x1x512xf32, #tpu.memory_space<hbm>>
    %dma_wait3A_2072 = tpu.memref_squeeze %dma_wait3A_2071 : memref<1x1x512xf32, #tpu.memory_space<hbm>> -> memref<512xf32, #tpu.memory_space<hbm>>
    %dma_wait3A_2073 = tpu.memref_slice %arg5[%select_n3A, %dma_wait3A_2068, %mul3A_32] : memref<16x64x1024xf32, #tpu.memory_space<hbm>> -> memref<1x1x512xf32, #tpu.memory_space<hbm>>
    %dma_wait3A_2074 = tpu.memref_squeeze %dma_wait3A_2073 : memref<1x1x512xf32, #tpu.memory_space<hbm>> -> memref<512xf32, #tpu.memory_space<hbm>>
    %dma_wait3A_2075 = arith.constant 15360 : i32
    %dma_wait3A_2076 = tpu.memref_slice %arg10[%dma_wait3A_2075] : memref<32768xf32, #tpu.memory_space<vmem>> -> memref<512xf32, #tpu.memory_space<vmem>>
    tpu.wait_dma2 semaphore(%arg12 : memref<!tpu.dma_semaphore, #tpu.memory_space<semaphore_mem>>) src(%dma_wait3A_2076 : memref<512xf32, #tpu.memory_space<vmem>>) dst(%dma_wait3A_2074 : memref<512xf32, #tpu.memory_space<hbm>>)
    %dma_wait3A_2077 = arith.constant 31 : i32
    %dma_wait3A_2078 = arith.constant 15872 : i32
    %dma_wait3A_2079 = tpu.memref_slice %arg10[%dma_wait3A_2078] : memref<32768xf32, #tpu.memory_space<vmem>> -> memref<512xf32, #tpu.memory_space<vmem>>
    %dma_wait3A_2080 = tpu.memref_slice %arg5[%select_n3A, %dma_wait3A_2077, %mul3A_32] : memref<16x64x1024xf32, #tpu.memory_space<hbm>> -> memref<1x1x512xf32, #tpu.memory_space<hbm>>
    %dma_wait3A_2081 = tpu.memref_squeeze %dma_wait3A_2080 : memref<1x1x512xf32, #tpu.memory_space<hbm>> -> memref<512xf32, #tpu.memory_space<hbm>>
    %dma_wait3A_2082 = tpu.memref_slice %arg5[%select_n3A, %dma_wait3A_2077, %mul3A_32] : memref<16x64x1024xf32, #tpu.memory_space<hbm>> -> memref<1x1x512xf32, #tpu.memory_space<hbm>>
    %dma_wait3A_2083 = tpu.memref_squeeze %dma_wait3A_2082 : memref<1x1x512xf32, #tpu.memory_space<hbm>> -> memref<512xf32, #tpu.memory_space<hbm>>
    %dma_wait3A_2084 = arith.constant 15872 : i32
    %dma_wait3A_2085 = tpu.memref_slice %arg10[%dma_wait3A_2084] : memref<32768xf32, #tpu.memory_space<vmem>> -> memref<512xf32, #tpu.memory_space<vmem>>
    tpu.wait_dma2 semaphore(%arg12 : memref<!tpu.dma_semaphore, #tpu.memory_space<semaphore_mem>>) src(%dma_wait3A_2085 : memref<512xf32, #tpu.memory_space<vmem>>) dst(%dma_wait3A_2083 : memref<512xf32, #tpu.memory_space<hbm>>)
    %dma_wait3A_2086 = arith.constant 32 : i32
    %dma_wait3A_2087 = arith.constant 16384 : i32
    %dma_wait3A_2088 = tpu.memref_slice %arg10[%dma_wait3A_2087] : memref<32768xf32, #tpu.memory_space<vmem>> -> memref<512xf32, #tpu.memory_space<vmem>>
    %dma_wait3A_2089 = tpu.memref_slice %arg5[%select_n3A, %dma_wait3A_2086, %mul3A_32] : memref<16x64x1024xf32, #tpu.memory_space<hbm>> -> memref<1x1x512xf32, #tpu.memory_space<hbm>>
    %dma_wait3A_2090 = tpu.memref_squeeze %dma_wait3A_2089 : memref<1x1x512xf32, #tpu.memory_space<hbm>> -> memref<512xf32, #tpu.memory_space<hbm>>
    %dma_wait3A_2091 = tpu.memref_slice %arg5[%select_n3A, %dma_wait3A_2086, %mul3A_32] : memref<16x64x1024xf32, #tpu.memory_space<hbm>> -> memref<1x1x512xf32, #tpu.memory_space<hbm>>
    %dma_wait3A_2092 = tpu.memref_squeeze %dma_wait3A_2091 : memref<1x1x512xf32, #tpu.memory_space<hbm>> -> memref<512xf32, #tpu.memory_space<hbm>>
    %dma_wait3A_2093 = arith.constant 16384 : i32
    %dma_wait3A_2094 = tpu.memref_slice %arg10[%dma_wait3A_2093] : memref<32768xf32, #tpu.memory_space<vmem>> -> memref<512xf32, #tpu.memory_space<vmem>>
    tpu.wait_dma2 semaphore(%arg12 : memref<!tpu.dma_semaphore, #tpu.memory_space<semaphore_mem>>) src(%dma_wait3A_2094 : memref<512xf32, #tpu.memory_space<vmem>>) dst(%dma_wait3A_2092 : memref<512xf32, #tpu.memory_space<hbm>>)
    %dma_wait3A_2095 = arith.constant 33 : i32
    %dma_wait3A_2096 = arith.constant 16896 : i32
    %dma_wait3A_2097 = tpu.memref_slice %arg10[%dma_wait3A_2096] : memref<32768xf32, #tpu.memory_space<vmem>> -> memref<512xf32, #tpu.memory_space<vmem>>
    %dma_wait3A_2098 = tpu.memref_slice %arg5[%select_n3A, %dma_wait3A_2095, %mul3A_32] : memref<16x64x1024xf32, #tpu.memory_space<hbm>> -> memref<1x1x512xf32, #tpu.memory_space<hbm>>
    %dma_wait3A_2099 = tpu.memref_squeeze %dma_wait3A_2098 : memref<1x1x512xf32, #tpu.memory_space<hbm>> -> memref<512xf32, #tpu.memory_space<hbm>>
    %dma_wait3A_2100 = tpu.memref_slice %arg5[%select_n3A, %dma_wait3A_2095, %mul3A_32] : memref<16x64x1024xf32, #tpu.memory_space<hbm>> -> memref<1x1x512xf32, #tpu.memory_space<hbm>>
    %dma_wait3A_2101 = tpu.memref_squeeze %dma_wait3A_2100 : memref<1x1x512xf32, #tpu.memory_space<hbm>> -> memref<512xf32, #tpu.memory_space<hbm>>
    %dma_wait3A_2102 = arith.constant 16896 : i32
    %dma_wait3A_2103 = tpu.memref_slice %arg10[%dma_wait3A_2102] : memref<32768xf32, #tpu.memory_space<vmem>> -> memref<512xf32, #tpu.memory_space<vmem>>
    tpu.wait_dma2 semaphore(%arg12 : memref<!tpu.dma_semaphore, #tpu.memory_space<semaphore_mem>>) src(%dma_wait3A_2103 : memref<512xf32, #tpu.memory_space<vmem>>) dst(%dma_wait3A_2101 : memref<512xf32, #tpu.memory_space<hbm>>)
    %dma_wait3A_2104 = arith.constant 34 : i32
    %dma_wait3A_2105 = arith.constant 17408 : i32
    %dma_wait3A_2106 = tpu.memref_slice %arg10[%dma_wait3A_2105] : memref<32768xf32, #tpu.memory_space<vmem>> -> memref<512xf32, #tpu.memory_space<vmem>>
    %dma_wait3A_2107 = tpu.memref_slice %arg5[%select_n3A, %dma_wait3A_2104, %mul3A_32] : memref<16x64x1024xf32, #tpu.memory_space<hbm>> -> memref<1x1x512xf32, #tpu.memory_space<hbm>>
    %dma_wait3A_2108 = tpu.memref_squeeze %dma_wait3A_2107 : memref<1x1x512xf32, #tpu.memory_space<hbm>> -> memref<512xf32, #tpu.memory_space<hbm>>
    %dma_wait3A_2109 = tpu.memref_slice %arg5[%select_n3A, %dma_wait3A_2104, %mul3A_32] : memref<16x64x1024xf32, #tpu.memory_space<hbm>> -> memref<1x1x512xf32, #tpu.memory_space<hbm>>
    %dma_wait3A_2110 = tpu.memref_squeeze %dma_wait3A_2109 : memref<1x1x512xf32, #tpu.memory_space<hbm>> -> memref<512xf32, #tpu.memory_space<hbm>>
    %dma_wait3A_2111 = arith.constant 17408 : i32
    %dma_wait3A_2112 = tpu.memref_slice %arg10[%dma_wait3A_2111] : memref<32768xf32, #tpu.memory_space<vmem>> -> memref<512xf32, #tpu.memory_space<vmem>>
    tpu.wait_dma2 semaphore(%arg12 : memref<!tpu.dma_semaphore, #tpu.memory_space<semaphore_mem>>) src(%dma_wait3A_2112 : memref<512xf32, #tpu.memory_space<vmem>>) dst(%dma_wait3A_2110 : memref<512xf32, #tpu.memory_space<hbm>>)
    %dma_wait3A_2113 = arith.constant 35 : i32
    %dma_wait3A_2114 = arith.constant 17920 : i32
    %dma_wait3A_2115 = tpu.memref_slice %arg10[%dma_wait3A_2114] : memref<32768xf32, #tpu.memory_space<vmem>> -> memref<512xf32, #tpu.memory_space<vmem>>
    %dma_wait3A_2116 = tpu.memref_slice %arg5[%select_n3A, %dma_wait3A_2113, %mul3A_32] : memref<16x64x1024xf32, #tpu.memory_space<hbm>> -> memref<1x1x512xf32, #tpu.memory_space<hbm>>
    %dma_wait3A_2117 = tpu.memref_squeeze %dma_wait3A_2116 : memref<1x1x512xf32, #tpu.memory_space<hbm>> -> memref<512xf32, #tpu.memory_space<hbm>>
    %dma_wait3A_2118 = tpu.memref_slice %arg5[%select_n3A, %dma_wait3A_2113, %mul3A_32] : memref<16x64x1024xf32, #tpu.memory_space<hbm>> -> memref<1x1x512xf32, #tpu.memory_space<hbm>>
    %dma_wait3A_2119 = tpu.memref_squeeze %dma_wait3A_2118 : memref<1x1x512xf32, #tpu.memory_space<hbm>> -> memref<512xf32, #tpu.memory_space<hbm>>
    %dma_wait3A_2120 = arith.constant 17920 : i32
    %dma_wait3A_2121 = tpu.memref_slice %arg10[%dma_wait3A_2120] : memref<32768xf32, #tpu.memory_space<vmem>> -> memref<512xf32, #tpu.memory_space<vmem>>
    tpu.wait_dma2 semaphore(%arg12 : memref<!tpu.dma_semaphore, #tpu.memory_space<semaphore_mem>>) src(%dma_wait3A_2121 : memref<512xf32, #tpu.memory_space<vmem>>) dst(%dma_wait3A_2119 : memref<512xf32, #tpu.memory_space<hbm>>)
    %dma_wait3A_2122 = arith.constant 36 : i32
    %dma_wait3A_2123 = arith.constant 18432 : i32
    %dma_wait3A_2124 = tpu.memref_slice %arg10[%dma_wait3A_2123] : memref<32768xf32, #tpu.memory_space<vmem>> -> memref<512xf32, #tpu.memory_space<vmem>>
    %dma_wait3A_2125 = tpu.memref_slice %arg5[%select_n3A, %dma_wait3A_2122, %mul3A_32] : memref<16x64x1024xf32, #tpu.memory_space<hbm>> -> memref<1x1x512xf32, #tpu.memory_space<hbm>>
    %dma_wait3A_2126 = tpu.memref_squeeze %dma_wait3A_2125 : memref<1x1x512xf32, #tpu.memory_space<hbm>> -> memref<512xf32, #tpu.memory_space<hbm>>
    %dma_wait3A_2127 = tpu.memref_slice %arg5[%select_n3A, %dma_wait3A_2122, %mul3A_32] : memref<16x64x1024xf32, #tpu.memory_space<hbm>> -> memref<1x1x512xf32, #tpu.memory_space<hbm>>
    %dma_wait3A_2128 = tpu.memref_squeeze %dma_wait3A_2127 : memref<1x1x512xf32, #tpu.memory_space<hbm>> -> memref<512xf32, #tpu.memory_space<hbm>>
    %dma_wait3A_2129 = arith.constant 18432 : i32
    %dma_wait3A_2130 = tpu.memref_slice %arg10[%dma_wait3A_2129] : memref<32768xf32, #tpu.memory_space<vmem>> -> memref<512xf32, #tpu.memory_space<vmem>>
    tpu.wait_dma2 semaphore(%arg12 : memref<!tpu.dma_semaphore, #tpu.memory_space<semaphore_mem>>) src(%dma_wait3A_2130 : memref<512xf32, #tpu.memory_space<vmem>>) dst(%dma_wait3A_2128 : memref<512xf32, #tpu.memory_space<hbm>>)
    %dma_wait3A_2131 = arith.constant 37 : i32
    %dma_wait3A_2132 = arith.constant 18944 : i32
    %dma_wait3A_2133 = tpu.memref_slice %arg10[%dma_wait3A_2132] : memref<32768xf32, #tpu.memory_space<vmem>> -> memref<512xf32, #tpu.memory_space<vmem>>
    %dma_wait3A_2134 = tpu.memref_slice %arg5[%select_n3A, %dma_wait3A_2131, %mul3A_32] : memref<16x64x1024xf32, #tpu.memory_space<hbm>> -> memref<1x1x512xf32, #tpu.memory_space<hbm>>
    %dma_wait3A_2135 = tpu.memref_squeeze %dma_wait3A_2134 : memref<1x1x512xf32, #tpu.memory_space<hbm>> -> memref<512xf32, #tpu.memory_space<hbm>>
    %dma_wait3A_2136 = tpu.memref_slice %arg5[%select_n3A, %dma_wait3A_2131, %mul3A_32] : memref<16x64x1024xf32, #tpu.memory_space<hbm>> -> memref<1x1x512xf32, #tpu.memory_space<hbm>>
    %dma_wait3A_2137 = tpu.memref_squeeze %dma_wait3A_2136 : memref<1x1x512xf32, #tpu.memory_space<hbm>> -> memref<512xf32, #tpu.memory_space<hbm>>
    %dma_wait3A_2138 = arith.constant 18944 : i32
    %dma_wait3A_2139 = tpu.memref_slice %arg10[%dma_wait3A_2138] : memref<32768xf32, #tpu.memory_space<vmem>> -> memref<512xf32, #tpu.memory_space<vmem>>
    tpu.wait_dma2 semaphore(%arg12 : memref<!tpu.dma_semaphore, #tpu.memory_space<semaphore_mem>>) src(%dma_wait3A_2139 : memref<512xf32, #tpu.memory_space<vmem>>) dst(%dma_wait3A_2137 : memref<512xf32, #tpu.memory_space<hbm>>)
    %dma_wait3A_2140 = arith.constant 38 : i32
    %dma_wait3A_2141 = arith.constant 19456 : i32
    %dma_wait3A_2142 = tpu.memref_slice %arg10[%dma_wait3A_2141] : memref<32768xf32, #tpu.memory_space<vmem>> -> memref<512xf32, #tpu.memory_space<vmem>>
    %dma_wait3A_2143 = tpu.memref_slice %arg5[%select_n3A, %dma_wait3A_2140, %mul3A_32] : memref<16x64x1024xf32, #tpu.memory_space<hbm>> -> memref<1x1x512xf32, #tpu.memory_space<hbm>>
    %dma_wait3A_2144 = tpu.memref_squeeze %dma_wait3A_2143 : memref<1x1x512xf32, #tpu.memory_space<hbm>> -> memref<512xf32, #tpu.memory_space<hbm>>
    %dma_wait3A_2145 = tpu.memref_slice %arg5[%select_n3A, %dma_wait3A_2140, %mul3A_32] : memref<16x64x1024xf32, #tpu.memory_space<hbm>> -> memref<1x1x512xf32, #tpu.memory_space<hbm>>
    %dma_wait3A_2146 = tpu.memref_squeeze %dma_wait3A_2145 : memref<1x1x512xf32, #tpu.memory_space<hbm>> -> memref<512xf32, #tpu.memory_space<hbm>>
    %dma_wait3A_2147 = arith.constant 19456 : i32
    %dma_wait3A_2148 = tpu.memref_slice %arg10[%dma_wait3A_2147] : memref<32768xf32, #tpu.memory_space<vmem>> -> memref<512xf32, #tpu.memory_space<vmem>>
    tpu.wait_dma2 semaphore(%arg12 : memref<!tpu.dma_semaphore, #tpu.memory_space<semaphore_mem>>) src(%dma_wait3A_2148 : memref<512xf32, #tpu.memory_space<vmem>>) dst(%dma_wait3A_2146 : memref<512xf32, #tpu.memory_space<hbm>>)
    %dma_wait3A_2149 = arith.constant 39 : i32
    %dma_wait3A_2150 = arith.constant 19968 : i32
    %dma_wait3A_2151 = tpu.memref_slice %arg10[%dma_wait3A_2150] : memref<32768xf32, #tpu.memory_space<vmem>> -> memref<512xf32, #tpu.memory_space<vmem>>
    %dma_wait3A_2152 = tpu.memref_slice %arg5[%select_n3A, %dma_wait3A_2149, %mul3A_32] : memref<16x64x1024xf32, #tpu.memory_space<hbm>> -> memref<1x1x512xf32, #tpu.memory_space<hbm>>
    %dma_wait3A_2153 = tpu.memref_squeeze %dma_wait3A_2152 : memref<1x1x512xf32, #tpu.memory_space<hbm>> -> memref<512xf32, #tpu.memory_space<hbm>>
    %dma_wait3A_2154 = tpu.memref_slice %arg5[%select_n3A, %dma_wait3A_2149, %mul3A_32] : memref<16x64x1024xf32, #tpu.memory_space<hbm>> -> memref<1x1x512xf32, #tpu.memory_space<hbm>>
    %dma_wait3A_2155 = tpu.memref_squeeze %dma_wait3A_2154 : memref<1x1x512xf32, #tpu.memory_space<hbm>> -> memref<512xf32, #tpu.memory_space<hbm>>
    %dma_wait3A_2156 = arith.constant 19968 : i32
    %dma_wait3A_2157 = tpu.memref_slice %arg10[%dma_wait3A_2156] : memref<32768xf32, #tpu.memory_space<vmem>> -> memref<512xf32, #tpu.memory_space<vmem>>
    tpu.wait_dma2 semaphore(%arg12 : memref<!tpu.dma_semaphore, #tpu.memory_space<semaphore_mem>>) src(%dma_wait3A_2157 : memref<512xf32, #tpu.memory_space<vmem>>) dst(%dma_wait3A_2155 : memref<512xf32, #tpu.memory_space<hbm>>)
    %dma_wait3A_2158 = arith.constant 40 : i32
    %dma_wait3A_2159 = arith.constant 20480 : i32
    %dma_wait3A_2160 = tpu.memref_slice %arg10[%dma_wait3A_2159] : memref<32768xf32, #tpu.memory_space<vmem>> -> memref<512xf32, #tpu.memory_space<vmem>>
    %dma_wait3A_2161 = tpu.memref_slice %arg5[%select_n3A, %dma_wait3A_2158, %mul3A_32] : memref<16x64x1024xf32, #tpu.memory_space<hbm>> -> memref<1x1x512xf32, #tpu.memory_space<hbm>>
    %dma_wait3A_2162 = tpu.memref_squeeze %dma_wait3A_2161 : memref<1x1x512xf32, #tpu.memory_space<hbm>> -> memref<512xf32, #tpu.memory_space<hbm>>
    %dma_wait3A_2163 = tpu.memref_slice %arg5[%select_n3A, %dma_wait3A_2158, %mul3A_32] : memref<16x64x1024xf32, #tpu.memory_space<hbm>> -> memref<1x1x512xf32, #tpu.memory_space<hbm>>
    %dma_wait3A_2164 = tpu.memref_squeeze %dma_wait3A_2163 : memref<1x1x512xf32, #tpu.memory_space<hbm>> -> memref<512xf32, #tpu.memory_space<hbm>>
    %dma_wait3A_2165 = arith.constant 20480 : i32
    %dma_wait3A_2166 = tpu.memref_slice %arg10[%dma_wait3A_2165] : memref<32768xf32, #tpu.memory_space<vmem>> -> memref<512xf32, #tpu.memory_space<vmem>>
    tpu.wait_dma2 semaphore(%arg12 : memref<!tpu.dma_semaphore, #tpu.memory_space<semaphore_mem>>) src(%dma_wait3A_2166 : memref<512xf32, #tpu.memory_space<vmem>>) dst(%dma_wait3A_2164 : memref<512xf32, #tpu.memory_space<hbm>>)
    %dma_wait3A_2167 = arith.constant 41 : i32
    %dma_wait3A_2168 = arith.constant 20992 : i32
    %dma_wait3A_2169 = tpu.memref_slice %arg10[%dma_wait3A_2168] : memref<32768xf32, #tpu.memory_space<vmem>> -> memref<512xf32, #tpu.memory_space<vmem>>
    %dma_wait3A_2170 = tpu.memref_slice %arg5[%select_n3A, %dma_wait3A_2167, %mul3A_32] : memref<16x64x1024xf32, #tpu.memory_space<hbm>> -> memref<1x1x512xf32, #tpu.memory_space<hbm>>
    %dma_wait3A_2171 = tpu.memref_squeeze %dma_wait3A_2170 : memref<1x1x512xf32, #tpu.memory_space<hbm>> -> memref<512xf32, #tpu.memory_space<hbm>>
    %dma_wait3A_2172 = tpu.memref_slice %arg5[%select_n3A, %dma_wait3A_2167, %mul3A_32] : memref<16x64x1024xf32, #tpu.memory_space<hbm>> -> memref<1x1x512xf32, #tpu.memory_space<hbm>>
    %dma_wait3A_2173 = tpu.memref_squeeze %dma_wait3A_2172 : memref<1x1x512xf32, #tpu.memory_space<hbm>> -> memref<512xf32, #tpu.memory_space<hbm>>
    %dma_wait3A_2174 = arith.constant 20992 : i32
    %dma_wait3A_2175 = tpu.memref_slice %arg10[%dma_wait3A_2174] : memref<32768xf32, #tpu.memory_space<vmem>> -> memref<512xf32, #tpu.memory_space<vmem>>
    tpu.wait_dma2 semaphore(%arg12 : memref<!tpu.dma_semaphore, #tpu.memory_space<semaphore_mem>>) src(%dma_wait3A_2175 : memref<512xf32, #tpu.memory_space<vmem>>) dst(%dma_wait3A_2173 : memref<512xf32, #tpu.memory_space<hbm>>)
    %dma_wait3A_2176 = arith.constant 42 : i32
    %dma_wait3A_2177 = arith.constant 21504 : i32
    %dma_wait3A_2178 = tpu.memref_slice %arg10[%dma_wait3A_2177] : memref<32768xf32, #tpu.memory_space<vmem>> -> memref<512xf32, #tpu.memory_space<vmem>>
    %dma_wait3A_2179 = tpu.memref_slice %arg5[%select_n3A, %dma_wait3A_2176, %mul3A_32] : memref<16x64x1024xf32, #tpu.memory_space<hbm>> -> memref<1x1x512xf32, #tpu.memory_space<hbm>>
    %dma_wait3A_2180 = tpu.memref_squeeze %dma_wait3A_2179 : memref<1x1x512xf32, #tpu.memory_space<hbm>> -> memref<512xf32, #tpu.memory_space<hbm>>
    %dma_wait3A_2181 = tpu.memref_slice %arg5[%select_n3A, %dma_wait3A_2176, %mul3A_32] : memref<16x64x1024xf32, #tpu.memory_space<hbm>> -> memref<1x1x512xf32, #tpu.memory_space<hbm>>
    %dma_wait3A_2182 = tpu.memref_squeeze %dma_wait3A_2181 : memref<1x1x512xf32, #tpu.memory_space<hbm>> -> memref<512xf32, #tpu.memory_space<hbm>>
    %dma_wait3A_2183 = arith.constant 21504 : i32
    %dma_wait3A_2184 = tpu.memref_slice %arg10[%dma_wait3A_2183] : memref<32768xf32, #tpu.memory_space<vmem>> -> memref<512xf32, #tpu.memory_space<vmem>>
    tpu.wait_dma2 semaphore(%arg12 : memref<!tpu.dma_semaphore, #tpu.memory_space<semaphore_mem>>) src(%dma_wait3A_2184 : memref<512xf32, #tpu.memory_space<vmem>>) dst(%dma_wait3A_2182 : memref<512xf32, #tpu.memory_space<hbm>>)
    %dma_wait3A_2185 = arith.constant 43 : i32
    %dma_wait3A_2186 = arith.constant 22016 : i32
    %dma_wait3A_2187 = tpu.memref_slice %arg10[%dma_wait3A_2186] : memref<32768xf32, #tpu.memory_space<vmem>> -> memref<512xf32, #tpu.memory_space<vmem>>
    %dma_wait3A_2188 = tpu.memref_slice %arg5[%select_n3A, %dma_wait3A_2185, %mul3A_32] : memref<16x64x1024xf32, #tpu.memory_space<hbm>> -> memref<1x1x512xf32, #tpu.memory_space<hbm>>
    %dma_wait3A_2189 = tpu.memref_squeeze %dma_wait3A_2188 : memref<1x1x512xf32, #tpu.memory_space<hbm>> -> memref<512xf32, #tpu.memory_space<hbm>>
    %dma_wait3A_2190 = tpu.memref_slice %arg5[%select_n3A, %dma_wait3A_2185, %mul3A_32] : memref<16x64x1024xf32, #tpu.memory_space<hbm>> -> memref<1x1x512xf32, #tpu.memory_space<hbm>>
    %dma_wait3A_2191 = tpu.memref_squeeze %dma_wait3A_2190 : memref<1x1x512xf32, #tpu.memory_space<hbm>> -> memref<512xf32, #tpu.memory_space<hbm>>
    %dma_wait3A_2192 = arith.constant 22016 : i32
    %dma_wait3A_2193 = tpu.memref_slice %arg10[%dma_wait3A_2192] : memref<32768xf32, #tpu.memory_space<vmem>> -> memref<512xf32, #tpu.memory_space<vmem>>
    tpu.wait_dma2 semaphore(%arg12 : memref<!tpu.dma_semaphore, #tpu.memory_space<semaphore_mem>>) src(%dma_wait3A_2193 : memref<512xf32, #tpu.memory_space<vmem>>) dst(%dma_wait3A_2191 : memref<512xf32, #tpu.memory_space<hbm>>)
    %dma_wait3A_2194 = arith.constant 44 : i32
    %dma_wait3A_2195 = arith.constant 22528 : i32
    %dma_wait3A_2196 = tpu.memref_slice %arg10[%dma_wait3A_2195] : memref<32768xf32, #tpu.memory_space<vmem>> -> memref<512xf32, #tpu.memory_space<vmem>>
    %dma_wait3A_2197 = tpu.memref_slice %arg5[%select_n3A, %dma_wait3A_2194, %mul3A_32] : memref<16x64x1024xf32, #tpu.memory_space<hbm>> -> memref<1x1x512xf32, #tpu.memory_space<hbm>>
    %dma_wait3A_2198 = tpu.memref_squeeze %dma_wait3A_2197 : memref<1x1x512xf32, #tpu.memory_space<hbm>> -> memref<512xf32, #tpu.memory_space<hbm>>
    %dma_wait3A_2199 = tpu.memref_slice %arg5[%select_n3A, %dma_wait3A_2194, %mul3A_32] : memref<16x64x1024xf32, #tpu.memory_space<hbm>> -> memref<1x1x512xf32, #tpu.memory_space<hbm>>
    %dma_wait3A_2200 = tpu.memref_squeeze %dma_wait3A_2199 : memref<1x1x512xf32, #tpu.memory_space<hbm>> -> memref<512xf32, #tpu.memory_space<hbm>>
    %dma_wait3A_2201 = arith.constant 22528 : i32
    %dma_wait3A_2202 = tpu.memref_slice %arg10[%dma_wait3A_2201] : memref<32768xf32, #tpu.memory_space<vmem>> -> memref<512xf32, #tpu.memory_space<vmem>>
    tpu.wait_dma2 semaphore(%arg12 : memref<!tpu.dma_semaphore, #tpu.memory_space<semaphore_mem>>) src(%dma_wait3A_2202 : memref<512xf32, #tpu.memory_space<vmem>>) dst(%dma_wait3A_2200 : memref<512xf32, #tpu.memory_space<hbm>>)
    %dma_wait3A_2203 = arith.constant 45 : i32
    %dma_wait3A_2204 = arith.constant 23040 : i32
    %dma_wait3A_2205 = tpu.memref_slice %arg10[%dma_wait3A_2204] : memref<32768xf32, #tpu.memory_space<vmem>> -> memref<512xf32, #tpu.memory_space<vmem>>
    %dma_wait3A_2206 = tpu.memref_slice %arg5[%select_n3A, %dma_wait3A_2203, %mul3A_32] : memref<16x64x1024xf32, #tpu.memory_space<hbm>> -> memref<1x1x512xf32, #tpu.memory_space<hbm>>
    %dma_wait3A_2207 = tpu.memref_squeeze %dma_wait3A_2206 : memref<1x1x512xf32, #tpu.memory_space<hbm>> -> memref<512xf32, #tpu.memory_space<hbm>>
    %dma_wait3A_2208 = tpu.memref_slice %arg5[%select_n3A, %dma_wait3A_2203, %mul3A_32] : memref<16x64x1024xf32, #tpu.memory_space<hbm>> -> memref<1x1x512xf32, #tpu.memory_space<hbm>>
    %dma_wait3A_2209 = tpu.memref_squeeze %dma_wait3A_2208 : memref<1x1x512xf32, #tpu.memory_space<hbm>> -> memref<512xf32, #tpu.memory_space<hbm>>
    %dma_wait3A_2210 = arith.constant 23040 : i32
    %dma_wait3A_2211 = tpu.memref_slice %arg10[%dma_wait3A_2210] : memref<32768xf32, #tpu.memory_space<vmem>> -> memref<512xf32, #tpu.memory_space<vmem>>
    tpu.wait_dma2 semaphore(%arg12 : memref<!tpu.dma_semaphore, #tpu.memory_space<semaphore_mem>>) src(%dma_wait3A_2211 : memref<512xf32, #tpu.memory_space<vmem>>) dst(%dma_wait3A_2209 : memref<512xf32, #tpu.memory_space<hbm>>)
    %dma_wait3A_2212 = arith.constant 46 : i32
    %dma_wait3A_2213 = arith.constant 23552 : i32
    %dma_wait3A_2214 = tpu.memref_slice %arg10[%dma_wait3A_2213] : memref<32768xf32, #tpu.memory_space<vmem>> -> memref<512xf32, #tpu.memory_space<vmem>>
    %dma_wait3A_2215 = tpu.memref_slice %arg5[%select_n3A, %dma_wait3A_2212, %mul3A_32] : memref<16x64x1024xf32, #tpu.memory_space<hbm>> -> memref<1x1x512xf32, #tpu.memory_space<hbm>>
    %dma_wait3A_2216 = tpu.memref_squeeze %dma_wait3A_2215 : memref<1x1x512xf32, #tpu.memory_space<hbm>> -> memref<512xf32, #tpu.memory_space<hbm>>
    %dma_wait3A_2217 = tpu.memref_slice %arg5[%select_n3A, %dma_wait3A_2212, %mul3A_32] : memref<16x64x1024xf32, #tpu.memory_space<hbm>> -> memref<1x1x512xf32, #tpu.memory_space<hbm>>
    %dma_wait3A_2218 = tpu.memref_squeeze %dma_wait3A_2217 : memref<1x1x512xf32, #tpu.memory_space<hbm>> -> memref<512xf32, #tpu.memory_space<hbm>>
    %dma_wait3A_2219 = arith.constant 23552 : i32
    %dma_wait3A_2220 = tpu.memref_slice %arg10[%dma_wait3A_2219] : memref<32768xf32, #tpu.memory_space<vmem>> -> memref<512xf32, #tpu.memory_space<vmem>>
    tpu.wait_dma2 semaphore(%arg12 : memref<!tpu.dma_semaphore, #tpu.memory_space<semaphore_mem>>) src(%dma_wait3A_2220 : memref<512xf32, #tpu.memory_space<vmem>>) dst(%dma_wait3A_2218 : memref<512xf32, #tpu.memory_space<hbm>>)
    %dma_wait3A_2221 = arith.constant 47 : i32
    %dma_wait3A_2222 = arith.constant 24064 : i32
    %dma_wait3A_2223 = tpu.memref_slice %arg10[%dma_wait3A_2222] : memref<32768xf32, #tpu.memory_space<vmem>> -> memref<512xf32, #tpu.memory_space<vmem>>
    %dma_wait3A_2224 = tpu.memref_slice %arg5[%select_n3A, %dma_wait3A_2221, %mul3A_32] : memref<16x64x1024xf32, #tpu.memory_space<hbm>> -> memref<1x1x512xf32, #tpu.memory_space<hbm>>
    %dma_wait3A_2225 = tpu.memref_squeeze %dma_wait3A_2224 : memref<1x1x512xf32, #tpu.memory_space<hbm>> -> memref<512xf32, #tpu.memory_space<hbm>>
    %dma_wait3A_2226 = tpu.memref_slice %arg5[%select_n3A, %dma_wait3A_2221, %mul3A_32] : memref<16x64x1024xf32, #tpu.memory_space<hbm>> -> memref<1x1x512xf32, #tpu.memory_space<hbm>>
    %dma_wait3A_2227 = tpu.memref_squeeze %dma_wait3A_2226 : memref<1x1x512xf32, #tpu.memory_space<hbm>> -> memref<512xf32, #tpu.memory_space<hbm>>
    %dma_wait3A_2228 = arith.constant 24064 : i32
    %dma_wait3A_2229 = tpu.memref_slice %arg10[%dma_wait3A_2228] : memref<32768xf32, #tpu.memory_space<vmem>> -> memref<512xf32, #tpu.memory_space<vmem>>
    tpu.wait_dma2 semaphore(%arg12 : memref<!tpu.dma_semaphore, #tpu.memory_space<semaphore_mem>>) src(%dma_wait3A_2229 : memref<512xf32, #tpu.memory_space<vmem>>) dst(%dma_wait3A_2227 : memref<512xf32, #tpu.memory_space<hbm>>)
    %dma_wait3A_2230 = arith.constant 48 : i32
    %dma_wait3A_2231 = arith.constant 24576 : i32
    %dma_wait3A_2232 = tpu.memref_slice %arg10[%dma_wait3A_2231] : memref<32768xf32, #tpu.memory_space<vmem>> -> memref<512xf32, #tpu.memory_space<vmem>>
    %dma_wait3A_2233 = tpu.memref_slice %arg5[%select_n3A, %dma_wait3A_2230, %mul3A_32] : memref<16x64x1024xf32, #tpu.memory_space<hbm>> -> memref<1x1x512xf32, #tpu.memory_space<hbm>>
    %dma_wait3A_2234 = tpu.memref_squeeze %dma_wait3A_2233 : memref<1x1x512xf32, #tpu.memory_space<hbm>> -> memref<512xf32, #tpu.memory_space<hbm>>
    %dma_wait3A_2235 = tpu.memref_slice %arg5[%select_n3A, %dma_wait3A_2230, %mul3A_32] : memref<16x64x1024xf32, #tpu.memory_space<hbm>> -> memref<1x1x512xf32, #tpu.memory_space<hbm>>
    %dma_wait3A_2236 = tpu.memref_squeeze %dma_wait3A_2235 : memref<1x1x512xf32, #tpu.memory_space<hbm>> -> memref<512xf32, #tpu.memory_space<hbm>>
    %dma_wait3A_2237 = arith.constant 24576 : i32
    %dma_wait3A_2238 = tpu.memref_slice %arg10[%dma_wait3A_2237] : memref<32768xf32, #tpu.memory_space<vmem>> -> memref<512xf32, #tpu.memory_space<vmem>>
    tpu.wait_dma2 semaphore(%arg12 : memref<!tpu.dma_semaphore, #tpu.memory_space<semaphore_mem>>) src(%dma_wait3A_2238 : memref<512xf32, #tpu.memory_space<vmem>>) dst(%dma_wait3A_2236 : memref<512xf32, #tpu.memory_space<hbm>>)
    %dma_wait3A_2239 = arith.constant 49 : i32
    %dma_wait3A_2240 = arith.constant 25088 : i32
    %dma_wait3A_2241 = tpu.memref_slice %arg10[%dma_wait3A_2240] : memref<32768xf32, #tpu.memory_space<vmem>> -> memref<512xf32, #tpu.memory_space<vmem>>
    %dma_wait3A_2242 = tpu.memref_slice %arg5[%select_n3A, %dma_wait3A_2239, %mul3A_32] : memref<16x64x1024xf32, #tpu.memory_space<hbm>> -> memref<1x1x512xf32, #tpu.memory_space<hbm>>
    %dma_wait3A_2243 = tpu.memref_squeeze %dma_wait3A_2242 : memref<1x1x512xf32, #tpu.memory_space<hbm>> -> memref<512xf32, #tpu.memory_space<hbm>>
    %dma_wait3A_2244 = tpu.memref_slice %arg5[%select_n3A, %dma_wait3A_2239, %mul3A_32] : memref<16x64x1024xf32, #tpu.memory_space<hbm>> -> memref<1x1x512xf32, #tpu.memory_space<hbm>>
    %dma_wait3A_2245 = tpu.memref_squeeze %dma_wait3A_2244 : memref<1x1x512xf32, #tpu.memory_space<hbm>> -> memref<512xf32, #tpu.memory_space<hbm>>
    %dma_wait3A_2246 = arith.constant 25088 : i32
    %dma_wait3A_2247 = tpu.memref_slice %arg10[%dma_wait3A_2246] : memref<32768xf32, #tpu.memory_space<vmem>> -> memref<512xf32, #tpu.memory_space<vmem>>
    tpu.wait_dma2 semaphore(%arg12 : memref<!tpu.dma_semaphore, #tpu.memory_space<semaphore_mem>>) src(%dma_wait3A_2247 : memref<512xf32, #tpu.memory_space<vmem>>) dst(%dma_wait3A_2245 : memref<512xf32, #tpu.memory_space<hbm>>)
    %dma_wait3A_2248 = arith.constant 50 : i32
    %dma_wait3A_2249 = arith.constant 25600 : i32
    %dma_wait3A_2250 = tpu.memref_slice %arg10[%dma_wait3A_2249] : memref<32768xf32, #tpu.memory_space<vmem>> -> memref<512xf32, #tpu.memory_space<vmem>>
    %dma_wait3A_2251 = tpu.memref_slice %arg5[%select_n3A, %dma_wait3A_2248, %mul3A_32] : memref<16x64x1024xf32, #tpu.memory_space<hbm>> -> memref<1x1x512xf32, #tpu.memory_space<hbm>>
    %dma_wait3A_2252 = tpu.memref_squeeze %dma_wait3A_2251 : memref<1x1x512xf32, #tpu.memory_space<hbm>> -> memref<512xf32, #tpu.memory_space<hbm>>
    %dma_wait3A_2253 = tpu.memref_slice %arg5[%select_n3A, %dma_wait3A_2248, %mul3A_32] : memref<16x64x1024xf32, #tpu.memory_space<hbm>> -> memref<1x1x512xf32, #tpu.memory_space<hbm>>
    %dma_wait3A_2254 = tpu.memref_squeeze %dma_wait3A_2253 : memref<1x1x512xf32, #tpu.memory_space<hbm>> -> memref<512xf32, #tpu.memory_space<hbm>>
    %dma_wait3A_2255 = arith.constant 25600 : i32
    %dma_wait3A_2256 = tpu.memref_slice %arg10[%dma_wait3A_2255] : memref<32768xf32, #tpu.memory_space<vmem>> -> memref<512xf32, #tpu.memory_space<vmem>>
    tpu.wait_dma2 semaphore(%arg12 : memref<!tpu.dma_semaphore, #tpu.memory_space<semaphore_mem>>) src(%dma_wait3A_2256 : memref<512xf32, #tpu.memory_space<vmem>>) dst(%dma_wait3A_2254 : memref<512xf32, #tpu.memory_space<hbm>>)
    %dma_wait3A_2257 = arith.constant 51 : i32
    %dma_wait3A_2258 = arith.constant 26112 : i32
    %dma_wait3A_2259 = tpu.memref_slice %arg10[%dma_wait3A_2258] : memref<32768xf32, #tpu.memory_space<vmem>> -> memref<512xf32, #tpu.memory_space<vmem>>
    %dma_wait3A_2260 = tpu.memref_slice %arg5[%select_n3A, %dma_wait3A_2257, %mul3A_32] : memref<16x64x1024xf32, #tpu.memory_space<hbm>> -> memref<1x1x512xf32, #tpu.memory_space<hbm>>
    %dma_wait3A_2261 = tpu.memref_squeeze %dma_wait3A_2260 : memref<1x1x512xf32, #tpu.memory_space<hbm>> -> memref<512xf32, #tpu.memory_space<hbm>>
    %dma_wait3A_2262 = tpu.memref_slice %arg5[%select_n3A, %dma_wait3A_2257, %mul3A_32] : memref<16x64x1024xf32, #tpu.memory_space<hbm>> -> memref<1x1x512xf32, #tpu.memory_space<hbm>>
    %dma_wait3A_2263 = tpu.memref_squeeze %dma_wait3A_2262 : memref<1x1x512xf32, #tpu.memory_space<hbm>> -> memref<512xf32, #tpu.memory_space<hbm>>
    %dma_wait3A_2264 = arith.constant 26112 : i32
    %dma_wait3A_2265 = tpu.memref_slice %arg10[%dma_wait3A_2264] : memref<32768xf32, #tpu.memory_space<vmem>> -> memref<512xf32, #tpu.memory_space<vmem>>
    tpu.wait_dma2 semaphore(%arg12 : memref<!tpu.dma_semaphore, #tpu.memory_space<semaphore_mem>>) src(%dma_wait3A_2265 : memref<512xf32, #tpu.memory_space<vmem>>) dst(%dma_wait3A_2263 : memref<512xf32, #tpu.memory_space<hbm>>)
    %dma_wait3A_2266 = arith.constant 52 : i32
    %dma_wait3A_2267 = arith.constant 26624 : i32
    %dma_wait3A_2268 = tpu.memref_slice %arg10[%dma_wait3A_2267] : memref<32768xf32, #tpu.memory_space<vmem>> -> memref<512xf32, #tpu.memory_space<vmem>>
    %dma_wait3A_2269 = tpu.memref_slice %arg5[%select_n3A, %dma_wait3A_2266, %mul3A_32] : memref<16x64x1024xf32, #tpu.memory_space<hbm>> -> memref<1x1x512xf32, #tpu.memory_space<hbm>>
    %dma_wait3A_2270 = tpu.memref_squeeze %dma_wait3A_2269 : memref<1x1x512xf32, #tpu.memory_space<hbm>> -> memref<512xf32, #tpu.memory_space<hbm>>
    %dma_wait3A_2271 = tpu.memref_slice %arg5[%select_n3A, %dma_wait3A_2266, %mul3A_32] : memref<16x64x1024xf32, #tpu.memory_space<hbm>> -> memref<1x1x512xf32, #tpu.memory_space<hbm>>
    %dma_wait3A_2272 = tpu.memref_squeeze %dma_wait3A_2271 : memref<1x1x512xf32, #tpu.memory_space<hbm>> -> memref<512xf32, #tpu.memory_space<hbm>>
    %dma_wait3A_2273 = arith.constant 26624 : i32
    %dma_wait3A_2274 = tpu.memref_slice %arg10[%dma_wait3A_2273] : memref<32768xf32, #tpu.memory_space<vmem>> -> memref<512xf32, #tpu.memory_space<vmem>>
    tpu.wait_dma2 semaphore(%arg12 : memref<!tpu.dma_semaphore, #tpu.memory_space<semaphore_mem>>) src(%dma_wait3A_2274 : memref<512xf32, #tpu.memory_space<vmem>>) dst(%dma_wait3A_2272 : memref<512xf32, #tpu.memory_space<hbm>>)
    %dma_wait3A_2275 = arith.constant 53 : i32
    %dma_wait3A_2276 = arith.constant 27136 : i32
    %dma_wait3A_2277 = tpu.memref_slice %arg10[%dma_wait3A_2276] : memref<32768xf32, #tpu.memory_space<vmem>> -> memref<512xf32, #tpu.memory_space<vmem>>
    %dma_wait3A_2278 = tpu.memref_slice %arg5[%select_n3A, %dma_wait3A_2275, %mul3A_32] : memref<16x64x1024xf32, #tpu.memory_space<hbm>> -> memref<1x1x512xf32, #tpu.memory_space<hbm>>
    %dma_wait3A_2279 = tpu.memref_squeeze %dma_wait3A_2278 : memref<1x1x512xf32, #tpu.memory_space<hbm>> -> memref<512xf32, #tpu.memory_space<hbm>>
    %dma_wait3A_2280 = tpu.memref_slice %arg5[%select_n3A, %dma_wait3A_2275, %mul3A_32] : memref<16x64x1024xf32, #tpu.memory_space<hbm>> -> memref<1x1x512xf32, #tpu.memory_space<hbm>>
    %dma_wait3A_2281 = tpu.memref_squeeze %dma_wait3A_2280 : memref<1x1x512xf32, #tpu.memory_space<hbm>> -> memref<512xf32, #tpu.memory_space<hbm>>
    %dma_wait3A_2282 = arith.constant 27136 : i32
    %dma_wait3A_2283 = tpu.memref_slice %arg10[%dma_wait3A_2282] : memref<32768xf32, #tpu.memory_space<vmem>> -> memref<512xf32, #tpu.memory_space<vmem>>
    tpu.wait_dma2 semaphore(%arg12 : memref<!tpu.dma_semaphore, #tpu.memory_space<semaphore_mem>>) src(%dma_wait3A_2283 : memref<512xf32, #tpu.memory_space<vmem>>) dst(%dma_wait3A_2281 : memref<512xf32, #tpu.memory_space<hbm>>)
    %dma_wait3A_2284 = arith.constant 54 : i32
    %dma_wait3A_2285 = arith.constant 27648 : i32
    %dma_wait3A_2286 = tpu.memref_slice %arg10[%dma_wait3A_2285] : memref<32768xf32, #tpu.memory_space<vmem>> -> memref<512xf32, #tpu.memory_space<vmem>>
    %dma_wait3A_2287 = tpu.memref_slice %arg5[%select_n3A, %dma_wait3A_2284, %mul3A_32] : memref<16x64x1024xf32, #tpu.memory_space<hbm>> -> memref<1x1x512xf32, #tpu.memory_space<hbm>>
    %dma_wait3A_2288 = tpu.memref_squeeze %dma_wait3A_2287 : memref<1x1x512xf32, #tpu.memory_space<hbm>> -> memref<512xf32, #tpu.memory_space<hbm>>
    %dma_wait3A_2289 = tpu.memref_slice %arg5[%select_n3A, %dma_wait3A_2284, %mul3A_32] : memref<16x64x1024xf32, #tpu.memory_space<hbm>> -> memref<1x1x512xf32, #tpu.memory_space<hbm>>
    %dma_wait3A_2290 = tpu.memref_squeeze %dma_wait3A_2289 : memref<1x1x512xf32, #tpu.memory_space<hbm>> -> memref<512xf32, #tpu.memory_space<hbm>>
    %dma_wait3A_2291 = arith.constant 27648 : i32
    %dma_wait3A_2292 = tpu.memref_slice %arg10[%dma_wait3A_2291] : memref<32768xf32, #tpu.memory_space<vmem>> -> memref<512xf32, #tpu.memory_space<vmem>>
    tpu.wait_dma2 semaphore(%arg12 : memref<!tpu.dma_semaphore, #tpu.memory_space<semaphore_mem>>) src(%dma_wait3A_2292 : memref<512xf32, #tpu.memory_space<vmem>>) dst(%dma_wait3A_2290 : memref<512xf32, #tpu.memory_space<hbm>>)
    %dma_wait3A_2293 = arith.constant 55 : i32
    %dma_wait3A_2294 = arith.constant 28160 : i32
    %dma_wait3A_2295 = tpu.memref_slice %arg10[%dma_wait3A_2294] : memref<32768xf32, #tpu.memory_space<vmem>> -> memref<512xf32, #tpu.memory_space<vmem>>
    %dma_wait3A_2296 = tpu.memref_slice %arg5[%select_n3A, %dma_wait3A_2293, %mul3A_32] : memref<16x64x1024xf32, #tpu.memory_space<hbm>> -> memref<1x1x512xf32, #tpu.memory_space<hbm>>
    %dma_wait3A_2297 = tpu.memref_squeeze %dma_wait3A_2296 : memref<1x1x512xf32, #tpu.memory_space<hbm>> -> memref<512xf32, #tpu.memory_space<hbm>>
    %dma_wait3A_2298 = tpu.memref_slice %arg5[%select_n3A, %dma_wait3A_2293, %mul3A_32] : memref<16x64x1024xf32, #tpu.memory_space<hbm>> -> memref<1x1x512xf32, #tpu.memory_space<hbm>>
    %dma_wait3A_2299 = tpu.memref_squeeze %dma_wait3A_2298 : memref<1x1x512xf32, #tpu.memory_space<hbm>> -> memref<512xf32, #tpu.memory_space<hbm>>
    %dma_wait3A_2300 = arith.constant 28160 : i32
    %dma_wait3A_2301 = tpu.memref_slice %arg10[%dma_wait3A_2300] : memref<32768xf32, #tpu.memory_space<vmem>> -> memref<512xf32, #tpu.memory_space<vmem>>
    tpu.wait_dma2 semaphore(%arg12 : memref<!tpu.dma_semaphore, #tpu.memory_space<semaphore_mem>>) src(%dma_wait3A_2301 : memref<512xf32, #tpu.memory_space<vmem>>) dst(%dma_wait3A_2299 : memref<512xf32, #tpu.memory_space<hbm>>)
    %dma_wait3A_2302 = arith.constant 56 : i32
    %dma_wait3A_2303 = arith.constant 28672 : i32
    %dma_wait3A_2304 = tpu.memref_slice %arg10[%dma_wait3A_2303] : memref<32768xf32, #tpu.memory_space<vmem>> -> memref<512xf32, #tpu.memory_space<vmem>>
    %dma_wait3A_2305 = tpu.memref_slice %arg5[%select_n3A, %dma_wait3A_2302, %mul3A_32] : memref<16x64x1024xf32, #tpu.memory_space<hbm>> -> memref<1x1x512xf32, #tpu.memory_space<hbm>>
    %dma_wait3A_2306 = tpu.memref_squeeze %dma_wait3A_2305 : memref<1x1x512xf32, #tpu.memory_space<hbm>> -> memref<512xf32, #tpu.memory_space<hbm>>
    %dma_wait3A_2307 = tpu.memref_slice %arg5[%select_n3A, %dma_wait3A_2302, %mul3A_32] : memref<16x64x1024xf32, #tpu.memory_space<hbm>> -> memref<1x1x512xf32, #tpu.memory_space<hbm>>
    %dma_wait3A_2308 = tpu.memref_squeeze %dma_wait3A_2307 : memref<1x1x512xf32, #tpu.memory_space<hbm>> -> memref<512xf32, #tpu.memory_space<hbm>>
    %dma_wait3A_2309 = arith.constant 28672 : i32
    %dma_wait3A_2310 = tpu.memref_slice %arg10[%dma_wait3A_2309] : memref<32768xf32, #tpu.memory_space<vmem>> -> memref<512xf32, #tpu.memory_space<vmem>>
    tpu.wait_dma2 semaphore(%arg12 : memref<!tpu.dma_semaphore, #tpu.memory_space<semaphore_mem>>) src(%dma_wait3A_2310 : memref<512xf32, #tpu.memory_space<vmem>>) dst(%dma_wait3A_2308 : memref<512xf32, #tpu.memory_space<hbm>>)
    %dma_wait3A_2311 = arith.constant 57 : i32
    %dma_wait3A_2312 = arith.constant 29184 : i32
    %dma_wait3A_2313 = tpu.memref_slice %arg10[%dma_wait3A_2312] : memref<32768xf32, #tpu.memory_space<vmem>> -> memref<512xf32, #tpu.memory_space<vmem>>
    %dma_wait3A_2314 = tpu.memref_slice %arg5[%select_n3A, %dma_wait3A_2311, %mul3A_32] : memref<16x64x1024xf32, #tpu.memory_space<hbm>> -> memref<1x1x512xf32, #tpu.memory_space<hbm>>
    %dma_wait3A_2315 = tpu.memref_squeeze %dma_wait3A_2314 : memref<1x1x512xf32, #tpu.memory_space<hbm>> -> memref<512xf32, #tpu.memory_space<hbm>>
    %dma_wait3A_2316 = tpu.memref_slice %arg5[%select_n3A, %dma_wait3A_2311, %mul3A_32] : memref<16x64x1024xf32, #tpu.memory_space<hbm>> -> memref<1x1x512xf32, #tpu.memory_space<hbm>>
    %dma_wait3A_2317 = tpu.memref_squeeze %dma_wait3A_2316 : memref<1x1x512xf32, #tpu.memory_space<hbm>> -> memref<512xf32, #tpu.memory_space<hbm>>
    %dma_wait3A_2318 = arith.constant 29184 : i32
    %dma_wait3A_2319 = tpu.memref_slice %arg10[%dma_wait3A_2318] : memref<32768xf32, #tpu.memory_space<vmem>> -> memref<512xf32, #tpu.memory_space<vmem>>
    tpu.wait_dma2 semaphore(%arg12 : memref<!tpu.dma_semaphore, #tpu.memory_space<semaphore_mem>>) src(%dma_wait3A_2319 : memref<512xf32, #tpu.memory_space<vmem>>) dst(%dma_wait3A_2317 : memref<512xf32, #tpu.memory_space<hbm>>)
    %dma_wait3A_2320 = arith.constant 58 : i32
    %dma_wait3A_2321 = arith.constant 29696 : i32
    %dma_wait3A_2322 = tpu.memref_slice %arg10[%dma_wait3A_2321] : memref<32768xf32, #tpu.memory_space<vmem>> -> memref<512xf32, #tpu.memory_space<vmem>>
    %dma_wait3A_2323 = tpu.memref_slice %arg5[%select_n3A, %dma_wait3A_2320, %mul3A_32] : memref<16x64x1024xf32, #tpu.memory_space<hbm>> -> memref<1x1x512xf32, #tpu.memory_space<hbm>>
    %dma_wait3A_2324 = tpu.memref_squeeze %dma_wait3A_2323 : memref<1x1x512xf32, #tpu.memory_space<hbm>> -> memref<512xf32, #tpu.memory_space<hbm>>
    %dma_wait3A_2325 = tpu.memref_slice %arg5[%select_n3A, %dma_wait3A_2320, %mul3A_32] : memref<16x64x1024xf32, #tpu.memory_space<hbm>> -> memref<1x1x512xf32, #tpu.memory_space<hbm>>
    %dma_wait3A_2326 = tpu.memref_squeeze %dma_wait3A_2325 : memref<1x1x512xf32, #tpu.memory_space<hbm>> -> memref<512xf32, #tpu.memory_space<hbm>>
    %dma_wait3A_2327 = arith.constant 29696 : i32
    %dma_wait3A_2328 = tpu.memref_slice %arg10[%dma_wait3A_2327] : memref<32768xf32, #tpu.memory_space<vmem>> -> memref<512xf32, #tpu.memory_space<vmem>>
    tpu.wait_dma2 semaphore(%arg12 : memref<!tpu.dma_semaphore, #tpu.memory_space<semaphore_mem>>) src(%dma_wait3A_2328 : memref<512xf32, #tpu.memory_space<vmem>>) dst(%dma_wait3A_2326 : memref<512xf32, #tpu.memory_space<hbm>>)
    %dma_wait3A_2329 = arith.constant 59 : i32
    %dma_wait3A_2330 = arith.constant 30208 : i32
    %dma_wait3A_2331 = tpu.memref_slice %arg10[%dma_wait3A_2330] : memref<32768xf32, #tpu.memory_space<vmem>> -> memref<512xf32, #tpu.memory_space<vmem>>
    %dma_wait3A_2332 = tpu.memref_slice %arg5[%select_n3A, %dma_wait3A_2329, %mul3A_32] : memref<16x64x1024xf32, #tpu.memory_space<hbm>> -> memref<1x1x512xf32, #tpu.memory_space<hbm>>
    %dma_wait3A_2333 = tpu.memref_squeeze %dma_wait3A_2332 : memref<1x1x512xf32, #tpu.memory_space<hbm>> -> memref<512xf32, #tpu.memory_space<hbm>>
    %dma_wait3A_2334 = tpu.memref_slice %arg5[%select_n3A, %dma_wait3A_2329, %mul3A_32] : memref<16x64x1024xf32, #tpu.memory_space<hbm>> -> memref<1x1x512xf32, #tpu.memory_space<hbm>>
    %dma_wait3A_2335 = tpu.memref_squeeze %dma_wait3A_2334 : memref<1x1x512xf32, #tpu.memory_space<hbm>> -> memref<512xf32, #tpu.memory_space<hbm>>
    %dma_wait3A_2336 = arith.constant 30208 : i32
    %dma_wait3A_2337 = tpu.memref_slice %arg10[%dma_wait3A_2336] : memref<32768xf32, #tpu.memory_space<vmem>> -> memref<512xf32, #tpu.memory_space<vmem>>
    tpu.wait_dma2 semaphore(%arg12 : memref<!tpu.dma_semaphore, #tpu.memory_space<semaphore_mem>>) src(%dma_wait3A_2337 : memref<512xf32, #tpu.memory_space<vmem>>) dst(%dma_wait3A_2335 : memref<512xf32, #tpu.memory_space<hbm>>)
    %dma_wait3A_2338 = arith.constant 60 : i32
    %dma_wait3A_2339 = arith.constant 30720 : i32
    %dma_wait3A_2340 = tpu.memref_slice %arg10[%dma_wait3A_2339] : memref<32768xf32, #tpu.memory_space<vmem>> -> memref<512xf32, #tpu.memory_space<vmem>>
    %dma_wait3A_2341 = tpu.memref_slice %arg5[%select_n3A, %dma_wait3A_2338, %mul3A_32] : memref<16x64x1024xf32, #tpu.memory_space<hbm>> -> memref<1x1x512xf32, #tpu.memory_space<hbm>>
    %dma_wait3A_2342 = tpu.memref_squeeze %dma_wait3A_2341 : memref<1x1x512xf32, #tpu.memory_space<hbm>> -> memref<512xf32, #tpu.memory_space<hbm>>
    %dma_wait3A_2343 = tpu.memref_slice %arg5[%select_n3A, %dma_wait3A_2338, %mul3A_32] : memref<16x64x1024xf32, #tpu.memory_space<hbm>> -> memref<1x1x512xf32, #tpu.memory_space<hbm>>
    %dma_wait3A_2344 = tpu.memref_squeeze %dma_wait3A_2343 : memref<1x1x512xf32, #tpu.memory_space<hbm>> -> memref<512xf32, #tpu.memory_space<hbm>>
    %dma_wait3A_2345 = arith.constant 30720 : i32
    %dma_wait3A_2346 = tpu.memref_slice %arg10[%dma_wait3A_2345] : memref<32768xf32, #tpu.memory_space<vmem>> -> memref<512xf32, #tpu.memory_space<vmem>>
    tpu.wait_dma2 semaphore(%arg12 : memref<!tpu.dma_semaphore, #tpu.memory_space<semaphore_mem>>) src(%dma_wait3A_2346 : memref<512xf32, #tpu.memory_space<vmem>>) dst(%dma_wait3A_2344 : memref<512xf32, #tpu.memory_space<hbm>>)
    %dma_wait3A_2347 = arith.constant 61 : i32
    %dma_wait3A_2348 = arith.constant 31232 : i32
    %dma_wait3A_2349 = tpu.memref_slice %arg10[%dma_wait3A_2348] : memref<32768xf32, #tpu.memory_space<vmem>> -> memref<512xf32, #tpu.memory_space<vmem>>
    %dma_wait3A_2350 = tpu.memref_slice %arg5[%select_n3A, %dma_wait3A_2347, %mul3A_32] : memref<16x64x1024xf32, #tpu.memory_space<hbm>> -> memref<1x1x512xf32, #tpu.memory_space<hbm>>
    %dma_wait3A_2351 = tpu.memref_squeeze %dma_wait3A_2350 : memref<1x1x512xf32, #tpu.memory_space<hbm>> -> memref<512xf32, #tpu.memory_space<hbm>>
    %dma_wait3A_2352 = tpu.memref_slice %arg5[%select_n3A, %dma_wait3A_2347, %mul3A_32] : memref<16x64x1024xf32, #tpu.memory_space<hbm>> -> memref<1x1x512xf32, #tpu.memory_space<hbm>>
    %dma_wait3A_2353 = tpu.memref_squeeze %dma_wait3A_2352 : memref<1x1x512xf32, #tpu.memory_space<hbm>> -> memref<512xf32, #tpu.memory_space<hbm>>
    %dma_wait3A_2354 = arith.constant 31232 : i32
    %dma_wait3A_2355 = tpu.memref_slice %arg10[%dma_wait3A_2354] : memref<32768xf32, #tpu.memory_space<vmem>> -> memref<512xf32, #tpu.memory_space<vmem>>
    tpu.wait_dma2 semaphore(%arg12 : memref<!tpu.dma_semaphore, #tpu.memory_space<semaphore_mem>>) src(%dma_wait3A_2355 : memref<512xf32, #tpu.memory_space<vmem>>) dst(%dma_wait3A_2353 : memref<512xf32, #tpu.memory_space<hbm>>)
    %dma_wait3A_2356 = arith.constant 62 : i32
    %dma_wait3A_2357 = arith.constant 31744 : i32
    %dma_wait3A_2358 = tpu.memref_slice %arg10[%dma_wait3A_2357] : memref<32768xf32, #tpu.memory_space<vmem>> -> memref<512xf32, #tpu.memory_space<vmem>>
    %dma_wait3A_2359 = tpu.memref_slice %arg5[%select_n3A, %dma_wait3A_2356, %mul3A_32] : memref<16x64x1024xf32, #tpu.memory_space<hbm>> -> memref<1x1x512xf32, #tpu.memory_space<hbm>>
    %dma_wait3A_2360 = tpu.memref_squeeze %dma_wait3A_2359 : memref<1x1x512xf32, #tpu.memory_space<hbm>> -> memref<512xf32, #tpu.memory_space<hbm>>
    %dma_wait3A_2361 = tpu.memref_slice %arg5[%select_n3A, %dma_wait3A_2356, %mul3A_32] : memref<16x64x1024xf32, #tpu.memory_space<hbm>> -> memref<1x1x512xf32, #tpu.memory_space<hbm>>
    %dma_wait3A_2362 = tpu.memref_squeeze %dma_wait3A_2361 : memref<1x1x512xf32, #tpu.memory_space<hbm>> -> memref<512xf32, #tpu.memory_space<hbm>>
    %dma_wait3A_2363 = arith.constant 31744 : i32
    %dma_wait3A_2364 = tpu.memref_slice %arg10[%dma_wait3A_2363] : memref<32768xf32, #tpu.memory_space<vmem>> -> memref<512xf32, #tpu.memory_space<vmem>>
    tpu.wait_dma2 semaphore(%arg12 : memref<!tpu.dma_semaphore, #tpu.memory_space<semaphore_mem>>) src(%dma_wait3A_2364 : memref<512xf32, #tpu.memory_space<vmem>>) dst(%dma_wait3A_2362 : memref<512xf32, #tpu.memory_space<hbm>>)
    %dma_wait3A_2365 = arith.constant 63 : i32
    %dma_wait3A_2366 = arith.constant 32256 : i32
    %dma_wait3A_2367 = tpu.memref_slice %arg10[%dma_wait3A_2366] : memref<32768xf32, #tpu.memory_space<vmem>> -> memref<512xf32, #tpu.memory_space<vmem>>
    %dma_wait3A_2368 = tpu.memref_slice %arg5[%select_n3A, %dma_wait3A_2365, %mul3A_32] : memref<16x64x1024xf32, #tpu.memory_space<hbm>> -> memref<1x1x512xf32, #tpu.memory_space<hbm>>
    %dma_wait3A_2369 = tpu.memref_squeeze %dma_wait3A_2368 : memref<1x1x512xf32, #tpu.memory_space<hbm>> -> memref<512xf32, #tpu.memory_space<hbm>>
    %dma_wait3A_2370 = tpu.memref_slice %arg5[%select_n3A, %dma_wait3A_2365, %mul3A_32] : memref<16x64x1024xf32, #tpu.memory_space<hbm>> -> memref<1x1x512xf32, #tpu.memory_space<hbm>>
    %dma_wait3A_2371 = tpu.memref_squeeze %dma_wait3A_2370 : memref<1x1x512xf32, #tpu.memory_space<hbm>> -> memref<512xf32, #tpu.memory_space<hbm>>
    %dma_wait3A_2372 = arith.constant 32256 : i32
    %dma_wait3A_2373 = tpu.memref_slice %arg10[%dma_wait3A_2372] : memref<32768xf32, #tpu.memory_space<vmem>> -> memref<512xf32, #tpu.memory_space<vmem>>
    tpu.wait_dma2 semaphore(%arg12 : memref<!tpu.dma_semaphore, #tpu.memory_space<semaphore_mem>>) src(%dma_wait3A_2373 : memref<512xf32, #tpu.memory_space<vmem>>) dst(%dma_wait3A_2371 : memref<512xf32, #tpu.memory_space<hbm>>)
    "tpu.region"() ({
      %run_scoped3A_2374 = tpu.sem_alloc : memref<!tpu.dma_semaphore, #tpu.memory_space<semaphore_mem>>
      %dma_start3A_2375 = arith.constant 0 : i32
      %dma_start3A_2376 = tpu.memref_slice %arg6[%add3A, %dma_start3A_2375] : memref<32x16xf32, #tpu.memory_space<hbm>> -> memref<1x16xf32, #tpu.memory_space<hbm>>
      %dma_start3A_2377 = tpu.memref_squeeze %dma_start3A_2376 : memref<1x16xf32, #tpu.memory_space<hbm>> -> memref<16xf32, #tpu.memory_space<hbm>>
      %dma_start3A_2378 = arith.constant 0 : i32
      %dma_start3A_2379 = tpu.memref_slice %arg6[%add3A, %dma_start3A_2378] : memref<32x16xf32, #tpu.memory_space<hbm>> -> memref<1x16xf32, #tpu.memory_space<hbm>>
      %dma_start3A_2380 = tpu.memref_squeeze %dma_start3A_2379 : memref<1x16xf32, #tpu.memory_space<hbm>> -> memref<16xf32, #tpu.memory_space<hbm>>
      tpu.enqueue_dma source(%arg11 : memref<16xf32, #tpu.memory_space<vmem>>) target(%dma_start3A_2380 : memref<16xf32, #tpu.memory_space<hbm>>) target_semaphore(%run_scoped3A_2374 : memref<!tpu.dma_semaphore, #tpu.memory_space<semaphore_mem>>)
      %dma_wait3A_2381 = arith.constant 0 : i32
      %dma_wait3A_2382 = tpu.memref_slice %arg6[%add3A, %dma_wait3A_2381] : memref<32x16xf32, #tpu.memory_space<hbm>> -> memref<1x16xf32, #tpu.memory_space<hbm>>
      %dma_wait3A_2383 = tpu.memref_squeeze %dma_wait3A_2382 : memref<1x16xf32, #tpu.memory_space<hbm>> -> memref<16xf32, #tpu.memory_space<hbm>>
      %dma_wait3A_2384 = arith.constant 0 : i32
      %dma_wait3A_2385 = tpu.memref_slice %arg6[%add3A, %dma_wait3A_2384] : memref<32x16xf32, #tpu.memory_space<hbm>> -> memref<1x16xf32, #tpu.memory_space<hbm>>
      %dma_wait3A_2386 = tpu.memref_squeeze %dma_wait3A_2385 : memref<1x16xf32, #tpu.memory_space<hbm>> -> memref<16xf32, #tpu.memory_space<hbm>>
      tpu.wait_dma2 semaphore(%run_scoped3A_2374 : memref<!tpu.dma_semaphore, #tpu.memory_space<semaphore_mem>>) src(%arg11 : memref<16xf32, #tpu.memory_space<vmem>>) dst(%dma_wait3A_2386 : memref<16xf32, #tpu.memory_space<hbm>>)
      tpu.yield
    }) : () -> ()
    return
  }
}

module attributes {stable_mosaic.version = 14 : i64} {
  func.func @_tc_body(%arg0: i32, %arg1: memref<4x64x1024xf32, #tpu.memory_space<vmem>>, %arg2: memref<1024x64xf32, #tpu.memory_space<vmem>>, %arg3: memref<1024x64xf32, #tpu.memory_space<vmem>>, %arg4: memref<4x1x1024xi32, #tpu.memory_space<vmem>>, %arg5: memref<1x1xf32, #tpu.memory_space<smem>>, %arg6: memref<1024x1xf32, #tpu.memory_space<vmem>>, %arg7: memref<1024x1xf32, #tpu.memory_space<vmem>>) attributes {dimension_semantics = [#tpu.dimension_semantics<arbitrary>], iteration_bounds = array<i64: 4>, scalar_prefetch = 0 : i64, scratch_operands = 2 : i64, tpu.core_type = #tpu.core_type<tc>, window_params = [{transform_indices = @transform_0, window_bounds = array<i64: 4, 64, 1024>}, {pipeline_mode = #tpu.pipeline_mode<synchronous>, transform_indices = @transform_1, window_bounds = array<i64: 1024, 64>}, {pipeline_mode = #tpu.pipeline_mode<synchronous>, transform_indices = @transform_2, window_bounds = array<i64: 1024, 64>}, {transform_indices = @transform_3, window_bounds = array<i64: 4, 1, 1024>}, {transform_indices = @transform_4, window_bounds = array<i64: 1, 1>}]} {
    %get3A = arith.constant 0 : index
    %get3A_0 = arith.constant 0 : index
    %get3A_1 = vector.load %arg2[%get3A, %get3A_0] : memref<1024x64xf32, #tpu.memory_space<vmem>>, vector<1024x64xf32>
    %eq3A = arith.constant 0 : i32
    %eq3A_2 = arith.cmpi eq, %arg0, %eq3A : i32
    %convert_element_type3A = arith.extui %eq3A_2 : i1 to i32
    %cond3A = arith.constant 0 : i32
    %cond3A_3 = arith.cmpi ne, %convert_element_type3A, %cond3A : i32
    scf.if %cond3A_3 {
      %broadcast_in_dim3A_193 = arith.constant 0.000000e+00 : f32
      %broadcast_in_dim3A_194 = vector.broadcast %broadcast_in_dim3A_193 : f32 to vector<1024x1xf32>
      %swap3A_195 = arith.constant 0 : index
      %swap3A_196 = arith.constant 0 : index
      %swap3A_197 = vector.load %arg7[%swap3A_195, %swap3A_196] : memref<1024x1xf32, #tpu.memory_space<vmem>>, vector<1024x1xf32>
      tpu.vector_store %arg7[%swap3A_195, %swap3A_196], %broadcast_in_dim3A_194 {strides = array<i32>} : memref<1024x1xf32, #tpu.memory_space<vmem>>, vector<1024x1xf32>,
      %mul3A_198 = arith.mulf %get3A_1, %get3A_1 : vector<1024x64xf32>
      %reduce_sum3A_199 = arith.constant dense<0.000000e+00> : vector<1024xf32>
      %reduce_sum3A_200 = vector.multi_reduction <add>, %mul3A_198, %reduce_sum3A_199 [1] : vector<1024x64xf32> to vector<1024xf32>
      %broadcast_in_dim3A_201 = vector.shape_cast %reduce_sum3A_200 : vector<1024xf32> to vector<1024x1xf32>
      %swap3A_202 = arith.constant 0 : index
      %swap3A_203 = arith.constant 0 : index
      %swap3A_204 = vector.load %arg6[%swap3A_202, %swap3A_203] : memref<1024x1xf32, #tpu.memory_space<vmem>>, vector<1024x1xf32>
      tpu.vector_store %arg6[%swap3A_202, %swap3A_203], %broadcast_in_dim3A_201 {strides = array<i32>} : memref<1024x1xf32, #tpu.memory_space<vmem>>, vector<1024x1xf32>,
    } else {
    }
    %get3A_4 = arith.constant 0 : index
    %get3A_5 = arith.constant 0 : index
    %get3A_6 = vector.load %arg3[%get3A_4, %get3A_5] : memref<1024x64xf32, #tpu.memory_space<vmem>>, vector<1024x64xf32>
    %get3A_7 = arith.constant 0 : index
    %get3A_8 = arith.constant 0 : index
    %get3A_9 = vector.load %arg6[%get3A_7, %get3A_8] : memref<1024x1xf32, #tpu.memory_space<vmem>>, vector<1024x1xf32>
    %get3A_10 = arith.constant 0 : index
    %get3A_11 = arith.constant 0 : index
    %get3A_12 = arith.constant 0 : index
    %get3A_13 = vector.load %arg1[%get3A_10, %get3A_11, %get3A_12] : memref<4x64x1024xf32, #tpu.memory_space<vmem>>, vector<1x64x1024xf32>
    %get3A_14 = vector.shape_cast %get3A_13 : vector<1x64x1024xf32> to vector<64x1024xf32>
    %dot_general3A = arith.constant dense<0.000000e+00> : vector<1024x1024xf32>
    %dot_general3A_15 = tpu.matmul %get3A_6, %get3A_14, %dot_general3A {dimension_numbers = #tpu.dot_dimension_numbers<[1], [0], [0], [1], [0, 0, 1, 1], [], []>, transpose_lhs_hint = false} : vector<1024x64xf32>, vector<64x1024xf32>, vector<1024x1024xf32> -> vector<1024x1024xf32>
    %mul3A = arith.mulf %get3A_14, %get3A_14 : vector<64x1024xf32>
    %reduce_sum3A = arith.constant dense<0.000000e+00> : vector<1024xf32>
    %reduce_sum3A_16 = vector.multi_reduction <add>, %mul3A, %reduce_sum3A [0] : vector<64x1024xf32> to vector<1024xf32>
    %broadcast_in_dim3A = vector.shape_cast %reduce_sum3A_16 : vector<1024xf32> to vector<1x1024xf32>
    %add3A = vector.broadcast %broadcast_in_dim3A : vector<1x1024xf32> to vector<1024x1024xf32>
    %add3A_17 = vector.broadcast %get3A_9 : vector<1024x1xf32> to vector<1024x1024xf32>
    %add3A_18 = arith.addf %add3A, %add3A_17 : vector<1024x1024xf32>
    %add3A_19 = arith.addf %add3A_18, %dot_general3A_15 : vector<1024x1024xf32>
    %reduce_min3A = arith.constant dense<0x7F800000> : vector<1024xf32>
    %reduce_min3A_20 = vector.multi_reduction <minimumf>, %add3A_19, %reduce_min3A [0] : vector<1024x1024xf32> to vector<1024xf32>
    %broadcast_in_dim3A_21 = vector.shape_cast %reduce_min3A_20 : vector<1024xf32> to vector<1x1024xf32>
    %eq3A_22 = vector.broadcast %broadcast_in_dim3A_21 : vector<1x1024xf32> to vector<1024x1024xf32>
    %eq3A_23 = arith.cmpf oeq, %add3A_19, %eq3A_22 : vector<1024x1024xf32>
    %iota3A = tpu.iota {dimensions = array<i32: 0>} : vector<1024x1024xi32>
    %jit3A = arith.constant 1024 : i32
    %broadcast_in_dim3A_24 = vector.broadcast %jit3A : i32 to vector<1024x1024xi32>
    %select_n3A = arith.select %eq3A_23, %iota3A, %broadcast_in_dim3A_24 : vector<1024x1024xi1>, vector<1024x1024xi32>
    %reduce_min3A_25 = arith.constant dense<2147483647> : vector<1024xi32>
    %reduce_min3A_26 = vector.multi_reduction <minsi>, %select_n3A, %reduce_min3A_25 [0] : vector<1024x1024xi32> to vector<1024xi32>
    %broadcast_in_dim3A_27 = vector.shape_cast %reduce_min3A_26 : vector<1024xi32> to vector<1x1024xi32>
    %eq3A_28 = vector.broadcast %broadcast_in_dim3A_27 : vector<1x1024xi32> to vector<1024x1024xi32>
    %eq3A_29 = arith.cmpi eq, %iota3A, %eq3A_28 : vector<1024x1024xi32>
    %convert_element_type3A_30 = arith.extui %eq3A_29 : vector<1024x1024xi1> to vector<1024x1024xi32>
    %convert_element_type3A_31 = arith.sitofp %convert_element_type3A_30 : vector<1024x1024xi32> to vector<1024x1024xf32>
    %reduce_sum3A_32 = arith.constant dense<0.000000e+00> : vector<1024xf32>
    %reduce_sum3A_33 = vector.multi_reduction <add>, %convert_element_type3A_31, %reduce_sum3A_32 [1] : vector<1024x1024xf32> to vector<1024xf32>
    %broadcast_in_dim3A_34 = vector.shape_cast %reduce_sum3A_33 : vector<1024xf32> to vector<1024x1xf32>
    %swap3A = arith.constant 0 : index
    %swap3A_35 = arith.constant 0 : index
    %swap3A_36 = arith.constant 0 : index
    %swap3A_37 = vector.load %arg4[%swap3A, %swap3A_35, %swap3A_36] : memref<4x1x1024xi32, #tpu.memory_space<vmem>>, vector<1x1x1024xi32>
    %swap3A_38 = vector.shape_cast %swap3A_37 : vector<1x1x1024xi32> to vector<1x1024xi32>
    %swap3A_39 = vector.shape_cast %broadcast_in_dim3A_27 : vector<1x1024xi32> to vector<1x1x1024xi32>
    tpu.vector_store %arg4[%swap3A, %swap3A_35, %swap3A_36], %swap3A_39 {strides = array<i32>} : memref<4x1x1024xi32, #tpu.memory_space<vmem>>, vector<1x1x1024xi32>,
    %get3A_40 = arith.constant 0 : index
    %get3A_41 = arith.constant 0 : index
    %get3A_42 = vector.load %arg7[%get3A_40, %get3A_41] : memref<1024x1xf32, #tpu.memory_space<vmem>>, vector<1024x1xf32>
    %add3A_43 = arith.addf %get3A_42, %broadcast_in_dim3A_34 : vector<1024x1xf32>
    %swap3A_44 = arith.constant 0 : index
    %swap3A_45 = arith.constant 0 : index
    %swap3A_46 = vector.load %arg7[%swap3A_44, %swap3A_45] : memref<1024x1xf32, #tpu.memory_space<vmem>>, vector<1024x1xf32>
    tpu.vector_store %arg7[%swap3A_44, %swap3A_45], %add3A_43 {strides = array<i32>} : memref<1024x1xf32, #tpu.memory_space<vmem>>, vector<1024x1xf32>,
    %get3A_47 = arith.constant 1 : index
    %get3A_48 = arith.constant 0 : index
    %get3A_49 = arith.constant 0 : index
    %get3A_50 = vector.load %arg1[%get3A_47, %get3A_48, %get3A_49] : memref<4x64x1024xf32, #tpu.memory_space<vmem>>, vector<1x64x1024xf32>
    %get3A_51 = vector.shape_cast %get3A_50 : vector<1x64x1024xf32> to vector<64x1024xf32>
    %dot_general3A_52 = arith.constant dense<0.000000e+00> : vector<1024x1024xf32>
    %dot_general3A_53 = tpu.matmul %get3A_6, %get3A_51, %dot_general3A_52 {dimension_numbers = #tpu.dot_dimension_numbers<[1], [0], [0], [1], [0, 0, 1, 1], [], []>, transpose_lhs_hint = false} : vector<1024x64xf32>, vector<64x1024xf32>, vector<1024x1024xf32> -> vector<1024x1024xf32>
    %mul3A_54 = arith.mulf %get3A_51, %get3A_51 : vector<64x1024xf32>
    %reduce_sum3A_55 = arith.constant dense<0.000000e+00> : vector<1024xf32>
    %reduce_sum3A_56 = vector.multi_reduction <add>, %mul3A_54, %reduce_sum3A_55 [0] : vector<64x1024xf32> to vector<1024xf32>
    %broadcast_in_dim3A_57 = vector.shape_cast %reduce_sum3A_56 : vector<1024xf32> to vector<1x1024xf32>
    %add3A_58 = vector.broadcast %broadcast_in_dim3A_57 : vector<1x1024xf32> to vector<1024x1024xf32>
    %add3A_59 = vector.broadcast %get3A_9 : vector<1024x1xf32> to vector<1024x1024xf32>
    %add3A_60 = arith.addf %add3A_58, %add3A_59 : vector<1024x1024xf32>
    %add3A_61 = arith.addf %add3A_60, %dot_general3A_53 : vector<1024x1024xf32>
    %reduce_min3A_62 = arith.constant dense<0x7F800000> : vector<1024xf32>
    %reduce_min3A_63 = vector.multi_reduction <minimumf>, %add3A_61, %reduce_min3A_62 [0] : vector<1024x1024xf32> to vector<1024xf32>
    %broadcast_in_dim3A_64 = vector.shape_cast %reduce_min3A_63 : vector<1024xf32> to vector<1x1024xf32>
    %eq3A_65 = vector.broadcast %broadcast_in_dim3A_64 : vector<1x1024xf32> to vector<1024x1024xf32>
    %eq3A_66 = arith.cmpf oeq, %add3A_61, %eq3A_65 : vector<1024x1024xf32>
    %iota3A_67 = tpu.iota {dimensions = array<i32: 0>} : vector<1024x1024xi32>
    %jit3A_68 = arith.constant 1024 : i32
    %broadcast_in_dim3A_69 = vector.broadcast %jit3A_68 : i32 to vector<1024x1024xi32>
    %select_n3A_70 = arith.select %eq3A_66, %iota3A_67, %broadcast_in_dim3A_69 : vector<1024x1024xi1>, vector<1024x1024xi32>
    %reduce_min3A_71 = arith.constant dense<2147483647> : vector<1024xi32>
    %reduce_min3A_72 = vector.multi_reduction <minsi>, %select_n3A_70, %reduce_min3A_71 [0] : vector<1024x1024xi32> to vector<1024xi32>
    %broadcast_in_dim3A_73 = vector.shape_cast %reduce_min3A_72 : vector<1024xi32> to vector<1x1024xi32>
    %eq3A_74 = vector.broadcast %broadcast_in_dim3A_73 : vector<1x1024xi32> to vector<1024x1024xi32>
    %eq3A_75 = arith.cmpi eq, %iota3A_67, %eq3A_74 : vector<1024x1024xi32>
    %convert_element_type3A_76 = arith.extui %eq3A_75 : vector<1024x1024xi1> to vector<1024x1024xi32>
    %convert_element_type3A_77 = arith.sitofp %convert_element_type3A_76 : vector<1024x1024xi32> to vector<1024x1024xf32>
    %reduce_sum3A_78 = arith.constant dense<0.000000e+00> : vector<1024xf32>
    %reduce_sum3A_79 = vector.multi_reduction <add>, %convert_element_type3A_77, %reduce_sum3A_78 [1] : vector<1024x1024xf32> to vector<1024xf32>
    %broadcast_in_dim3A_80 = vector.shape_cast %reduce_sum3A_79 : vector<1024xf32> to vector<1024x1xf32>
    %swap3A_81 = arith.constant 1 : index
    %swap3A_82 = arith.constant 0 : index
    %swap3A_83 = arith.constant 0 : index
    %swap3A_84 = vector.load %arg4[%swap3A_81, %swap3A_82, %swap3A_83] : memref<4x1x1024xi32, #tpu.memory_space<vmem>>, vector<1x1x1024xi32>
    %swap3A_85 = vector.shape_cast %swap3A_84 : vector<1x1x1024xi32> to vector<1x1024xi32>
    %swap3A_86 = vector.shape_cast %broadcast_in_dim3A_73 : vector<1x1024xi32> to vector<1x1x1024xi32>
    tpu.vector_store %arg4[%swap3A_81, %swap3A_82, %swap3A_83], %swap3A_86 {strides = array<i32>} : memref<4x1x1024xi32, #tpu.memory_space<vmem>>, vector<1x1x1024xi32>,
    %get3A_87 = arith.constant 0 : index
    %get3A_88 = arith.constant 0 : index
    %get3A_89 = vector.load %arg7[%get3A_87, %get3A_88] : memref<1024x1xf32, #tpu.memory_space<vmem>>, vector<1024x1xf32>
    %add3A_90 = arith.addf %get3A_89, %broadcast_in_dim3A_80 : vector<1024x1xf32>
    %swap3A_91 = arith.constant 0 : index
    %swap3A_92 = arith.constant 0 : index
    %swap3A_93 = vector.load %arg7[%swap3A_91, %swap3A_92] : memref<1024x1xf32, #tpu.memory_space<vmem>>, vector<1024x1xf32>
    tpu.vector_store %arg7[%swap3A_91, %swap3A_92], %add3A_90 {strides = array<i32>} : memref<1024x1xf32, #tpu.memory_space<vmem>>, vector<1024x1xf32>,
    %get3A_94 = arith.constant 2 : index
    %get3A_95 = arith.constant 0 : index
    %get3A_96 = arith.constant 0 : index
    %get3A_97 = vector.load %arg1[%get3A_94, %get3A_95, %get3A_96] : memref<4x64x1024xf32, #tpu.memory_space<vmem>>, vector<1x64x1024xf32>
    %get3A_98 = vector.shape_cast %get3A_97 : vector<1x64x1024xf32> to vector<64x1024xf32>
    %dot_general3A_99 = arith.constant dense<0.000000e+00> : vector<1024x1024xf32>
    %dot_general3A_100 = tpu.matmul %get3A_6, %get3A_98, %dot_general3A_99 {dimension_numbers = #tpu.dot_dimension_numbers<[1], [0], [0], [1], [0, 0, 1, 1], [], []>, transpose_lhs_hint = false} : vector<1024x64xf32>, vector<64x1024xf32>, vector<1024x1024xf32> -> vector<1024x1024xf32>
    %mul3A_101 = arith.mulf %get3A_98, %get3A_98 : vector<64x1024xf32>
    %reduce_sum3A_102 = arith.constant dense<0.000000e+00> : vector<1024xf32>
    %reduce_sum3A_103 = vector.multi_reduction <add>, %mul3A_101, %reduce_sum3A_102 [0] : vector<64x1024xf32> to vector<1024xf32>
    %broadcast_in_dim3A_104 = vector.shape_cast %reduce_sum3A_103 : vector<1024xf32> to vector<1x1024xf32>
    %add3A_105 = vector.broadcast %broadcast_in_dim3A_104 : vector<1x1024xf32> to vector<1024x1024xf32>
    %add3A_106 = vector.broadcast %get3A_9 : vector<1024x1xf32> to vector<1024x1024xf32>
    %add3A_107 = arith.addf %add3A_105, %add3A_106 : vector<1024x1024xf32>
    %add3A_108 = arith.addf %add3A_107, %dot_general3A_100 : vector<1024x1024xf32>
    %reduce_min3A_109 = arith.constant dense<0x7F800000> : vector<1024xf32>
    %reduce_min3A_110 = vector.multi_reduction <minimumf>, %add3A_108, %reduce_min3A_109 [0] : vector<1024x1024xf32> to vector<1024xf32>
    %broadcast_in_dim3A_111 = vector.shape_cast %reduce_min3A_110 : vector<1024xf32> to vector<1x1024xf32>
    %eq3A_112 = vector.broadcast %broadcast_in_dim3A_111 : vector<1x1024xf32> to vector<1024x1024xf32>
    %eq3A_113 = arith.cmpf oeq, %add3A_108, %eq3A_112 : vector<1024x1024xf32>
    %iota3A_114 = tpu.iota {dimensions = array<i32: 0>} : vector<1024x1024xi32>
    %jit3A_115 = arith.constant 1024 : i32
    %broadcast_in_dim3A_116 = vector.broadcast %jit3A_115 : i32 to vector<1024x1024xi32>
    %select_n3A_117 = arith.select %eq3A_113, %iota3A_114, %broadcast_in_dim3A_116 : vector<1024x1024xi1>, vector<1024x1024xi32>
    %reduce_min3A_118 = arith.constant dense<2147483647> : vector<1024xi32>
    %reduce_min3A_119 = vector.multi_reduction <minsi>, %select_n3A_117, %reduce_min3A_118 [0] : vector<1024x1024xi32> to vector<1024xi32>
    %broadcast_in_dim3A_120 = vector.shape_cast %reduce_min3A_119 : vector<1024xi32> to vector<1x1024xi32>
    %eq3A_121 = vector.broadcast %broadcast_in_dim3A_120 : vector<1x1024xi32> to vector<1024x1024xi32>
    %eq3A_122 = arith.cmpi eq, %iota3A_114, %eq3A_121 : vector<1024x1024xi32>
    %convert_element_type3A_123 = arith.extui %eq3A_122 : vector<1024x1024xi1> to vector<1024x1024xi32>
    %convert_element_type3A_124 = arith.sitofp %convert_element_type3A_123 : vector<1024x1024xi32> to vector<1024x1024xf32>
    %reduce_sum3A_125 = arith.constant dense<0.000000e+00> : vector<1024xf32>
    %reduce_sum3A_126 = vector.multi_reduction <add>, %convert_element_type3A_124, %reduce_sum3A_125 [1] : vector<1024x1024xf32> to vector<1024xf32>
    %broadcast_in_dim3A_127 = vector.shape_cast %reduce_sum3A_126 : vector<1024xf32> to vector<1024x1xf32>
    %swap3A_128 = arith.constant 2 : index
    %swap3A_129 = arith.constant 0 : index
    %swap3A_130 = arith.constant 0 : index
    %swap3A_131 = vector.load %arg4[%swap3A_128, %swap3A_129, %swap3A_130] : memref<4x1x1024xi32, #tpu.memory_space<vmem>>, vector<1x1x1024xi32>
    %swap3A_132 = vector.shape_cast %swap3A_131 : vector<1x1x1024xi32> to vector<1x1024xi32>
    %swap3A_133 = vector.shape_cast %broadcast_in_dim3A_120 : vector<1x1024xi32> to vector<1x1x1024xi32>
    tpu.vector_store %arg4[%swap3A_128, %swap3A_129, %swap3A_130], %swap3A_133 {strides = array<i32>} : memref<4x1x1024xi32, #tpu.memory_space<vmem>>, vector<1x1x1024xi32>,
    %get3A_134 = arith.constant 0 : index
    %get3A_135 = arith.constant 0 : index
    %get3A_136 = vector.load %arg7[%get3A_134, %get3A_135] : memref<1024x1xf32, #tpu.memory_space<vmem>>, vector<1024x1xf32>
    %add3A_137 = arith.addf %get3A_136, %broadcast_in_dim3A_127 : vector<1024x1xf32>
    %swap3A_138 = arith.constant 0 : index
    %swap3A_139 = arith.constant 0 : index
    %swap3A_140 = vector.load %arg7[%swap3A_138, %swap3A_139] : memref<1024x1xf32, #tpu.memory_space<vmem>>, vector<1024x1xf32>
    tpu.vector_store %arg7[%swap3A_138, %swap3A_139], %add3A_137 {strides = array<i32>} : memref<1024x1xf32, #tpu.memory_space<vmem>>, vector<1024x1xf32>,
    %get3A_141 = arith.constant 3 : index
    %get3A_142 = arith.constant 0 : index
    %get3A_143 = arith.constant 0 : index
    %get3A_144 = vector.load %arg1[%get3A_141, %get3A_142, %get3A_143] : memref<4x64x1024xf32, #tpu.memory_space<vmem>>, vector<1x64x1024xf32>
    %get3A_145 = vector.shape_cast %get3A_144 : vector<1x64x1024xf32> to vector<64x1024xf32>
    %dot_general3A_146 = arith.constant dense<0.000000e+00> : vector<1024x1024xf32>
    %dot_general3A_147 = tpu.matmul %get3A_6, %get3A_145, %dot_general3A_146 {dimension_numbers = #tpu.dot_dimension_numbers<[1], [0], [0], [1], [0, 0, 1, 1], [], []>, transpose_lhs_hint = false} : vector<1024x64xf32>, vector<64x1024xf32>, vector<1024x1024xf32> -> vector<1024x1024xf32>
    %mul3A_148 = arith.mulf %get3A_145, %get3A_145 : vector<64x1024xf32>
    %reduce_sum3A_149 = arith.constant dense<0.000000e+00> : vector<1024xf32>
    %reduce_sum3A_150 = vector.multi_reduction <add>, %mul3A_148, %reduce_sum3A_149 [0] : vector<64x1024xf32> to vector<1024xf32>
    %broadcast_in_dim3A_151 = vector.shape_cast %reduce_sum3A_150 : vector<1024xf32> to vector<1x1024xf32>
    %add3A_152 = vector.broadcast %broadcast_in_dim3A_151 : vector<1x1024xf32> to vector<1024x1024xf32>
    %add3A_153 = vector.broadcast %get3A_9 : vector<1024x1xf32> to vector<1024x1024xf32>
    %add3A_154 = arith.addf %add3A_152, %add3A_153 : vector<1024x1024xf32>
    %add3A_155 = arith.addf %add3A_154, %dot_general3A_147 : vector<1024x1024xf32>
    %reduce_min3A_156 = arith.constant dense<0x7F800000> : vector<1024xf32>
    %reduce_min3A_157 = vector.multi_reduction <minimumf>, %add3A_155, %reduce_min3A_156 [0] : vector<1024x1024xf32> to vector<1024xf32>
    %broadcast_in_dim3A_158 = vector.shape_cast %reduce_min3A_157 : vector<1024xf32> to vector<1x1024xf32>
    %eq3A_159 = vector.broadcast %broadcast_in_dim3A_158 : vector<1x1024xf32> to vector<1024x1024xf32>
    %eq3A_160 = arith.cmpf oeq, %add3A_155, %eq3A_159 : vector<1024x1024xf32>
    %iota3A_161 = tpu.iota {dimensions = array<i32: 0>} : vector<1024x1024xi32>
    %jit3A_162 = arith.constant 1024 : i32
    %broadcast_in_dim3A_163 = vector.broadcast %jit3A_162 : i32 to vector<1024x1024xi32>
    %select_n3A_164 = arith.select %eq3A_160, %iota3A_161, %broadcast_in_dim3A_163 : vector<1024x1024xi1>, vector<1024x1024xi32>
    %reduce_min3A_165 = arith.constant dense<2147483647> : vector<1024xi32>
    %reduce_min3A_166 = vector.multi_reduction <minsi>, %select_n3A_164, %reduce_min3A_165 [0] : vector<1024x1024xi32> to vector<1024xi32>
    %broadcast_in_dim3A_167 = vector.shape_cast %reduce_min3A_166 : vector<1024xi32> to vector<1x1024xi32>
    %eq3A_168 = vector.broadcast %broadcast_in_dim3A_167 : vector<1x1024xi32> to vector<1024x1024xi32>
    %eq3A_169 = arith.cmpi eq, %iota3A_161, %eq3A_168 : vector<1024x1024xi32>
    %convert_element_type3A_170 = arith.extui %eq3A_169 : vector<1024x1024xi1> to vector<1024x1024xi32>
    %convert_element_type3A_171 = arith.sitofp %convert_element_type3A_170 : vector<1024x1024xi32> to vector<1024x1024xf32>
    %reduce_sum3A_172 = arith.constant dense<0.000000e+00> : vector<1024xf32>
    %reduce_sum3A_173 = vector.multi_reduction <add>, %convert_element_type3A_171, %reduce_sum3A_172 [1] : vector<1024x1024xf32> to vector<1024xf32>
    %broadcast_in_dim3A_174 = vector.shape_cast %reduce_sum3A_173 : vector<1024xf32> to vector<1024x1xf32>
    %swap3A_175 = arith.constant 3 : index
    %swap3A_176 = arith.constant 0 : index
    %swap3A_177 = arith.constant 0 : index
    %swap3A_178 = vector.load %arg4[%swap3A_175, %swap3A_176, %swap3A_177] : memref<4x1x1024xi32, #tpu.memory_space<vmem>>, vector<1x1x1024xi32>
    %swap3A_179 = vector.shape_cast %swap3A_178 : vector<1x1x1024xi32> to vector<1x1024xi32>
    %swap3A_180 = vector.shape_cast %broadcast_in_dim3A_167 : vector<1x1024xi32> to vector<1x1x1024xi32>
    tpu.vector_store %arg4[%swap3A_175, %swap3A_176, %swap3A_177], %swap3A_180 {strides = array<i32>} : memref<4x1x1024xi32, #tpu.memory_space<vmem>>, vector<1x1x1024xi32>,
    %get3A_181 = arith.constant 0 : index
    %get3A_182 = arith.constant 0 : index
    %get3A_183 = vector.load %arg7[%get3A_181, %get3A_182] : memref<1024x1xf32, #tpu.memory_space<vmem>>, vector<1024x1xf32>
    %add3A_184 = arith.addf %get3A_183, %broadcast_in_dim3A_174 : vector<1024x1xf32>
    %swap3A_185 = arith.constant 0 : index
    %swap3A_186 = arith.constant 0 : index
    %swap3A_187 = vector.load %arg7[%swap3A_185, %swap3A_186] : memref<1024x1xf32, #tpu.memory_space<vmem>>, vector<1024x1xf32>
    tpu.vector_store %arg7[%swap3A_185, %swap3A_186], %add3A_184 {strides = array<i32>} : memref<1024x1xf32, #tpu.memory_space<vmem>>, vector<1024x1xf32>,
    %eq3A_188 = arith.constant 3 : i32
    %eq3A_189 = arith.cmpi eq, %arg0, %eq3A_188 : i32
    %convert_element_type3A_190 = arith.extui %eq3A_189 : i1 to i32
    %cond3A_191 = arith.constant 0 : i32
    %cond3A_192 = arith.cmpi ne, %convert_element_type3A_190, %cond3A_191 : i32
    scf.if %cond3A_192 {
      %get3A_193 = arith.constant 0 : index
      %get3A_194 = arith.constant 0 : index
      %get3A_195 = vector.load %arg7[%get3A_193, %get3A_194] : memref<1024x1xf32, #tpu.memory_space<vmem>>, vector<1024x1xf32>
      %mul3A_196 = arith.constant 6.10351563E-5 : f32
      %mul3A_197 = vector.broadcast %mul3A_196 : f32 to vector<1024x1xf32>
      %mul3A_198 = arith.mulf %get3A_195, %mul3A_197 : vector<1024x1xf32>
      %add3A_199 = arith.constant 1.000000e-10 : f32
      %add3A_200 = vector.broadcast %add3A_199 : f32 to vector<1024x1xf32>
      %add3A_201 = arith.addf %mul3A_198, %add3A_200 : vector<1024x1xf32>
      %log3A = math.log %add3A_201 : vector<1024x1xf32>
      %mul3A_202 = arith.mulf %mul3A_198, %log3A : vector<1024x1xf32>
      %reduce_sum3A_203 = vector.shape_cast %mul3A_202 : vector<1024x1xf32> to vector<1x1024x1xf32>
      %reduce_sum3A_204 = arith.constant dense<0.000000e+00> : vector<1xf32>
      %reduce_sum3A_205 = vector.multi_reduction <add>, %reduce_sum3A_203, %reduce_sum3A_204 [1, 2] : vector<1x1024x1xf32> to vector<1xf32>
      %reduce_sum3A_206 = vector.shape_cast %reduce_sum3A_205 : vector<1xf32> to vector<1x1x1xf32>
      %reduce_sum3A_207 = vector.extract %reduce_sum3A_206[0, 0, 0] : f32 from vector<1x1x1xf32>
      %neg3A = arith.constant 0.000000e+00 : f32
      %neg3A_208 = arith.subf %neg3A, %reduce_sum3A_207 : f32
      %exp3A = math.exp %neg3A_208 : f32
      %swap3A_209 = arith.constant 0 : index
      %swap3A_210 = arith.constant 0 : index
      %swap3A_211 = memref.load %arg5[%swap3A_209, %swap3A_210] : memref<1x1xf32, #tpu.memory_space<smem>>
      memref.store %exp3A, %arg5[%swap3A_209, %swap3A_210] : memref<1x1xf32, #tpu.memory_space<smem>>
    } else {
    }
    return
  }
  func.func @transform_0(%arg0: i32) -> (i32, i32, i32) {
    %c0_i32 = arith.constant 0 : i32
    %c0_i32_0 = arith.constant 0 : i32
    %c0_i32_1 = arith.constant 0 : i32
    return %arg0, %c0_i32, %c0_i32_0 : i32, i32, i32
  }
  func.func @transform_1(%arg0: i32) -> (i32, i32) {
    %c0_i32 = arith.constant 0 : i32
    %c0_i32_0 = arith.constant 0 : i32
    %c0_i32_1 = arith.constant 0 : i32
    return %c0_i32, %c0_i32_0 : i32, i32
  }
  func.func @transform_2(%arg0: i32) -> (i32, i32) {
    %c0_i32 = arith.constant 0 : i32
    %c0_i32_0 = arith.constant 0 : i32
    %c0_i32_1 = arith.constant 0 : i32
    return %c0_i32, %c0_i32_0 : i32, i32
  }
  func.func @transform_3(%arg0: i32) -> (i32, i32, i32) {
    %c0_i32 = arith.constant 0 : i32
    %c0_i32_0 = arith.constant 0 : i32
    %c0_i32_1 = arith.constant 0 : i32
    return %arg0, %c0_i32, %c0_i32_0 : i32, i32, i32
  }
  func.func @transform_4(%arg0: i32) -> (i32, i32) {
    %c0_i32 = arith.constant 0 : i32
    %c0_i32_0 = arith.constant 0 : i32
    %c0_i32_1 = arith.constant 0 : i32
    return %c0_i32, %c0_i32_0 : i32, i32
  }
}

</mosaic_0001>

<sc_bundles>
// kernel: kernel.4.cloned.1.call-start
scs
__scs_entry_jumppad:
0x0: {  	(pc) =	sbr.rel $0x88, $3  }
0x1: {  	(tag) =	ssettag $0x0;
	lr =	simm.s32 $0x1  }
0x2: {  	[smem:$0x3F9F] =	sst lr;
	_ =	strace $0xD0000000  }
0x3: {  	_ = 	snop  }
0x4: {  	_ = 	snop  }
0x5: {  	_ = 	snop  }
0x6: {  	_ = 	snop  }
0x7: {  	_ = 	snop  }
__scs_overlays_trampoline_lowered:
0x8: {  	[smem:$0x3FAE] =	sst s0  }
0x9: {  	[smem:$0x3FAF] =	sst s1  }
0xa: {  	[smem:$0x3FB0] =	sst s2  }
0xb: {  	[smem:$0x3FB1] =	sst s3  }
0xc: {  	[smem:$0x3FB2] =	sst s4  }
0xd: {  	[smem:$0x3FB3] =	sst s5  }
0xe: {  	[smem:$0x3FB4] =	sst s6  }
0xf: {  	[smem:$0x3FB5] =	sst s7  }
0x10: {  	[smem:$0x3FB6] =	sst s8  }
0x11: {  	[smem:$0x3FB7] =	sst s9;
	s0 =	simm.s32 @!p0 $0x0  }
0x12: {  	s1 =	sld [smem:$0x3F9D];
	s0 =	simm.s32 @p0 $0x1  }
0x13: {  	[smem:$0x3FB8] =	sst s0;
	s0 =	simm.s32 @!p1 $0x0  }
0x14: {  	s2 =	sld [smem:$0x3F9C];
	s0 =	simm.s32 @p1 $0x1  }
0x15: {  	[smem:$0x3FB9] =	sst s0;
	s0 =	simm.s32 @!p2 $0x0  }
0x16: {  	s3 =	sld [smem:$0x3FDB];
	s0 =	simm.s32 @p2 $0x1  }
0x17: {  	s4 =	simm.s32 $0x1BF5;
	[smem:$0x3FBB] =	sst s0  }
0x18: {  	s0 =	sld [smem:$0x3F9E];
	_ =	swait.ge [sflag:s4], $0x0  }
0x19: {  	s7 =	sld [smem:$0x3F9F]  }
0x1a: {  	s8 =	sadd.s32 $0xFFFFE003, lr  }
0x1b: {  	s9 =	sadd.s32 $0xFFFFFEF7, lr;
	s5 =	simm.s32 $0xFFFFFFFF;
	p2 =	slt.u32 s8, $0xFFFFF086  }
0x1c: {  	p1 =	slt.u32 s9, $0xF7A;
	s5 =	simm.s32 @!p2 $0x0  }
0x1d: {  	s5 =	simm.s32 @p1 $0x1;
	p0 =	seq.s32 s7, s2  }
0x1e: {  	s7 =	smul.u32 @!p0 $0xF7A, s2;
	p2 =	seq.s32 @!p0 s5, $0x0  }
0x1f: {  	s9 =	smul.u32 $0xF7A, s1;
	s8 =	simm.s32 @!p0 $0x1BF5;
	p2 =	por !p2, p0  }
0x20: {  	[sflag:s8] =	ssyncset.s32 @!p0 $0xFFFFF086;
	s6 =	sadd.s32 @!p0 s3, s7;
	s7 =	simm.s32 @!p0 $0x108  }
0x21: {  	s3 =	sadd.s32 s3, s9;
	s6 =	sadd.s32 @!p0 $0x88, s6;
	s7 =	simm.s32 @p2 $0x1082  }
0x22: {  	[simem:s7], [sflag:s8] =	dma.local @!p0 [hbm:s6], $0xF7A  }
0x23: {  	s9 =	sor.u32 $0xD0000000, s2;
	s6 =	simm.s32 $0x108;
	_ =	swait.ge @!p0 [sflag:s8], $0x0  }
0x24: {  	s3 =	sadd.s32 $0x88, s3;
	s6 =	simm.s32 @!p1 $0x1082;
	[sflag:s4] =	ssyncset.s32 $0xFFFFF086  }
0x25: {  	[simem:s6], [sflag:s4] =	dma.local [hbm:s3], $0xF7A  }
0x26: {  	[smem:$0x3F9F] =	sst s1;
	(tag) =	ssettag s2;
	_ =	strace s9  }
0x27: {  	s1 =	sld [smem:$0x3FAF]  }
0x28: {  	s2 =	sld [smem:$0x3FB0]  }
0x29: {  	s4 =	sld [smem:$0x3FB2]  }
0x2a: {  	p0 =	seq.s32 s5, $0x0;
	s5 =	sld [smem:$0x3FB3]  }
0x2b: {  	s6 =	sld [smem:$0x3FB4]  }
0x2c: {  	s7 =	sld [smem:$0x3FB5]  }
0x2d: {  	s3 =	simm.s32 $0x108;
	s8 =	sld [smem:$0x3FB6]  }
0x2e: {  	s3 =	simm.s32 @!p0 $0x1082;
	s9 =	sld [smem:$0x3FB7]  }
0x2f: {  	lr =	sadd.s32 s0, s3;
	s0 =	sld [smem:$0x3FAE]  }
0x30: {  	s3 =	sld [smem:$0x3FB1]  }
0x31: {  	[smem:$0x3FBA] =	sst s10  }
0x32: {  	s10 =	sld [smem:$0x3FB8];
	_ =	sdelay $0x3  }
0x33: {  	p0 =	seq.s32 s10, $0x1;
	s10 =	sld [smem:$0x3FBA];
	_ =	sdelay $0x3  }
0x34: {  	[smem:$0x3FBA] =	sst s10  }
0x35: {  	s10 =	sld [smem:$0x3FB9];
	_ =	sdelay $0x3  }
0x36: {  	p1 =	seq.s32 s10, $0x1;
	s10 =	sld [smem:$0x3FBA];
	_ =	sdelay $0x3  }
0x37: {  	[smem:$0x3FBA] =	sst s10  }
0x38: {  	s10 =	sld [smem:$0x3FBB]  }
0x39: {  	_ = 	snop;
	(pc) =	sbr.ind lr, $3  }
0x3a: {  	_ = 	snop  }
0x3b: {  	_ = 	snop  }
0x3c: {  	p2 =	seq.s32 s10, $0x1;
	s10 =	sld [smem:$0x3FBA]  }
0x3d: {  	_ =	shalt  }
0x3e: {  	_ =	shalt  }
0x3f: {  	_ =	shalt  }
0x40: {  	_ =	shalt  }
0x41: {  	_ =	shalt  }
0x42: {  	_ =	shalt  }
0x43: {  	_ =	shalt  }
0x44: {  	_ =	shalt  }
0x45: {  	_ =	shalt  }
0x46: {  	_ =	shalt  }
0x47: {  	_ =	shalt  }
0x48: {  	_ =	shalt  }
0x49: {  	_ =	shalt  }
0x4a: {  	_ =	shalt  }
0x4b: {  	_ =	shalt  }
0x4c: {  	_ =	shalt  }
0x4d: {  	_ =	shalt  }
0x4e: {  	_ =	shalt  }
0x4f: {  	_ =	shalt  }
0x50: {  	_ =	shalt  }
0x51: {  	_ =	shalt  }
0x52: {  	_ =	shalt  }
0x53: {  	_ =	shalt  }
0x54: {  	_ =	shalt  }
0x55: {  	_ =	shalt  }
0x56: {  	_ =	shalt  }
0x57: {  	_ =	shalt  }
0x58: {  	_ =	shalt  }
0x59: {  	_ =	shalt  }
0x5a: {  	_ =	shalt  }
0x5b: {  	_ =	shalt  }
0x5c: {  	_ =	shalt  }
0x5d: {  	_ =	shalt  }
0x5e: {  	_ =	shalt  }
0x5f: {  	_ =	shalt  }
0x60: {  	_ =	shalt  }
0x61: {  	_ =	shalt  }
0x62: {  	_ =	shalt  }
0x63: {  	_ =	shalt  }
0x64: {  	_ =	shalt  }
0x65: {  	_ =	shalt  }
0x66: {  	_ =	shalt  }
0x67: {  	_ =	shalt  }
0x68: {  	_ =	shalt  }
0x69: {  	_ =	shalt  }
0x6a: {  	_ =	shalt  }
0x6b: {  	_ =	shalt  }
0x6c: {  	_ =	shalt  }
0x6d: {  	_ =	shalt  }
0x6e: {  	_ =	shalt  }
0x6f: {  	_ =	shalt  }
0x70: {  	_ =	shalt  }
0x71: {  	_ =	shalt  }
0x72: {  	_ =	shalt  }
0x73: {  	_ =	shalt  }
0x74: {  	_ =	shalt  }
0x75: {  	_ =	shalt  }
0x76: {  	_ =	shalt  }
0x77: {  	_ =	shalt  }
0x78: {  	_ =	shalt  }
0x79: {  	_ =	shalt  }
0x7a: {  	_ =	shalt  }
0x7b: {  	_ =	shalt  }
0x7c: {  	_ =	shalt  }
0x7d: {  	_ =	shalt  }
0x7e: {  	_ =	shalt  }
0x7f: {  	_ =	shalt  }
0x80: {  	_ =	shalt  }
0x81: {  	_ =	shalt  }
0x82: {  	_ =	shalt  }
0x83: {  	_ =	shalt  }
0x84: {  	_ =	shalt  }
0x85: {  	_ =	shalt  }
0x86: {  	_ =	shalt  }
0x87: {  	_ =	shalt  }
.Lfunc_end0:
.L_simem_size_0:
called_computation_lowered:
.L_overlay_start_0:
0x88: {  	s2 =	sld [smem:$0x3FD9]  }
0x89: {  	s3 =	sld [smem:$0x3FFE];
	_ =	sdelay $0x1  }
0x8a: {  	s1 =	srdreg.scid  }
0x8b: {  	s0 =	sand.u32 $0x1, s1  }
0x8c: {  	s14 =	sshll.u32 s0, $0xA;
	s2 =	sadd.s32 s3, s2  }
0x8d: {  	s2 =	sadd.s32 s2, s14  }
0x8e: {  	[smem:$0x3FC6] =	sst s2  }
0x8f: {  	_ = 	snop  }
0x90: {  	s2 =	sld [smem:$0x3FD0];
	_ =	sdelay $0x2  }
0x91: {  	s15 =	simm.s32 $0xA;
	s4 =	simm.s32 $0x10  }
0x92: {  	[smem:s4], [sflag:s15] =	dma.local [hbm:s2], $0x1  }
0x93: {  	_ =	swait.eq [sflag:s15], $0x1  }
0x94: {  	[sflag:s15] =	ssyncset.done $0x0  }
0x95: {  	[sflag:s15] =	ssyncadd.s32 $0xFFFFFFFF  }
0x96: {  	s16 =	sld [smem:$0x10];
	(tm) =	ssettm $0x1  }
0x97: {  	s17 =	sld [smem:$0x3FFB];
	_ =	sdelay $0x3  }
0x98: {  	_ =	strace s17  }
0x99: {  	s3 =	sld [smem:$0x3FFC];
	_ =	sdelay $0x3  }
0x9a: {  	_ =	strace s3  }
0x9b: {  	s3 =	sld [smem:$0x3FFD];
	_ =	sdelay $0x3  }
0x9c: {  	_ =	strace s3  }
0x9d: {  	_ =	strace $0x8FFFFFFF  }
0x9e: {  	s18 =	sld [smem:$0x3FDB];
	_ =	sdelay $0x1  }
0x9f: {  	s19 =	simm.s32 $_scs_section_size  }
0xa0: {  	s5 =	simm.s32 $_size__tile_overlayer_lowered;
	s6 =	simm.s32 $_tile_overlayer_lowered  }
0xa1: {  	s22 =	simm.s32 $0x1BFF;
	s21 =	sshll.u32 s6, $0x1;
	s3 =	sadd.s32 s19, s18  }
0xa2: {  	s7 =	simm.s32 $0x0;
	s20 =	sshll.u32 s5, $0x1;
	s5 =	sadd.s32 s21, s3  }
0xa3: {  	[timem:s7], [sflag:s22] =	dma.local [hbm:s5], s20  }
0xa4: {  	_ =	swait.ge [sflag:s22], s20  }
0xa5: {  	s4 =	ssub.s32 $0x0, s20;
	[sflag:s22] =	ssyncset.done $0x0  }
0xa6: {  	[sflag:s22] =	ssyncadd.s32 s4;
	_ =	sdelay $0x1  }
0xa7: {  	s23 =	simm.s32 $0x1B8B  }
0xa8: {  	_ =	swait.ge [sflag:s23], $0x1  }
0xa9: {  	[sflag:s23] =	ssyncset.done $0x0  }
0xaa: {  	s25 =	simm.s32 $0x1B8E;
	s24 =	sld [smem:$0x3FFE];
	[sflag:s23] =	ssyncadd.s32 $0xFFFFFFFF  }
0xab: {  	s26 =	simm.s32 $execute0_lowered;
	[smem:$0x3FD2] =	sst s25  }
0xac: {  	s5 =	sshll.u32 s26, $0x1;
	_ =	strace $0x80000046;
	[dreg:$0x1] =	wrdreg $0xFFFFFFFF  }
0xad: {  	s28 =	simm.s32 $_size_execute0_lowered;
	s3 =	sadd.s32 s3, s5;
	[dreg:$0x0] =	wrdreg $0x0  }
0xae: {  	s5 =	sshll.u32 s28, $0x1;
	[dreg:$0x2] =	wrdreg s3  }
0xaf: {  	[dreg:$0x3] =	wrdreg s5  }
0xb0: {  	[dreg:$0x4] =	wrdreg $0xC0  }
0xb1: {  	_ =	task [dreg:s7], $0x5FFFF  }
0xb2: {  	[dreg:$0x1] =	wrdreg $0xFFFFFFFF  }
0xb3: {  	[dreg:$0x0] =	wrdreg $0x60  }
0xb4: {  	[dreg:$0x2] =	wrdreg s16  }
0xb5: {  	[dreg:$0x3] =	wrdreg s24  }
0xb6: {  	[dreg:$0x4] =	wrdreg $0x9  }
0xb7: {  	_ =	task.clear_ibuf [dreg:s7], $0x5FFFF;
	_ =	strace $0x90000046  }
0xb8: {  	s29 =	simm.s32 $0x9;
	_ =	strace $0x80000048  }
0xb9: {  	_ =	swait.ge [sflag:s29], $0x1  }
0xba: {  	[sflag:s29] =	ssyncadd.s32 $0xFFFFFFFF  }
0xbb: {  	_ =	strace $0x90000048  }
0xbc: {  	_ =	sfence  }
0xbd: {  	s30 =	sld [smem:$0x0];
	_ =	sdelay $0x2  }
0xbe: {  	s31 =	sshll.u32 s1, $0xD;
	s1 =	sshrl.u32 s1, $0x2  }
0xbf: {  	s3 =	sand.u32 $0x4000, s31;
	s1 =	sadd.s32 s1, s30  }
0xc0: {  	s0 =	sor.u32 s3, s0;
	s1 =	sshll.u32 s1, $0x11  }
0xc1: {  	s0 =	sor.u32 s1, s0  }
0xc2: {  	s0 =	sadd.s32 $0x8F2B, s0  }
0xc3: {  	[sflag:s0] =	ssyncadd.remote.s32 $0x1  }
0xc4: {  	_ =	sfence.sel $0xFFFF  }
0xc5: {  	[dreg:$0x0] =	wrdreg $0xFFFFFFFF;
	(pc) =	sbr.abs _section_cstart, $3  }
0xc6: {  	[dreg:$0x1] =	wrdreg $0xFFFFFFFF  }
0xc7: {  	_ =	task.clear_ibuf [dreg:s7], $0x2FFFF;
	_ =	strace $0x9FFFFFFF  }
0xc8: {  	(tm) =	ssettm $0x7FFFFFFF  }
0xc9: {  	_ =	shalt  }
tec
execute0_lowered:
.L_overlay_start_1:
0x0: {  	(tag) =	ssettag $0x1  }
0x1: {  	s0 =	srdreg.scid;
	s4 =	stileid.u32  }
0x2: {  	s2 =	sand.u32 $0x1, s0;
	s25 =	sshll.u32 s4, $0x1  }
0x3: {  	s0 =	sor.u32 s2, s25  }
0x4: {  	p1 =	seq.s32 s2, $0x1;
	p0 =	seq.s32 s0, $0x0  }
0x5: {  	p0 =	por !p0, !p1  }
0x6: {  	s3 =	simm.s32 $0x1;
	p0 =	por !p0, !p0  }
0x7: {  	s5 =	sshll.u32 s2, $0xC;
	s6 =	sshll.u32 s2, $0x9;
	s3 =	simm.s32 @!p0 $0x0  }
0x8: {  	s7 =	ssub.s32 $0x2, s2;
	[smem:$0x7FC] =	sst s0;
	s3 =	ssub.s32 s4, s3  }
0x9: {  	s0 =	rddreg [dreg:$0x0];
	s4 =	sshll.u32 s3, $0xA;
	s3 =	sshll.u32 s3, $0x10  }
0xa: {  	s26 =	sor.u32 s5, s3;
	s4 =	sor.u32 s6, s4;
	s5 =	sshrl.u32 s7, $0x1  }
0xb: {  	[smem:$0x7FB] =	sst s4;
	s2 =	sshrl.u32 s26, $0x3;
	s3 =	ssub.s32 s7, s5  }
0xc: {  	[smem:$0x7FD] =	sst s3;
	s6 =	sadd.s32 s0, s2  }
0xd: {  	s7 =	sor.u32 $0x10, s2;
	[smem:$0x7FA] =	sst s6  }
0xe: {  	s8 =	sor.u32 $0x20, s2;
	[smem:$0x7A0] =	sst s7  }
0xf: {  	s9 =	sor.u32 $0x30, s2;
	[smem:$0x7A2] =	sst s8  }
0x10: {  	s11 =	sor.u32 $0x40, s2;
	[smem:$0x7A4] =	sst s9  }
0x11: {  	s12 =	sor.u32 $0x50, s2;
	[smem:$0x7A6] =	sst s11  }
0x12: {  	s13 =	sor.u32 $0x60, s2;
	[smem:$0x7A8] =	sst s12  }
0x13: {  	s15 =	sor.u32 $0x70, s2;
	[smem:$0x7AA] =	sst s13  }
0x14: {  	s16 =	sor.u32 $0x400, s2;
	[smem:$0x7AC] =	sst s15  }
0x15: {  	s17 =	sor.u32 $0x410, s2;
	[smem:$0x7AE] =	sst s16  }
0x16: {  	s19 =	sor.u32 $0x420, s2;
	[smem:$0x7B0] =	sst s17  }
0x17: {  	s20 =	sor.u32 $0x430, s2;
	[smem:$0x7B2] =	sst s19  }
0x18: {  	s21 =	sor.u32 $0x440, s2;
	[smem:$0x7B4] =	sst s20  }
0x19: {  	s23 =	sor.u32 $0x450, s2;
	[smem:$0x7B6] =	sst s21  }
0x1a: {  	s24 =	sor.u32 $0x460, s2;
	[smem:$0x7B8] =	sst s23  }
0x1b: {  	s25 =	sor.u32 $0x470, s2;
	[smem:$0x7BA] =	sst s24  }
0x1c: {  	s4 =	sor.u32 $0x800, s2;
	[smem:$0x7BC] =	sst s25  }
0x1d: {  	s5 =	sor.u32 $0x810, s2;
	[smem:$0x7BE] =	sst s4  }
0x1e: {  	s3 =	sadd.s32 s0, s7;
	[smem:$0x7C0] =	sst s5  }
0x1f: {  	s10 =	sadd.s32 s0, s9;
	[smem:$0x7F9] =	sst s3  }
0x20: {  	s14 =	sadd.s32 s0, s13;
	[dreg:$0x4] =	wrdreg s10  }
0x21: {  	s18 =	sadd.s32 s0, s17;
	[dreg:$0x7] =	wrdreg s14  }
0x22: {  	s22 =	sadd.s32 s0, s21;
	[dreg:$0xa] =	wrdreg s18  }
0x23: {  	s26 =	sadd.s32 s0, s25;
	[dreg:$0xd] =	wrdreg s22  }
0x24: {  	s6 =	sor.u32 $0x820, s2;
	[dreg:$0x10] =	wrdreg s26  }
0x25: {  	s9 =	sor.u32 $0x840, s2;
	[smem:$0x7C2] =	sst s6  }
0x26: {  	s13 =	sor.u32 $0x870, s2;
	[smem:$0x7C6] =	sst s9  }
0x27: {  	s17 =	sor.u32 $0xC20, s2;
	[smem:$0x7CC] =	sst s13  }
0x28: {  	s21 =	sor.u32 $0xC50, s2;
	[smem:$0x7D2] =	sst s17  }
0x29: {  	s25 =	sor.u32 $0x1000, s2;
	[smem:$0x7D8] =	sst s21  }
0x2a: {  	s3 =	sadd.s32 s0, s8;
	[smem:$0x7DE] =	sst s25  }
0x2b: {  	s7 =	sadd.s32 s0, s6;
	[dreg:$0x3] =	wrdreg s3  }
0x2c: {  	s8 =	sor.u32 $0x830, s2;
	[dreg:$0x13] =	wrdreg s7  }
0x2d: {  	s10 =	sor.u32 $0x850, s2;
	[smem:$0x7C4] =	sst s8  }
0x2e: {  	s14 =	sor.u32 $0xC00, s2;
	[smem:$0x7C8] =	sst s10  }
0x2f: {  	s18 =	sor.u32 $0xC30, s2;
	[smem:$0x7CE] =	sst s14  }
0x30: {  	s22 =	sor.u32 $0xC60, s2;
	[smem:$0x7D4] =	sst s18  }
0x31: {  	s26 =	sor.u32 $0x1010, s2;
	[smem:$0x7DA] =	sst s22  }
0x32: {  	s6 =	sor.u32 $0x1020, s2;
	[smem:$0x7E0] =	sst s26  }
0x33: {  	s3 =	sadd.s32 s0, s11;
	[smem:$0x7E2] =	sst s6  }
0x34: {  	s11 =	sadd.s32 s0, s10;
	[dreg:$0x5] =	wrdreg s3  }
0x35: {  	s30 =	sor.u32 $0x1050, s2;
	s7 =	sor.u32 $0x1030, s2;
	[dreg:$0x16] =	wrdreg s11  }
0x36: {  	s10 =	sadd.s32 s0, s30;
	[smem:$0x7E4] =	sst s7  }
0x37: {  	s3 =	sadd.s32 s0, s12;
	[smem:$0x784] =	sst s10  }
0x38: {  	s28 =	sor.u32 $0x1060, s2;
	s12 =	sor.u32 $0x860, s2;
	[dreg:$0x6] =	wrdreg s3  }
0x39: {  	s11 =	sadd.s32 s0, s28;
	[smem:$0x7CA] =	sst s12  }
0x3a: {  	s3 =	sadd.s32 s0, s15;
	[smem:$0x785] =	sst s11  }
0x3b: {  	s15 =	sadd.s32 s0, s14;
	[dreg:$0x8] =	wrdreg s3  }
0x3c: {  	s3 =	sadd.s32 s0, s16;
	[dreg:$0x19] =	wrdreg s15  }
0x3d: {  	s16 =	sor.u32 $0xC10, s2;
	[dreg:$0x9] =	wrdreg s3  }
0x3e: {  	s3 =	sadd.s32 s0, s19;
	[smem:$0x7D0] =	sst s16  }
0x3f: {  	s19 =	sadd.s32 s0, s18;
	[dreg:$0xb] =	wrdreg s3  }
0x40: {  	s3 =	sadd.s32 s0, s20;
	[dreg:$0x1c] =	wrdreg s19  }
0x41: {  	s20 =	sor.u32 $0xC40, s2;
	[dreg:$0xc] =	wrdreg s3  }
0x42: {  	s3 =	sadd.s32 s0, s23;
	[smem:$0x7D6] =	sst s20  }
0x43: {  	s23 =	sadd.s32 s0, s22;
	[dreg:$0xe] =	wrdreg s3  }
0x44: {  	s3 =	sadd.s32 s0, s24;
	[dreg:$0x1f] =	wrdreg s23  }
0x45: {  	s22 =	sor.u32 $0x1450, s2;
	s24 =	sor.u32 $0xC70, s2;
	[dreg:$0xf] =	wrdreg s3  }
0x46: {  	s18 =	sadd.s32 s0, s22;
	[smem:$0x7DC] =	sst s24  }
0x47: {  	s3 =	sadd.s32 s0, s4;
	[smem:$0x78C] =	sst s18  }
0x48: {  	[dreg:$0x11] =	wrdreg s3;
	s3 =	sadd.s32 s0, s5  }
0x49: {  	s5 =	sadd.s32 s0, s26;
	[dreg:$0x12] =	wrdreg s3  }
0x4a: {  	s3 =	sadd.s32 s0, s8;
	[smem:$0x780] =	sst s5  }
0x4b: {  	s18 =	sor.u32 $0x1800, s2;
	s8 =	sor.u32 $0x1040, s2;
	[dreg:$0x14] =	wrdreg s3  }
0x4c: {  	s5 =	sadd.s32 s0, s18;
	[smem:$0x7E6] =	sst s8  }
0x4d: {  	s3 =	sadd.s32 s0, s9;
	[smem:$0x78F] =	sst s5  }
0x4e: {  	s9 =	sadd.s32 s0, s8;
	[dreg:$0x15] =	wrdreg s3  }
0x4f: {  	s29 =	sor.u32 $0x1070, s2;
	s3 =	sadd.s32 s0, s12;
	[smem:$0x783] =	sst s9  }
0x50: {  	s12 =	sadd.s32 s0, s29;
	[dreg:$0x17] =	wrdreg s3  }
0x51: {  	s26 =	sor.u32 $0x1400, s2;
	s3 =	sadd.s32 s0, s13;
	[smem:$0x786] =	sst s12  }
0x52: {  	s13 =	sadd.s32 s0, s26;
	[dreg:$0x18] =	wrdreg s3  }
0x53: {  	s23 =	sor.u32 $0x1430, s2;
	s3 =	sadd.s32 s0, s16;
	[smem:$0x787] =	sst s13  }
0x54: {  	s12 =	sor.u32 $0x1860, s2;
	s16 =	sadd.s32 s0, s23;
	[dreg:$0x1a] =	wrdreg s3  }
0x55: {  	s11 =	sadd.s32 s0, s12;
	[smem:$0x78A] =	sst s16  }
0x56: {  	s13 =	sor.u32 $0x1850, s2;
	s3 =	sadd.s32 s0, s17;
	[smem:$0x795] =	sst s11  }
0x57: {  	s10 =	sadd.s32 s0, s13;
	[dreg:$0x1b] =	wrdreg s3  }
0x58: {  	s16 =	sor.u32 $0x1830, s2;
	s3 =	sadd.s32 s0, s20;
	[smem:$0x794] =	sst s10  }
0x59: {  	s8 =	sadd.s32 s0, s16;
	[dreg:$0x1d] =	wrdreg s3  }
0x5a: {  	s20 =	sor.u32 $0x1460, s2;
	s3 =	sadd.s32 s0, s21;
	[smem:$0x792] =	sst s8  }
0x5b: {  	s10 =	sor.u32 $0x1C00, s2;
	s19 =	sadd.s32 s0, s20;
	[dreg:$0x1e] =	wrdreg s3  }
0x5c: {  	s5 =	sadd.s32 s0, s10;
	[smem:$0x78D] =	sst s19  }
0x5d: {  	s21 =	sor.u32 $0x1440, s2;
	s3 =	sadd.s32 s0, s24;
	[smem:$0x797] =	sst s5  }
0x5e: {  	s17 =	sadd.s32 s0, s21;
	[smem:$0x77E] =	sst s3  }
0x5f: {  	s24 =	sor.u32 $0x1420, s2;
	s3 =	sadd.s32 s0, s25;
	[smem:$0x78B] =	sst s17  }
0x60: {  	s19 =	sor.u32 $0x1470, s2;
	s15 =	sadd.s32 s0, s24;
	[smem:$0x77F] =	sst s3  }
0x61: {  	s4 =	sadd.s32 s0, s19;
	[smem:$0x789] =	sst s15  }
0x62: {  	s25 =	sor.u32 $0x1410, s2;
	s3 =	sadd.s32 s0, s6;
	[smem:$0x78E] =	sst s4  }
0x63: {  	s17 =	sor.u32 $0x1810, s2;
	s14 =	sadd.s32 s0, s25;
	[smem:$0x781] =	sst s3  }
0x64: {  	s11 =	sor.u32 $0x1870, s2;
	s6 =	sadd.s32 s0, s17;
	[smem:$0x788] =	sst s14  }
0x65: {  	s4 =	sadd.s32 s0, s11;
	[smem:$0x790] =	sst s6  }
0x66: {  	s3 =	sadd.s32 s0, s7;
	s14 =	sor.u32 $0x1840, s2;
	[smem:$0x796] =	sst s4  }
0x67: {  	s15 =	sor.u32 $0x1820, s2;
	[smem:$0x782] =	sst s3;
	s9 =	sadd.s32 s0, s14  }
0x68: {  	s7 =	sadd.s32 s0, s15;
	[smem:$0x793] =	sst s9;
	s9 =	sor.u32 $0x1C10, s2  }
0x69: {  	s8 =	sor.u32 $0x1C20, s2;
	[smem:$0x791] =	sst s7;
	s6 =	sadd.s32 s0, s9  }
0x6a: {  	s7 =	sadd.s32 s0, s8;
	[smem:$0x798] =	sst s6;
	s6 =	sor.u32 $0x1C40, s2  }
0x6b: {  	[smem:$0x799] =	sst s7;
	s7 =	sor.u32 $0x1C30, s2;
	s5 =	sadd.s32 s0, s6  }
0x6c: {  	s4 =	sadd.s32 s0, s7;
	[smem:$0x79B] =	sst s5;
	s5 =	sor.u32 $0x1C50, s2  }
0x6d: {  	[smem:$0x79A] =	sst s4;
	s4 =	sadd.s32 s0, s5  }
0x6e: {  	s3 =	sor.u32 $0x1C60, s2;
	[smem:$0x79C] =	sst s4;
	s4 =	sor.u32 $0x1C70, s2  }
0x6f: {  	s31 =	sadd.s32 s0, s3;
	s0 =	sadd.s32 s0, s4  }
0x70: {  	[smem:$0x79E] =	sst s0  }
0x71: {  	s0 =	rddreg [dreg:$0x1]  }
0x72: {  	s0 =	sadd.s32 $0x5400, s0  }
0x73: {  	s2 =	sadd.s32 s0, s2  }
0x74: {  	[smem:$0x79F] =	sst s2  }
0x75: {  	s2 =	sld [smem:$0x7A0];
	_ =	sdelay $0x2  }
0x76: {  	s2 =	sadd.s32 s0, s2  }
0x77: {  	[smem:$0x7A1] =	sst s2  }
0x78: {  	s2 =	sld [smem:$0x7A2];
	_ =	sdelay $0x2  }
0x79: {  	s2 =	sadd.s32 s0, s2  }
0x7a: {  	[smem:$0x7A3] =	sst s2  }
0x7b: {  	s2 =	sld [smem:$0x7A4];
	_ =	sdelay $0x2  }
0x7c: {  	s2 =	sadd.s32 s0, s2  }
0x7d: {  	[smem:$0x7A5] =	sst s2  }
0x7e: {  	s2 =	sld [smem:$0x7A6];
	_ =	sdelay $0x2  }
0x7f: {  	s2 =	sadd.s32 s0, s2  }
0x80: {  	[smem:$0x7A7] =	sst s2  }
0x81: {  	s2 =	sld [smem:$0x7A8];
	_ =	sdelay $0x2  }
0x82: {  	s2 =	sadd.s32 s0, s2  }
0x83: {  	[smem:$0x7A9] =	sst s2  }
0x84: {  	s2 =	sld [smem:$0x7AA];
	_ =	sdelay $0x2  }
0x85: {  	s2 =	sadd.s32 s0, s2  }
0x86: {  	[smem:$0x7AB] =	sst s2  }
0x87: {  	s2 =	sld [smem:$0x7AC];
	_ =	sdelay $0x2  }
0x88: {  	s2 =	sadd.s32 s0, s2  }
0x89: {  	[smem:$0x7AD] =	sst s2  }
0x8a: {  	s2 =	sld [smem:$0x7AE];
	_ =	sdelay $0x2  }
0x8b: {  	s2 =	sadd.s32 s0, s2  }
0x8c: {  	[smem:$0x7AF] =	sst s2  }
0x8d: {  	s2 =	sld [smem:$0x7B0];
	_ =	sdelay $0x2  }
0x8e: {  	s2 =	sadd.s32 s0, s2  }
0x8f: {  	[smem:$0x7B1] =	sst s2  }
0x90: {  	s2 =	sld [smem:$0x7B2];
	_ =	sdelay $0x2  }
0x91: {  	s2 =	sadd.s32 s0, s2  }
0x92: {  	[smem:$0x7B3] =	sst s2  }
0x93: {  	s2 =	sld [smem:$0x7B4];
	_ =	sdelay $0x2  }
0x94: {  	s2 =	sadd.s32 s0, s2  }
0x95: {  	[smem:$0x7B5] =	sst s2  }
0x96: {  	s2 =	sld [smem:$0x7B6];
	_ =	sdelay $0x2  }
0x97: {  	s2 =	sadd.s32 s0, s2  }
0x98: {  	[smem:$0x7B7] =	sst s2  }
0x99: {  	s2 =	sld [smem:$0x7B8];
	_ =	sdelay $0x2  }
0x9a: {  	s2 =	sadd.s32 s0, s2  }
0x9b: {  	[smem:$0x7B9] =	sst s2  }
0x9c: {  	s2 =	sld [smem:$0x7BA];
	_ =	sdelay $0x2  }
0x9d: {  	s2 =	sadd.s32 s0, s2  }
0x9e: {  	[smem:$0x7BB] =	sst s2  }
0x9f: {  	s2 =	sld [smem:$0x7BC];
	_ =	sdelay $0x2  }
0xa0: {  	s2 =	sadd.s32 s0, s2  }
0xa1: {  	[smem:$0x7BD] =	sst s2  }
0xa2: {  	s2 =	sld [smem:$0x7BE];
	_ =	sdelay $0x2  }
0xa3: {  	s2 =	sadd.s32 s0, s2  }
0xa4: {  	[smem:$0x7BF] =	sst s2  }
0xa5: {  	s2 =	sld [smem:$0x7C0];
	_ =	sdelay $0x2  }
0xa6: {  	s2 =	sadd.s32 s0, s2  }
0xa7: {  	[smem:$0x7C1] =	sst s2  }
0xa8: {  	s2 =	sld [smem:$0x7C2];
	_ =	sdelay $0x2  }
0xa9: {  	s2 =	sadd.s32 s0, s2  }
0xaa: {  	[smem:$0x7C3] =	sst s2  }
0xab: {  	s2 =	sld [smem:$0x7C4];
	_ =	sdelay $0x2  }
0xac: {  	s2 =	sadd.s32 s0, s2  }
0xad: {  	[smem:$0x7C5] =	sst s2  }
0xae: {  	s2 =	sld [smem:$0x7C6];
	_ =	sdelay $0x2  }
0xaf: {  	s2 =	sadd.s32 s0, s2  }
0xb0: {  	[smem:$0x7C7] =	sst s2  }
0xb1: {  	s2 =	sld [smem:$0x7C8];
	_ =	sdelay $0x2  }
0xb2: {  	s2 =	sadd.s32 s0, s2  }
0xb3: {  	[smem:$0x7C9] =	sst s2  }
0xb4: {  	s2 =	sld [smem:$0x7CA];
	_ =	sdelay $0x2  }
0xb5: {  	s2 =	sadd.s32 s0, s2  }
0xb6: {  	[smem:$0x7CB] =	sst s2  }
0xb7: {  	s2 =	sld [smem:$0x7CC];
	_ =	sdelay $0x2  }
0xb8: {  	s2 =	sadd.s32 s0, s2  }
0xb9: {  	[smem:$0x7CD] =	sst s2  }
0xba: {  	s2 =	sld [smem:$0x7CE];
	_ =	sdelay $0x2  }
0xbb: {  	s2 =	sadd.s32 s0, s2  }
0xbc: {  	[smem:$0x7CF] =	sst s2  }
0xbd: {  	s2 =	sld [smem:$0x7D0];
	_ =	sdelay $0x2  }
0xbe: {  	s2 =	sadd.s32 s0, s2  }
0xbf: {  	[smem:$0x7D1] =	sst s2  }
0xc0: {  	s2 =	sld [smem:$0x7D2];
	_ =	sdelay $0x2  }
0xc1: {  	s2 =	sadd.s32 s0, s2  }
0xc2: {  	[smem:$0x7D3] =	sst s2  }
0xc3: {  	s2 =	sld [smem:$0x7D4];
	_ =	sdelay $0x2  }
0xc4: {  	s2 =	sadd.s32 s0, s2  }
0xc5: {  	[smem:$0x7D5] =	sst s2  }
0xc6: {  	s2 =	sld [smem:$0x7D6];
	_ =	sdelay $0x2  }
0xc7: {  	s2 =	sadd.s32 s0, s2  }
0xc8: {  	[smem:$0x7D7] =	sst s2  }
0xc9: {  	s2 =	sld [smem:$0x7D8];
	_ =	sdelay $0x2  }
0xca: {  	s2 =	sadd.s32 s0, s2  }
0xcb: {  	[smem:$0x7D9] =	sst s2  }
0xcc: {  	s2 =	sld [smem:$0x7DA];
	_ =	sdelay $0x2  }
0xcd: {  	s2 =	sadd.s32 s0, s2  }
0xce: {  	[smem:$0x7DB] =	sst s2  }
0xcf: {  	s1 =	simm.s32 $0x0;
	s2 =	sld [smem:$0x7DC]  }
0xd0: {  	[smem:$0x7FF] =	sst s1  }
0xd1: {  	[smem:$0x79D] =	sst s31;
	s26 =	sadd.s32 s0, s26  }
0xd2: {  	[smem:$0x7EB] =	sst s26;
	s2 =	sadd.s32 s0, s2  }
0xd3: {  	[smem:$0x7DD] =	sst s2  }
0xd4: {  	s21 =	sadd.s32 s0, s21;
	s2 =	sld [smem:$0x7DE]  }
0xd5: {  	s17 =	sadd.s32 s0, s17;
	[smem:$0x7EF] =	sst s21  }
0xd6: {  	s26 =	sadd.s32 s0, s25;
	[smem:$0x7F4] =	sst s17  }
0xd7: {  	[smem:$0x7EC] =	sst s26;
	s2 =	sadd.s32 s0, s2  }
0xd8: {  	[smem:$0x7DF] =	sst s2  }
0xd9: {  	s25 =	sadd.s32 s0, s24;
	s2 =	sld [smem:$0x7E0]  }
0xda: {  	s24 =	sadd.s32 s0, s20;
	[smem:$0x7ED] =	sst s25  }
0xdb: {  	s20 =	sadd.s32 s0, s14;
	[smem:$0x7F1] =	sst s24  }
0xdc: {  	[smem:$0x7F7] =	sst s20;
	s2 =	sadd.s32 s0, s2  }
0xdd: {  	[smem:$0x7E1] =	sst s2  }
0xde: {  	s21 =	sadd.s32 s0, s13;
	s2 =	sld [smem:$0x7E2]  }
0xdf: {  	[smem:$0x7F8] =	sst s21  }
0xe0: {  	s26 =	sadd.s32 s0, s23;
	s23 =	sadd.s32 s0, s22;
	s22 =	sld [smem:$0x7FB]  }
0xe1: {  	[smem:$0x7EE] =	sst s26;
	s2 =	sadd.s32 s0, s2  }
0xe2: {  	[smem:$0x7E3] =	sst s2  }
0xe3: {  	s2 =	sld [smem:$0x7E4]  }
0xe4: {  	s25 =	sadd.s32 s0, s19;
	[smem:$0x7F0] =	sst s23  }
0xe5: {  	s19 =	sadd.s32 s0, s16;
	[smem:$0x7F2] =	sst s25  }
0xe6: {  	[smem:$0x7F6] =	sst s19;
	s2 =	sadd.s32 s0, s2  }
0xe7: {  	s31 =	sadd.s32 s0, s12;
	[smem:$0x7E5] =	sst s2  }
0xe8: {  	s6 =	sadd.s32 s0, s6;
	s26 =	sadd.s32 s0, s18;
	s2 =	sld [smem:$0x7E6]  }
0xe9: {  	s14 =	simm.s32 $0x1;
	s18 =	sadd.s32 s0, s15;
	[smem:$0x7F3] =	sst s26  }
0xea: {  	s17 =	simm.s32 $0x400;
	[smem:$0x7F5] =	sst s18;
	s26 =	sadd.s32 s0, s9  }
0xeb: {  	s9 =	sadd.s32 s0, s4;
	s4 =	sld [smem:$0x7FA];
	s2 =	sadd.s32 s0, s2  }
0xec: {  	s16 =	simm.s32 $0x80;
	[smem:$0x7E7] =	sst s2;
	s2 =	sadd.s32 s0, s30  }
0xed: {  	s20 =	simm.s32 $0x200;
	[smem:$0x7E8] =	sst s2;
	s2 =	sadd.s32 s0, s28  }
0xee: {  	s21 =	simm.s32 $0x10200;
	[smem:$0x7E9] =	sst s2;
	s2 =	sadd.s32 s0, s29  }
0xef: {  	s15 =	simm.s32 $0x2;
	s29 =	sadd.s32 s0, s7;
	[smem:$0x7EA] =	sst s2  }
0xf0: {  	s7 =	sadd.s32 s0, s5;
	s5 =	sld [smem:$0x7F9];
	_ =	strace $0x80000047  }
0xf1: {  	s19 =	simm.s32 $0x100;
	s18 =	simm.s32 $0x8200;
	s24 =	sld [smem:$0x7FC]  }
0xf2: {  	s30 =	sadd.s32 s0, s11;
	s28 =	sadd.s32 s0, s8;
	s8 =	sadd.s32 s0, s3  }
0xf3: {  	s2 =	sadd.s32 s0, s10;
	s0 =	sshrl.u32 s22, $0x3;
	s25 =	sld [smem:$0x7FD]  }
0xf4: {  	s22 =	simm.s32 $0x0;
	s23 =	rddreg [dreg:$0x1];
	s3 =	sshll.u32 s24, $0x4  }
0xf5: {  	v0 =	vlaneseq.u32;
	s0 =	sadd.s32 s0, s23;
	s10 =	sadd.s32 $0xA00, s23;
	s3 =	sadd.s32 s3, s23  }
0xf6: {  	v0 =	vmul.u32 $0x200, v0;
	s11 =	sadd.s32 $0x4A00, s0;
	s13 =	smax.u32 s25, $0x1;
	s12 =	sadd.s32 $0x5200, s3  }
.LBB2_1:
0xf7: {  	[tilespmem:s1], [sflag:$0x2] =	stream.linear.gather [hbm4b:s11+s1], $0x200, $0x38;
	[tilespmem:$0x18280] =	vst v63  }
0xf8: {  	_ =	swait.ge [sflag:s15], $0x200  }
0xf9: {  	[sflag:s15] =	ssyncset.done $0x0  }
0xfa: {  	[sflag:s15] =	ssyncadd.s32 $0xFFFFFE00  }
0xfb: {  	[tilespmem:s18], [sflag:$0x1] =	stream.strided.gather [hbm4b:s4+s16], $0x200, s17, s16, $0x38;
	[tilespmem:$0x18280] =	vst v63  }
0xfc: {  	s0 =	simm.s32 $0x8400;
	s23 =	rddreg [dreg:$0x3]  }
0xfd: {  	[tilespmem:s0], [sflag:$0x1] =	stream.strided.gather [hbm4b:s5+s16], $0x200, s17, s16, $0x38;
	[tilespmem:$0x18280] =	vst v63  }
0xfe: {  	s3 =	simm.s32 $0x8600;
	s24 =	rddreg [dreg:$0x4]  }
0xff: {  	[tilespmem:s3], [sflag:$0x1] =	stream.strided.gather [hbm4b:s23+s16], $0x200, s17, s16, $0x38;
	[tilespmem:$0x18280] =	vst v63  }
0x100: {  	s25 =	simm.s32 $0x8800;
	s3 =	rddreg [dreg:$0x5]  }
0x101: {  	[tilespmem:s25], [sflag:$0x1] =	stream.strided.gather [hbm4b:s24+s16], $0x200, s17, s16, $0x38;
	[tilespmem:$0x18280] =	vst v63  }
0x102: {  	s23 =	simm.s32 $0x8A00;
	s24 =	rddreg [dreg:$0x6]  }
0x103: {  	[tilespmem:s23], [sflag:$0x1] =	stream.strided.gather [hbm4b:s3+s16], $0x200, s17, s16, $0x38;
	[tilespmem:$0x18280] =	vst v63  }
0x104: {  	s25 =	simm.s32 $0x8C00;
	s3 =	rddreg [dreg:$0x7]  }
0x105: {  	[tilespmem:s25], [sflag:$0x1] =	stream.strided.gather [hbm4b:s24+s16], $0x200, s17, s16, $0x38;
	[tilespmem:$0x18280] =	vst v63  }
0x106: {  	s23 =	simm.s32 $0x8E00;
	s24 =	rddreg [dreg:$0x8]  }
0x107: {  	[tilespmem:s23], [sflag:$0x1] =	stream.strided.gather [hbm4b:s3+s16], $0x200, s17, s16, $0x38;
	[tilespmem:$0x18280] =	vst v63  }
0x108: {  	s25 =	simm.s32 $0x9000;
	s3 =	rddreg [dreg:$0x9]  }
0x109: {  	[tilespmem:s25], [sflag:$0x1] =	stream.strided.gather [hbm4b:s24+s16], $0x200, s17, s16, $0x38;
	[tilespmem:$0x18280] =	vst v63  }
0x10a: {  	s23 =	simm.s32 $0x9200;
	s24 =	rddreg [dreg:$0xa]  }
0x10b: {  	[tilespmem:s23], [sflag:$0x1] =	stream.strided.gather [hbm4b:s3+s16], $0x200, s17, s16, $0x38;
	[tilespmem:$0x18280] =	vst v63  }
0x10c: {  	s25 =	simm.s32 $0x9400;
	s3 =	rddreg [dreg:$0xb]  }
0x10d: {  	[tilespmem:s25], [sflag:$0x1] =	stream.strided.gather [hbm4b:s24+s16], $0x200, s17, s16, $0x38;
	[tilespmem:$0x18280] =	vst v63  }
0x10e: {  	s23 =	simm.s32 $0x9600;
	s24 =	rddreg [dreg:$0xc]  }
0x10f: {  	[tilespmem:s23], [sflag:$0x1] =	stream.strided.gather [hbm4b:s3+s16], $0x200, s17, s16, $0x38;
	[tilespmem:$0x18280] =	vst v63  }
0x110: {  	s25 =	simm.s32 $0x9800;
	s3 =	rddreg [dreg:$0xd]  }
0x111: {  	[tilespmem:s25], [sflag:$0x1] =	stream.strided.gather [hbm4b:s24+s16], $0x200, s17, s16, $0x38;
	[tilespmem:$0x18280] =	vst v63  }
0x112: {  	s23 =	simm.s32 $0x9A00;
	s24 =	rddreg [dreg:$0xe]  }
0x113: {  	[tilespmem:s23], [sflag:$0x1] =	stream.strided.gather [hbm4b:s3+s16], $0x200, s17, s16, $0x38;
	[tilespmem:$0x18280] =	vst v63  }
0x114: {  	s25 =	simm.s32 $0x9C00;
	s3 =	rddreg [dreg:$0xf]  }
0x115: {  	[tilespmem:s25], [sflag:$0x1] =	stream.strided.gather [hbm4b:s24+s16], $0x200, s17, s16, $0x38;
	[tilespmem:$0x18280] =	vst v63  }
0x116: {  	s23 =	simm.s32 $0x9E00;
	s24 =	rddreg [dreg:$0x10]  }
0x117: {  	[tilespmem:s23], [sflag:$0x1] =	stream.strided.gather [hbm4b:s3+s16], $0x200, s17, s16, $0x38;
	[tilespmem:$0x18280] =	vst v63  }
0x118: {  	s25 =	simm.s32 $0xA000;
	s3 =	rddreg [dreg:$0x11]  }
0x119: {  	[tilespmem:s25], [sflag:$0x1] =	stream.strided.gather [hbm4b:s24+s16], $0x200, s17, s16, $0x38;
	[tilespmem:$0x18280] =	vst v63  }
0x11a: {  	s23 =	simm.s32 $0xA200;
	s24 =	rddreg [dreg:$0x12]  }
0x11b: {  	[tilespmem:s23], [sflag:$0x1] =	stream.strided.gather [hbm4b:s3+s16], $0x200, s17, s16, $0x38;
	[tilespmem:$0x18280] =	vst v63  }
0x11c: {  	s25 =	simm.s32 $0xA400;
	s3 =	rddreg [dreg:$0x13]  }
0x11d: {  	[tilespmem:s25], [sflag:$0x1] =	stream.strided.gather [hbm4b:s24+s16], $0x200, s17, s16, $0x38;
	[tilespmem:$0x18280] =	vst v63  }
0x11e: {  	s23 =	simm.s32 $0xA600;
	s24 =	rddreg [dreg:$0x14]  }
0x11f: {  	[tilespmem:s23], [sflag:$0x1] =	stream.strided.gather [hbm4b:s3+s16], $0x200, s17, s16, $0x38;
	[tilespmem:$0x18280] =	vst v63  }
0x120: {  	s25 =	simm.s32 $0xA800;
	s3 =	rddreg [dreg:$0x15]  }
0x121: {  	[tilespmem:s25], [sflag:$0x1] =	stream.strided.gather [hbm4b:s24+s16], $0x200, s17, s16, $0x38;
	[tilespmem:$0x18280] =	vst v63  }
0x122: {  	s23 =	simm.s32 $0xAA00;
	s24 =	rddreg [dreg:$0x16]  }
0x123: {  	[tilespmem:s23], [sflag:$0x1] =	stream.strided.gather [hbm4b:s3+s16], $0x200, s17, s16, $0x38;
	[tilespmem:$0x18280] =	vst v63  }
0x124: {  	s25 =	simm.s32 $0xAC00;
	s3 =	rddreg [dreg:$0x17]  }
0x125: {  	[tilespmem:s25], [sflag:$0x1] =	stream.strided.gather [hbm4b:s24+s16], $0x200, s17, s16, $0x38;
	[tilespmem:$0x18280] =	vst v63  }
0x126: {  	s23 =	simm.s32 $0xAE00;
	s24 =	rddreg [dreg:$0x18]  }
0x127: {  	[tilespmem:s23], [sflag:$0x1] =	stream.strided.gather [hbm4b:s3+s16], $0x200, s17, s16, $0x38;
	[tilespmem:$0x18280] =	vst v63  }
0x128: {  	s25 =	simm.s32 $0xB000;
	s3 =	rddreg [dreg:$0x19]  }
0x129: {  	[tilespmem:s25], [sflag:$0x1] =	stream.strided.gather [hbm4b:s24+s16], $0x200, s17, s16, $0x38;
	[tilespmem:$0x18280] =	vst v63  }
0x12a: {  	s23 =	simm.s32 $0xB200;
	s24 =	rddreg [dreg:$0x1a]  }
0x12b: {  	[tilespmem:s23], [sflag:$0x1] =	stream.strided.gather [hbm4b:s3+s16], $0x200, s17, s16, $0x38;
	[tilespmem:$0x18280] =	vst v63  }
0x12c: {  	s25 =	simm.s32 $0xB400;
	s3 =	rddreg [dreg:$0x1b]  }
0x12d: {  	[tilespmem:s25], [sflag:$0x1] =	stream.strided.gather [hbm4b:s24+s16], $0x200, s17, s16, $0x38;
	[tilespmem:$0x18280] =	vst v63  }
0x12e: {  	s23 =	simm.s32 $0xB600;
	s24 =	rddreg [dreg:$0x1c]  }
0x12f: {  	[tilespmem:s23], [sflag:$0x1] =	stream.strided.gather [hbm4b:s3+s16], $0x200, s17, s16, $0x38;
	[tilespmem:$0x18280] =	vst v63  }
0x130: {  	s25 =	simm.s32 $0xB800;
	s3 =	rddreg [dreg:$0x1d]  }
0x131: {  	[tilespmem:s25], [sflag:$0x1] =	stream.strided.gather [hbm4b:s24+s16], $0x200, s17, s16, $0x38;
	[tilespmem:$0x18280] =	vst v63  }
0x132: {  	s23 =	simm.s32 $0xBA00;
	s24 =	rddreg [dreg:$0x1e]  }
0x133: {  	[tilespmem:s23], [sflag:$0x1] =	stream.strided.gather [hbm4b:s3+s16], $0x200, s17, s16, $0x38;
	[tilespmem:$0x18280] =	vst v63  }
0x134: {  	s25 =	simm.s32 $0xBC00;
	s3 =	rddreg [dreg:$0x1f]  }
0x135: {  	[tilespmem:s25], [sflag:$0x1] =	stream.strided.gather [hbm4b:s24+s16], $0x200, s17, s16, $0x38;
	[tilespmem:$0x18280] =	vst v63  }
0x136: {  	s23 =	simm.s32 $0xBE00;
	s24 =	sld [smem:$0x77E]  }
0x137: {  	[tilespmem:s23], [sflag:$0x1] =	stream.strided.gather [hbm4b:s3+s16], $0x200, s17, s16, $0x38;
	[tilespmem:$0x18280] =	vst v63  }
0x138: {  	s25 =	simm.s32 $0xC000;
	s3 =	sld [smem:$0x77F]  }
0x139: {  	[tilespmem:s25], [sflag:$0x1] =	stream.strided.gather [hbm4b:s24+s16], $0x200, s17, s16, $0x38;
	[tilespmem:$0x18280] =	vst v63  }
0x13a: {  	s23 =	simm.s32 $0xC200;
	s24 =	sld [smem:$0x780]  }
0x13b: {  	[tilespmem:s23], [sflag:$0x1] =	stream.strided.gather [hbm4b:s3+s16], $0x200, s17, s16, $0x38;
	[tilespmem:$0x18280] =	vst v63  }
0x13c: {  	s25 =	simm.s32 $0xC400;
	s3 =	sld [smem:$0x781]  }
0x13d: {  	[tilespmem:s25], [sflag:$0x1] =	stream.strided.gather [hbm4b:s24+s16], $0x200, s17, s16, $0x38;
	[tilespmem:$0x18280] =	vst v63  }
0x13e: {  	s23 =	simm.s32 $0xC600;
	s24 =	sld [smem:$0x782]  }
0x13f: {  	[tilespmem:s23], [sflag:$0x1] =	stream.strided.gather [hbm4b:s3+s16], $0x200, s17, s16, $0x38;
	[tilespmem:$0x18280] =	vst v63  }
0x140: {  	s25 =	simm.s32 $0xC800;
	s3 =	sld [smem:$0x783]  }
0x141: {  	[tilespmem:s25], [sflag:$0x1] =	stream.strided.gather [hbm4b:s24+s16], $0x200, s17, s16, $0x38;
	[tilespmem:$0x18280] =	vst v63  }
0x142: {  	s23 =	simm.s32 $0xCA00;
	s24 =	sld [smem:$0x784]  }
0x143: {  	[tilespmem:s23], [sflag:$0x1] =	stream.strided.gather [hbm4b:s3+s16], $0x200, s17, s16, $0x38;
	[tilespmem:$0x18280] =	vst v63  }
0x144: {  	s25 =	simm.s32 $0xCC00;
	s3 =	sld [smem:$0x785]  }
0x145: {  	[tilespmem:s25], [sflag:$0x1] =	stream.strided.gather [hbm4b:s24+s16], $0x200, s17, s16, $0x38;
	[tilespmem:$0x18280] =	vst v63  }
0x146: {  	s23 =	simm.s32 $0xCE00;
	s24 =	sld [smem:$0x786]  }
0x147: {  	[tilespmem:s23], [sflag:$0x1] =	stream.strided.gather [hbm4b:s3+s16], $0x200, s17, s16, $0x38;
	[tilespmem:$0x18280] =	vst v63  }
0x148: {  	s25 =	simm.s32 $0xD000;
	s3 =	sld [smem:$0x787]  }
0x149: {  	[tilespmem:s25], [sflag:$0x1] =	stream.strided.gather [hbm4b:s24+s16], $0x200, s17, s16, $0x38;
	[tilespmem:$0x18280] =	vst v63  }
0x14a: {  	s23 =	simm.s32 $0xD200;
	s24 =	sld [smem:$0x788]  }
0x14b: {  	[tilespmem:s23], [sflag:$0x1] =	stream.strided.gather [hbm4b:s3+s16], $0x200, s17, s16, $0x38;
	[tilespmem:$0x18280] =	vst v63  }
0x14c: {  	s25 =	simm.s32 $0xD400;
	s3 =	sld [smem:$0x789]  }
0x14d: {  	[tilespmem:s25], [sflag:$0x1] =	stream.strided.gather [hbm4b:s24+s16], $0x200, s17, s16, $0x38;
	[tilespmem:$0x18280] =	vst v63  }
0x14e: {  	s23 =	simm.s32 $0xD600;
	s24 =	sld [smem:$0x78A]  }
0x14f: {  	[tilespmem:s23], [sflag:$0x1] =	stream.strided.gather [hbm4b:s3+s16], $0x200, s17, s16, $0x38;
	[tilespmem:$0x18280] =	vst v63  }
0x150: {  	s25 =	simm.s32 $0xD800;
	s3 =	sld [smem:$0x78B]  }
0x151: {  	[tilespmem:s25], [sflag:$0x1] =	stream.strided.gather [hbm4b:s24+s16], $0x200, s17, s16, $0x38;
	[tilespmem:$0x18280] =	vst v63  }
0x152: {  	s23 =	simm.s32 $0xDA00;
	s24 =	sld [smem:$0x78C]  }
0x153: {  	[tilespmem:s23], [sflag:$0x1] =	stream.strided.gather [hbm4b:s3+s16], $0x200, s17, s16, $0x38;
	[tilespmem:$0x18280] =	vst v63  }
0x154: {  	s25 =	simm.s32 $0xDC00;
	s3 =	sld [smem:$0x78D]  }
0x155: {  	[tilespmem:s25], [sflag:$0x1] =	stream.strided.gather [hbm4b:s24+s16], $0x200, s17, s16, $0x38;
	[tilespmem:$0x18280] =	vst v63  }
0x156: {  	s23 =	simm.s32 $0xDE00;
	s24 =	sld [smem:$0x78E]  }
0x157: {  	[tilespmem:s23], [sflag:$0x1] =	stream.strided.gather [hbm4b:s3+s16], $0x200, s17, s16, $0x38;
	[tilespmem:$0x18280] =	vst v63  }
0x158: {  	s25 =	simm.s32 $0xE000;
	s3 =	sld [smem:$0x78F]  }
0x159: {  	[tilespmem:s25], [sflag:$0x1] =	stream.strided.gather [hbm4b:s24+s16], $0x200, s17, s16, $0x38;
	[tilespmem:$0x18280] =	vst v63  }
0x15a: {  	s23 =	simm.s32 $0xE200;
	s24 =	sld [smem:$0x790]  }
0x15b: {  	[tilespmem:s23], [sflag:$0x1] =	stream.strided.gather [hbm4b:s3+s16], $0x200, s17, s16, $0x38;
	[tilespmem:$0x18280] =	vst v63  }
0x15c: {  	s25 =	simm.s32 $0xE400;
	s3 =	sld [smem:$0x791]  }
0x15d: {  	[tilespmem:s25], [sflag:$0x1] =	stream.strided.gather [hbm4b:s24+s16], $0x200, s17, s16, $0x38;
	[tilespmem:$0x18280] =	vst v63  }
0x15e: {  	s23 =	simm.s32 $0xE600;
	s24 =	sld [smem:$0x792]  }
0x15f: {  	[tilespmem:s23], [sflag:$0x1] =	stream.strided.gather [hbm4b:s3+s16], $0x200, s17, s16, $0x38;
	[tilespmem:$0x18280] =	vst v63  }
0x160: {  	s25 =	simm.s32 $0xE800;
	s3 =	sld [smem:$0x793]  }
0x161: {  	[tilespmem:s25], [sflag:$0x1] =	stream.strided.gather [hbm4b:s24+s16], $0x200, s17, s16, $0x38;
	[tilespmem:$0x18280] =	vst v63  }
0x162: {  	s23 =	simm.s32 $0xEA00;
	s24 =	sld [smem:$0x794]  }
0x163: {  	[tilespmem:s23], [sflag:$0x1] =	stream.strided.gather [hbm4b:s3+s16], $0x200, s17, s16, $0x38;
	[tilespmem:$0x18280] =	vst v63  }
0x164: {  	s25 =	simm.s32 $0xEC00;
	s3 =	sld [smem:$0x795]  }
0x165: {  	[tilespmem:s25], [sflag:$0x1] =	stream.strided.gather [hbm4b:s24+s16], $0x200, s17, s16, $0x38;
	[tilespmem:$0x18280] =	vst v63  }
0x166: {  	s23 =	simm.s32 $0xEE00;
	s24 =	sld [smem:$0x796]  }
0x167: {  	[tilespmem:s23], [sflag:$0x1] =	stream.strided.gather [hbm4b:s3+s16], $0x200, s17, s16, $0x38;
	[tilespmem:$0x18280] =	vst v63  }
0x168: {  	s25 =	simm.s32 $0xF000;
	s3 =	sld [smem:$0x797]  }
0x169: {  	[tilespmem:s25], [sflag:$0x1] =	stream.strided.gather [hbm4b:s24+s16], $0x200, s17, s16, $0x38;
	[tilespmem:$0x18280] =	vst v63  }
0x16a: {  	s23 =	simm.s32 $0xF200;
	s24 =	sld [smem:$0x798]  }
0x16b: {  	[tilespmem:s23], [sflag:$0x1] =	stream.strided.gather [hbm4b:s3+s16], $0x200, s17, s16, $0x38;
	[tilespmem:$0x18280] =	vst v63  }
0x16c: {  	s25 =	simm.s32 $0xF400;
	s3 =	sld [smem:$0x799]  }
0x16d: {  	[tilespmem:s25], [sflag:$0x1] =	stream.strided.gather [hbm4b:s24+s16], $0x200, s17, s16, $0x38;
	[tilespmem:$0x18280] =	vst v63  }
0x16e: {  	s23 =	simm.s32 $0xF600;
	s24 =	sld [smem:$0x79A]  }
0x16f: {  	[tilespmem:s23], [sflag:$0x1] =	stream.strided.gather [hbm4b:s3+s16], $0x200, s17, s16, $0x38;
	[tilespmem:$0x18280] =	vst v63  }
0x170: {  	s25 =	simm.s32 $0xF800;
	s3 =	sld [smem:$0x79B]  }
0x171: {  	[tilespmem:s25], [sflag:$0x1] =	stream.strided.gather [hbm4b:s24+s16], $0x200, s17, s16, $0x38;
	[tilespmem:$0x18280] =	vst v63  }
0x172: {  	s23 =	simm.s32 $0xFA00;
	s24 =	sld [smem:$0x79C]  }
0x173: {  	[tilespmem:s23], [sflag:$0x1] =	stream.strided.gather [hbm4b:s3+s16], $0x200, s17, s16, $0x38;
	[tilespmem:$0x18280] =	vst v63  }
0x174: {  	s25 =	simm.s32 $0xFC00;
	s3 =	sld [smem:$0x79D]  }
0x175: {  	[tilespmem:s25], [sflag:$0x1] =	stream.strided.gather [hbm4b:s24+s16], $0x200, s17, s16, $0x38;
	[tilespmem:$0x18280] =	vst v63  }
0x176: {  	s23 =	simm.s32 $0xFE00;
	s24 =	sld [smem:$0x79E]  }
0x177: {  	[tilespmem:s23], [sflag:$0x1] =	stream.strided.gather [hbm4b:s3+s16], $0x200, s17, s16, $0x38;
	[tilespmem:$0x18280] =	vst v63  }
0x178: {  	s25 =	simm.s32 $0x10000  }
0x179: {  	[tilespmem:s25], [sflag:$0x1] =	stream.strided.gather [hbm4b:s24+s16], $0x200, s17, s16, $0x38;
	[tilespmem:$0x18280] =	vst v63  }
0x17a: {  	_ =	swait.ge [sflag:s14], $0x200  }
0x17b: {  	[sflag:s14] =	ssyncset.done $0x0  }
0x17c: {  	[sflag:s14] =	ssyncadd.s32 $0xFFFFFE00  }
0x17d: {  	_ =	swait.ge [sflag:s14], $0x200  }
0x17e: {  	[sflag:s14] =	ssyncset.done $0x0  }
0x17f: {  	[sflag:s14] =	ssyncadd.s32 $0xFFFFFE00  }
0x180: {  	_ =	swait.ge [sflag:s14], $0x200  }
0x181: {  	[sflag:s14] =	ssyncset.done $0x0  }
0x182: {  	[sflag:s14] =	ssyncadd.s32 $0xFFFFFE00  }
0x183: {  	_ =	swait.ge [sflag:s14], $0x200  }
0x184: {  	[sflag:s14] =	ssyncset.done $0x0  }
0x185: {  	[sflag:s14] =	ssyncadd.s32 $0xFFFFFE00  }
0x186: {  	_ =	swait.ge [sflag:s14], $0x200  }
0x187: {  	[sflag:s14] =	ssyncset.done $0x0  }
0x188: {  	[sflag:s14] =	ssyncadd.s32 $0xFFFFFE00  }
0x189: {  	_ =	swait.ge [sflag:s14], $0x200  }
0x18a: {  	[sflag:s14] =	ssyncset.done $0x0  }
0x18b: {  	[sflag:s14] =	ssyncadd.s32 $0xFFFFFE00  }
0x18c: {  	_ =	swait.ge [sflag:s14], $0x200  }
0x18d: {  	[sflag:s14] =	ssyncset.done $0x0  }
0x18e: {  	[sflag:s14] =	ssyncadd.s32 $0xFFFFFE00  }
0x18f: {  	_ =	swait.ge [sflag:s14], $0x200  }
0x190: {  	[sflag:s14] =	ssyncset.done $0x0  }
0x191: {  	[sflag:s14] =	ssyncadd.s32 $0xFFFFFE00  }
0x192: {  	_ =	swait.ge [sflag:s14], $0x200  }
0x193: {  	[sflag:s14] =	ssyncset.done $0x0  }
0x194: {  	[sflag:s14] =	ssyncadd.s32 $0xFFFFFE00  }
0x195: {  	_ =	swait.ge [sflag:s14], $0x200  }
0x196: {  	[sflag:s14] =	ssyncset.done $0x0  }
0x197: {  	[sflag:s14] =	ssyncadd.s32 $0xFFFFFE00  }
0x198: {  	_ =	swait.ge [sflag:s14], $0x200  }
0x199: {  	[sflag:s14] =	ssyncset.done $0x0  }
0x19a: {  	[sflag:s14] =	ssyncadd.s32 $0xFFFFFE00  }
0x19b: {  	_ =	swait.ge [sflag:s14], $0x200  }
0x19c: {  	[sflag:s14] =	ssyncset.done $0x0  }
0x19d: {  	[sflag:s14] =	ssyncadd.s32 $0xFFFFFE00  }
0x19e: {  	_ =	swait.ge [sflag:s14], $0x200  }
0x19f: {  	[sflag:s14] =	ssyncset.done $0x0  }
0x1a0: {  	[sflag:s14] =	ssyncadd.s32 $0xFFFFFE00  }
0x1a1: {  	_ =	swait.ge [sflag:s14], $0x200  }
0x1a2: {  	[sflag:s14] =	ssyncset.done $0x0  }
0x1a3: {  	[sflag:s14] =	ssyncadd.s32 $0xFFFFFE00  }
0x1a4: {  	_ =	swait.ge [sflag:s14], $0x200  }
0x1a5: {  	[sflag:s14] =	ssyncset.done $0x0  }
0x1a6: {  	[sflag:s14] =	ssyncadd.s32 $0xFFFFFE00  }
0x1a7: {  	_ =	swait.ge [sflag:s14], $0x200  }
0x1a8: {  	[sflag:s14] =	ssyncset.done $0x0  }
0x1a9: {  	[sflag:s14] =	ssyncadd.s32 $0xFFFFFE00  }
0x1aa: {  	_ =	swait.ge [sflag:s14], $0x200  }
0x1ab: {  	[sflag:s14] =	ssyncset.done $0x0  }
0x1ac: {  	[sflag:s14] =	ssyncadd.s32 $0xFFFFFE00  }
0x1ad: {  	_ =	swait.ge [sflag:s14], $0x200  }
0x1ae: {  	[sflag:s14] =	ssyncset.done $0x0  }
0x1af: {  	[sflag:s14] =	ssyncadd.s32 $0xFFFFFE00  }
0x1b0: {  	_ =	swait.ge [sflag:s14], $0x200  }
0x1b1: {  	[sflag:s14] =	ssyncset.done $0x0  }
0x1b2: {  	[sflag:s14] =	ssyncadd.s32 $0xFFFFFE00  }
0x1b3: {  	_ =	swait.ge [sflag:s14], $0x200  }
0x1b4: {  	[sflag:s14] =	ssyncset.done $0x0  }
0x1b5: {  	[sflag:s14] =	ssyncadd.s32 $0xFFFFFE00  }
0x1b6: {  	_ =	swait.ge [sflag:s14], $0x200  }
0x1b7: {  	[sflag:s14] =	ssyncset.done $0x0  }
0x1b8: {  	[sflag:s14] =	ssyncadd.s32 $0xFFFFFE00  }
0x1b9: {  	_ =	swait.ge [sflag:s14], $0x200  }
0x1ba: {  	[sflag:s14] =	ssyncset.done $0x0  }
0x1bb: {  	[sflag:s14] =	ssyncadd.s32 $0xFFFFFE00  }
0x1bc: {  	_ =	swait.ge [sflag:s14], $0x200  }
0x1bd: {  	[sflag:s14] =	ssyncset.done $0x0  }
0x1be: {  	[sflag:s14] =	ssyncadd.s32 $0xFFFFFE00  }
0x1bf: {  	_ =	swait.ge [sflag:s14], $0x200  }
0x1c0: {  	[sflag:s14] =	ssyncset.done $0x0  }
0x1c1: {  	[sflag:s14] =	ssyncadd.s32 $0xFFFFFE00  }
0x1c2: {  	_ =	swait.ge [sflag:s14], $0x200  }
0x1c3: {  	[sflag:s14] =	ssyncset.done $0x0  }
0x1c4: {  	[sflag:s14] =	ssyncadd.s32 $0xFFFFFE00  }
0x1c5: {  	_ =	swait.ge [sflag:s14], $0x200  }
0x1c6: {  	[sflag:s14] =	ssyncset.done $0x0  }
0x1c7: {  	[sflag:s14] =	ssyncadd.s32 $0xFFFFFE00  }
0x1c8: {  	_ =	swait.ge [sflag:s14], $0x200  }
0x1c9: {  	[sflag:s14] =	ssyncset.done $0x0  }
0x1ca: {  	[sflag:s14] =	ssyncadd.s32 $0xFFFFFE00  }
0x1cb: {  	_ =	swait.ge [sflag:s14], $0x200  }
0x1cc: {  	[sflag:s14] =	ssyncset.done $0x0  }
0x1cd: {  	[sflag:s14] =	ssyncadd.s32 $0xFFFFFE00  }
0x1ce: {  	_ =	swait.ge [sflag:s14], $0x200  }
0x1cf: {  	[sflag:s14] =	ssyncset.done $0x0  }
0x1d0: {  	[sflag:s14] =	ssyncadd.s32 $0xFFFFFE00  }
0x1d1: {  	_ =	swait.ge [sflag:s14], $0x200  }
0x1d2: {  	[sflag:s14] =	ssyncset.done $0x0  }
0x1d3: {  	[sflag:s14] =	ssyncadd.s32 $0xFFFFFE00  }
0x1d4: {  	_ =	swait.ge [sflag:s14], $0x200  }
0x1d5: {  	[sflag:s14] =	ssyncset.done $0x0  }
0x1d6: {  	[sflag:s14] =	ssyncadd.s32 $0xFFFFFE00  }
0x1d7: {  	_ =	swait.ge [sflag:s14], $0x200  }
0x1d8: {  	[sflag:s14] =	ssyncset.done $0x0  }
0x1d9: {  	[sflag:s14] =	ssyncadd.s32 $0xFFFFFE00  }
0x1da: {  	_ =	swait.ge [sflag:s14], $0x200  }
0x1db: {  	[sflag:s14] =	ssyncset.done $0x0  }
0x1dc: {  	[sflag:s14] =	ssyncadd.s32 $0xFFFFFE00  }
0x1dd: {  	_ =	swait.ge [sflag:s14], $0x200  }
0x1de: {  	[sflag:s14] =	ssyncset.done $0x0  }
0x1df: {  	[sflag:s14] =	ssyncadd.s32 $0xFFFFFE00  }
0x1e0: {  	_ =	swait.ge [sflag:s14], $0x200  }
0x1e1: {  	[sflag:s14] =	ssyncset.done $0x0  }
0x1e2: {  	[sflag:s14] =	ssyncadd.s32 $0xFFFFFE00  }
0x1e3: {  	_ =	swait.ge [sflag:s14], $0x200  }
0x1e4: {  	[sflag:s14] =	ssyncset.done $0x0  }
0x1e5: {  	[sflag:s14] =	ssyncadd.s32 $0xFFFFFE00  }
0x1e6: {  	_ =	swait.ge [sflag:s14], $0x200  }
0x1e7: {  	[sflag:s14] =	ssyncset.done $0x0  }
0x1e8: {  	[sflag:s14] =	ssyncadd.s32 $0xFFFFFE00  }
0x1e9: {  	_ =	swait.ge [sflag:s14], $0x200  }
0x1ea: {  	[sflag:s14] =	ssyncset.done $0x0  }
0x1eb: {  	[sflag:s14] =	ssyncadd.s32 $0xFFFFFE00  }
0x1ec: {  	_ =	swait.ge [sflag:s14], $0x200  }
0x1ed: {  	[sflag:s14] =	ssyncset.done $0x0  }
0x1ee: {  	[sflag:s14] =	ssyncadd.s32 $0xFFFFFE00  }
0x1ef: {  	_ =	swait.ge [sflag:s14], $0x200  }
0x1f0: {  	[sflag:s14] =	ssyncset.done $0x0  }
0x1f1: {  	[sflag:s14] =	ssyncadd.s32 $0xFFFFFE00  }
0x1f2: {  	_ =	swait.ge [sflag:s14], $0x200  }
0x1f3: {  	[sflag:s14] =	ssyncset.done $0x0  }
0x1f4: {  	[sflag:s14] =	ssyncadd.s32 $0xFFFFFE00  }
0x1f5: {  	_ =	swait.ge [sflag:s14], $0x200  }
0x1f6: {  	[sflag:s14] =	ssyncset.done $0x0  }
0x1f7: {  	[sflag:s14] =	ssyncadd.s32 $0xFFFFFE00  }
0x1f8: {  	_ =	swait.ge [sflag:s14], $0x200  }
0x1f9: {  	[sflag:s14] =	ssyncset.done $0x0  }
0x1fa: {  	[sflag:s14] =	ssyncadd.s32 $0xFFFFFE00  }
0x1fb: {  	_ =	swait.ge [sflag:s14], $0x200  }
0x1fc: {  	[sflag:s14] =	ssyncset.done $0x0  }
0x1fd: {  	[sflag:s14] =	ssyncadd.s32 $0xFFFFFE00  }
0x1fe: {  	_ =	swait.ge [sflag:s14], $0x200  }
0x1ff: {  	[sflag:s14] =	ssyncset.done $0x0  }
0x200: {  	[sflag:s14] =	ssyncadd.s32 $0xFFFFFE00  }
0x201: {  	_ =	swait.ge [sflag:s14], $0x200  }
0x202: {  	[sflag:s14] =	ssyncset.done $0x0  }
0x203: {  	[sflag:s14] =	ssyncadd.s32 $0xFFFFFE00  }
0x204: {  	_ =	swait.ge [sflag:s14], $0x200  }
0x205: {  	[sflag:s14] =	ssyncset.done $0x0  }
0x206: {  	[sflag:s14] =	ssyncadd.s32 $0xFFFFFE00  }
0x207: {  	_ =	swait.ge [sflag:s14], $0x200  }
0x208: {  	[sflag:s14] =	ssyncset.done $0x0  }
0x209: {  	[sflag:s14] =	ssyncadd.s32 $0xFFFFFE00  }
0x20a: {  	_ =	swait.ge [sflag:s14], $0x200  }
0x20b: {  	[sflag:s14] =	ssyncset.done $0x0  }
0x20c: {  	[sflag:s14] =	ssyncadd.s32 $0xFFFFFE00  }
0x20d: {  	_ =	swait.ge [sflag:s14], $0x200  }
0x20e: {  	[sflag:s14] =	ssyncset.done $0x0  }
0x20f: {  	[sflag:s14] =	ssyncadd.s32 $0xFFFFFE00  }
0x210: {  	_ =	swait.ge [sflag:s14], $0x200  }
0x211: {  	[sflag:s14] =	ssyncset.done $0x0  }
0x212: {  	[sflag:s14] =	ssyncadd.s32 $0xFFFFFE00  }
0x213: {  	_ =	swait.ge [sflag:s14], $0x200  }
0x214: {  	[sflag:s14] =	ssyncset.done $0x0  }
0x215: {  	[sflag:s14] =	ssyncadd.s32 $0xFFFFFE00  }
0x216: {  	_ =	swait.ge [sflag:s14], $0x200  }
0x217: {  	[sflag:s14] =	ssyncset.done $0x0  }
0x218: {  	[sflag:s14] =	ssyncadd.s32 $0xFFFFFE00  }
0x219: {  	_ =	swait.ge [sflag:s14], $0x200  }
0x21a: {  	[sflag:s14] =	ssyncset.done $0x0  }
0x21b: {  	[sflag:s14] =	ssyncadd.s32 $0xFFFFFE00  }
0x21c: {  	_ =	swait.ge [sflag:s14], $0x200  }
0x21d: {  	[sflag:s14] =	ssyncset.done $0x0  }
0x21e: {  	[sflag:s14] =	ssyncadd.s32 $0xFFFFFE00  }
0x21f: {  	_ =	swait.ge [sflag:s14], $0x200  }
0x220: {  	[sflag:s14] =	ssyncset.done $0x0  }
0x221: {  	[sflag:s14] =	ssyncadd.s32 $0xFFFFFE00  }
0x222: {  	_ =	swait.ge [sflag:s14], $0x200  }
0x223: {  	[sflag:s14] =	ssyncset.done $0x0  }
0x224: {  	[sflag:s14] =	ssyncadd.s32 $0xFFFFFE00  }
0x225: {  	_ =	swait.ge [sflag:s14], $0x200  }
0x226: {  	[sflag:s14] =	ssyncset.done $0x0  }
0x227: {  	[sflag:s14] =	ssyncadd.s32 $0xFFFFFE00  }
0x228: {  	_ =	swait.ge [sflag:s14], $0x200  }
0x229: {  	[sflag:s14] =	ssyncset.done $0x0  }
0x22a: {  	[sflag:s14] =	ssyncadd.s32 $0xFFFFFE00  }
0x22b: {  	_ =	swait.ge [sflag:s14], $0x200  }
0x22c: {  	[sflag:s14] =	ssyncset.done $0x0  }
0x22d: {  	[sflag:s14] =	ssyncadd.s32 $0xFFFFFE00  }
0x22e: {  	_ =	swait.ge [sflag:s14], $0x200  }
0x22f: {  	[sflag:s14] =	ssyncset.done $0x0  }
0x230: {  	[sflag:s14] =	ssyncadd.s32 $0xFFFFFE00  }
0x231: {  	_ =	swait.ge [sflag:s14], $0x200  }
0x232: {  	[sflag:s14] =	ssyncset.done $0x0  }
0x233: {  	[sflag:s14] =	ssyncadd.s32 $0xFFFFFE00  }
0x234: {  	_ =	swait.ge [sflag:s14], $0x200  }
0x235: {  	[sflag:s14] =	ssyncset.done $0x0  }
0x236: {  	[sflag:s14] =	ssyncadd.s32 $0xFFFFFE00  }
0x237: {  	_ =	swait.ge [sflag:s14], $0x200  }
0x238: {  	[sflag:s14] =	ssyncset.done $0x0  }
0x239: {  	v1 =	vor.u32 s1, v0;
	[sflag:s14] =	ssyncadd.s32 $0xFFFFFE00  }
0x23a: {  	[tilespmem:s20], [sflag:$0x1] =	stream.indirect.gather [hbm4b:s10+s19], $0x80, s1, s19, $0xb8;
	[tilespmem:$0x18280] =	vst v63  }
0x23b: {  	_ =	swait.ge [sflag:s14], $0x8000  }
0x23c: {  	[sflag:s14] =	ssyncset.done $0x0  }
0x23d: {  	[sflag:s14] =	ssyncadd.s32 $0xFFFF8000  }
0x23e: {  	s23 =	simm.s32 $0x220;
	v2 =	vld.idx.msk [tilespmem:v1+s18+$0x0], $0xffff  }
0x23f: {  	v3 =	vld [tilespmem:s23+$0xFFFFFFE0];
	_ =	sdelay $0x3  }
0x240: {  	s3 =	simm.s32 $0x2000  }
0x241: {  	v4 =	vor.u32 s3, v0;
	v3 =	vsub.f32 v3, v2;
	_ =	sdelay $0x1  }
0x242: {  	v2 =	vadd.f32 v3, v2;
	_ =	sdelay $0x1  }
0x243: {  	[tilespmem:v1+s21+$0x0] =	vst.idx.msk $0xffff, v2  }
0x244: {  	v1 =	vld.idx.msk [tilespmem:v4+s18+$0x0], $0xffff  }
0x245: {  	v2 =	vld [tilespmem:s23+$0xFFFFFFF0];
	_ =	sdelay $0x3  }
0x246: {  	s24 =	simm.s32 $0x4000  }
0x247: {  	v5 =	vor.u32 s24, v0;
	v2 =	vsub.f32 v2, v1;
	_ =	sdelay $0x1  }
0x248: {  	v1 =	vadd.f32 v2, v1;
	_ =	sdelay $0x1  }
0x249: {  	[tilespmem:v4+s21+$0x0] =	vst.idx.msk $0xffff, v1  }
0x24a: {  	v1 =	vld.idx.msk [tilespmem:v5+s18+$0x0], $0xffff  }
0x24b: {  	v4 =	vld [tilespmem:s23+$0x0];
	_ =	sdelay $0x3  }
0x24c: {  	s25 =	simm.s32 $0x6000  }
0x24d: {  	v6 =	vor.u32 s25, v0;
	v4 =	vsub.f32 v4, v1;
	_ =	sdelay $0x1  }
0x24e: {  	v1 =	vadd.f32 v4, v1;
	_ =	sdelay $0x1  }
0x24f: {  	[tilespmem:v5+s21+$0x0] =	vst.idx.msk $0xffff, v1  }
0x250: {  	v8 =	vld.idx.msk [tilespmem:v6+s18+$0x0], $0xffff  }
0x251: {  	v5 =	vld [tilespmem:s23+$0x10];
	_ =	sdelay $0x1  }
0x252: {  	v3 =	vmul.f32 v3, v3  }
0x253: {  	v7 =	vmul.f32 v2, v2;
	v1 =	vimm.f32 $0.0e+00  }
0x254: {  	s24 =	simm.s32 $0x1;
	v4 =	vmul.f32 v4, v4;
	v2 =	vadd.f32 v3, v1  }
0x255: {  	v3 =	vadd.f32 v7, v1;
	v7 =	vor.u32 s24, v0;
	v9 =	vsub.f32 v5, v8;
	_ =	sdelay $0x1  }
0x256: {  	s25 =	simm.s32 $0x2;
	v4 =	vadd.f32 v4, v1;
	v5 =	vmul.f32 v9, v9;
	v8 =	vadd.f32 v9, v8  }
.LBB2_2:
0x257: {  	p0 =	sne.s32 s25, $0xFF  }
0x258: {  	s23 =	sadd.s32 $0x80, s23;
	s0 =	smov.u32 s25;
	s25 =	sadd.s32 $0x1, s25;
	v1 =	vadd.f32 v5, v1;
	[tilespmem:v6+s21+$0x0] =	vst.idx.msk $0xffff, v8  }
0x259: {  	v5 =	vld.idx.msk [tilespmem:v7+s18+$0x0], $0xffff  }
0x25a: {  	v6 =	vld [tilespmem:s23+$0xFFFFFFE0];
	_ =	sdelay $0x3  }
0x25b: {  	s3 =	sadd.s32 $0x2000, s24  }
0x25c: {  	v8 =	vor.u32 s3, v0;
	v6 =	vsub.f32 v6, v5;
	_ =	sdelay $0x1  }
0x25d: {  	v9 =	vmul.f32 v6, v6;
	v5 =	vadd.f32 v6, v5;
	_ =	sdelay $0x1  }
0x25e: {  	v2 =	vadd.f32 v9, v2;
	[tilespmem:v7+s21+$0x0] =	vst.idx.msk $0xffff, v5  }
0x25f: {  	v5 =	vld.idx.msk [tilespmem:v8+s18+$0x0], $0xffff  }
0x260: {  	v6 =	vld [tilespmem:s23+$0xFFFFFFF0];
	_ =	sdelay $0x3  }
0x261: {  	s3 =	sadd.s32 $0x4000, s24  }
0x262: {  	v7 =	vor.u32 s3, v0;
	v6 =	vsub.f32 v6, v5;
	_ =	sdelay $0x1  }
0x263: {  	v9 =	vmul.f32 v6, v6;
	v5 =	vadd.f32 v6, v5;
	_ =	sdelay $0x1  }
0x264: {  	v3 =	vadd.f32 v9, v3;
	[tilespmem:v8+s21+$0x0] =	vst.idx.msk $0xffff, v5  }
0x265: {  	v5 =	vld.idx.msk [tilespmem:v7+s18+$0x0], $0xffff  }
0x266: {  	v6 =	vld [tilespmem:s23+$0x0];
	_ =	sdelay $0x3  }
0x267: {  	s3 =	sadd.s32 $0x6000, s24;
	s24 =	smov.u32 s0  }
0x268: {  	v8 =	vsub.f32 v6, v5;
	v6 =	vor.u32 s3, v0;
	_ =	sdelay $0x1  }
0x269: {  	v9 =	vmul.f32 v8, v8;
	v5 =	vadd.f32 v8, v5;
	_ =	sdelay $0x1  }
0x26a: {  	v4 =	vadd.f32 v9, v4;
	[tilespmem:v7+s21+$0x0] =	vst.idx.msk $0xffff, v5  }
0x26b: {  	v8 =	vld.idx.msk [tilespmem:v6+s18+$0x0], $0xffff  }
0x26c: {  	v5 =	vld [tilespmem:s23+$0x10];
	_ =	sdelay $0x2  }
.Ltmp0:
0x26d: {  	(pc) =	sbr.rel @p0 .LBB2_2-.Ltmp0, $3  }
0x26e: {  	_ = 	snop  }
0x26f: {  	v7 =	vor.u32 s24, v0;
	v9 =	vsub.f32 v5, v8;
	_ =	sdelay $0x1  }
0x270: {  	v5 =	vmul.f32 v9, v9;
	v8 =	vadd.f32 v9, v8  }
0x271: {  	_ =	sdelay $0x3  }
0x272: {  	[tilespmem:v6+s21+$0x0] =	vst.idx.msk $0xffff, v8  }
0x273: {  	s0 =	sadd.s32 $0x80, s23;
	v6 =	vld.idx.msk [tilespmem:v7+s18+$0x0], $0xffff  }
0x274: {  	v8 =	vld [tilespmem:s0+$0xFFFFFFE0];
	_ =	sdelay $0x3  }
0x275: {  	s3 =	sadd.s32 $0x2000, s24  }
0x276: {  	v9 =	vor.u32 s3, v0;
	v8 =	vsub.f32 v8, v6;
	_ =	sdelay $0x1  }
0x277: {  	v6 =	vadd.f32 v8, v6;
	_ =	sdelay $0x1  }
0x278: {  	[tilespmem:v7+s21+$0x0] =	vst.idx.msk $0xffff, v6  }
0x279: {  	v6 =	vld.idx.msk [tilespmem:v9+s18+$0x0], $0xffff  }
0x27a: {  	v7 =	vld [tilespmem:s0+$0xFFFFFFF0];
	_ =	sdelay $0x3  }
0x27b: {  	s23 =	sadd.s32 $0x4000, s24  }
0x27c: {  	v10 =	vor.u32 s23, v0;
	v7 =	vsub.f32 v7, v6;
	_ =	sdelay $0x1  }
0x27d: {  	v6 =	vadd.f32 v7, v6;
	_ =	sdelay $0x1  }
0x27e: {  	[tilespmem:v9+s21+$0x0] =	vst.idx.msk $0xffff, v6  }
0x27f: {  	v6 =	vld.idx.msk [tilespmem:v10+s18+$0x0], $0xffff  }
0x280: {  	v9 =	vld [tilespmem:s0+$0x0];
	_ =	sdelay $0x3  }
0x281: {  	s24 =	sadd.s32 $0x6000, s24  }
0x282: {  	v11 =	vor.u32 s24, v0;
	v9 =	vsub.f32 v9, v6;
	_ =	sdelay $0x1  }
0x283: {  	v6 =	vadd.f32 v9, v6;
	_ =	sdelay $0x1  }
0x284: {  	[tilespmem:v10+s21+$0x0] =	vst.idx.msk $0xffff, v6  }
0x285: {  	v6 =	vld.idx.msk [tilespmem:v11+s18+$0x0], $0xffff  }
0x286: {  	v10 =	vld [tilespmem:s0+$0x10];
	_ =	sdelay $0x4  }
0x287: {  	v10 =	vsub.f32 v10, v6;
	_ =	sdelay $0x1  }
0x288: {  	v6 =	vadd.f32 v10, v6  }
0x289: {  	s25 =	simm.s32 $0x100  }
0x28a: {  	[tilespmem:v11+s21+$0x0] =	vst.idx.msk $0xffff, v6;
	v6 =	vor.u32 s25, v0  }
0x28b: {  	[tilespmem:s20], [sflag:$0x1] =	stream.indirect.gather [hbm4b:s10+s19], $0x80, s19, s19, $0xb8;
	[tilespmem:$0x18280] =	vst v63  }
0x28c: {  	_ =	swait.ge [sflag:s14], $0x8000  }
0x28d: {  	[sflag:s14] =	ssyncset.done $0x0  }
0x28e: {  	[sflag:s14] =	ssyncadd.s32 $0xFFFF8000  }
0x28f: {  	s23 =	simm.s32 $0x220;
	v11 =	vld.idx.msk [tilespmem:v6+s18+$0x0], $0xffff  }
0x290: {  	v12 =	vld [tilespmem:s23+$0xFFFFFFE0];
	_ =	sdelay $0x3  }
0x291: {  	s3 =	simm.s32 $0x2100  }
0x292: {  	v13 =	vor.u32 s3, v0;
	v12 =	vsub.f32 v12, v11;
	_ =	sdelay $0x1  }
0x293: {  	v11 =	vadd.f32 v12, v11;
	_ =	sdelay $0x1  }
0x294: {  	[tilespmem:v6+s21+$0x0] =	vst.idx.msk $0xffff, v11  }
0x295: {  	v6 =	vld.idx.msk [tilespmem:v13+s18+$0x0], $0xffff  }
0x296: {  	v11 =	vld [tilespmem:s23+$0xFFFFFFF0];
	_ =	sdelay $0x3  }
0x297: {  	s24 =	simm.s32 $0x4100  }
0x298: {  	v14 =	vor.u32 s24, v0;
	v11 =	vsub.f32 v11, v6;
	_ =	sdelay $0x1  }
0x299: {  	v6 =	vadd.f32 v11, v6;
	_ =	sdelay $0x1  }
0x29a: {  	[tilespmem:v13+s21+$0x0] =	vst.idx.msk $0xffff, v6  }
0x29b: {  	v13 =	vld.idx.msk [tilespmem:v14+s18+$0x0], $0xffff  }
0x29c: {  	v6 =	vld [tilespmem:s23+$0x0];
	_ =	sdelay $0x3  }
0x29d: {  	s25 =	simm.s32 $0x6100  }
0x29e: {  	v15 =	vsub.f32 v6, v13;
	v6 =	vor.u32 s25, v0;
	_ =	sdelay $0x1  }
0x29f: {  	v13 =	vadd.f32 v15, v13;
	_ =	sdelay $0x1  }
0x2a0: {  	[tilespmem:v14+s21+$0x0] =	vst.idx.msk $0xffff, v13  }
0x2a1: {  	v13 =	vld.idx.msk [tilespmem:v6+s18+$0x0], $0xffff  }
0x2a2: {  	v8 =	vmul.f32 v8, v8;
	v7 =	vmul.f32 v7, v7;
	v14 =	vld [tilespmem:s23+$0x10]  }
0x2a3: {  	v1 =	vadd.f32 v5, v1;
	v9 =	vmul.f32 v9, v9;
	v5 =	vmul.f32 v10, v10  }
0x2a4: {  	v2 =	vadd.f32 v8, v2;
	v7 =	vadd.f32 v7, v3;
	v3 =	vmul.f32 v12, v12  }
0x2a5: {  	v8 =	vadd.f32 v9, v4;
	v1 =	vadd.f32 v5, v1;
	v5 =	vmul.f32 v15, v15  }
0x2a6: {  	s3 =	simm.s32 $0x101;
	v3 =	vadd.f32 v3, v2;
	v4 =	vmul.f32 v11, v11  }
0x2a7: {  	v2 =	vadd.f32 v5, v8;
	v5 =	vor.u32 s3, v0;
	v9 =	vsub.f32 v14, v13;
	_ =	sdelay $0x1  }
0x2a8: {  	s24 =	simm.s32 $0x4101;
	v4 =	vadd.f32 v4, v7;
	s25 =	simm.s32 $0x4102;
	v7 =	vmul.f32 v9, v9;
	v8 =	vadd.f32 v9, v13  }
.LBB2_4:
0x2a9: {  	p0 =	sne.s32 s25, $0x41FF  }
0x2aa: {  	s23 =	sadd.s32 $0x80, s23;
	s0 =	smov.u32 s25;
	s25 =	sadd.s32 $0x1, s25;
	v1 =	vadd.f32 v7, v1;
	[tilespmem:v6+s21+$0x0] =	vst.idx.msk $0xffff, v8  }
0x2ab: {  	v6 =	vld.idx.msk [tilespmem:v5+s18+$0x0], $0xffff  }
0x2ac: {  	v7 =	vld [tilespmem:s23+$0xFFFFFFE0];
	_ =	sdelay $0x3  }
0x2ad: {  	s3 =	sadd.s32 $0xFFFFE000, s24  }
0x2ae: {  	v8 =	vor.u32 s3, v0;
	v7 =	vsub.f32 v7, v6;
	_ =	sdelay $0x1  }
0x2af: {  	v9 =	vmul.f32 v7, v7;
	v6 =	vadd.f32 v7, v6;
	_ =	sdelay $0x1  }
0x2b0: {  	v3 =	vadd.f32 v9, v3;
	[tilespmem:v5+s21+$0x0] =	vst.idx.msk $0xffff, v6  }
0x2b1: {  	v5 =	vld.idx.msk [tilespmem:v8+s18+$0x0], $0xffff  }
0x2b2: {  	v6 =	vld [tilespmem:s23+$0xFFFFFFF0];
	_ =	sdelay $0x4  }
0x2b3: {  	v7 =	vor.u32 s24, v0;
	v6 =	vsub.f32 v6, v5;
	_ =	sdelay $0x1  }
0x2b4: {  	v9 =	vmul.f32 v6, v6;
	v5 =	vadd.f32 v6, v5;
	_ =	sdelay $0x1  }
0x2b5: {  	v4 =	vadd.f32 v9, v4;
	[tilespmem:v8+s21+$0x0] =	vst.idx.msk $0xffff, v5  }
0x2b6: {  	v5 =	vld.idx.msk [tilespmem:v7+s18+$0x0], $0xffff  }
0x2b7: {  	v6 =	vld [tilespmem:s23+$0x0];
	_ =	sdelay $0x3  }
0x2b8: {  	s3 =	sadd.s32 $0x2000, s24;
	s24 =	smov.u32 s0  }
0x2b9: {  	v8 =	vsub.f32 v6, v5;
	v6 =	vor.u32 s3, v0;
	_ =	sdelay $0x1  }
0x2ba: {  	v9 =	vmul.f32 v8, v8;
	v5 =	vadd.f32 v8, v5;
	_ =	sdelay $0x1  }
0x2bb: {  	v2 =	vadd.f32 v9, v2;
	[tilespmem:v7+s21+$0x0] =	vst.idx.msk $0xffff, v5  }
0x2bc: {  	v8 =	vld.idx.msk [tilespmem:v6+s18+$0x0], $0xffff  }
0x2bd: {  	v7 =	vld [tilespmem:s23+$0x10];
	_ =	sdelay $0x2  }
.Ltmp1:
0x2be: {  	(pc) =	sbr.rel @p0 .LBB2_4-.Ltmp1, $3  }
0x2bf: {  	s0 =	sadd.s32 $0xFFFFC000, s24  }
0x2c0: {  	v5 =	vor.u32 s0, v0;
	v9 =	vsub.f32 v7, v8;
	_ =	sdelay $0x1  }
0x2c1: {  	v7 =	vmul.f32 v9, v9;
	v8 =	vadd.f32 v9, v8  }
0x2c2: {  	_ =	sdelay $0x3  }
0x2c3: {  	[tilespmem:v6+s21+$0x0] =	vst.idx.msk $0xffff, v8  }
0x2c4: {  	s0 =	sadd.s32 $0x80, s23;
	v6 =	vld.idx.msk [tilespmem:v5+s18+$0x0], $0xffff  }
0x2c5: {  	v8 =	vld [tilespmem:s0+$0xFFFFFFE0];
	_ =	sdelay $0x3  }
0x2c6: {  	s3 =	sadd.s32 $0xFFFFE000, s24  }
0x2c7: {  	v9 =	vor.u32 s3, v0;
	v8 =	vsub.f32 v8, v6;
	_ =	sdelay $0x1  }
0x2c8: {  	v6 =	vadd.f32 v8, v6;
	_ =	sdelay $0x1  }
0x2c9: {  	[tilespmem:v5+s21+$0x0] =	vst.idx.msk $0xffff, v6  }
0x2ca: {  	v5 =	vld.idx.msk [tilespmem:v9+s18+$0x0], $0xffff  }
0x2cb: {  	v6 =	vld [tilespmem:s0+$0xFFFFFFF0];
	_ =	sdelay $0x4  }
0x2cc: {  	v10 =	vor.u32 s24, v0;
	v6 =	vsub.f32 v6, v5;
	_ =	sdelay $0x1  }
0x2cd: {  	v5 =	vadd.f32 v6, v5;
	_ =	sdelay $0x1  }
0x2ce: {  	[tilespmem:v9+s21+$0x0] =	vst.idx.msk $0xffff, v5  }
0x2cf: {  	v5 =	vld.idx.msk [tilespmem:v10+s18+$0x0], $0xffff  }
0x2d0: {  	v9 =	vld [tilespmem:s0+$0x0];
	_ =	sdelay $0x4  }
0x2d1: {  	s25 =	sadd.s32 $0x2000, s24;
	v9 =	vsub.f32 v9, v5  }
0x2d2: {  	v11 =	vor.u32 s25, v0  }
0x2d3: {  	v5 =	vadd.f32 v9, v5;
	_ =	sdelay $0x1  }
0x2d4: {  	[tilespmem:v10+s21+$0x0] =	vst.idx.msk $0xffff, v5  }
0x2d5: {  	v5 =	vld [tilespmem:s0+$0x10]  }
0x2d6: {  	v10 =	vld.idx.msk [tilespmem:v11+s18+$0x0], $0xffff;
	_ =	sdelay $0x1  }
0x2d7: {  	v8 =	vmul.f32 v8, v8  }
0x2d8: {  	v6 =	vmul.f32 v6, v6  }
0x2d9: {  	v3 =	vadd.f32 v8, v3  }
0x2da: {  	v4 =	vadd.f32 v6, v4;
	v62 =	vmul.f32 v9, v9;
	v5 =	vsub.f32 v5, v10  }
0x2db: {  	v1 =	vadd.f32 v7, v1  }
0x2dc: {  	v3 =	vadd.f32 v4, v3;
	v2 =	vadd.f32 v62, v2;
	v63 =	vmul.f32 v5, v5;
	_ =	sdelay $0x1  }
0x2dd: {  	v2 =	vadd.f32 v2, v3;
	v1 =	vadd.f32 v63, v1  }
0x2de: {  	v3 =	vadd.f32 v5, v10  }
0x2df: {  	s23 =	sld [smem:$0x79F];
	v1 =	vadd.f32 v1, v2  }
0x2e0: {  	[tilespmem:v11+s21+$0x0] =	vst.idx.msk $0xffff, v3  }
0x2e1: {  	s24 =	sld [smem:$0x7A1];
	[tilespmem:$0x18200] =	vst v1  }
0x2e2: {  	[hbm4b:s23+s16] =	stream.strided.scatter [tilespmem:s21], [sflag:$0x1], $0x200, s17, s16, $0x38;
	[tilespmem:$0x18280] =	vst v63  }
0x2e3: {  	s25 =	simm.s32 $0x10400;
	s3 =	sld [smem:$0x7A3]  }
0x2e4: {  	[hbm4b:s24+s16] =	stream.strided.scatter [tilespmem:s25], [sflag:$0x1], $0x200, s17, s16, $0x38;
	[tilespmem:$0x18280] =	vst v63  }
0x2e5: {  	s23 =	simm.s32 $0x10600;
	s24 =	sld [smem:$0x7A5]  }
0x2e6: {  	[hbm4b:s3+s16] =	stream.strided.scatter [tilespmem:s23], [sflag:$0x1], $0x200, s17, s16, $0x38;
	[tilespmem:$0x18280] =	vst v63  }
0x2e7: {  	s25 =	simm.s32 $0x10800;
	s3 =	sld [smem:$0x7A7]  }
0x2e8: {  	[hbm4b:s24+s16] =	stream.strided.scatter [tilespmem:s25], [sflag:$0x1], $0x200, s17, s16, $0x38;
	[tilespmem:$0x18280] =	vst v63  }
0x2e9: {  	s23 =	simm.s32 $0x10A00;
	s24 =	sld [smem:$0x7A9]  }
0x2ea: {  	[hbm4b:s3+s16] =	stream.strided.scatter [tilespmem:s23], [sflag:$0x1], $0x200, s17, s16, $0x38;
	[tilespmem:$0x18280] =	vst v63  }
0x2eb: {  	s25 =	simm.s32 $0x10C00;
	s3 =	sld [smem:$0x7AB]  }
0x2ec: {  	[hbm4b:s24+s16] =	stream.strided.scatter [tilespmem:s25], [sflag:$0x1], $0x200, s17, s16, $0x38;
	[tilespmem:$0x18280] =	vst v63  }
0x2ed: {  	s23 =	simm.s32 $0x10E00;
	s24 =	sld [smem:$0x7AD]  }
0x2ee: {  	[hbm4b:s3+s16] =	stream.strided.scatter [tilespmem:s23], [sflag:$0x1], $0x200, s17, s16, $0x38;
	[tilespmem:$0x18280] =	vst v63  }
0x2ef: {  	s25 =	simm.s32 $0x11000;
	s3 =	sld [smem:$0x7AF]  }
0x2f0: {  	[hbm4b:s24+s16] =	stream.strided.scatter [tilespmem:s25], [sflag:$0x1], $0x200, s17, s16, $0x38;
	[tilespmem:$0x18280] =	vst v63  }
0x2f1: {  	s23 =	simm.s32 $0x11200;
	s24 =	sld [smem:$0x7B1]  }
0x2f2: {  	[hbm4b:s3+s16] =	stream.strided.scatter [tilespmem:s23], [sflag:$0x1], $0x200, s17, s16, $0x38;
	[tilespmem:$0x18280] =	vst v63  }
0x2f3: {  	s25 =	simm.s32 $0x11400;
	s3 =	sld [smem:$0x7B3]  }
0x2f4: {  	[hbm4b:s24+s16] =	stream.strided.scatter [tilespmem:s25], [sflag:$0x1], $0x200, s17, s16, $0x38;
	[tilespmem:$0x18280] =	vst v63  }
0x2f5: {  	s23 =	simm.s32 $0x11600;
	s24 =	sld [smem:$0x7B5]  }
0x2f6: {  	[hbm4b:s3+s16] =	stream.strided.scatter [tilespmem:s23], [sflag:$0x1], $0x200, s17, s16, $0x38;
	[tilespmem:$0x18280] =	vst v63  }
0x2f7: {  	s25 =	simm.s32 $0x11800;
	s3 =	sld [smem:$0x7B7]  }
0x2f8: {  	[hbm4b:s24+s16] =	stream.strided.scatter [tilespmem:s25], [sflag:$0x1], $0x200, s17, s16, $0x38;
	[tilespmem:$0x18280] =	vst v63  }
0x2f9: {  	s23 =	simm.s32 $0x11A00;
	s24 =	sld [smem:$0x7B9]  }
0x2fa: {  	[hbm4b:s3+s16] =	stream.strided.scatter [tilespmem:s23], [sflag:$0x1], $0x200, s17, s16, $0x38;
	[tilespmem:$0x18280] =	vst v63  }
0x2fb: {  	s25 =	simm.s32 $0x11C00;
	s3 =	sld [smem:$0x7BB]  }
0x2fc: {  	[hbm4b:s24+s16] =	stream.strided.scatter [tilespmem:s25], [sflag:$0x1], $0x200, s17, s16, $0x38;
	[tilespmem:$0x18280] =	vst v63  }
0x2fd: {  	s23 =	simm.s32 $0x11E00;
	s24 =	sld [smem:$0x7BD]  }
0x2fe: {  	[hbm4b:s3+s16] =	stream.strided.scatter [tilespmem:s23], [sflag:$0x1], $0x200, s17, s16, $0x38;
	[tilespmem:$0x18280] =	vst v63  }
0x2ff: {  	s25 =	simm.s32 $0x12000;
	s3 =	sld [smem:$0x7BF]  }
0x300: {  	[hbm4b:s24+s16] =	stream.strided.scatter [tilespmem:s25], [sflag:$0x1], $0x200, s17, s16, $0x38;
	[tilespmem:$0x18280] =	vst v63  }
0x301: {  	s23 =	simm.s32 $0x12200;
	s24 =	sld [smem:$0x7C1]  }
0x302: {  	[hbm4b:s3+s16] =	stream.strided.scatter [tilespmem:s23], [sflag:$0x1], $0x200, s17, s16, $0x38;
	[tilespmem:$0x18280] =	vst v63  }
0x303: {  	s25 =	simm.s32 $0x12400;
	s3 =	sld [smem:$0x7C3]  }
0x304: {  	[hbm4b:s24+s16] =	stream.strided.scatter [tilespmem:s25], [sflag:$0x1], $0x200, s17, s16, $0x38;
	[tilespmem:$0x18280] =	vst v63  }
0x305: {  	s23 =	simm.s32 $0x12600;
	s24 =	sld [smem:$0x7C5]  }
0x306: {  	[hbm4b:s3+s16] =	stream.strided.scatter [tilespmem:s23], [sflag:$0x1], $0x200, s17, s16, $0x38;
	[tilespmem:$0x18280] =	vst v63  }
0x307: {  	s25 =	simm.s32 $0x12800;
	s3 =	sld [smem:$0x7C7]  }
0x308: {  	[hbm4b:s24+s16] =	stream.strided.scatter [tilespmem:s25], [sflag:$0x1], $0x200, s17, s16, $0x38;
	[tilespmem:$0x18280] =	vst v63  }
0x309: {  	s23 =	simm.s32 $0x12A00;
	s24 =	sld [smem:$0x7C9]  }
0x30a: {  	[hbm4b:s3+s16] =	stream.strided.scatter [tilespmem:s23], [sflag:$0x1], $0x200, s17, s16, $0x38;
	[tilespmem:$0x18280] =	vst v63  }
0x30b: {  	s25 =	simm.s32 $0x12C00;
	s3 =	sld [smem:$0x7CB]  }
0x30c: {  	[hbm4b:s24+s16] =	stream.strided.scatter [tilespmem:s25], [sflag:$0x1], $0x200, s17, s16, $0x38;
	[tilespmem:$0x18280] =	vst v63  }
0x30d: {  	s23 =	simm.s32 $0x12E00;
	s24 =	sld [smem:$0x7CD]  }
0x30e: {  	[hbm4b:s3+s16] =	stream.strided.scatter [tilespmem:s23], [sflag:$0x1], $0x200, s17, s16, $0x38;
	[tilespmem:$0x18280] =	vst v63  }
0x30f: {  	s25 =	simm.s32 $0x13000;
	s3 =	sld [smem:$0x7CF]  }
0x310: {  	[hbm4b:s24+s16] =	stream.strided.scatter [tilespmem:s25], [sflag:$0x1], $0x200, s17, s16, $0x38;
	[tilespmem:$0x18280] =	vst v63  }
0x311: {  	s23 =	simm.s32 $0x13200;
	s24 =	sld [smem:$0x7D1]  }
0x312: {  	[hbm4b:s3+s16] =	stream.strided.scatter [tilespmem:s23], [sflag:$0x1], $0x200, s17, s16, $0x38;
	[tilespmem:$0x18280] =	vst v63  }
0x313: {  	s25 =	simm.s32 $0x13400;
	s3 =	sld [smem:$0x7D3]  }
0x314: {  	[hbm4b:s24+s16] =	stream.strided.scatter [tilespmem:s25], [sflag:$0x1], $0x200, s17, s16, $0x38;
	[tilespmem:$0x18280] =	vst v63  }
0x315: {  	s23 =	simm.s32 $0x13600;
	s24 =	sld [smem:$0x7D5]  }
0x316: {  	[hbm4b:s3+s16] =	stream.strided.scatter [tilespmem:s23], [sflag:$0x1], $0x200, s17, s16, $0x38;
	[tilespmem:$0x18280] =	vst v63  }
0x317: {  	s25 =	simm.s32 $0x13800;
	s3 =	sld [smem:$0x7D7]  }
0x318: {  	[hbm4b:s24+s16] =	stream.strided.scatter [tilespmem:s25], [sflag:$0x1], $0x200, s17, s16, $0x38;
	[tilespmem:$0x18280] =	vst v63  }
0x319: {  	s23 =	simm.s32 $0x13A00;
	s24 =	sld [smem:$0x7D9]  }
0x31a: {  	[hbm4b:s3+s16] =	stream.strided.scatter [tilespmem:s23], [sflag:$0x1], $0x200, s17, s16, $0x38;
	[tilespmem:$0x18280] =	vst v63  }
0x31b: {  	s25 =	simm.s32 $0x13C00;
	s3 =	sld [smem:$0x7DB]  }
0x31c: {  	[hbm4b:s24+s16] =	stream.strided.scatter [tilespmem:s25], [sflag:$0x1], $0x200, s17, s16, $0x38;
	[tilespmem:$0x18280] =	vst v63  }
0x31d: {  	s23 =	simm.s32 $0x13E00;
	s24 =	sld [smem:$0x7DD]  }
0x31e: {  	[hbm4b:s3+s16] =	stream.strided.scatter [tilespmem:s23], [sflag:$0x1], $0x200, s17, s16, $0x38;
	[tilespmem:$0x18280] =	vst v63  }
0x31f: {  	s25 =	simm.s32 $0x14000;
	s3 =	sld [smem:$0x7DF]  }
0x320: {  	[hbm4b:s24+s16] =	stream.strided.scatter [tilespmem:s25], [sflag:$0x1], $0x200, s17, s16, $0x38;
	[tilespmem:$0x18280] =	vst v63  }
0x321: {  	s23 =	simm.s32 $0x14200;
	s24 =	sld [smem:$0x7E1]  }
0x322: {  	[hbm4b:s3+s16] =	stream.strided.scatter [tilespmem:s23], [sflag:$0x1], $0x200, s17, s16, $0x38;
	[tilespmem:$0x18280] =	vst v63  }
0x323: {  	s25 =	simm.s32 $0x14400;
	s3 =	sld [smem:$0x7E3]  }
0x324: {  	[hbm4b:s24+s16] =	stream.strided.scatter [tilespmem:s25], [sflag:$0x1], $0x200, s17, s16, $0x38;
	[tilespmem:$0x18280] =	vst v63  }
0x325: {  	s23 =	simm.s32 $0x14600;
	s24 =	sld [smem:$0x7E5]  }
0x326: {  	[hbm4b:s3+s16] =	stream.strided.scatter [tilespmem:s23], [sflag:$0x1], $0x200, s17, s16, $0x38;
	[tilespmem:$0x18280] =	vst v63  }
0x327: {  	s25 =	simm.s32 $0x14800;
	s3 =	sld [smem:$0x7E7]  }
0x328: {  	[hbm4b:s24+s16] =	stream.strided.scatter [tilespmem:s25], [sflag:$0x1], $0x200, s17, s16, $0x38;
	[tilespmem:$0x18280] =	vst v63  }
0x329: {  	s23 =	simm.s32 $0x14A00;
	s24 =	sld [smem:$0x7E8]  }
0x32a: {  	[hbm4b:s3+s16] =	stream.strided.scatter [tilespmem:s23], [sflag:$0x1], $0x200, s17, s16, $0x38;
	[tilespmem:$0x18280] =	vst v63  }
0x32b: {  	s25 =	simm.s32 $0x14C00;
	s3 =	sld [smem:$0x7E9]  }
0x32c: {  	[hbm4b:s24+s16] =	stream.strided.scatter [tilespmem:s25], [sflag:$0x1], $0x200, s17, s16, $0x38;
	[tilespmem:$0x18280] =	vst v63  }
0x32d: {  	s23 =	simm.s32 $0x14E00;
	s24 =	sld [smem:$0x7EA]  }
0x32e: {  	[hbm4b:s3+s16] =	stream.strided.scatter [tilespmem:s23], [sflag:$0x1], $0x200, s17, s16, $0x38;
	[tilespmem:$0x18280] =	vst v63  }
0x32f: {  	s25 =	simm.s32 $0x15000;
	s3 =	sld [smem:$0x7EB]  }
0x330: {  	[hbm4b:s24+s16] =	stream.strided.scatter [tilespmem:s25], [sflag:$0x1], $0x200, s17, s16, $0x38;
	[tilespmem:$0x18280] =	vst v63  }
0x331: {  	s23 =	simm.s32 $0x15200;
	s24 =	sld [smem:$0x7EC]  }
0x332: {  	[hbm4b:s3+s16] =	stream.strided.scatter [tilespmem:s23], [sflag:$0x1], $0x200, s17, s16, $0x38;
	[tilespmem:$0x18280] =	vst v63  }
0x333: {  	s25 =	simm.s32 $0x15400;
	s3 =	sld [smem:$0x7ED]  }
0x334: {  	[hbm4b:s24+s16] =	stream.strided.scatter [tilespmem:s25], [sflag:$0x1], $0x200, s17, s16, $0x38;
	[tilespmem:$0x18280] =	vst v63  }
0x335: {  	s23 =	simm.s32 $0x15600;
	s24 =	sld [smem:$0x7EE]  }
0x336: {  	[hbm4b:s3+s16] =	stream.strided.scatter [tilespmem:s23], [sflag:$0x1], $0x200, s17, s16, $0x38;
	[tilespmem:$0x18280] =	vst v63  }
0x337: {  	s25 =	simm.s32 $0x15800;
	s3 =	sld [smem:$0x7EF]  }
0x338: {  	[hbm4b:s24+s16] =	stream.strided.scatter [tilespmem:s25], [sflag:$0x1], $0x200, s17, s16, $0x38;
	[tilespmem:$0x18280] =	vst v63  }
0x339: {  	s23 =	simm.s32 $0x15A00;
	s24 =	sld [smem:$0x7F0]  }
0x33a: {  	[hbm4b:s3+s16] =	stream.strided.scatter [tilespmem:s23], [sflag:$0x1], $0x200, s17, s16, $0x38;
	[tilespmem:$0x18280] =	vst v63  }
0x33b: {  	s25 =	simm.s32 $0x15C00;
	s3 =	sld [smem:$0x7F1]  }
0x33c: {  	[hbm4b:s24+s16] =	stream.strided.scatter [tilespmem:s25], [sflag:$0x1], $0x200, s17, s16, $0x38;
	[tilespmem:$0x18280] =	vst v63  }
0x33d: {  	s23 =	simm.s32 $0x15E00;
	s24 =	sld [smem:$0x7F2]  }
0x33e: {  	[hbm4b:s3+s16] =	stream.strided.scatter [tilespmem:s23], [sflag:$0x1], $0x200, s17, s16, $0x38;
	[tilespmem:$0x18280] =	vst v63  }
0x33f: {  	s25 =	simm.s32 $0x16000;
	s3 =	sld [smem:$0x7F3]  }
0x340: {  	[hbm4b:s24+s16] =	stream.strided.scatter [tilespmem:s25], [sflag:$0x1], $0x200, s17, s16, $0x38;
	[tilespmem:$0x18280] =	vst v63  }
0x341: {  	s23 =	simm.s32 $0x16200;
	s24 =	sld [smem:$0x7F4]  }
0x342: {  	[hbm4b:s3+s16] =	stream.strided.scatter [tilespmem:s23], [sflag:$0x1], $0x200, s17, s16, $0x38;
	[tilespmem:$0x18280] =	vst v63  }
0x343: {  	s25 =	simm.s32 $0x16400;
	s3 =	sld [smem:$0x7F5]  }
0x344: {  	[hbm4b:s24+s16] =	stream.strided.scatter [tilespmem:s25], [sflag:$0x1], $0x200, s17, s16, $0x38;
	[tilespmem:$0x18280] =	vst v63  }
0x345: {  	s23 =	simm.s32 $0x16600;
	s24 =	sld [smem:$0x7F6]  }
0x346: {  	[hbm4b:s3+s16] =	stream.strided.scatter [tilespmem:s23], [sflag:$0x1], $0x200, s17, s16, $0x38;
	[tilespmem:$0x18280] =	vst v63  }
0x347: {  	s25 =	simm.s32 $0x16800;
	s3 =	sld [smem:$0x7F7]  }
0x348: {  	[hbm4b:s24+s16] =	stream.strided.scatter [tilespmem:s25], [sflag:$0x1], $0x200, s17, s16, $0x38;
	[tilespmem:$0x18280] =	vst v63  }
0x349: {  	s23 =	simm.s32 $0x16A00;
	s24 =	sld [smem:$0x7F8]  }
0x34a: {  	[hbm4b:s3+s16] =	stream.strided.scatter [tilespmem:s23], [sflag:$0x1], $0x200, s17, s16, $0x38;
	[tilespmem:$0x18280] =	vst v63  }
0x34b: {  	s25 =	simm.s32 $0x16C00  }
0x34c: {  	[hbm4b:s24+s16] =	stream.strided.scatter [tilespmem:s25], [sflag:$0x1], $0x200, s17, s16, $0x38;
	[tilespmem:$0x18280] =	vst v63  }
0x34d: {  	s23 =	simm.s32 $0x16E00  }
0x34e: {  	[hbm4b:s31+s16] =	stream.strided.scatter [tilespmem:s23], [sflag:$0x1], $0x200, s17, s16, $0x38;
	[tilespmem:$0x18280] =	vst v63  }
0x34f: {  	s24 =	simm.s32 $0x17000  }
0x350: {  	[hbm4b:s30+s16] =	stream.strided.scatter [tilespmem:s24], [sflag:$0x1], $0x200, s17, s16, $0x38;
	[tilespmem:$0x18280] =	vst v63  }
0x351: {  	s25 =	simm.s32 $0x17200  }
0x352: {  	[hbm4b:s2+s16] =	stream.strided.scatter [tilespmem:s25], [sflag:$0x1], $0x200, s17, s16, $0x38;
	[tilespmem:$0x18280] =	vst v63  }
0x353: {  	s3 =	simm.s32 $0x17400  }
0x354: {  	[hbm4b:s26+s16] =	stream.strided.scatter [tilespmem:s3], [sflag:$0x1], $0x200, s17, s16, $0x38;
	[tilespmem:$0x18280] =	vst v63  }
0x355: {  	s23 =	simm.s32 $0x17600  }
0x356: {  	[hbm4b:s28+s16] =	stream.strided.scatter [tilespmem:s23], [sflag:$0x1], $0x200, s17, s16, $0x38;
	[tilespmem:$0x18280] =	vst v63  }
0x357: {  	s24 =	simm.s32 $0x17800  }
0x358: {  	[hbm4b:s29+s16] =	stream.strided.scatter [tilespmem:s24], [sflag:$0x1], $0x200, s17, s16, $0x38;
	[tilespmem:$0x18280] =	vst v63  }
0x359: {  	s25 =	simm.s32 $0x17A00  }
0x35a: {  	[hbm4b:s6+s16] =	stream.strided.scatter [tilespmem:s25], [sflag:$0x1], $0x200, s17, s16, $0x38;
	[tilespmem:$0x18280] =	vst v63  }
0x35b: {  	s3 =	simm.s32 $0x17C00  }
0x35c: {  	[hbm4b:s7+s16] =	stream.strided.scatter [tilespmem:s3], [sflag:$0x1], $0x200, s17, s16, $0x38;
	[tilespmem:$0x18280] =	vst v63  }
0x35d: {  	s23 =	simm.s32 $0x17E00  }
0x35e: {  	[hbm4b:s8+s16] =	stream.strided.scatter [tilespmem:s23], [sflag:$0x1], $0x200, s17, s16, $0x38;
	[tilespmem:$0x18280] =	vst v63  }
0x35f: {  	s24 =	simm.s32 $0x18000  }
0x360: {  	[hbm4b:s9+s16] =	stream.strided.scatter [tilespmem:s24], [sflag:$0x1], $0x200, s17, s16, $0x38;
	[tilespmem:$0x18280] =	vst v63  }
0x361: {  	_ =	swait.ge [sflag:s14], $0x200  }
0x362: {  	[sflag:s14] =	ssyncset.done $0x0  }
0x363: {  	[sflag:s14] =	ssyncadd.s32 $0xFFFFFE00  }
0x364: {  	_ =	swait.ge [sflag:s14], $0x200  }
0x365: {  	[sflag:s14] =	ssyncset.done $0x0  }
0x366: {  	[sflag:s14] =	ssyncadd.s32 $0xFFFFFE00  }
0x367: {  	_ =	swait.ge [sflag:s14], $0x200  }
0x368: {  	[sflag:s14] =	ssyncset.done $0x0  }
0x369: {  	[sflag:s14] =	ssyncadd.s32 $0xFFFFFE00  }
0x36a: {  	_ =	swait.ge [sflag:s14], $0x200  }
0x36b: {  	[sflag:s14] =	ssyncset.done $0x0  }
0x36c: {  	[sflag:s14] =	ssyncadd.s32 $0xFFFFFE00  }
0x36d: {  	_ =	swait.ge [sflag:s14], $0x200  }
0x36e: {  	[sflag:s14] =	ssyncset.done $0x0  }
0x36f: {  	[sflag:s14] =	ssyncadd.s32 $0xFFFFFE00  }
0x370: {  	_ =	swait.ge [sflag:s14], $0x200  }
0x371: {  	[sflag:s14] =	ssyncset.done $0x0  }
0x372: {  	[sflag:s14] =	ssyncadd.s32 $0xFFFFFE00  }
0x373: {  	_ =	swait.ge [sflag:s14], $0x200  }
0x374: {  	[sflag:s14] =	ssyncset.done $0x0  }
0x375: {  	[sflag:s14] =	ssyncadd.s32 $0xFFFFFE00  }
0x376: {  	_ =	swait.ge [sflag:s14], $0x200  }
0x377: {  	[sflag:s14] =	ssyncset.done $0x0  }
0x378: {  	[sflag:s14] =	ssyncadd.s32 $0xFFFFFE00  }
0x379: {  	_ =	swait.ge [sflag:s14], $0x200  }
0x37a: {  	[sflag:s14] =	ssyncset.done $0x0  }
0x37b: {  	[sflag:s14] =	ssyncadd.s32 $0xFFFFFE00  }
0x37c: {  	_ =	swait.ge [sflag:s14], $0x200  }
0x37d: {  	[sflag:s14] =	ssyncset.done $0x0  }
0x37e: {  	[sflag:s14] =	ssyncadd.s32 $0xFFFFFE00  }
0x37f: {  	_ =	swait.ge [sflag:s14], $0x200  }
0x380: {  	[sflag:s14] =	ssyncset.done $0x0  }
0x381: {  	[sflag:s14] =	ssyncadd.s32 $0xFFFFFE00  }
0x382: {  	_ =	swait.ge [sflag:s14], $0x200  }
0x383: {  	[sflag:s14] =	ssyncset.done $0x0  }
0x384: {  	[sflag:s14] =	ssyncadd.s32 $0xFFFFFE00  }
0x385: {  	_ =	swait.ge [sflag:s14], $0x200  }
0x386: {  	[sflag:s14] =	ssyncset.done $0x0  }
0x387: {  	[sflag:s14] =	ssyncadd.s32 $0xFFFFFE00  }
0x388: {  	_ =	swait.ge [sflag:s14], $0x200  }
0x389: {  	[sflag:s14] =	ssyncset.done $0x0  }
0x38a: {  	[sflag:s14] =	ssyncadd.s32 $0xFFFFFE00  }
0x38b: {  	_ =	swait.ge [sflag:s14], $0x200  }
0x38c: {  	[sflag:s14] =	ssyncset.done $0x0  }
0x38d: {  	[sflag:s14] =	ssyncadd.s32 $0xFFFFFE00  }
0x38e: {  	_ =	swait.ge [sflag:s14], $0x200  }
0x38f: {  	[sflag:s14] =	ssyncset.done $0x0  }
0x390: {  	[sflag:s14] =	ssyncadd.s32 $0xFFFFFE00  }
0x391: {  	_ =	swait.ge [sflag:s14], $0x200  }
0x392: {  	[sflag:s14] =	ssyncset.done $0x0  }
0x393: {  	[sflag:s14] =	ssyncadd.s32 $0xFFFFFE00  }
0x394: {  	_ =	swait.ge [sflag:s14], $0x200  }
0x395: {  	[sflag:s14] =	ssyncset.done $0x0  }
0x396: {  	[sflag:s14] =	ssyncadd.s32 $0xFFFFFE00  }
0x397: {  	_ =	swait.ge [sflag:s14], $0x200  }
0x398: {  	[sflag:s14] =	ssyncset.done $0x0  }
0x399: {  	[sflag:s14] =	ssyncadd.s32 $0xFFFFFE00  }
0x39a: {  	_ =	swait.ge [sflag:s14], $0x200  }
0x39b: {  	[sflag:s14] =	ssyncset.done $0x0  }
0x39c: {  	[sflag:s14] =	ssyncadd.s32 $0xFFFFFE00  }
0x39d: {  	_ =	swait.ge [sflag:s14], $0x200  }
0x39e: {  	[sflag:s14] =	ssyncset.done $0x0  }
0x39f: {  	[sflag:s14] =	ssyncadd.s32 $0xFFFFFE00  }
0x3a0: {  	_ =	swait.ge [sflag:s14], $0x200  }
0x3a1: {  	[sflag:s14] =	ssyncset.done $0x0  }
0x3a2: {  	[sflag:s14] =	ssyncadd.s32 $0xFFFFFE00  }
0x3a3: {  	_ =	swait.ge [sflag:s14], $0x200  }
0x3a4: {  	[sflag:s14] =	ssyncset.done $0x0  }
0x3a5: {  	[sflag:s14] =	ssyncadd.s32 $0xFFFFFE00  }
0x3a6: {  	_ =	swait.ge [sflag:s14], $0x200  }
0x3a7: {  	[sflag:s14] =	ssyncset.done $0x0  }
0x3a8: {  	[sflag:s14] =	ssyncadd.s32 $0xFFFFFE00  }
0x3a9: {  	_ =	swait.ge [sflag:s14], $0x200  }
0x3aa: {  	[sflag:s14] =	ssyncset.done $0x0  }
0x3ab: {  	[sflag:s14] =	ssyncadd.s32 $0xFFFFFE00  }
0x3ac: {  	_ =	swait.ge [sflag:s14], $0x200  }
0x3ad: {  	[sflag:s14] =	ssyncset.done $0x0  }
0x3ae: {  	[sflag:s14] =	ssyncadd.s32 $0xFFFFFE00  }
0x3af: {  	_ =	swait.ge [sflag:s14], $0x200  }
0x3b0: {  	[sflag:s14] =	ssyncset.done $0x0  }
0x3b1: {  	[sflag:s14] =	ssyncadd.s32 $0xFFFFFE00  }
0x3b2: {  	_ =	swait.ge [sflag:s14], $0x200  }
0x3b3: {  	[sflag:s14] =	ssyncset.done $0x0  }
0x3b4: {  	[sflag:s14] =	ssyncadd.s32 $0xFFFFFE00  }
0x3b5: {  	_ =	swait.ge [sflag:s14], $0x200  }
0x3b6: {  	[sflag:s14] =	ssyncset.done $0x0  }
0x3b7: {  	[sflag:s14] =	ssyncadd.s32 $0xFFFFFE00  }
0x3b8: {  	_ =	swait.ge [sflag:s14], $0x200  }
0x3b9: {  	[sflag:s14] =	ssyncset.done $0x0  }
0x3ba: {  	[sflag:s14] =	ssyncadd.s32 $0xFFFFFE00  }
0x3bb: {  	_ =	swait.ge [sflag:s14], $0x200  }
0x3bc: {  	[sflag:s14] =	ssyncset.done $0x0  }
0x3bd: {  	[sflag:s14] =	ssyncadd.s32 $0xFFFFFE00  }
0x3be: {  	_ =	swait.ge [sflag:s14], $0x200  }
0x3bf: {  	[sflag:s14] =	ssyncset.done $0x0  }
0x3c0: {  	[sflag:s14] =	ssyncadd.s32 $0xFFFFFE00  }
0x3c1: {  	_ =	swait.ge [sflag:s14], $0x200  }
0x3c2: {  	[sflag:s14] =	ssyncset.done $0x0  }
0x3c3: {  	[sflag:s14] =	ssyncadd.s32 $0xFFFFFE00  }
0x3c4: {  	_ =	swait.ge [sflag:s14], $0x200  }
0x3c5: {  	[sflag:s14] =	ssyncset.done $0x0  }
0x3c6: {  	[sflag:s14] =	ssyncadd.s32 $0xFFFFFE00  }
0x3c7: {  	_ =	swait.ge [sflag:s14], $0x200  }
0x3c8: {  	[sflag:s14] =	ssyncset.done $0x0  }
0x3c9: {  	[sflag:s14] =	ssyncadd.s32 $0xFFFFFE00  }
0x3ca: {  	_ =	swait.ge [sflag:s14], $0x200  }
0x3cb: {  	[sflag:s14] =	ssyncset.done $0x0  }
0x3cc: {  	[sflag:s14] =	ssyncadd.s32 $0xFFFFFE00  }
0x3cd: {  	_ =	swait.ge [sflag:s14], $0x200  }
0x3ce: {  	[sflag:s14] =	ssyncset.done $0x0  }
0x3cf: {  	[sflag:s14] =	ssyncadd.s32 $0xFFFFFE00  }
0x3d0: {  	_ =	swait.ge [sflag:s14], $0x200  }
0x3d1: {  	[sflag:s14] =	ssyncset.done $0x0  }
0x3d2: {  	[sflag:s14] =	ssyncadd.s32 $0xFFFFFE00  }
0x3d3: {  	_ =	swait.ge [sflag:s14], $0x200  }
0x3d4: {  	[sflag:s14] =	ssyncset.done $0x0  }
0x3d5: {  	[sflag:s14] =	ssyncadd.s32 $0xFFFFFE00  }
0x3d6: {  	_ =	swait.ge [sflag:s14], $0x200  }
0x3d7: {  	[sflag:s14] =	ssyncset.done $0x0  }
0x3d8: {  	[sflag:s14] =	ssyncadd.s32 $0xFFFFFE00  }
0x3d9: {  	_ =	swait.ge [sflag:s14], $0x200  }
0x3da: {  	[sflag:s14] =	ssyncset.done $0x0  }
0x3db: {  	[sflag:s14] =	ssyncadd.s32 $0xFFFFFE00  }
0x3dc: {  	_ =	swait.ge [sflag:s14], $0x200  }
0x3dd: {  	[sflag:s14] =	ssyncset.done $0x0  }
0x3de: {  	[sflag:s14] =	ssyncadd.s32 $0xFFFFFE00  }
0x3df: {  	_ =	swait.ge [sflag:s14], $0x200  }
0x3e0: {  	[sflag:s14] =	ssyncset.done $0x0  }
0x3e1: {  	[sflag:s14] =	ssyncadd.s32 $0xFFFFFE00  }
0x3e2: {  	_ =	swait.ge [sflag:s14], $0x200  }
0x3e3: {  	[sflag:s14] =	ssyncset.done $0x0  }
0x3e4: {  	[sflag:s14] =	ssyncadd.s32 $0xFFFFFE00  }
0x3e5: {  	_ =	swait.ge [sflag:s14], $0x200  }
0x3e6: {  	[sflag:s14] =	ssyncset.done $0x0  }
0x3e7: {  	[sflag:s14] =	ssyncadd.s32 $0xFFFFFE00  }
0x3e8: {  	_ =	swait.ge [sflag:s14], $0x200  }
0x3e9: {  	[sflag:s14] =	ssyncset.done $0x0  }
0x3ea: {  	[sflag:s14] =	ssyncadd.s32 $0xFFFFFE00  }
0x3eb: {  	_ =	swait.ge [sflag:s14], $0x200  }
0x3ec: {  	[sflag:s14] =	ssyncset.done $0x0  }
0x3ed: {  	[sflag:s14] =	ssyncadd.s32 $0xFFFFFE00  }
0x3ee: {  	_ =	swait.ge [sflag:s14], $0x200  }
0x3ef: {  	[sflag:s14] =	ssyncset.done $0x0  }
0x3f0: {  	[sflag:s14] =	ssyncadd.s32 $0xFFFFFE00  }
0x3f1: {  	_ =	swait.ge [sflag:s14], $0x200  }
0x3f2: {  	[sflag:s14] =	ssyncset.done $0x0  }
0x3f3: {  	[sflag:s14] =	ssyncadd.s32 $0xFFFFFE00  }
0x3f4: {  	_ =	swait.ge [sflag:s14], $0x200  }
0x3f5: {  	[sflag:s14] =	ssyncset.done $0x0  }
0x3f6: {  	[sflag:s14] =	ssyncadd.s32 $0xFFFFFE00  }
0x3f7: {  	_ =	swait.ge [sflag:s14], $0x200  }
0x3f8: {  	[sflag:s14] =	ssyncset.done $0x0  }
0x3f9: {  	[sflag:s14] =	ssyncadd.s32 $0xFFFFFE00  }
0x3fa: {  	_ =	swait.ge [sflag:s14], $0x200  }
0x3fb: {  	[sflag:s14] =	ssyncset.done $0x0  }
0x3fc: {  	[sflag:s14] =	ssyncadd.s32 $0xFFFFFE00  }
0x3fd: {  	_ =	swait.ge [sflag:s14], $0x200  }
0x3fe: {  	[sflag:s14] =	ssyncset.done $0x0  }
0x3ff: {  	[sflag:s14] =	ssyncadd.s32 $0xFFFFFE00  }
0x400: {  	_ =	swait.ge [sflag:s14], $0x200  }
0x401: {  	[sflag:s14] =	ssyncset.done $0x0  }
0x402: {  	[sflag:s14] =	ssyncadd.s32 $0xFFFFFE00  }
0x403: {  	_ =	swait.ge [sflag:s14], $0x200  }
0x404: {  	[sflag:s14] =	ssyncset.done $0x0  }
0x405: {  	[sflag:s14] =	ssyncadd.s32 $0xFFFFFE00  }
0x406: {  	_ =	swait.ge [sflag:s14], $0x200  }
0x407: {  	[sflag:s14] =	ssyncset.done $0x0  }
0x408: {  	[sflag:s14] =	ssyncadd.s32 $0xFFFFFE00  }
0x409: {  	_ =	swait.ge [sflag:s14], $0x200  }
0x40a: {  	[sflag:s14] =	ssyncset.done $0x0  }
0x40b: {  	[sflag:s14] =	ssyncadd.s32 $0xFFFFFE00  }
0x40c: {  	_ =	swait.ge [sflag:s14], $0x200  }
0x40d: {  	[sflag:s14] =	ssyncset.done $0x0  }
0x40e: {  	[sflag:s14] =	ssyncadd.s32 $0xFFFFFE00  }
0x40f: {  	_ =	swait.ge [sflag:s14], $0x200  }
0x410: {  	[sflag:s14] =	ssyncset.done $0x0  }
0x411: {  	[sflag:s14] =	ssyncadd.s32 $0xFFFFFE00  }
0x412: {  	_ =	swait.ge [sflag:s14], $0x200  }
0x413: {  	[sflag:s14] =	ssyncset.done $0x0  }
0x414: {  	[sflag:s14] =	ssyncadd.s32 $0xFFFFFE00  }
0x415: {  	_ =	swait.ge [sflag:s14], $0x200  }
0x416: {  	[sflag:s14] =	ssyncset.done $0x0  }
0x417: {  	[sflag:s14] =	ssyncadd.s32 $0xFFFFFE00  }
0x418: {  	_ =	swait.ge [sflag:s14], $0x200  }
0x419: {  	[sflag:s14] =	ssyncset.done $0x0  }
0x41a: {  	[sflag:s14] =	ssyncadd.s32 $0xFFFFFE00  }
0x41b: {  	_ =	swait.ge [sflag:s14], $0x200  }
0x41c: {  	[sflag:s14] =	ssyncset.done $0x0  }
0x41d: {  	[sflag:s14] =	ssyncadd.s32 $0xFFFFFE00  }
0x41e: {  	s22 =	sadd.s32 $0x1, s22;
	_ =	swait.ge [sflag:s14], $0x200  }
0x41f: {  	p0 =	sne.s32 s22, s13;
	[sflag:s14] =	ssyncset.done $0x0  }
.Ltmp2:
0x420: {  	s25 =	simm.s32 $0x18200;
	[sflag:s14] =	ssyncadd.s32 $0xFFFFFE00;
	(pc) =	sbr.rel @p0 .LBB2_1-.Ltmp2, $4  }
0x421: {  	[hbm4b:s12+s1] =	stream.linear.scatter [tilespmem:s25], [sflag:$0x2], $0x80, $0x38;
	[tilespmem:$0x18280] =	vst v63  }
0x422: {  	_ =	swait.ge [sflag:s15], $0x80  }
0x423: {  	[sflag:s15] =	ssyncset.done $0x0  }
0x424: {  	[sflag:s15] =	ssyncadd.s32 $0xFFFFFF80  }
0x425: {  	_ =	sfence.sel $0x180000  }
0x426: {  	[bflag:$0x0] =	sbarrier.arrive $0xFFFF  }
0x427: {  	_ =	strace $0x90000047  }
0x428: {  	s0 =	stileid.u32;
	[bflag:$0x2] =	sbarrier.arrive $0xFFFF  }
0x429: {  	p0 =	sne.s32 s0, $0x0;
	s0 =	rddreg [dreg:$0x2]  }
0x42a: {  	s0 =	sadd.s32 @!p0 $0x100000, s0  }
0x42b: {  	[sflag:s0] =	ssyncadd.tile.s32 @!p0 $0x1;
	_ =	shalt  }
.Lfunc_end2:
_tile_overlayer_lowered:
.L_overlay_start_2:
0x42c: {  	(tag) =	ssettag $0x2  }
0x42d: {  	s0 =	rddreg [dreg:$0x0];
	s2 =	stileid.u32  }
0x42e: {  	s1 =	rddreg [dreg:$0x1];
	p0 =	sne.s32 s2, $0x0  }
0x42f: {  	s3 =	rddreg [dreg:$0x2];
	[bflag:$0x3] =	sbarrier.arrive $0xFFFF;
	s2 =	simm.s32 @!p0 $0x1C02  }
0x430: {  	[timem:s3], [sflag:s2] =	dma.local @!p0 [hbm:s0], s1  }
0x431: {  	s0 =	simm.s32 @!p0 $0x2  }
0x432: {  	_ =	swait.ge @!p0 [sflag:s0], s1  }
0x433: {  	s1 =	ssub.s32 @!p0 $0x0, s1;
	[sflag:s0] =	ssyncset.done @!p0 $0x0  }
0x434: {  	[sflag:s0] =	ssyncadd.s32 @!p0 s1  }
0x435: {  	[bflag:$0x3] =	sbarrier.arrive $0xFFFF  }
0x436: {  	_ =	shalt  }

</sc_bundles>
